<compile_context>
chip_gen: v7x
topology: tpu7x:2x2x1
jax: 0.10.2.dev20260603
libtpu: 0.0.44.dev20260713+nightly
codegen_flags: <defaults>
</compile_context>

<pallas_src>
import jax
import jax.numpy as jnp
from jax import lax
from jax.experimental import pallas as pl
from jax.experimental.pallas import tpu as pltpu
from jax.experimental.pallas import tpu_sc as plsc

B, CCH, H, W = 2, 192, 224, 224
HW = H * W
L = 1024
NQ = B * L
KP = 64
KR = 49
KI = 104
NC, NS, LANES = 2, 16, 16
NW = NC * NS
QPW = NQ // NW
CH = CCH
NCH = CH // LANES
TRH = 16


def _trans_body(q_ref, o_ref):
    x = q_ref[0]
    z = jnp.zeros((W, 64), jnp.float32)
    for rh in range(TRH):
        t = x[:, rh, :].T
        inter = jnp.concatenate([t, z], 1).reshape(2 * W, 128)
        o_ref[pl.ds(rh * 2 * W, 2 * W), :] = inter


_trans = pl.pallas_call(
    _trans_body,
    grid=(B, H // TRH),
    in_specs=[pl.BlockSpec((1, CCH, TRH, W), lambda b, t: (b, 0, t, 0))],
    out_specs=pl.BlockSpec((2 * TRH * W, 128),
                           lambda b, t: (b * (H // TRH) + t, 0)),
    out_shape=jax.ShapeDtypeStruct((2 * B * HW, 128), jnp.float32),
)


def _prep_body(ct_ref, wa_ref, p0_ref, p1_ref, idx_ref, meta_ref, u_ref):
    ct = ct_ref[...]
    p0 = p0_ref[...]
    p1 = p1_ref[...]
    u = lax.dot_general(ct, wa_ref[...], (((1,), (0,)), ((), ())),
                        preferred_element_type=jnp.float32)
    u_ref[...] = jnp.concatenate(
        [u, jnp.zeros((NQ, 64), jnp.float32)], 1).reshape(2 * NQ, 128)

    def rc_of(kk):
        i_id = jnp.minimum(kk // 7, 6)
        j_id = kk % 7
        ri = jnp.round(p0).astype(jnp.int32)
        ci = jnp.round(p1).astype(jnp.int32)
        r = jnp.clip(ri + (i_id - 3) + 1, 0, H + 1) % (H + 1)
        c = jnp.clip(ci + (j_id - 3) + 1, 0, W + 1) % (W + 1)
        return r, c

    k2 = lax.broadcasted_iota(jnp.int32, (NQ, 128), 1)
    row2 = lax.broadcasted_iota(jnp.int32, (NQ, 128), 0)
    r2, c2 = rc_of(k2 // 2)
    valid2 = (r2 > 0) & (c2 > 0) & (k2 // 2 < KR)
    pix = (row2 // L) * HW + (r2 - 1) * W + (c2 - 1)
    fallback = 2 * (row2 * 49 % HW) + k2 % 2
    idx_ref[...] = jnp.where(valid2, 2 * pix + (k2 % 2), fallback)

    k = lax.broadcasted_iota(jnp.int32, (NQ, KP), 1)
    r, c = rc_of(k)
    valid = (r > 0) & (c > 0) & (k < KR)
    rexp = -2.0 * ((jnp.maximum(r - 1, 0).astype(jnp.float32) - p0) / 3.0) ** 2
    cexp = -2.0 * ((jnp.maximum(c - 1, 0).astype(jnp.float32) - p1) / 3.0) ** 2
    bias = jnp.where(valid, 0.0, -1e30)
    meta_ref[...] = jnp.concatenate([bias, jnp.exp(rexp + cexp)], 1)


_prep = pl.pallas_call(
    _prep_body,
    out_shape=(
        jax.ShapeDtypeStruct((NQ, 128), jnp.int32),
        jax.ShapeDtypeStruct((NQ, 128), jnp.float32),
        jax.ShapeDtypeStruct((2 * NQ, 128), jnp.float32),
    ),
)


def _sc_body(qt, idx_h, meta_h, u_h, out_h,
             idx_v, meta_v, u_v, out_v, rows0, rows1, sp, wv, sem0, sem1):
    wid = lax.axis_index("s") * NC + lax.axis_index("c")
    base = wid * QPW

    pltpu.sync_copy(idx_h.at[pl.ds(base, QPW), :], idx_v)
    pltpu.sync_copy(meta_h.at[pl.ds(base, QPW), :], meta_v)
    pltpu.sync_copy(u_h.at[pl.ds(2 * base, 2 * QPW), :], u_v)

    zero16 = jnp.zeros((LANES,), jnp.float32)
    for kk in range(KR, KP):
        sp[pl.ds(kk * LANES, LANES)] = zero16

    lane = lax.iota(jnp.int32, LANES)

    def gather_start(q, buf, sem):
        pltpu.async_copy(qt.at[idx_v.at[q, pl.ds(0, KI)]], buf, sem)

    def gather_wait(q, buf, sem):
        pltpu.make_async_copy(qt.at[idx_v.at[q, pl.ds(0, KI)]], buf,
                              sem).wait()

    def _chunk(rows, k, j):
        if j < 8:
            return rows[2 * k, pl.ds(16 * j, 16)]
        return rows[2 * k + 1, pl.ds(16 * (j - 8), 16)]

    def compute(q, rows):
        u_regs = ([u_v[2 * q, pl.ds(16 * j, 16)] for j in range(8)]
                  + [u_v[2 * q + 1, pl.ds(16 * j, 16)] for j in range(4)])

        def score_block(k7, _):
            for dk in range(7):
                k = k7 * 7 + dk
                acc = _chunk(rows, k, 0) * u_regs[0]
                for j in range(1, NCH):
                    acc = acc + _chunk(rows, k, j) * u_regs[j]
                sp[pl.ds(k * LANES, LANES)] = acc
            return 0

        lax.fori_loop(0, 7, score_block, 0)

        svecs = []
        for kb in range(KP // LANES):
            ridx = (kb * LANES + lane) * LANES
            s = plsc.load_gather(sp, [ridx])
            for j in range(1, LANES):
                s = s + plsc.load_gather(sp, [ridx + j])
            svecs.append(s + meta_v[q, pl.ds(kb * 16, 16)])

        m = jnp.max(jnp.maximum(jnp.maximum(svecs[0], svecs[1]),
                                jnp.maximum(svecs[2], svecs[3])))
        mv = jnp.full((LANES,), m, jnp.float32)
        evecs = [jnp.exp(s - mv) for s in svecs]
        ssum = jnp.sum(evecs[0] + evecs[1] + evecs[2] + evecs[3])
        ssv = jnp.full((LANES,), ssum, jnp.float32)
        inv = jnp.ones((LANES,), jnp.float32) / ssv
        for kb in range(KP // LANES):
            wv[pl.ds(kb * 16, 16)] = (
                evecs[kb] * meta_v[q, pl.ds(64 + kb * 16, 16)] * inv)

        def wsum_block(k7, out_regs):
            out_regs = list(out_regs)
            for dk in range(7):
                k = k7 * 7 + dk
                wk = plsc.load_gather(wv, [jnp.full((LANES,), k, jnp.int32)])
                for j in range(NCH):
                    out_regs[j] = out_regs[j] + wk * _chunk(rows, k, j)
            return tuple(out_regs)

        out_regs = lax.fori_loop(0, 7, wsum_block,
                                 tuple(zero16 for _ in range(NCH)))
        for j in range(NCH):
            out_v[q, pl.ds(16 * j, 16)] = out_regs[j]

    gather_start(0, rows0, sem0)
    gather_start(1, rows1, sem1)

    def body(i, _):
        for par, buf, sem in ((0, rows0, sem0), (1, rows1, sem1)):
            q = 2 * i + par
            gather_wait(q, buf, sem)
            compute(q, buf)

            @pl.when(q + 2 < QPW)
            def _():
                gather_start(q + 2, buf, sem)
        return 0

    lax.fori_loop(0, QPW // 2, body, 0)

    pltpu.sync_copy(out_v, out_h.at[pl.ds(base, QPW), :])


_sc_attend = pl.kernel(
    _sc_body,
    out_type=jax.ShapeDtypeStruct((NQ, CH), jnp.float32),
    mesh=plsc.VectorSubcoreMesh(core_axis_name="c", subcore_axis_name="s",
                                num_cores=NC, num_subcores=NS),
    compiler_params=pltpu.CompilerParams(needs_layout_passes=False,
                                         use_tc_tiling_on_sc=False),
    scratch_types=[
        pltpu.VMEM((QPW, 128), jnp.int32),
        pltpu.VMEM((QPW, 128), jnp.float32),
        pltpu.VMEM((2 * QPW, 128), jnp.float32),
        pltpu.VMEM((QPW, CH), jnp.float32),
        pltpu.VMEM((KI, 128), jnp.float32),
        pltpu.VMEM((KI, 128), jnp.float32),
        pltpu.VMEM((KP * LANES,), jnp.float32),
        pltpu.VMEM((KP,), jnp.float32),
        pltpu.SemaphoreType.DMA,
        pltpu.SemaphoreType.DMA,
    ],
)


@jax.jit
def kernel(q, c_t, W_a, W_p, V_p):
    ct = c_t.reshape(NQ, CCH)
    p_t = H * jax.nn.sigmoid(jnp.tanh(c_t @ W_p.T) @ V_p.T)
    p = p_t.reshape(NQ, 2)
    qt2 = _trans(q)
    idx, meta, u = _prep(ct, W_a, p[:, 0:1], p[:, 1:2])
    out = _sc_attend(qt2, idx, meta, u)
    return out.reshape(B, L, CCH)

# --- scband reference (transcript-rebuilt; emitter-appended) ---
"""Pipeline reference for scband-local-attention2d-74637941670330 (READ-ONLY COPY).

The authoritative reference and input builder live on the scoring server;
editing this copy changes nothing except your own understanding.
"""

import jax, jax.numpy as jnp
import numpy as np

B, CCH, H, W = 2, 192, 224, 224
L = 1024
Q_SIZE, C_SIZE, P_SIZE = 192, 192, 128
R_, C_ = 3, 3


def setup_inputs(seed: int = 0) -> dict:
    key = jax.random.key(seed)
    k1, k2, k3, k4, k5 = jax.random.split(key, 5)
    q = jax.random.normal(k1, (B, CCH, H, W), dtype=jnp.float32)
    c_t = jax.random.normal(k2, (B, L, C_SIZE), dtype=jnp.float32)
    W_a = jax.random.normal(k3, (C_SIZE, Q_SIZE), dtype=jnp.float32) * (1.0 / np.sqrt(Q_SIZE))
    W_p = jax.random.normal(k4, (P_SIZE, C_SIZE), dtype=jnp.float32) * (1.0 / np.sqrt(C_SIZE))
    V_p = jax.random.normal(k5, (2, P_SIZE), dtype=jnp.float32) * (1.0 / np.sqrt(P_SIZE))
    return {"q": q, "c_t": c_t, "W_a": W_a, "W_p": W_p, "V_p": V_p}


def reference(q, c_t, W_a, W_p, V_p):
    Bb, Cch, Hh, Ww = q.shape
    Ll = c_t.shape[1]
    S = Hh  # q.size(2)
    # predictive_alignment: p_t = S * sigmoid(V_p(tanh(W_p(c_t))))
    p_t = S * jax.nn.sigmoid(jnp.tanh(c_t @ W_p.T) @ V_p.T)  # [B, L, 2]
    # ConstantPad2d((1,0,1,0), nan)
    q_pad = jnp.pad(q, ((0, 0), (0, 0), (1, 0), (1, 0)), constant_values=jnp.nan)
    rows, cols = q_pad.shape[2], q_pad.shape[3]
    qf = q_pad.reshape(Bb, Cch, rows * cols).transpose(0, 2, 1)  # [B, rows*cols, Cch]
    roff = jnp.arange(-R_, R_ + 1)
    coff = jnp.arange(-C_, C_ + 1)
    r = jnp.clip(jnp.round(p_t[..., 0]).astype(jnp.int32)[..., None] + roff + 1, 0, rows) % rows  # [B,L,2R+1]
    c = jnp.clip(jnp.round(p_t[..., 1]).astype(jnp.int32)[..., None] + coff + 1, 0, cols) % cols  # [B,L,2C+1]
    Kr, Kc = 2 * R_ + 1, 2 * C_ + 1
    K = Kr * Kc
    # s[..., i*Kc + j] = r[...,i]*cols + c[...,j]  (i outer, j inner, matching the torch stack order)
    s = (r[:, :, :, None] * cols + c[:, :, None, :]).reshape(Bb, Ll, K)  # [B,L,K]
    # per-batch gather: q = stack([batch[idx] for batch, idx in zip(q, s)])
    qg = jnp.take_along_axis(qf, s.reshape(Bb, Ll * K, 1), axis=1).reshape(Bb, Ll, K, Cch)
    nan_loc = jnp.isnan(qg[..., 0])  # [B,L,K]
    qg = jnp.where(nan_loc[..., None], 0.0, qg)
    rexp = -2.0 * ((jnp.clip(r - 1, 0, None).astype(jnp.float32) - p_t[..., 0][..., None]) / R_) ** 2
    cexp = -2.0 * ((jnp.clip(c - 1, 0, None).astype(jnp.float32) - p_t[..., 1][..., None]) / C_) ** 2
    expw = jnp.exp((rexp[:, :, :, None] + cexp[:, :, None, :]).reshape(Bb, Ll, K))
    # score: a_t = bmm(W_a(q), c_t)
    Wa = qg @ W_a.T  # [B,L,K,C_SIZE]
    a_t = jnp.einsum('blkc,blc->blk', Wa, c_t)  # [B,L,K]
    a_t = jnp.where(nan_loc, -jnp.inf, a_t)
    W_attn = jax.nn.softmax(a_t, axis=2) * expw
    out = (W_attn[..., None] * qg).sum(2)  # [B,L,Cch]
    return out

if __name__ == "__main__":
    import jax
    _d = setup_inputs()
    print(jax.jit(kernel)(*tuple(_d.values())))

</pallas_src>

<mosaic_0001>
#map = affine_map<(d0, d1) -> (0, 0)>
module attributes {stable_mosaic.version = 14 : i64} {
  func.func @_sc_body(%arg0: i32, %arg1: i32, %arg2: memref<200704x128xf32, #tpu.memory_space<hbm>>, %arg3: memref<2048x128xi32, #tpu.memory_space<hbm>>, %arg4: memref<2048x128xf32, #tpu.memory_space<hbm>>, %arg5: memref<4096x128xf32, #tpu.memory_space<hbm>>, %arg6: memref<2048x192xf32, #tpu.memory_space<hbm>>, %arg7: memref<64x128xi32, #tpu.memory_space<vmem>>, %arg8: memref<64x128xf32, #tpu.memory_space<vmem>>, %arg9: memref<128x128xf32, #tpu.memory_space<vmem>>, %arg10: memref<64x192xf32, #tpu.memory_space<vmem>>, %arg11: memref<104x128xf32, #tpu.memory_space<vmem>>, %arg12: memref<104x128xf32, #tpu.memory_space<vmem>>, %arg13: memref<1024xf32, #tpu.memory_space<vmem>>, %arg14: memref<64xf32, #tpu.memory_space<vmem>>, %arg15: memref<!tpu.dma_semaphore, #tpu.memory_space<semaphore_mem>>, %arg16: memref<!tpu.dma_semaphore, #tpu.memory_space<semaphore_mem>>) attributes {dimension_semantics = [#tpu.dimension_semantics<core_parallel>, #tpu.dimension_semantics<subcore_parallel>], iteration_bounds = array<i64: 2, 16>, scalar_prefetch = 0 : i64, scratch_operands = 10 : i64, tpu.core_type = #tpu.core_type<sc_vector_subcore>, window_params = [{transform_indices = #map}, {transform_indices = #map}, {transform_indices = #map}, {transform_indices = #map}, {transform_indices = #map}]} {
    %mul3A = arith.constant 2 : i32
    %mul3A_0 = arith.muli %arg1, %mul3A : i32
    %add3A = arith.addi %mul3A_0, %arg0 : i32
    %mul3A_1 = arith.constant 64 : i32
    %mul3A_2 = arith.muli %add3A, %mul3A_1 : i32
    "tpu.region"() ({
      %run_scoped3A = tpu.sem_alloc : memref<!tpu.dma_semaphore, #tpu.memory_space<semaphore_mem>>
      %dma_start3A_54 = arith.constant 0 : i32
      %dma_start3A_55 = tpu.memref_slice %arg3[%mul3A_2, %dma_start3A_54] : memref<2048x128xi32, #tpu.memory_space<hbm>> -> memref<64x128xi32, #tpu.memory_space<hbm>>
      %dma_start3A_56 = arith.constant 0 : i32
      %dma_start3A_57 = tpu.memref_slice %arg3[%mul3A_2, %dma_start3A_56] : memref<2048x128xi32, #tpu.memory_space<hbm>> -> memref<64x128xi32, #tpu.memory_space<hbm>>
      tpu.enqueue_dma source(%dma_start3A_57 : memref<64x128xi32, #tpu.memory_space<hbm>>) target(%arg7 : memref<64x128xi32, #tpu.memory_space<vmem>>) target_semaphore(%run_scoped3A : memref<!tpu.dma_semaphore, #tpu.memory_space<semaphore_mem>>)
      %dma_wait3A = arith.constant 0 : i32
      %dma_wait3A_58 = tpu.memref_slice %arg3[%mul3A_2, %dma_wait3A] : memref<2048x128xi32, #tpu.memory_space<hbm>> -> memref<64x128xi32, #tpu.memory_space<hbm>>
      %dma_wait3A_59 = arith.constant 0 : i32
      %dma_wait3A_60 = tpu.memref_slice %arg3[%mul3A_2, %dma_wait3A_59] : memref<2048x128xi32, #tpu.memory_space<hbm>> -> memref<64x128xi32, #tpu.memory_space<hbm>>
      tpu.wait_dma2 semaphore(%run_scoped3A : memref<!tpu.dma_semaphore, #tpu.memory_space<semaphore_mem>>) src(%dma_wait3A_60 : memref<64x128xi32, #tpu.memory_space<hbm>>) dst(%arg7 : memref<64x128xi32, #tpu.memory_space<vmem>>)
      tpu.yield
    }) : () -> ()
    "tpu.region"() ({
      %run_scoped3A = tpu.sem_alloc : memref<!tpu.dma_semaphore, #tpu.memory_space<semaphore_mem>>
      %dma_start3A_54 = arith.constant 0 : i32
      %dma_start3A_55 = tpu.memref_slice %arg4[%mul3A_2, %dma_start3A_54] : memref<2048x128xf32, #tpu.memory_space<hbm>> -> memref<64x128xf32, #tpu.memory_space<hbm>>
      %dma_start3A_56 = arith.constant 0 : i32
      %dma_start3A_57 = tpu.memref_slice %arg4[%mul3A_2, %dma_start3A_56] : memref<2048x128xf32, #tpu.memory_space<hbm>> -> memref<64x128xf32, #tpu.memory_space<hbm>>
      tpu.enqueue_dma source(%dma_start3A_57 : memref<64x128xf32, #tpu.memory_space<hbm>>) target(%arg8 : memref<64x128xf32, #tpu.memory_space<vmem>>) target_semaphore(%run_scoped3A : memref<!tpu.dma_semaphore, #tpu.memory_space<semaphore_mem>>)
      %dma_wait3A = arith.constant 0 : i32
      %dma_wait3A_58 = tpu.memref_slice %arg4[%mul3A_2, %dma_wait3A] : memref<2048x128xf32, #tpu.memory_space<hbm>> -> memref<64x128xf32, #tpu.memory_space<hbm>>
      %dma_wait3A_59 = arith.constant 0 : i32
      %dma_wait3A_60 = tpu.memref_slice %arg4[%mul3A_2, %dma_wait3A_59] : memref<2048x128xf32, #tpu.memory_space<hbm>> -> memref<64x128xf32, #tpu.memory_space<hbm>>
      tpu.wait_dma2 semaphore(%run_scoped3A : memref<!tpu.dma_semaphore, #tpu.memory_space<semaphore_mem>>) src(%dma_wait3A_60 : memref<64x128xf32, #tpu.memory_space<hbm>>) dst(%arg8 : memref<64x128xf32, #tpu.memory_space<vmem>>)
      tpu.yield
    }) : () -> ()
    %mul3A_3 = arith.constant 2 : i32
    %mul3A_4 = arith.muli %mul3A_3, %mul3A_2 : i32
    "tpu.region"() ({
      %run_scoped3A = tpu.sem_alloc : memref<!tpu.dma_semaphore, #tpu.memory_space<semaphore_mem>>
      %dma_start3A_54 = arith.constant 0 : i32
      %dma_start3A_55 = tpu.memref_slice %arg5[%mul3A_4, %dma_start3A_54] : memref<4096x128xf32, #tpu.memory_space<hbm>> -> memref<128x128xf32, #tpu.memory_space<hbm>>
      %dma_start3A_56 = arith.constant 0 : i32
      %dma_start3A_57 = tpu.memref_slice %arg5[%mul3A_4, %dma_start3A_56] : memref<4096x128xf32, #tpu.memory_space<hbm>> -> memref<128x128xf32, #tpu.memory_space<hbm>>
      tpu.enqueue_dma source(%dma_start3A_57 : memref<128x128xf32, #tpu.memory_space<hbm>>) target(%arg9 : memref<128x128xf32, #tpu.memory_space<vmem>>) target_semaphore(%run_scoped3A : memref<!tpu.dma_semaphore, #tpu.memory_space<semaphore_mem>>)
      %dma_wait3A = arith.constant 0 : i32
      %dma_wait3A_58 = tpu.memref_slice %arg5[%mul3A_4, %dma_wait3A] : memref<4096x128xf32, #tpu.memory_space<hbm>> -> memref<128x128xf32, #tpu.memory_space<hbm>>
      %dma_wait3A_59 = arith.constant 0 : i32
      %dma_wait3A_60 = tpu.memref_slice %arg5[%mul3A_4, %dma_wait3A_59] : memref<4096x128xf32, #tpu.memory_space<hbm>> -> memref<128x128xf32, #tpu.memory_space<hbm>>
      tpu.wait_dma2 semaphore(%run_scoped3A : memref<!tpu.dma_semaphore, #tpu.memory_space<semaphore_mem>>) src(%dma_wait3A_60 : memref<128x128xf32, #tpu.memory_space<hbm>>) dst(%arg9 : memref<128x128xf32, #tpu.memory_space<vmem>>)
      tpu.yield
    }) : () -> ()
    %broadcast_in_dim3A = arith.constant 0.000000e+00 : f32
    %broadcast_in_dim3A_5 = vector.broadcast %broadcast_in_dim3A : f32 to vector<16xf32>
    %swap3A = arith.constant 784 : index
    %swap3A_6 = tpu.vector_load %arg13[%swap3A] {strides = array<i32>} : memref<1024xf32, #tpu.memory_space<vmem>>, vector<16xf32>,
    tpu.vector_store %arg13[%swap3A], %broadcast_in_dim3A_5 {strides = array<i32>} : memref<1024xf32, #tpu.memory_space<vmem>>, vector<16xf32>,
    %swap3A_7 = arith.constant 800 : index
    %swap3A_8 = tpu.vector_load %arg13[%swap3A_7] {strides = array<i32>} : memref<1024xf32, #tpu.memory_space<vmem>>, vector<16xf32>,
    tpu.vector_store %arg13[%swap3A_7], %broadcast_in_dim3A_5 {strides = array<i32>} : memref<1024xf32, #tpu.memory_space<vmem>>, vector<16xf32>,
    %swap3A_9 = arith.constant 816 : index
    %swap3A_10 = tpu.vector_load %arg13[%swap3A_9] {strides = array<i32>} : memref<1024xf32, #tpu.memory_space<vmem>>, vector<16xf32>,
    tpu.vector_store %arg13[%swap3A_9], %broadcast_in_dim3A_5 {strides = array<i32>} : memref<1024xf32, #tpu.memory_space<vmem>>, vector<16xf32>,
    %swap3A_11 = arith.constant 832 : index
    %swap3A_12 = tpu.vector_load %arg13[%swap3A_11] {strides = array<i32>} : memref<1024xf32, #tpu.memory_space<vmem>>, vector<16xf32>,
    tpu.vector_store %arg13[%swap3A_11], %broadcast_in_dim3A_5 {strides = array<i32>} : memref<1024xf32, #tpu.memory_space<vmem>>, vector<16xf32>,
    %swap3A_13 = arith.constant 848 : index
    %swap3A_14 = tpu.vector_load %arg13[%swap3A_13] {strides = array<i32>} : memref<1024xf32, #tpu.memory_space<vmem>>, vector<16xf32>,
    tpu.vector_store %arg13[%swap3A_13], %broadcast_in_dim3A_5 {strides = array<i32>} : memref<1024xf32, #tpu.memory_space<vmem>>, vector<16xf32>,
    %swap3A_15 = arith.constant 864 : index
    %swap3A_16 = tpu.vector_load %arg13[%swap3A_15] {strides = array<i32>} : memref<1024xf32, #tpu.memory_space<vmem>>, vector<16xf32>,
    tpu.vector_store %arg13[%swap3A_15], %broadcast_in_dim3A_5 {strides = array<i32>} : memref<1024xf32, #tpu.memory_space<vmem>>, vector<16xf32>,
    %swap3A_17 = arith.constant 880 : index
    %swap3A_18 = tpu.vector_load %arg13[%swap3A_17] {strides = array<i32>} : memref<1024xf32, #tpu.memory_space<vmem>>, vector<16xf32>,
    tpu.vector_store %arg13[%swap3A_17], %broadcast_in_dim3A_5 {strides = array<i32>} : memref<1024xf32, #tpu.memory_space<vmem>>, vector<16xf32>,
    %swap3A_19 = arith.constant 896 : index
    %swap3A_20 = tpu.vector_load %arg13[%swap3A_19] {strides = array<i32>} : memref<1024xf32, #tpu.memory_space<vmem>>, vector<16xf32>,
    tpu.vector_store %arg13[%swap3A_19], %broadcast_in_dim3A_5 {strides = array<i32>} : memref<1024xf32, #tpu.memory_space<vmem>>, vector<16xf32>,
    %swap3A_21 = arith.constant 912 : index
    %swap3A_22 = tpu.vector_load %arg13[%swap3A_21] {strides = array<i32>} : memref<1024xf32, #tpu.memory_space<vmem>>, vector<16xf32>,
    tpu.vector_store %arg13[%swap3A_21], %broadcast_in_dim3A_5 {strides = array<i32>} : memref<1024xf32, #tpu.memory_space<vmem>>, vector<16xf32>,
    %swap3A_23 = arith.constant 928 : index
    %swap3A_24 = tpu.vector_load %arg13[%swap3A_23] {strides = array<i32>} : memref<1024xf32, #tpu.memory_space<vmem>>, vector<16xf32>,
    tpu.vector_store %arg13[%swap3A_23], %broadcast_in_dim3A_5 {strides = array<i32>} : memref<1024xf32, #tpu.memory_space<vmem>>, vector<16xf32>,
    %swap3A_25 = arith.constant 944 : index
    %swap3A_26 = tpu.vector_load %arg13[%swap3A_25] {strides = array<i32>} : memref<1024xf32, #tpu.memory_space<vmem>>, vector<16xf32>,
    tpu.vector_store %arg13[%swap3A_25], %broadcast_in_dim3A_5 {strides = array<i32>} : memref<1024xf32, #tpu.memory_space<vmem>>, vector<16xf32>,
    %swap3A_27 = arith.constant 960 : index
    %swap3A_28 = tpu.vector_load %arg13[%swap3A_27] {strides = array<i32>} : memref<1024xf32, #tpu.memory_space<vmem>>, vector<16xf32>,
    tpu.vector_store %arg13[%swap3A_27], %broadcast_in_dim3A_5 {strides = array<i32>} : memref<1024xf32, #tpu.memory_space<vmem>>, vector<16xf32>,
    %swap3A_29 = arith.constant 976 : index
    %swap3A_30 = tpu.vector_load %arg13[%swap3A_29] {strides = array<i32>} : memref<1024xf32, #tpu.memory_space<vmem>>, vector<16xf32>,
    tpu.vector_store %arg13[%swap3A_29], %broadcast_in_dim3A_5 {strides = array<i32>} : memref<1024xf32, #tpu.memory_space<vmem>>, vector<16xf32>,
    %swap3A_31 = arith.constant 992 : index
    %swap3A_32 = tpu.vector_load %arg13[%swap3A_31] {strides = array<i32>} : memref<1024xf32, #tpu.memory_space<vmem>>, vector<16xf32>,
    tpu.vector_store %arg13[%swap3A_31], %broadcast_in_dim3A_5 {strides = array<i32>} : memref<1024xf32, #tpu.memory_space<vmem>>, vector<16xf32>,
    %swap3A_33 = arith.constant 1008 : index
    %swap3A_34 = tpu.vector_load %arg13[%swap3A_33] {strides = array<i32>} : memref<1024xf32, #tpu.memory_space<vmem>>, vector<16xf32>,
    tpu.vector_store %arg13[%swap3A_33], %broadcast_in_dim3A_5 {strides = array<i32>} : memref<1024xf32, #tpu.memory_space<vmem>>, vector<16xf32>,
    %iota3A = tpu.iota {dimensions = array<i32: 0>} : vector<16xi32>
    %dma_start3A = arith.constant 0 : i32
    %dma_start3A_35 = arith.constant 0 : i32
    %dma_start3A_36 = tpu.memref_slice %arg7[%dma_start3A, %dma_start3A_35] : memref<64x128xi32, #tpu.memory_space<vmem>> -> memref<1x104xi32, #tpu.memory_space<vmem>>
    %dma_start3A_37 = tpu.memref_squeeze %dma_start3A_36 : memref<1x104xi32, #tpu.memory_space<vmem>> -> memref<104xi32, #tpu.memory_space<vmem>>
    %dma_start3A_38 = arith.constant 0 : i32
    %dma_start3A_39 = arith.constant 0 : i32
    %dma_start3A_40 = tpu.memref_slice %arg2[%dma_start3A_38, %dma_start3A_39] : memref<200704x128xf32, #tpu.memory_space<hbm>> -> memref<200704x128xf32, #tpu.memory_space<hbm>>
    tpu.enqueue_indirect_dma source(%dma_start3A_40 : memref<200704x128xf32, #tpu.memory_space<hbm>>) target(%arg11 : memref<104x128xf32, #tpu.memory_space<vmem>>) offsets(%dma_start3A_37 : memref<104xi32, #tpu.memory_space<vmem>>) semaphore(%arg15 : memref<!tpu.dma_semaphore, #tpu.memory_space<semaphore_mem>>)
    %dma_start3A_41 = arith.constant 1 : i32
    %dma_start3A_42 = arith.constant 0 : i32
    %dma_start3A_43 = tpu.memref_slice %arg7[%dma_start3A_41, %dma_start3A_42] : memref<64x128xi32, #tpu.memory_space<vmem>> -> memref<1x104xi32, #tpu.memory_space<vmem>>
    %dma_start3A_44 = tpu.memref_squeeze %dma_start3A_43 : memref<1x104xi32, #tpu.memory_space<vmem>> -> memref<104xi32, #tpu.memory_space<vmem>>
    %dma_start3A_45 = arith.constant 0 : i32
    %dma_start3A_46 = arith.constant 0 : i32
    %dma_start3A_47 = tpu.memref_slice %arg2[%dma_start3A_45, %dma_start3A_46] : memref<200704x128xf32, #tpu.memory_space<hbm>> -> memref<200704x128xf32, #tpu.memory_space<hbm>>
    tpu.enqueue_indirect_dma source(%dma_start3A_47 : memref<200704x128xf32, #tpu.memory_space<hbm>>) target(%arg12 : memref<104x128xf32, #tpu.memory_space<vmem>>) offsets(%dma_start3A_44 : memref<104xi32, #tpu.memory_space<vmem>>) semaphore(%arg16 : memref<!tpu.dma_semaphore, #tpu.memory_space<semaphore_mem>>)
    %scan3A = arith.constant 0 : i32
    %scan3A_48 = arith.constant 0 : i32
    %scan3A_49 = arith.constant 32 : i32
    %scan3A_50 = arith.addi %scan3A_48, %scan3A_49 : i32
    %scan3A_51 = arith.constant 1 : i32
    %scan3A_52 = scf.for %scan3A_54 = %scan3A_48 to %scan3A_50 step %scan3A_51 iter_args(%scan3A_55 = %scan3A) -> (i32)  : i32 {
      %mul3A_56 = arith.constant 2 : i32
      %mul3A_57 = arith.muli %mul3A_56, %scan3A_54 : i32
      %add3A_58 = arith.constant 0 : i32
      %add3A_59 = arith.addi %mul3A_57, %add3A_58 : i32
      %dma_wait3A = arith.constant 0 : i32
      %dma_wait3A_60 = tpu.memref_slice %arg7[%add3A_59, %dma_wait3A] : memref<64x128xi32, #tpu.memory_space<vmem>> -> memref<1x104xi32, #tpu.memory_space<vmem>>
      %dma_wait3A_61 = tpu.memref_squeeze %dma_wait3A_60 : memref<1x104xi32, #tpu.memory_space<vmem>> -> memref<104xi32, #tpu.memory_space<vmem>>
      %dma_wait3A_62 = arith.constant 0 : i32
      %dma_wait3A_63 = arith.constant 0 : i32
      %dma_wait3A_64 = tpu.memref_slice %arg2[%dma_wait3A_62, %dma_wait3A_63] : memref<200704x128xf32, #tpu.memory_space<hbm>> -> memref<200704x128xf32, #tpu.memory_space<hbm>>
      tpu.wait_indirect_dma semaphore(%arg15 : memref<!tpu.dma_semaphore, #tpu.memory_space<semaphore_mem>>) src(%dma_wait3A_64 : memref<200704x128xf32, #tpu.memory_space<hbm>>) dst(%arg11 : memref<104x128xf32, #tpu.memory_space<vmem>>)
      %mul3A_65 = arith.constant 2 : i32
      %mul3A_66 = arith.muli %mul3A_65, %add3A_59 : i32
      %get3A = arith.index_cast %mul3A_66 : i32 to index
      %get3A_67 = arith.constant 0 : index
      %get3A_68 = tpu.vector_load %arg9[%get3A, %get3A_67] {strides = array<i32>} : memref<128x128xf32, #tpu.memory_space<vmem>>, vector<16xf32>,
      %mul3A_69 = arith.constant 2 : i32
      %mul3A_70 = arith.muli %mul3A_69, %add3A_59 : i32
      %get3A_71 = arith.index_cast %mul3A_70 : i32 to index
      %get3A_72 = arith.constant 16 : index
      %get3A_73 = tpu.vector_load %arg9[%get3A_71, %get3A_72] {strides = array<i32>} : memref<128x128xf32, #tpu.memory_space<vmem>>, vector<16xf32>,
      %mul3A_74 = arith.constant 2 : i32
      %mul3A_75 = arith.muli %mul3A_74, %add3A_59 : i32
      %get3A_76 = arith.index_cast %mul3A_75 : i32 to index
      %get3A_77 = arith.constant 32 : index
      %get3A_78 = tpu.vector_load %arg9[%get3A_76, %get3A_77] {strides = array<i32>} : memref<128x128xf32, #tpu.memory_space<vmem>>, vector<16xf32>,
      %mul3A_79 = arith.constant 2 : i32
      %mul3A_80 = arith.muli %mul3A_79, %add3A_59 : i32
      %get3A_81 = arith.index_cast %mul3A_80 : i32 to index
      %get3A_82 = arith.constant 48 : index
      %get3A_83 = tpu.vector_load %arg9[%get3A_81, %get3A_82] {strides = array<i32>} : memref<128x128xf32, #tpu.memory_space<vmem>>, vector<16xf32>,
      %mul3A_84 = arith.constant 2 : i32
      %mul3A_85 = arith.muli %mul3A_84, %add3A_59 : i32
      %get3A_86 = arith.index_cast %mul3A_85 : i32 to index
      %get3A_87 = arith.constant 64 : index
      %get3A_88 = tpu.vector_load %arg9[%get3A_86, %get3A_87] {strides = array<i32>} : memref<128x128xf32, #tpu.memory_space<vmem>>, vector<16xf32>,
      %mul3A_89 = arith.constant 2 : i32
      %mul3A_90 = arith.muli %mul3A_89, %add3A_59 : i32
      %get3A_91 = arith.index_cast %mul3A_90 : i32 to index
      %get3A_92 = arith.constant 80 : index
      %get3A_93 = tpu.vector_load %arg9[%get3A_91, %get3A_92] {strides = array<i32>} : memref<128x128xf32, #tpu.memory_space<vmem>>, vector<16xf32>,
      %mul3A_94 = arith.constant 2 : i32
      %mul3A_95 = arith.muli %mul3A_94, %add3A_59 : i32
      %get3A_96 = arith.index_cast %mul3A_95 : i32 to index
      %get3A_97 = arith.constant 96 : index
      %get3A_98 = tpu.vector_load %arg9[%get3A_96, %get3A_97] {strides = array<i32>} : memref<128x128xf32, #tpu.memory_space<vmem>>, vector<16xf32>,
      %mul3A_99 = arith.constant 2 : i32
      %mul3A_100 = arith.muli %mul3A_99, %add3A_59 : i32
      %get3A_101 = arith.index_cast %mul3A_100 : i32 to index
      %get3A_102 = arith.constant 112 : index
      %get3A_103 = tpu.vector_load %arg9[%get3A_101, %get3A_102] {strides = array<i32>} : memref<128x128xf32, #tpu.memory_space<vmem>>, vector<16xf32>,
      %mul3A_104 = arith.constant 2 : i32
      %mul3A_105 = arith.muli %mul3A_104, %add3A_59 : i32
      %add3A_106 = arith.constant 1 : i32
      %add3A_107 = arith.addi %mul3A_105, %add3A_106 : i32
      %get3A_108 = arith.index_cast %add3A_107 : i32 to index
      %get3A_109 = arith.constant 0 : index
      %get3A_110 = tpu.vector_load %arg9[%get3A_108, %get3A_109] {strides = array<i32>} : memref<128x128xf32, #tpu.memory_space<vmem>>, vector<16xf32>,
      %mul3A_111 = arith.constant 2 : i32
      %mul3A_112 = arith.muli %mul3A_111, %add3A_59 : i32
      %add3A_113 = arith.constant 1 : i32
      %add3A_114 = arith.addi %mul3A_112, %add3A_113 : i32
      %get3A_115 = arith.index_cast %add3A_114 : i32 to index
      %get3A_116 = arith.constant 16 : index
      %get3A_117 = tpu.vector_load %arg9[%get3A_115, %get3A_116] {strides = array<i32>} : memref<128x128xf32, #tpu.memory_space<vmem>>, vector<16xf32>,
      %mul3A_118 = arith.constant 2 : i32
      %mul3A_119 = arith.muli %mul3A_118, %add3A_59 : i32
      %add3A_120 = arith.constant 1 : i32
      %add3A_121 = arith.addi %mul3A_119, %add3A_120 : i32
      %get3A_122 = arith.index_cast %add3A_121 : i32 to index
      %get3A_123 = arith.constant 32 : index
      %get3A_124 = tpu.vector_load %arg9[%get3A_122, %get3A_123] {strides = array<i32>} : memref<128x128xf32, #tpu.memory_space<vmem>>, vector<16xf32>,
      %mul3A_125 = arith.constant 2 : i32
      %mul3A_126 = arith.muli %mul3A_125, %add3A_59 : i32
      %add3A_127 = arith.constant 1 : i32
      %add3A_128 = arith.addi %mul3A_126, %add3A_127 : i32
      %get3A_129 = arith.index_cast %add3A_128 : i32 to index
      %get3A_130 = arith.constant 48 : index
      %get3A_131 = tpu.vector_load %arg9[%get3A_129, %get3A_130] {strides = array<i32>} : memref<128x128xf32, #tpu.memory_space<vmem>>, vector<16xf32>,
      %scan3A_132 = arith.constant 0 : i32
      %scan3A_133 = arith.constant 0 : i32
      %scan3A_134 = arith.constant 7 : i32
      %scan3A_135 = arith.addi %scan3A_133, %scan3A_134 : i32
      %scan3A_136 = arith.constant 1 : i32
      %scan3A_137 = scf.for %scan3A_1111 = %scan3A_133 to %scan3A_135 step %scan3A_136 iter_args(%scan3A_1112 = %scan3A_132) -> (i32)  : i32 {
        %mul3A_1113 = arith.constant 7 : i32
        %mul3A_1114 = arith.muli %scan3A_1111, %mul3A_1113 : i32
        %add3A_1115 = arith.constant 0 : i32
        %add3A_1116 = arith.addi %mul3A_1114, %add3A_1115 : i32
        %mul3A_1117 = arith.constant 2 : i32
        %mul3A_1118 = arith.muli %mul3A_1117, %add3A_1116 : i32
        %get3A_1119 = arith.index_cast %mul3A_1118 : i32 to index
        %get3A_1120 = arith.constant 0 : index
        %get3A_1121 = tpu.vector_load %arg11[%get3A_1119, %get3A_1120] {strides = array<i32>} : memref<104x128xf32, #tpu.memory_space<vmem>>, vector<16xf32>,
        %mul3A_1122 = arith.mulf %get3A_1121, %get3A_68 : vector<16xf32>
        %mul3A_1123 = arith.constant 2 : i32
        %mul3A_1124 = arith.muli %mul3A_1123, %add3A_1116 : i32
        %get3A_1125 = arith.index_cast %mul3A_1124 : i32 to index
        %get3A_1126 = arith.constant 16 : index
        %get3A_1127 = tpu.vector_load %arg11[%get3A_1125, %get3A_1126] {strides = array<i32>} : memref<104x128xf32, #tpu.memory_space<vmem>>, vector<16xf32>,
        %mul3A_1128 = arith.mulf %get3A_1127, %get3A_73 : vector<16xf32>
        %add3A_1129 = arith.addf %mul3A_1122, %mul3A_1128 : vector<16xf32>
        %mul3A_1130 = arith.constant 2 : i32
        %mul3A_1131 = arith.muli %mul3A_1130, %add3A_1116 : i32
        %get3A_1132 = arith.index_cast %mul3A_1131 : i32 to index
        %get3A_1133 = arith.constant 32 : index
        %get3A_1134 = tpu.vector_load %arg11[%get3A_1132, %get3A_1133] {strides = array<i32>} : memref<104x128xf32, #tpu.memory_space<vmem>>, vector<16xf32>,
        %mul3A_1135 = arith.mulf %get3A_1134, %get3A_78 : vector<16xf32>
        %add3A_1136 = arith.addf %add3A_1129, %mul3A_1135 : vector<16xf32>
        %mul3A_1137 = arith.constant 2 : i32
        %mul3A_1138 = arith.muli %mul3A_1137, %add3A_1116 : i32
        %get3A_1139 = arith.index_cast %mul3A_1138 : i32 to index
        %get3A_1140 = arith.constant 48 : index
        %get3A_1141 = tpu.vector_load %arg11[%get3A_1139, %get3A_1140] {strides = array<i32>} : memref<104x128xf32, #tpu.memory_space<vmem>>, vector<16xf32>,
        %mul3A_1142 = arith.mulf %get3A_1141, %get3A_83 : vector<16xf32>
        %add3A_1143 = arith.addf %add3A_1136, %mul3A_1142 : vector<16xf32>
        %mul3A_1144 = arith.constant 2 : i32
        %mul3A_1145 = arith.muli %mul3A_1144, %add3A_1116 : i32
        %get3A_1146 = arith.index_cast %mul3A_1145 : i32 to index
        %get3A_1147 = arith.constant 64 : index
        %get3A_1148 = tpu.vector_load %arg11[%get3A_1146, %get3A_1147] {strides = array<i32>} : memref<104x128xf32, #tpu.memory_space<vmem>>, vector<16xf32>,
        %mul3A_1149 = arith.mulf %get3A_1148, %get3A_88 : vector<16xf32>
        %add3A_1150 = arith.addf %add3A_1143, %mul3A_1149 : vector<16xf32>
        %mul3A_1151 = arith.constant 2 : i32
        %mul3A_1152 = arith.muli %mul3A_1151, %add3A_1116 : i32
        %get3A_1153 = arith.index_cast %mul3A_1152 : i32 to index
        %get3A_1154 = arith.constant 80 : index
        %get3A_1155 = tpu.vector_load %arg11[%get3A_1153, %get3A_1154] {strides = array<i32>} : memref<104x128xf32, #tpu.memory_space<vmem>>, vector<16xf32>,
        %mul3A_1156 = arith.mulf %get3A_1155, %get3A_93 : vector<16xf32>
        %add3A_1157 = arith.addf %add3A_1150, %mul3A_1156 : vector<16xf32>
        %mul3A_1158 = arith.constant 2 : i32
        %mul3A_1159 = arith.muli %mul3A_1158, %add3A_1116 : i32
        %get3A_1160 = arith.index_cast %mul3A_1159 : i32 to index
        %get3A_1161 = arith.constant 96 : index
        %get3A_1162 = tpu.vector_load %arg11[%get3A_1160, %get3A_1161] {strides = array<i32>} : memref<104x128xf32, #tpu.memory_space<vmem>>, vector<16xf32>,
        %mul3A_1163 = arith.mulf %get3A_1162, %get3A_98 : vector<16xf32>
        %add3A_1164 = arith.addf %add3A_1157, %mul3A_1163 : vector<16xf32>
        %mul3A_1165 = arith.constant 2 : i32
        %mul3A_1166 = arith.muli %mul3A_1165, %add3A_1116 : i32
        %get3A_1167 = arith.index_cast %mul3A_1166 : i32 to index
        %get3A_1168 = arith.constant 112 : index
        %get3A_1169 = tpu.vector_load %arg11[%get3A_1167, %get3A_1168] {strides = array<i32>} : memref<104x128xf32, #tpu.memory_space<vmem>>, vector<16xf32>,
        %mul3A_1170 = arith.mulf %get3A_1169, %get3A_103 : vector<16xf32>
        %add3A_1171 = arith.addf %add3A_1164, %mul3A_1170 : vector<16xf32>
        %mul3A_1172 = arith.constant 2 : i32
        %mul3A_1173 = arith.muli %mul3A_1172, %add3A_1116 : i32
        %add3A_1174 = arith.constant 1 : i32
        %add3A_1175 = arith.addi %mul3A_1173, %add3A_1174 : i32
        %get3A_1176 = arith.index_cast %add3A_1175 : i32 to index
        %get3A_1177 = arith.constant 0 : index
        %get3A_1178 = tpu.vector_load %arg11[%get3A_1176, %get3A_1177] {strides = array<i32>} : memref<104x128xf32, #tpu.memory_space<vmem>>, vector<16xf32>,
        %mul3A_1179 = arith.mulf %get3A_1178, %get3A_110 : vector<16xf32>
        %add3A_1180 = arith.addf %add3A_1171, %mul3A_1179 : vector<16xf32>
        %mul3A_1181 = arith.constant 2 : i32
        %mul3A_1182 = arith.muli %mul3A_1181, %add3A_1116 : i32
        %add3A_1183 = arith.constant 1 : i32
        %add3A_1184 = arith.addi %mul3A_1182, %add3A_1183 : i32
        %get3A_1185 = arith.index_cast %add3A_1184 : i32 to index
        %get3A_1186 = arith.constant 16 : index
        %get3A_1187 = tpu.vector_load %arg11[%get3A_1185, %get3A_1186] {strides = array<i32>} : memref<104x128xf32, #tpu.memory_space<vmem>>, vector<16xf32>,
        %mul3A_1188 = arith.mulf %get3A_1187, %get3A_117 : vector<16xf32>
        %add3A_1189 = arith.addf %add3A_1180, %mul3A_1188 : vector<16xf32>
        %mul3A_1190 = arith.constant 2 : i32
        %mul3A_1191 = arith.muli %mul3A_1190, %add3A_1116 : i32
        %add3A_1192 = arith.constant 1 : i32
        %add3A_1193 = arith.addi %mul3A_1191, %add3A_1192 : i32
        %get3A_1194 = arith.index_cast %add3A_1193 : i32 to index
        %get3A_1195 = arith.constant 32 : index
        %get3A_1196 = tpu.vector_load %arg11[%get3A_1194, %get3A_1195] {strides = array<i32>} : memref<104x128xf32, #tpu.memory_space<vmem>>, vector<16xf32>,
        %mul3A_1197 = arith.mulf %get3A_1196, %get3A_124 : vector<16xf32>
        %add3A_1198 = arith.addf %add3A_1189, %mul3A_1197 : vector<16xf32>
        %mul3A_1199 = arith.constant 2 : i32
        %mul3A_1200 = arith.muli %mul3A_1199, %add3A_1116 : i32
        %add3A_1201 = arith.constant 1 : i32
        %add3A_1202 = arith.addi %mul3A_1200, %add3A_1201 : i32
        %get3A_1203 = arith.index_cast %add3A_1202 : i32 to index
        %get3A_1204 = arith.constant 48 : index
        %get3A_1205 = tpu.vector_load %arg11[%get3A_1203, %get3A_1204] {strides = array<i32>} : memref<104x128xf32, #tpu.memory_space<vmem>>, vector<16xf32>,
        %mul3A_1206 = arith.mulf %get3A_1205, %get3A_131 : vector<16xf32>
        %add3A_1207 = arith.addf %add3A_1198, %mul3A_1206 : vector<16xf32>
        %mul3A_1208 = arith.constant 16 : i32
        %mul3A_1209 = arith.muli %add3A_1116, %mul3A_1208 : i32
        %swap3A_1210 = arith.index_cast %mul3A_1209 : i32 to index
        %swap3A_1211 = tpu.vector_load %arg13[%swap3A_1210] {strides = array<i32>} : memref<1024xf32, #tpu.memory_space<vmem>>, vector<16xf32>,
        tpu.vector_store %arg13[%swap3A_1210], %add3A_1207 {strides = array<i32>} : memref<1024xf32, #tpu.memory_space<vmem>>, vector<16xf32>,
        %mul3A_1212 = arith.constant 7 : i32
        %mul3A_1213 = arith.muli %scan3A_1111, %mul3A_1212 : i32
        %add3A_1214 = arith.constant 1 : i32
        %add3A_1215 = arith.addi %mul3A_1213, %add3A_1214 : i32
        %mul3A_1216 = arith.constant 2 : i32
        %mul3A_1217 = arith.muli %mul3A_1216, %add3A_1215 : i32
        %get3A_1218 = arith.index_cast %mul3A_1217 : i32 to index
        %get3A_1219 = arith.constant 0 : index
        %get3A_1220 = tpu.vector_load %arg11[%get3A_1218, %get3A_1219] {strides = array<i32>} : memref<104x128xf32, #tpu.memory_space<vmem>>, vector<16xf32>,
        %mul3A_1221 = arith.mulf %get3A_1220, %get3A_68 : vector<16xf32>
        %mul3A_1222 = arith.constant 2 : i32
        %mul3A_1223 = arith.muli %mul3A_1222, %add3A_1215 : i32
        %get3A_1224 = arith.index_cast %mul3A_1223 : i32 to index
        %get3A_1225 = arith.constant 16 : index
        %get3A_1226 = tpu.vector_load %arg11[%get3A_1224, %get3A_1225] {strides = array<i32>} : memref<104x128xf32, #tpu.memory_space<vmem>>, vector<16xf32>,
        %mul3A_1227 = arith.mulf %get3A_1226, %get3A_73 : vector<16xf32>
        %add3A_1228 = arith.addf %mul3A_1221, %mul3A_1227 : vector<16xf32>
        %mul3A_1229 = arith.constant 2 : i32
        %mul3A_1230 = arith.muli %mul3A_1229, %add3A_1215 : i32
        %get3A_1231 = arith.index_cast %mul3A_1230 : i32 to index
        %get3A_1232 = arith.constant 32 : index
        %get3A_1233 = tpu.vector_load %arg11[%get3A_1231, %get3A_1232] {strides = array<i32>} : memref<104x128xf32, #tpu.memory_space<vmem>>, vector<16xf32>,
        %mul3A_1234 = arith.mulf %get3A_1233, %get3A_78 : vector<16xf32>
        %add3A_1235 = arith.addf %add3A_1228, %mul3A_1234 : vector<16xf32>
        %mul3A_1236 = arith.constant 2 : i32
        %mul3A_1237 = arith.muli %mul3A_1236, %add3A_1215 : i32
        %get3A_1238 = arith.index_cast %mul3A_1237 : i32 to index
        %get3A_1239 = arith.constant 48 : index
        %get3A_1240 = tpu.vector_load %arg11[%get3A_1238, %get3A_1239] {strides = array<i32>} : memref<104x128xf32, #tpu.memory_space<vmem>>, vector<16xf32>,
        %mul3A_1241 = arith.mulf %get3A_1240, %get3A_83 : vector<16xf32>
        %add3A_1242 = arith.addf %add3A_1235, %mul3A_1241 : vector<16xf32>
        %mul3A_1243 = arith.constant 2 : i32
        %mul3A_1244 = arith.muli %mul3A_1243, %add3A_1215 : i32
        %get3A_1245 = arith.index_cast %mul3A_1244 : i32 to index
        %get3A_1246 = arith.constant 64 : index
        %get3A_1247 = tpu.vector_load %arg11[%get3A_1245, %get3A_1246] {strides = array<i32>} : memref<104x128xf32, #tpu.memory_space<vmem>>, vector<16xf32>,
        %mul3A_1248 = arith.mulf %get3A_1247, %get3A_88 : vector<16xf32>
        %add3A_1249 = arith.addf %add3A_1242, %mul3A_1248 : vector<16xf32>
        %mul3A_1250 = arith.constant 2 : i32
        %mul3A_1251 = arith.muli %mul3A_1250, %add3A_1215 : i32
        %get3A_1252 = arith.index_cast %mul3A_1251 : i32 to index
        %get3A_1253 = arith.constant 80 : index
        %get3A_1254 = tpu.vector_load %arg11[%get3A_1252, %get3A_1253] {strides = array<i32>} : memref<104x128xf32, #tpu.memory_space<vmem>>, vector<16xf32>,
        %mul3A_1255 = arith.mulf %get3A_1254, %get3A_93 : vector<16xf32>
        %add3A_1256 = arith.addf %add3A_1249, %mul3A_1255 : vector<16xf32>
        %mul3A_1257 = arith.constant 2 : i32
        %mul3A_1258 = arith.muli %mul3A_1257, %add3A_1215 : i32
        %get3A_1259 = arith.index_cast %mul3A_1258 : i32 to index
        %get3A_1260 = arith.constant 96 : index
        %get3A_1261 = tpu.vector_load %arg11[%get3A_1259, %get3A_1260] {strides = array<i32>} : memref<104x128xf32, #tpu.memory_space<vmem>>, vector<16xf32>,
        %mul3A_1262 = arith.mulf %get3A_1261, %get3A_98 : vector<16xf32>
        %add3A_1263 = arith.addf %add3A_1256, %mul3A_1262 : vector<16xf32>
        %mul3A_1264 = arith.constant 2 : i32
        %mul3A_1265 = arith.muli %mul3A_1264, %add3A_1215 : i32
        %get3A_1266 = arith.index_cast %mul3A_1265 : i32 to index
        %get3A_1267 = arith.constant 112 : index
        %get3A_1268 = tpu.vector_load %arg11[%get3A_1266, %get3A_1267] {strides = array<i32>} : memref<104x128xf32, #tpu.memory_space<vmem>>, vector<16xf32>,
        %mul3A_1269 = arith.mulf %get3A_1268, %get3A_103 : vector<16xf32>
        %add3A_1270 = arith.addf %add3A_1263, %mul3A_1269 : vector<16xf32>
        %mul3A_1271 = arith.constant 2 : i32
        %mul3A_1272 = arith.muli %mul3A_1271, %add3A_1215 : i32
        %add3A_1273 = arith.constant 1 : i32
        %add3A_1274 = arith.addi %mul3A_1272, %add3A_1273 : i32
        %get3A_1275 = arith.index_cast %add3A_1274 : i32 to index
        %get3A_1276 = arith.constant 0 : index
        %get3A_1277 = tpu.vector_load %arg11[%get3A_1275, %get3A_1276] {strides = array<i32>} : memref<104x128xf32, #tpu.memory_space<vmem>>, vector<16xf32>,
        %mul3A_1278 = arith.mulf %get3A_1277, %get3A_110 : vector<16xf32>
        %add3A_1279 = arith.addf %add3A_1270, %mul3A_1278 : vector<16xf32>
        %mul3A_1280 = arith.constant 2 : i32
        %mul3A_1281 = arith.muli %mul3A_1280, %add3A_1215 : i32
        %add3A_1282 = arith.constant 1 : i32
        %add3A_1283 = arith.addi %mul3A_1281, %add3A_1282 : i32
        %get3A_1284 = arith.index_cast %add3A_1283 : i32 to index
        %get3A_1285 = arith.constant 16 : index
        %get3A_1286 = tpu.vector_load %arg11[%get3A_1284, %get3A_1285] {strides = array<i32>} : memref<104x128xf32, #tpu.memory_space<vmem>>, vector<16xf32>,
        %mul3A_1287 = arith.mulf %get3A_1286, %get3A_117 : vector<16xf32>
        %add3A_1288 = arith.addf %add3A_1279, %mul3A_1287 : vector<16xf32>
        %mul3A_1289 = arith.constant 2 : i32
        %mul3A_1290 = arith.muli %mul3A_1289, %add3A_1215 : i32
        %add3A_1291 = arith.constant 1 : i32
        %add3A_1292 = arith.addi %mul3A_1290, %add3A_1291 : i32
        %get3A_1293 = arith.index_cast %add3A_1292 : i32 to index
        %get3A_1294 = arith.constant 32 : index
        %get3A_1295 = tpu.vector_load %arg11[%get3A_1293, %get3A_1294] {strides = array<i32>} : memref<104x128xf32, #tpu.memory_space<vmem>>, vector<16xf32>,
        %mul3A_1296 = arith.mulf %get3A_1295, %get3A_124 : vector<16xf32>
        %add3A_1297 = arith.addf %add3A_1288, %mul3A_1296 : vector<16xf32>
        %mul3A_1298 = arith.constant 2 : i32
        %mul3A_1299 = arith.muli %mul3A_1298, %add3A_1215 : i32
        %add3A_1300 = arith.constant 1 : i32
        %add3A_1301 = arith.addi %mul3A_1299, %add3A_1300 : i32
        %get3A_1302 = arith.index_cast %add3A_1301 : i32 to index
        %get3A_1303 = arith.constant 48 : index
        %get3A_1304 = tpu.vector_load %arg11[%get3A_1302, %get3A_1303] {strides = array<i32>} : memref<104x128xf32, #tpu.memory_space<vmem>>, vector<16xf32>,
        %mul3A_1305 = arith.mulf %get3A_1304, %get3A_131 : vector<16xf32>
        %add3A_1306 = arith.addf %add3A_1297, %mul3A_1305 : vector<16xf32>
        %mul3A_1307 = arith.constant 16 : i32
        %mul3A_1308 = arith.muli %add3A_1215, %mul3A_1307 : i32
        %swap3A_1309 = arith.index_cast %mul3A_1308 : i32 to index
        %swap3A_1310 = tpu.vector_load %arg13[%swap3A_1309] {strides = array<i32>} : memref<1024xf32, #tpu.memory_space<vmem>>, vector<16xf32>,
        tpu.vector_store %arg13[%swap3A_1309], %add3A_1306 {strides = array<i32>} : memref<1024xf32, #tpu.memory_space<vmem>>, vector<16xf32>,
        %mul3A_1311 = arith.constant 7 : i32
        %mul3A_1312 = arith.muli %scan3A_1111, %mul3A_1311 : i32
        %add3A_1313 = arith.constant 2 : i32
        %add3A_1314 = arith.addi %mul3A_1312, %add3A_1313 : i32
        %mul3A_1315 = arith.constant 2 : i32
        %mul3A_1316 = arith.muli %mul3A_1315, %add3A_1314 : i32
        %get3A_1317 = arith.index_cast %mul3A_1316 : i32 to index
        %get3A_1318 = arith.constant 0 : index
        %get3A_1319 = tpu.vector_load %arg11[%get3A_1317, %get3A_1318] {strides = array<i32>} : memref<104x128xf32, #tpu.memory_space<vmem>>, vector<16xf32>,
        %mul3A_1320 = arith.mulf %get3A_1319, %get3A_68 : vector<16xf32>
        %mul3A_1321 = arith.constant 2 : i32
        %mul3A_1322 = arith.muli %mul3A_1321, %add3A_1314 : i32
        %get3A_1323 = arith.index_cast %mul3A_1322 : i32 to index
        %get3A_1324 = arith.constant 16 : index
        %get3A_1325 = tpu.vector_load %arg11[%get3A_1323, %get3A_1324] {strides = array<i32>} : memref<104x128xf32, #tpu.memory_space<vmem>>, vector<16xf32>,
        %mul3A_1326 = arith.mulf %get3A_1325, %get3A_73 : vector<16xf32>
        %add3A_1327 = arith.addf %mul3A_1320, %mul3A_1326 : vector<16xf32>
        %mul3A_1328 = arith.constant 2 : i32
        %mul3A_1329 = arith.muli %mul3A_1328, %add3A_1314 : i32
        %get3A_1330 = arith.index_cast %mul3A_1329 : i32 to index
        %get3A_1331 = arith.constant 32 : index
        %get3A_1332 = tpu.vector_load %arg11[%get3A_1330, %get3A_1331] {strides = array<i32>} : memref<104x128xf32, #tpu.memory_space<vmem>>, vector<16xf32>,
        %mul3A_1333 = arith.mulf %get3A_1332, %get3A_78 : vector<16xf32>
        %add3A_1334 = arith.addf %add3A_1327, %mul3A_1333 : vector<16xf32>
        %mul3A_1335 = arith.constant 2 : i32
        %mul3A_1336 = arith.muli %mul3A_1335, %add3A_1314 : i32
        %get3A_1337 = arith.index_cast %mul3A_1336 : i32 to index
        %get3A_1338 = arith.constant 48 : index
        %get3A_1339 = tpu.vector_load %arg11[%get3A_1337, %get3A_1338] {strides = array<i32>} : memref<104x128xf32, #tpu.memory_space<vmem>>, vector<16xf32>,
        %mul3A_1340 = arith.mulf %get3A_1339, %get3A_83 : vector<16xf32>
        %add3A_1341 = arith.addf %add3A_1334, %mul3A_1340 : vector<16xf32>
        %mul3A_1342 = arith.constant 2 : i32
        %mul3A_1343 = arith.muli %mul3A_1342, %add3A_1314 : i32
        %get3A_1344 = arith.index_cast %mul3A_1343 : i32 to index
        %get3A_1345 = arith.constant 64 : index
        %get3A_1346 = tpu.vector_load %arg11[%get3A_1344, %get3A_1345] {strides = array<i32>} : memref<104x128xf32, #tpu.memory_space<vmem>>, vector<16xf32>,
        %mul3A_1347 = arith.mulf %get3A_1346, %get3A_88 : vector<16xf32>
        %add3A_1348 = arith.addf %add3A_1341, %mul3A_1347 : vector<16xf32>
        %mul3A_1349 = arith.constant 2 : i32
        %mul3A_1350 = arith.muli %mul3A_1349, %add3A_1314 : i32
        %get3A_1351 = arith.index_cast %mul3A_1350 : i32 to index
        %get3A_1352 = arith.constant 80 : index
        %get3A_1353 = tpu.vector_load %arg11[%get3A_1351, %get3A_1352] {strides = array<i32>} : memref<104x128xf32, #tpu.memory_space<vmem>>, vector<16xf32>,
        %mul3A_1354 = arith.mulf %get3A_1353, %get3A_93 : vector<16xf32>
        %add3A_1355 = arith.addf %add3A_1348, %mul3A_1354 : vector<16xf32>
        %mul3A_1356 = arith.constant 2 : i32
        %mul3A_1357 = arith.muli %mul3A_1356, %add3A_1314 : i32
        %get3A_1358 = arith.index_cast %mul3A_1357 : i32 to index
        %get3A_1359 = arith.constant 96 : index
        %get3A_1360 = tpu.vector_load %arg11[%get3A_1358, %get3A_1359] {strides = array<i32>} : memref<104x128xf32, #tpu.memory_space<vmem>>, vector<16xf32>,
        %mul3A_1361 = arith.mulf %get3A_1360, %get3A_98 : vector<16xf32>
        %add3A_1362 = arith.addf %add3A_1355, %mul3A_1361 : vector<16xf32>
        %mul3A_1363 = arith.constant 2 : i32
        %mul3A_1364 = arith.muli %mul3A_1363, %add3A_1314 : i32
        %get3A_1365 = arith.index_cast %mul3A_1364 : i32 to index
        %get3A_1366 = arith.constant 112 : index
        %get3A_1367 = tpu.vector_load %arg11[%get3A_1365, %get3A_1366] {strides = array<i32>} : memref<104x128xf32, #tpu.memory_space<vmem>>, vector<16xf32>,
        %mul3A_1368 = arith.mulf %get3A_1367, %get3A_103 : vector<16xf32>
        %add3A_1369 = arith.addf %add3A_1362, %mul3A_1368 : vector<16xf32>
        %mul3A_1370 = arith.constant 2 : i32
        %mul3A_1371 = arith.muli %mul3A_1370, %add3A_1314 : i32
        %add3A_1372 = arith.constant 1 : i32
        %add3A_1373 = arith.addi %mul3A_1371, %add3A_1372 : i32
        %get3A_1374 = arith.index_cast %add3A_1373 : i32 to index
        %get3A_1375 = arith.constant 0 : index
        %get3A_1376 = tpu.vector_load %arg11[%get3A_1374, %get3A_1375] {strides = array<i32>} : memref<104x128xf32, #tpu.memory_space<vmem>>, vector<16xf32>,
        %mul3A_1377 = arith.mulf %get3A_1376, %get3A_110 : vector<16xf32>
        %add3A_1378 = arith.addf %add3A_1369, %mul3A_1377 : vector<16xf32>
        %mul3A_1379 = arith.constant 2 : i32
        %mul3A_1380 = arith.muli %mul3A_1379, %add3A_1314 : i32
        %add3A_1381 = arith.constant 1 : i32
        %add3A_1382 = arith.addi %mul3A_1380, %add3A_1381 : i32
        %get3A_1383 = arith.index_cast %add3A_1382 : i32 to index
        %get3A_1384 = arith.constant 16 : index
        %get3A_1385 = tpu.vector_load %arg11[%get3A_1383, %get3A_1384] {strides = array<i32>} : memref<104x128xf32, #tpu.memory_space<vmem>>, vector<16xf32>,
        %mul3A_1386 = arith.mulf %get3A_1385, %get3A_117 : vector<16xf32>
        %add3A_1387 = arith.addf %add3A_1378, %mul3A_1386 : vector<16xf32>
        %mul3A_1388 = arith.constant 2 : i32
        %mul3A_1389 = arith.muli %mul3A_1388, %add3A_1314 : i32
        %add3A_1390 = arith.constant 1 : i32
        %add3A_1391 = arith.addi %mul3A_1389, %add3A_1390 : i32
        %get3A_1392 = arith.index_cast %add3A_1391 : i32 to index
        %get3A_1393 = arith.constant 32 : index
        %get3A_1394 = tpu.vector_load %arg11[%get3A_1392, %get3A_1393] {strides = array<i32>} : memref<104x128xf32, #tpu.memory_space<vmem>>, vector<16xf32>,
        %mul3A_1395 = arith.mulf %get3A_1394, %get3A_124 : vector<16xf32>
        %add3A_1396 = arith.addf %add3A_1387, %mul3A_1395 : vector<16xf32>
        %mul3A_1397 = arith.constant 2 : i32
        %mul3A_1398 = arith.muli %mul3A_1397, %add3A_1314 : i32
        %add3A_1399 = arith.constant 1 : i32
        %add3A_1400 = arith.addi %mul3A_1398, %add3A_1399 : i32
        %get3A_1401 = arith.index_cast %add3A_1400 : i32 to index
        %get3A_1402 = arith.constant 48 : index
        %get3A_1403 = tpu.vector_load %arg11[%get3A_1401, %get3A_1402] {strides = array<i32>} : memref<104x128xf32, #tpu.memory_space<vmem>>, vector<16xf32>,
        %mul3A_1404 = arith.mulf %get3A_1403, %get3A_131 : vector<16xf32>
        %add3A_1405 = arith.addf %add3A_1396, %mul3A_1404 : vector<16xf32>
        %mul3A_1406 = arith.constant 16 : i32
        %mul3A_1407 = arith.muli %add3A_1314, %mul3A_1406 : i32
        %swap3A_1408 = arith.index_cast %mul3A_1407 : i32 to index
        %swap3A_1409 = tpu.vector_load %arg13[%swap3A_1408] {strides = array<i32>} : memref<1024xf32, #tpu.memory_space<vmem>>, vector<16xf32>,
        tpu.vector_store %arg13[%swap3A_1408], %add3A_1405 {strides = array<i32>} : memref<1024xf32, #tpu.memory_space<vmem>>, vector<16xf32>,
        %mul3A_1410 = arith.constant 7 : i32
        %mul3A_1411 = arith.muli %scan3A_1111, %mul3A_1410 : i32
        %add3A_1412 = arith.constant 3 : i32
        %add3A_1413 = arith.addi %mul3A_1411, %add3A_1412 : i32
        %mul3A_1414 = arith.constant 2 : i32
        %mul3A_1415 = arith.muli %mul3A_1414, %add3A_1413 : i32
        %get3A_1416 = arith.index_cast %mul3A_1415 : i32 to index
        %get3A_1417 = arith.constant 0 : index
        %get3A_1418 = tpu.vector_load %arg11[%get3A_1416, %get3A_1417] {strides = array<i32>} : memref<104x128xf32, #tpu.memory_space<vmem>>, vector<16xf32>,
        %mul3A_1419 = arith.mulf %get3A_1418, %get3A_68 : vector<16xf32>
        %mul3A_1420 = arith.constant 2 : i32
        %mul3A_1421 = arith.muli %mul3A_1420, %add3A_1413 : i32
        %get3A_1422 = arith.index_cast %mul3A_1421 : i32 to index
        %get3A_1423 = arith.constant 16 : index
        %get3A_1424 = tpu.vector_load %arg11[%get3A_1422, %get3A_1423] {strides = array<i32>} : memref<104x128xf32, #tpu.memory_space<vmem>>, vector<16xf32>,
        %mul3A_1425 = arith.mulf %get3A_1424, %get3A_73 : vector<16xf32>
        %add3A_1426 = arith.addf %mul3A_1419, %mul3A_1425 : vector<16xf32>
        %mul3A_1427 = arith.constant 2 : i32
        %mul3A_1428 = arith.muli %mul3A_1427, %add3A_1413 : i32
        %get3A_1429 = arith.index_cast %mul3A_1428 : i32 to index
        %get3A_1430 = arith.constant 32 : index
        %get3A_1431 = tpu.vector_load %arg11[%get3A_1429, %get3A_1430] {strides = array<i32>} : memref<104x128xf32, #tpu.memory_space<vmem>>, vector<16xf32>,
        %mul3A_1432 = arith.mulf %get3A_1431, %get3A_78 : vector<16xf32>
        %add3A_1433 = arith.addf %add3A_1426, %mul3A_1432 : vector<16xf32>
        %mul3A_1434 = arith.constant 2 : i32
        %mul3A_1435 = arith.muli %mul3A_1434, %add3A_1413 : i32
        %get3A_1436 = arith.index_cast %mul3A_1435 : i32 to index
        %get3A_1437 = arith.constant 48 : index
        %get3A_1438 = tpu.vector_load %arg11[%get3A_1436, %get3A_1437] {strides = array<i32>} : memref<104x128xf32, #tpu.memory_space<vmem>>, vector<16xf32>,
        %mul3A_1439 = arith.mulf %get3A_1438, %get3A_83 : vector<16xf32>
        %add3A_1440 = arith.addf %add3A_1433, %mul3A_1439 : vector<16xf32>
        %mul3A_1441 = arith.constant 2 : i32
        %mul3A_1442 = arith.muli %mul3A_1441, %add3A_1413 : i32
        %get3A_1443 = arith.index_cast %mul3A_1442 : i32 to index
        %get3A_1444 = arith.constant 64 : index
        %get3A_1445 = tpu.vector_load %arg11[%get3A_1443, %get3A_1444] {strides = array<i32>} : memref<104x128xf32, #tpu.memory_space<vmem>>, vector<16xf32>,
        %mul3A_1446 = arith.mulf %get3A_1445, %get3A_88 : vector<16xf32>
        %add3A_1447 = arith.addf %add3A_1440, %mul3A_1446 : vector<16xf32>
        %mul3A_1448 = arith.constant 2 : i32
        %mul3A_1449 = arith.muli %mul3A_1448, %add3A_1413 : i32
        %get3A_1450 = arith.index_cast %mul3A_1449 : i32 to index
        %get3A_1451 = arith.constant 80 : index
        %get3A_1452 = tpu.vector_load %arg11[%get3A_1450, %get3A_1451] {strides = array<i32>} : memref<104x128xf32, #tpu.memory_space<vmem>>, vector<16xf32>,
        %mul3A_1453 = arith.mulf %get3A_1452, %get3A_93 : vector<16xf32>
        %add3A_1454 = arith.addf %add3A_1447, %mul3A_1453 : vector<16xf32>
        %mul3A_1455 = arith.constant 2 : i32
        %mul3A_1456 = arith.muli %mul3A_1455, %add3A_1413 : i32
        %get3A_1457 = arith.index_cast %mul3A_1456 : i32 to index
        %get3A_1458 = arith.constant 96 : index
        %get3A_1459 = tpu.vector_load %arg11[%get3A_1457, %get3A_1458] {strides = array<i32>} : memref<104x128xf32, #tpu.memory_space<vmem>>, vector<16xf32>,
        %mul3A_1460 = arith.mulf %get3A_1459, %get3A_98 : vector<16xf32>
        %add3A_1461 = arith.addf %add3A_1454, %mul3A_1460 : vector<16xf32>
        %mul3A_1462 = arith.constant 2 : i32
        %mul3A_1463 = arith.muli %mul3A_1462, %add3A_1413 : i32
        %get3A_1464 = arith.index_cast %mul3A_1463 : i32 to index
        %get3A_1465 = arith.constant 112 : index
        %get3A_1466 = tpu.vector_load %arg11[%get3A_1464, %get3A_1465] {strides = array<i32>} : memref<104x128xf32, #tpu.memory_space<vmem>>, vector<16xf32>,
        %mul3A_1467 = arith.mulf %get3A_1466, %get3A_103 : vector<16xf32>
        %add3A_1468 = arith.addf %add3A_1461, %mul3A_1467 : vector<16xf32>
        %mul3A_1469 = arith.constant 2 : i32
        %mul3A_1470 = arith.muli %mul3A_1469, %add3A_1413 : i32
        %add3A_1471 = arith.constant 1 : i32
        %add3A_1472 = arith.addi %mul3A_1470, %add3A_1471 : i32
        %get3A_1473 = arith.index_cast %add3A_1472 : i32 to index
        %get3A_1474 = arith.constant 0 : index
        %get3A_1475 = tpu.vector_load %arg11[%get3A_1473, %get3A_1474] {strides = array<i32>} : memref<104x128xf32, #tpu.memory_space<vmem>>, vector<16xf32>,
        %mul3A_1476 = arith.mulf %get3A_1475, %get3A_110 : vector<16xf32>
        %add3A_1477 = arith.addf %add3A_1468, %mul3A_1476 : vector<16xf32>
        %mul3A_1478 = arith.constant 2 : i32
        %mul3A_1479 = arith.muli %mul3A_1478, %add3A_1413 : i32
        %add3A_1480 = arith.constant 1 : i32
        %add3A_1481 = arith.addi %mul3A_1479, %add3A_1480 : i32
        %get3A_1482 = arith.index_cast %add3A_1481 : i32 to index
        %get3A_1483 = arith.constant 16 : index
        %get3A_1484 = tpu.vector_load %arg11[%get3A_1482, %get3A_1483] {strides = array<i32>} : memref<104x128xf32, #tpu.memory_space<vmem>>, vector<16xf32>,
        %mul3A_1485 = arith.mulf %get3A_1484, %get3A_117 : vector<16xf32>
        %add3A_1486 = arith.addf %add3A_1477, %mul3A_1485 : vector<16xf32>
        %mul3A_1487 = arith.constant 2 : i32
        %mul3A_1488 = arith.muli %mul3A_1487, %add3A_1413 : i32
        %add3A_1489 = arith.constant 1 : i32
        %add3A_1490 = arith.addi %mul3A_1488, %add3A_1489 : i32
        %get3A_1491 = arith.index_cast %add3A_1490 : i32 to index
        %get3A_1492 = arith.constant 32 : index
        %get3A_1493 = tpu.vector_load %arg11[%get3A_1491, %get3A_1492] {strides = array<i32>} : memref<104x128xf32, #tpu.memory_space<vmem>>, vector<16xf32>,
        %mul3A_1494 = arith.mulf %get3A_1493, %get3A_124 : vector<16xf32>
        %add3A_1495 = arith.addf %add3A_1486, %mul3A_1494 : vector<16xf32>
        %mul3A_1496 = arith.constant 2 : i32
        %mul3A_1497 = arith.muli %mul3A_1496, %add3A_1413 : i32
        %add3A_1498 = arith.constant 1 : i32
        %add3A_1499 = arith.addi %mul3A_1497, %add3A_1498 : i32
        %get3A_1500 = arith.index_cast %add3A_1499 : i32 to index
        %get3A_1501 = arith.constant 48 : index
        %get3A_1502 = tpu.vector_load %arg11[%get3A_1500, %get3A_1501] {strides = array<i32>} : memref<104x128xf32, #tpu.memory_space<vmem>>, vector<16xf32>,
        %mul3A_1503 = arith.mulf %get3A_1502, %get3A_131 : vector<16xf32>
        %add3A_1504 = arith.addf %add3A_1495, %mul3A_1503 : vector<16xf32>
        %mul3A_1505 = arith.constant 16 : i32
        %mul3A_1506 = arith.muli %add3A_1413, %mul3A_1505 : i32
        %swap3A_1507 = arith.index_cast %mul3A_1506 : i32 to index
        %swap3A_1508 = tpu.vector_load %arg13[%swap3A_1507] {strides = array<i32>} : memref<1024xf32, #tpu.memory_space<vmem>>, vector<16xf32>,
        tpu.vector_store %arg13[%swap3A_1507], %add3A_1504 {strides = array<i32>} : memref<1024xf32, #tpu.memory_space<vmem>>, vector<16xf32>,
        %mul3A_1509 = arith.constant 7 : i32
        %mul3A_1510 = arith.muli %scan3A_1111, %mul3A_1509 : i32
        %add3A_1511 = arith.constant 4 : i32
        %add3A_1512 = arith.addi %mul3A_1510, %add3A_1511 : i32
        %mul3A_1513 = arith.constant 2 : i32
        %mul3A_1514 = arith.muli %mul3A_1513, %add3A_1512 : i32
        %get3A_1515 = arith.index_cast %mul3A_1514 : i32 to index
        %get3A_1516 = arith.constant 0 : index
        %get3A_1517 = tpu.vector_load %arg11[%get3A_1515, %get3A_1516] {strides = array<i32>} : memref<104x128xf32, #tpu.memory_space<vmem>>, vector<16xf32>,
        %mul3A_1518 = arith.mulf %get3A_1517, %get3A_68 : vector<16xf32>
        %mul3A_1519 = arith.constant 2 : i32
        %mul3A_1520 = arith.muli %mul3A_1519, %add3A_1512 : i32
        %get3A_1521 = arith.index_cast %mul3A_1520 : i32 to index
        %get3A_1522 = arith.constant 16 : index
        %get3A_1523 = tpu.vector_load %arg11[%get3A_1521, %get3A_1522] {strides = array<i32>} : memref<104x128xf32, #tpu.memory_space<vmem>>, vector<16xf32>,
        %mul3A_1524 = arith.mulf %get3A_1523, %get3A_73 : vector<16xf32>
        %add3A_1525 = arith.addf %mul3A_1518, %mul3A_1524 : vector<16xf32>
        %mul3A_1526 = arith.constant 2 : i32
        %mul3A_1527 = arith.muli %mul3A_1526, %add3A_1512 : i32
        %get3A_1528 = arith.index_cast %mul3A_1527 : i32 to index
        %get3A_1529 = arith.constant 32 : index
        %get3A_1530 = tpu.vector_load %arg11[%get3A_1528, %get3A_1529] {strides = array<i32>} : memref<104x128xf32, #tpu.memory_space<vmem>>, vector<16xf32>,
        %mul3A_1531 = arith.mulf %get3A_1530, %get3A_78 : vector<16xf32>
        %add3A_1532 = arith.addf %add3A_1525, %mul3A_1531 : vector<16xf32>
        %mul3A_1533 = arith.constant 2 : i32
        %mul3A_1534 = arith.muli %mul3A_1533, %add3A_1512 : i32
        %get3A_1535 = arith.index_cast %mul3A_1534 : i32 to index
        %get3A_1536 = arith.constant 48 : index
        %get3A_1537 = tpu.vector_load %arg11[%get3A_1535, %get3A_1536] {strides = array<i32>} : memref<104x128xf32, #tpu.memory_space<vmem>>, vector<16xf32>,
        %mul3A_1538 = arith.mulf %get3A_1537, %get3A_83 : vector<16xf32>
        %add3A_1539 = arith.addf %add3A_1532, %mul3A_1538 : vector<16xf32>
        %mul3A_1540 = arith.constant 2 : i32
        %mul3A_1541 = arith.muli %mul3A_1540, %add3A_1512 : i32
        %get3A_1542 = arith.index_cast %mul3A_1541 : i32 to index
        %get3A_1543 = arith.constant 64 : index
        %get3A_1544 = tpu.vector_load %arg11[%get3A_1542, %get3A_1543] {strides = array<i32>} : memref<104x128xf32, #tpu.memory_space<vmem>>, vector<16xf32>,
        %mul3A_1545 = arith.mulf %get3A_1544, %get3A_88 : vector<16xf32>
        %add3A_1546 = arith.addf %add3A_1539, %mul3A_1545 : vector<16xf32>
        %mul3A_1547 = arith.constant 2 : i32
        %mul3A_1548 = arith.muli %mul3A_1547, %add3A_1512 : i32
        %get3A_1549 = arith.index_cast %mul3A_1548 : i32 to index
        %get3A_1550 = arith.constant 80 : index
        %get3A_1551 = tpu.vector_load %arg11[%get3A_1549, %get3A_1550] {strides = array<i32>} : memref<104x128xf32, #tpu.memory_space<vmem>>, vector<16xf32>,
        %mul3A_1552 = arith.mulf %get3A_1551, %get3A_93 : vector<16xf32>
        %add3A_1553 = arith.addf %add3A_1546, %mul3A_1552 : vector<16xf32>
        %mul3A_1554 = arith.constant 2 : i32
        %mul3A_1555 = arith.muli %mul3A_1554, %add3A_1512 : i32
        %get3A_1556 = arith.index_cast %mul3A_1555 : i32 to index
        %get3A_1557 = arith.constant 96 : index
        %get3A_1558 = tpu.vector_load %arg11[%get3A_1556, %get3A_1557] {strides = array<i32>} : memref<104x128xf32, #tpu.memory_space<vmem>>, vector<16xf32>,
        %mul3A_1559 = arith.mulf %get3A_1558, %get3A_98 : vector<16xf32>
        %add3A_1560 = arith.addf %add3A_1553, %mul3A_1559 : vector<16xf32>
        %mul3A_1561 = arith.constant 2 : i32
        %mul3A_1562 = arith.muli %mul3A_1561, %add3A_1512 : i32
        %get3A_1563 = arith.index_cast %mul3A_1562 : i32 to index
        %get3A_1564 = arith.constant 112 : index
        %get3A_1565 = tpu.vector_load %arg11[%get3A_1563, %get3A_1564] {strides = array<i32>} : memref<104x128xf32, #tpu.memory_space<vmem>>, vector<16xf32>,
        %mul3A_1566 = arith.mulf %get3A_1565, %get3A_103 : vector<16xf32>
        %add3A_1567 = arith.addf %add3A_1560, %mul3A_1566 : vector<16xf32>
        %mul3A_1568 = arith.constant 2 : i32
        %mul3A_1569 = arith.muli %mul3A_1568, %add3A_1512 : i32
        %add3A_1570 = arith.constant 1 : i32
        %add3A_1571 = arith.addi %mul3A_1569, %add3A_1570 : i32
        %get3A_1572 = arith.index_cast %add3A_1571 : i32 to index
        %get3A_1573 = arith.constant 0 : index
        %get3A_1574 = tpu.vector_load %arg11[%get3A_1572, %get3A_1573] {strides = array<i32>} : memref<104x128xf32, #tpu.memory_space<vmem>>, vector<16xf32>,
        %mul3A_1575 = arith.mulf %get3A_1574, %get3A_110 : vector<16xf32>
        %add3A_1576 = arith.addf %add3A_1567, %mul3A_1575 : vector<16xf32>
        %mul3A_1577 = arith.constant 2 : i32
        %mul3A_1578 = arith.muli %mul3A_1577, %add3A_1512 : i32
        %add3A_1579 = arith.constant 1 : i32
        %add3A_1580 = arith.addi %mul3A_1578, %add3A_1579 : i32
        %get3A_1581 = arith.index_cast %add3A_1580 : i32 to index
        %get3A_1582 = arith.constant 16 : index
        %get3A_1583 = tpu.vector_load %arg11[%get3A_1581, %get3A_1582] {strides = array<i32>} : memref<104x128xf32, #tpu.memory_space<vmem>>, vector<16xf32>,
        %mul3A_1584 = arith.mulf %get3A_1583, %get3A_117 : vector<16xf32>
        %add3A_1585 = arith.addf %add3A_1576, %mul3A_1584 : vector<16xf32>
        %mul3A_1586 = arith.constant 2 : i32
        %mul3A_1587 = arith.muli %mul3A_1586, %add3A_1512 : i32
        %add3A_1588 = arith.constant 1 : i32
        %add3A_1589 = arith.addi %mul3A_1587, %add3A_1588 : i32
        %get3A_1590 = arith.index_cast %add3A_1589 : i32 to index
        %get3A_1591 = arith.constant 32 : index
        %get3A_1592 = tpu.vector_load %arg11[%get3A_1590, %get3A_1591] {strides = array<i32>} : memref<104x128xf32, #tpu.memory_space<vmem>>, vector<16xf32>,
        %mul3A_1593 = arith.mulf %get3A_1592, %get3A_124 : vector<16xf32>
        %add3A_1594 = arith.addf %add3A_1585, %mul3A_1593 : vector<16xf32>
        %mul3A_1595 = arith.constant 2 : i32
        %mul3A_1596 = arith.muli %mul3A_1595, %add3A_1512 : i32
        %add3A_1597 = arith.constant 1 : i32
        %add3A_1598 = arith.addi %mul3A_1596, %add3A_1597 : i32
        %get3A_1599 = arith.index_cast %add3A_1598 : i32 to index
        %get3A_1600 = arith.constant 48 : index
        %get3A_1601 = tpu.vector_load %arg11[%get3A_1599, %get3A_1600] {strides = array<i32>} : memref<104x128xf32, #tpu.memory_space<vmem>>, vector<16xf32>,
        %mul3A_1602 = arith.mulf %get3A_1601, %get3A_131 : vector<16xf32>
        %add3A_1603 = arith.addf %add3A_1594, %mul3A_1602 : vector<16xf32>
        %mul3A_1604 = arith.constant 16 : i32
        %mul3A_1605 = arith.muli %add3A_1512, %mul3A_1604 : i32
        %swap3A_1606 = arith.index_cast %mul3A_1605 : i32 to index
        %swap3A_1607 = tpu.vector_load %arg13[%swap3A_1606] {strides = array<i32>} : memref<1024xf32, #tpu.memory_space<vmem>>, vector<16xf32>,
        tpu.vector_store %arg13[%swap3A_1606], %add3A_1603 {strides = array<i32>} : memref<1024xf32, #tpu.memory_space<vmem>>, vector<16xf32>,
        %mul3A_1608 = arith.constant 7 : i32
        %mul3A_1609 = arith.muli %scan3A_1111, %mul3A_1608 : i32
        %add3A_1610 = arith.constant 5 : i32
        %add3A_1611 = arith.addi %mul3A_1609, %add3A_1610 : i32
        %mul3A_1612 = arith.constant 2 : i32
        %mul3A_1613 = arith.muli %mul3A_1612, %add3A_1611 : i32
        %get3A_1614 = arith.index_cast %mul3A_1613 : i32 to index
        %get3A_1615 = arith.constant 0 : index
        %get3A_1616 = tpu.vector_load %arg11[%get3A_1614, %get3A_1615] {strides = array<i32>} : memref<104x128xf32, #tpu.memory_space<vmem>>, vector<16xf32>,
        %mul3A_1617 = arith.mulf %get3A_1616, %get3A_68 : vector<16xf32>
        %mul3A_1618 = arith.constant 2 : i32
        %mul3A_1619 = arith.muli %mul3A_1618, %add3A_1611 : i32
        %get3A_1620 = arith.index_cast %mul3A_1619 : i32 to index
        %get3A_1621 = arith.constant 16 : index
        %get3A_1622 = tpu.vector_load %arg11[%get3A_1620, %get3A_1621] {strides = array<i32>} : memref<104x128xf32, #tpu.memory_space<vmem>>, vector<16xf32>,
        %mul3A_1623 = arith.mulf %get3A_1622, %get3A_73 : vector<16xf32>
        %add3A_1624 = arith.addf %mul3A_1617, %mul3A_1623 : vector<16xf32>
        %mul3A_1625 = arith.constant 2 : i32
        %mul3A_1626 = arith.muli %mul3A_1625, %add3A_1611 : i32
        %get3A_1627 = arith.index_cast %mul3A_1626 : i32 to index
        %get3A_1628 = arith.constant 32 : index
        %get3A_1629 = tpu.vector_load %arg11[%get3A_1627, %get3A_1628] {strides = array<i32>} : memref<104x128xf32, #tpu.memory_space<vmem>>, vector<16xf32>,
        %mul3A_1630 = arith.mulf %get3A_1629, %get3A_78 : vector<16xf32>
        %add3A_1631 = arith.addf %add3A_1624, %mul3A_1630 : vector<16xf32>
        %mul3A_1632 = arith.constant 2 : i32
        %mul3A_1633 = arith.muli %mul3A_1632, %add3A_1611 : i32
        %get3A_1634 = arith.index_cast %mul3A_1633 : i32 to index
        %get3A_1635 = arith.constant 48 : index
        %get3A_1636 = tpu.vector_load %arg11[%get3A_1634, %get3A_1635] {strides = array<i32>} : memref<104x128xf32, #tpu.memory_space<vmem>>, vector<16xf32>,
        %mul3A_1637 = arith.mulf %get3A_1636, %get3A_83 : vector<16xf32>
        %add3A_1638 = arith.addf %add3A_1631, %mul3A_1637 : vector<16xf32>
        %mul3A_1639 = arith.constant 2 : i32
        %mul3A_1640 = arith.muli %mul3A_1639, %add3A_1611 : i32
        %get3A_1641 = arith.index_cast %mul3A_1640 : i32 to index
        %get3A_1642 = arith.constant 64 : index
        %get3A_1643 = tpu.vector_load %arg11[%get3A_1641, %get3A_1642] {strides = array<i32>} : memref<104x128xf32, #tpu.memory_space<vmem>>, vector<16xf32>,
        %mul3A_1644 = arith.mulf %get3A_1643, %get3A_88 : vector<16xf32>
        %add3A_1645 = arith.addf %add3A_1638, %mul3A_1644 : vector<16xf32>
        %mul3A_1646 = arith.constant 2 : i32
        %mul3A_1647 = arith.muli %mul3A_1646, %add3A_1611 : i32
        %get3A_1648 = arith.index_cast %mul3A_1647 : i32 to index
        %get3A_1649 = arith.constant 80 : index
        %get3A_1650 = tpu.vector_load %arg11[%get3A_1648, %get3A_1649] {strides = array<i32>} : memref<104x128xf32, #tpu.memory_space<vmem>>, vector<16xf32>,
        %mul3A_1651 = arith.mulf %get3A_1650, %get3A_93 : vector<16xf32>
        %add3A_1652 = arith.addf %add3A_1645, %mul3A_1651 : vector<16xf32>
        %mul3A_1653 = arith.constant 2 : i32
        %mul3A_1654 = arith.muli %mul3A_1653, %add3A_1611 : i32
        %get3A_1655 = arith.index_cast %mul3A_1654 : i32 to index
        %get3A_1656 = arith.constant 96 : index
        %get3A_1657 = tpu.vector_load %arg11[%get3A_1655, %get3A_1656] {strides = array<i32>} : memref<104x128xf32, #tpu.memory_space<vmem>>, vector<16xf32>,
        %mul3A_1658 = arith.mulf %get3A_1657, %get3A_98 : vector<16xf32>
        %add3A_1659 = arith.addf %add3A_1652, %mul3A_1658 : vector<16xf32>
        %mul3A_1660 = arith.constant 2 : i32
        %mul3A_1661 = arith.muli %mul3A_1660, %add3A_1611 : i32
        %get3A_1662 = arith.index_cast %mul3A_1661 : i32 to index
        %get3A_1663 = arith.constant 112 : index
        %get3A_1664 = tpu.vector_load %arg11[%get3A_1662, %get3A_1663] {strides = array<i32>} : memref<104x128xf32, #tpu.memory_space<vmem>>, vector<16xf32>,
        %mul3A_1665 = arith.mulf %get3A_1664, %get3A_103 : vector<16xf32>
        %add3A_1666 = arith.addf %add3A_1659, %mul3A_1665 : vector<16xf32>
        %mul3A_1667 = arith.constant 2 : i32
        %mul3A_1668 = arith.muli %mul3A_1667, %add3A_1611 : i32
        %add3A_1669 = arith.constant 1 : i32
        %add3A_1670 = arith.addi %mul3A_1668, %add3A_1669 : i32
        %get3A_1671 = arith.index_cast %add3A_1670 : i32 to index
        %get3A_1672 = arith.constant 0 : index
        %get3A_1673 = tpu.vector_load %arg11[%get3A_1671, %get3A_1672] {strides = array<i32>} : memref<104x128xf32, #tpu.memory_space<vmem>>, vector<16xf32>,
        %mul3A_1674 = arith.mulf %get3A_1673, %get3A_110 : vector<16xf32>
        %add3A_1675 = arith.addf %add3A_1666, %mul3A_1674 : vector<16xf32>
        %mul3A_1676 = arith.constant 2 : i32
        %mul3A_1677 = arith.muli %mul3A_1676, %add3A_1611 : i32
        %add3A_1678 = arith.constant 1 : i32
        %add3A_1679 = arith.addi %mul3A_1677, %add3A_1678 : i32
        %get3A_1680 = arith.index_cast %add3A_1679 : i32 to index
        %get3A_1681 = arith.constant 16 : index
        %get3A_1682 = tpu.vector_load %arg11[%get3A_1680, %get3A_1681] {strides = array<i32>} : memref<104x128xf32, #tpu.memory_space<vmem>>, vector<16xf32>,
        %mul3A_1683 = arith.mulf %get3A_1682, %get3A_117 : vector<16xf32>
        %add3A_1684 = arith.addf %add3A_1675, %mul3A_1683 : vector<16xf32>
        %mul3A_1685 = arith.constant 2 : i32
        %mul3A_1686 = arith.muli %mul3A_1685, %add3A_1611 : i32
        %add3A_1687 = arith.constant 1 : i32
        %add3A_1688 = arith.addi %mul3A_1686, %add3A_1687 : i32
        %get3A_1689 = arith.index_cast %add3A_1688 : i32 to index
        %get3A_1690 = arith.constant 32 : index
        %get3A_1691 = tpu.vector_load %arg11[%get3A_1689, %get3A_1690] {strides = array<i32>} : memref<104x128xf32, #tpu.memory_space<vmem>>, vector<16xf32>,
        %mul3A_1692 = arith.mulf %get3A_1691, %get3A_124 : vector<16xf32>
        %add3A_1693 = arith.addf %add3A_1684, %mul3A_1692 : vector<16xf32>
        %mul3A_1694 = arith.constant 2 : i32
        %mul3A_1695 = arith.muli %mul3A_1694, %add3A_1611 : i32
        %add3A_1696 = arith.constant 1 : i32
        %add3A_1697 = arith.addi %mul3A_1695, %add3A_1696 : i32
        %get3A_1698 = arith.index_cast %add3A_1697 : i32 to index
        %get3A_1699 = arith.constant 48 : index
        %get3A_1700 = tpu.vector_load %arg11[%get3A_1698, %get3A_1699] {strides = array<i32>} : memref<104x128xf32, #tpu.memory_space<vmem>>, vector<16xf32>,
        %mul3A_1701 = arith.mulf %get3A_1700, %get3A_131 : vector<16xf32>
        %add3A_1702 = arith.addf %add3A_1693, %mul3A_1701 : vector<16xf32>
        %mul3A_1703 = arith.constant 16 : i32
        %mul3A_1704 = arith.muli %add3A_1611, %mul3A_1703 : i32
        %swap3A_1705 = arith.index_cast %mul3A_1704 : i32 to index
        %swap3A_1706 = tpu.vector_load %arg13[%swap3A_1705] {strides = array<i32>} : memref<1024xf32, #tpu.memory_space<vmem>>, vector<16xf32>,
        tpu.vector_store %arg13[%swap3A_1705], %add3A_1702 {strides = array<i32>} : memref<1024xf32, #tpu.memory_space<vmem>>, vector<16xf32>,
        %mul3A_1707 = arith.constant 7 : i32
        %mul3A_1708 = arith.muli %scan3A_1111, %mul3A_1707 : i32
        %add3A_1709 = arith.constant 6 : i32
        %add3A_1710 = arith.addi %mul3A_1708, %add3A_1709 : i32
        %mul3A_1711 = arith.constant 2 : i32
        %mul3A_1712 = arith.muli %mul3A_1711, %add3A_1710 : i32
        %get3A_1713 = arith.index_cast %mul3A_1712 : i32 to index
        %get3A_1714 = arith.constant 0 : index
        %get3A_1715 = tpu.vector_load %arg11[%get3A_1713, %get3A_1714] {strides = array<i32>} : memref<104x128xf32, #tpu.memory_space<vmem>>, vector<16xf32>,
        %mul3A_1716 = arith.mulf %get3A_1715, %get3A_68 : vector<16xf32>
        %mul3A_1717 = arith.constant 2 : i32
        %mul3A_1718 = arith.muli %mul3A_1717, %add3A_1710 : i32
        %get3A_1719 = arith.index_cast %mul3A_1718 : i32 to index
        %get3A_1720 = arith.constant 16 : index
        %get3A_1721 = tpu.vector_load %arg11[%get3A_1719, %get3A_1720] {strides = array<i32>} : memref<104x128xf32, #tpu.memory_space<vmem>>, vector<16xf32>,
        %mul3A_1722 = arith.mulf %get3A_1721, %get3A_73 : vector<16xf32>
        %add3A_1723 = arith.addf %mul3A_1716, %mul3A_1722 : vector<16xf32>
        %mul3A_1724 = arith.constant 2 : i32
        %mul3A_1725 = arith.muli %mul3A_1724, %add3A_1710 : i32
        %get3A_1726 = arith.index_cast %mul3A_1725 : i32 to index
        %get3A_1727 = arith.constant 32 : index
        %get3A_1728 = tpu.vector_load %arg11[%get3A_1726, %get3A_1727] {strides = array<i32>} : memref<104x128xf32, #tpu.memory_space<vmem>>, vector<16xf32>,
        %mul3A_1729 = arith.mulf %get3A_1728, %get3A_78 : vector<16xf32>
        %add3A_1730 = arith.addf %add3A_1723, %mul3A_1729 : vector<16xf32>
        %mul3A_1731 = arith.constant 2 : i32
        %mul3A_1732 = arith.muli %mul3A_1731, %add3A_1710 : i32
        %get3A_1733 = arith.index_cast %mul3A_1732 : i32 to index
        %get3A_1734 = arith.constant 48 : index
        %get3A_1735 = tpu.vector_load %arg11[%get3A_1733, %get3A_1734] {strides = array<i32>} : memref<104x128xf32, #tpu.memory_space<vmem>>, vector<16xf32>,
        %mul3A_1736 = arith.mulf %get3A_1735, %get3A_83 : vector<16xf32>
        %add3A_1737 = arith.addf %add3A_1730, %mul3A_1736 : vector<16xf32>
        %mul3A_1738 = arith.constant 2 : i32
        %mul3A_1739 = arith.muli %mul3A_1738, %add3A_1710 : i32
        %get3A_1740 = arith.index_cast %mul3A_1739 : i32 to index
        %get3A_1741 = arith.constant 64 : index
        %get3A_1742 = tpu.vector_load %arg11[%get3A_1740, %get3A_1741] {strides = array<i32>} : memref<104x128xf32, #tpu.memory_space<vmem>>, vector<16xf32>,
        %mul3A_1743 = arith.mulf %get3A_1742, %get3A_88 : vector<16xf32>
        %add3A_1744 = arith.addf %add3A_1737, %mul3A_1743 : vector<16xf32>
        %mul3A_1745 = arith.constant 2 : i32
        %mul3A_1746 = arith.muli %mul3A_1745, %add3A_1710 : i32
        %get3A_1747 = arith.index_cast %mul3A_1746 : i32 to index
        %get3A_1748 = arith.constant 80 : index
        %get3A_1749 = tpu.vector_load %arg11[%get3A_1747, %get3A_1748] {strides = array<i32>} : memref<104x128xf32, #tpu.memory_space<vmem>>, vector<16xf32>,
        %mul3A_1750 = arith.mulf %get3A_1749, %get3A_93 : vector<16xf32>
        %add3A_1751 = arith.addf %add3A_1744, %mul3A_1750 : vector<16xf32>
        %mul3A_1752 = arith.constant 2 : i32
        %mul3A_1753 = arith.muli %mul3A_1752, %add3A_1710 : i32
        %get3A_1754 = arith.index_cast %mul3A_1753 : i32 to index
        %get3A_1755 = arith.constant 96 : index
        %get3A_1756 = tpu.vector_load %arg11[%get3A_1754, %get3A_1755] {strides = array<i32>} : memref<104x128xf32, #tpu.memory_space<vmem>>, vector<16xf32>,
        %mul3A_1757 = arith.mulf %get3A_1756, %get3A_98 : vector<16xf32>
        %add3A_1758 = arith.addf %add3A_1751, %mul3A_1757 : vector<16xf32>
        %mul3A_1759 = arith.constant 2 : i32
        %mul3A_1760 = arith.muli %mul3A_1759, %add3A_1710 : i32
        %get3A_1761 = arith.index_cast %mul3A_1760 : i32 to index
        %get3A_1762 = arith.constant 112 : index
        %get3A_1763 = tpu.vector_load %arg11[%get3A_1761, %get3A_1762] {strides = array<i32>} : memref<104x128xf32, #tpu.memory_space<vmem>>, vector<16xf32>,
        %mul3A_1764 = arith.mulf %get3A_1763, %get3A_103 : vector<16xf32>
        %add3A_1765 = arith.addf %add3A_1758, %mul3A_1764 : vector<16xf32>
        %mul3A_1766 = arith.constant 2 : i32
        %mul3A_1767 = arith.muli %mul3A_1766, %add3A_1710 : i32
        %add3A_1768 = arith.constant 1 : i32
        %add3A_1769 = arith.addi %mul3A_1767, %add3A_1768 : i32
        %get3A_1770 = arith.index_cast %add3A_1769 : i32 to index
        %get3A_1771 = arith.constant 0 : index
        %get3A_1772 = tpu.vector_load %arg11[%get3A_1770, %get3A_1771] {strides = array<i32>} : memref<104x128xf32, #tpu.memory_space<vmem>>, vector<16xf32>,
        %mul3A_1773 = arith.mulf %get3A_1772, %get3A_110 : vector<16xf32>
        %add3A_1774 = arith.addf %add3A_1765, %mul3A_1773 : vector<16xf32>
        %mul3A_1775 = arith.constant 2 : i32
        %mul3A_1776 = arith.muli %mul3A_1775, %add3A_1710 : i32
        %add3A_1777 = arith.constant 1 : i32
        %add3A_1778 = arith.addi %mul3A_1776, %add3A_1777 : i32
        %get3A_1779 = arith.index_cast %add3A_1778 : i32 to index
        %get3A_1780 = arith.constant 16 : index
        %get3A_1781 = tpu.vector_load %arg11[%get3A_1779, %get3A_1780] {strides = array<i32>} : memref<104x128xf32, #tpu.memory_space<vmem>>, vector<16xf32>,
        %mul3A_1782 = arith.mulf %get3A_1781, %get3A_117 : vector<16xf32>
        %add3A_1783 = arith.addf %add3A_1774, %mul3A_1782 : vector<16xf32>
        %mul3A_1784 = arith.constant 2 : i32
        %mul3A_1785 = arith.muli %mul3A_1784, %add3A_1710 : i32
        %add3A_1786 = arith.constant 1 : i32
        %add3A_1787 = arith.addi %mul3A_1785, %add3A_1786 : i32
        %get3A_1788 = arith.index_cast %add3A_1787 : i32 to index
        %get3A_1789 = arith.constant 32 : index
        %get3A_1790 = tpu.vector_load %arg11[%get3A_1788, %get3A_1789] {strides = array<i32>} : memref<104x128xf32, #tpu.memory_space<vmem>>, vector<16xf32>,
        %mul3A_1791 = arith.mulf %get3A_1790, %get3A_124 : vector<16xf32>
        %add3A_1792 = arith.addf %add3A_1783, %mul3A_1791 : vector<16xf32>
        %mul3A_1793 = arith.constant 2 : i32
        %mul3A_1794 = arith.muli %mul3A_1793, %add3A_1710 : i32
        %add3A_1795 = arith.constant 1 : i32
        %add3A_1796 = arith.addi %mul3A_1794, %add3A_1795 : i32
        %get3A_1797 = arith.index_cast %add3A_1796 : i32 to index
        %get3A_1798 = arith.constant 48 : index
        %get3A_1799 = tpu.vector_load %arg11[%get3A_1797, %get3A_1798] {strides = array<i32>} : memref<104x128xf32, #tpu.memory_space<vmem>>, vector<16xf32>,
        %mul3A_1800 = arith.mulf %get3A_1799, %get3A_131 : vector<16xf32>
        %add3A_1801 = arith.addf %add3A_1792, %mul3A_1800 : vector<16xf32>
        %mul3A_1802 = arith.constant 16 : i32
        %mul3A_1803 = arith.muli %add3A_1710, %mul3A_1802 : i32
        %swap3A_1804 = arith.index_cast %mul3A_1803 : i32 to index
        %swap3A_1805 = tpu.vector_load %arg13[%swap3A_1804] {strides = array<i32>} : memref<1024xf32, #tpu.memory_space<vmem>>, vector<16xf32>,
        tpu.vector_store %arg13[%swap3A_1804], %add3A_1801 {strides = array<i32>} : memref<1024xf32, #tpu.memory_space<vmem>>, vector<16xf32>,
        %scan3A_1806 = arith.constant 0 : i32
        scf.yield %scan3A_1806 : i32
      }
      %scan3A_138 = arith.constant 7 : i32
      %add3A_139 = arith.constant 0 : i32
      %add3A_140 = vector.broadcast %add3A_139 : i32 to vector<16xi32>
      %add3A_141 = arith.addi %add3A_140, %iota3A : vector<16xi32>
      %mul3A_142 = arith.constant 16 : i32
      %mul3A_143 = vector.broadcast %mul3A_142 : i32 to vector<16xi32>
      %mul3A_144 = arith.muli %add3A_141, %mul3A_143 : vector<16xi32>
      %gather3A = tpu.vector_load_idx %arg13[%mul3A_144] : memref<1024xf32, #tpu.memory_space<vmem>>[vector<16xi32>], vector<16xf32>,
      %add3A_145 = arith.constant 1 : i32
      %add3A_146 = vector.broadcast %add3A_145 : i32 to vector<16xi32>
      %add3A_147 = arith.addi %mul3A_144, %add3A_146 : vector<16xi32>
      %gather3A_148 = tpu.vector_load_idx %arg13[%add3A_147] : memref<1024xf32, #tpu.memory_space<vmem>>[vector<16xi32>], vector<16xf32>,
      %add3A_149 = arith.addf %gather3A, %gather3A_148 : vector<16xf32>
      %add3A_150 = arith.constant 2 : i32
      %add3A_151 = vector.broadcast %add3A_150 : i32 to vector<16xi32>
      %add3A_152 = arith.addi %mul3A_144, %add3A_151 : vector<16xi32>
      %gather3A_153 = tpu.vector_load_idx %arg13[%add3A_152] : memref<1024xf32, #tpu.memory_space<vmem>>[vector<16xi32>], vector<16xf32>,
      %add3A_154 = arith.addf %add3A_149, %gather3A_153 : vector<16xf32>
      %add3A_155 = arith.constant 3 : i32
      %add3A_156 = vector.broadcast %add3A_155 : i32 to vector<16xi32>
      %add3A_157 = arith.addi %mul3A_144, %add3A_156 : vector<16xi32>
      %gather3A_158 = tpu.vector_load_idx %arg13[%add3A_157] : memref<1024xf32, #tpu.memory_space<vmem>>[vector<16xi32>], vector<16xf32>,
      %add3A_159 = arith.addf %add3A_154, %gather3A_158 : vector<16xf32>
      %add3A_160 = arith.constant 4 : i32
      %add3A_161 = vector.broadcast %add3A_160 : i32 to vector<16xi32>
      %add3A_162 = arith.addi %mul3A_144, %add3A_161 : vector<16xi32>
      %gather3A_163 = tpu.vector_load_idx %arg13[%add3A_162] : memref<1024xf32, #tpu.memory_space<vmem>>[vector<16xi32>], vector<16xf32>,
      %add3A_164 = arith.addf %add3A_159, %gather3A_163 : vector<16xf32>
      %add3A_165 = arith.constant 5 : i32
      %add3A_166 = vector.broadcast %add3A_165 : i32 to vector<16xi32>
      %add3A_167 = arith.addi %mul3A_144, %add3A_166 : vector<16xi32>
      %gather3A_168 = tpu.vector_load_idx %arg13[%add3A_167] : memref<1024xf32, #tpu.memory_space<vmem>>[vector<16xi32>], vector<16xf32>,
      %add3A_169 = arith.addf %add3A_164, %gather3A_168 : vector<16xf32>
      %add3A_170 = arith.constant 6 : i32
      %add3A_171 = vector.broadcast %add3A_170 : i32 to vector<16xi32>
      %add3A_172 = arith.addi %mul3A_144, %add3A_171 : vector<16xi32>
      %gather3A_173 = tpu.vector_load_idx %arg13[%add3A_172] : memref<1024xf32, #tpu.memory_space<vmem>>[vector<16xi32>], vector<16xf32>,
      %add3A_174 = arith.addf %add3A_169, %gather3A_173 : vector<16xf32>
      %add3A_175 = arith.constant 7 : i32
      %add3A_176 = vector.broadcast %add3A_175 : i32 to vector<16xi32>
      %add3A_177 = arith.addi %mul3A_144, %add3A_176 : vector<16xi32>
      %gather3A_178 = tpu.vector_load_idx %arg13[%add3A_177] : memref<1024xf32, #tpu.memory_space<vmem>>[vector<16xi32>], vector<16xf32>,
      %add3A_179 = arith.addf %add3A_174, %gather3A_178 : vector<16xf32>
      %add3A_180 = arith.constant 8 : i32
      %add3A_181 = vector.broadcast %add3A_180 : i32 to vector<16xi32>
      %add3A_182 = arith.addi %mul3A_144, %add3A_181 : vector<16xi32>
      %gather3A_183 = tpu.vector_load_idx %arg13[%add3A_182] : memref<1024xf32, #tpu.memory_space<vmem>>[vector<16xi32>], vector<16xf32>,
      %add3A_184 = arith.addf %add3A_179, %gather3A_183 : vector<16xf32>
      %add3A_185 = arith.constant 9 : i32
      %add3A_186 = vector.broadcast %add3A_185 : i32 to vector<16xi32>
      %add3A_187 = arith.addi %mul3A_144, %add3A_186 : vector<16xi32>
      %gather3A_188 = tpu.vector_load_idx %arg13[%add3A_187] : memref<1024xf32, #tpu.memory_space<vmem>>[vector<16xi32>], vector<16xf32>,
      %add3A_189 = arith.addf %add3A_184, %gather3A_188 : vector<16xf32>
      %add3A_190 = arith.constant 10 : i32
      %add3A_191 = vector.broadcast %add3A_190 : i32 to vector<16xi32>
      %add3A_192 = arith.addi %mul3A_144, %add3A_191 : vector<16xi32>
      %gather3A_193 = tpu.vector_load_idx %arg13[%add3A_192] : memref<1024xf32, #tpu.memory_space<vmem>>[vector<16xi32>], vector<16xf32>,
      %add3A_194 = arith.addf %add3A_189, %gather3A_193 : vector<16xf32>
      %add3A_195 = arith.constant 11 : i32
      %add3A_196 = vector.broadcast %add3A_195 : i32 to vector<16xi32>
      %add3A_197 = arith.addi %mul3A_144, %add3A_196 : vector<16xi32>
      %gather3A_198 = tpu.vector_load_idx %arg13[%add3A_197] : memref<1024xf32, #tpu.memory_space<vmem>>[vector<16xi32>], vector<16xf32>,
      %add3A_199 = arith.addf %add3A_194, %gather3A_198 : vector<16xf32>
      %add3A_200 = arith.constant 12 : i32
      %add3A_201 = vector.broadcast %add3A_200 : i32 to vector<16xi32>
      %add3A_202 = arith.addi %mul3A_144, %add3A_201 : vector<16xi32>
      %gather3A_203 = tpu.vector_load_idx %arg13[%add3A_202] : memref<1024xf32, #tpu.memory_space<vmem>>[vector<16xi32>], vector<16xf32>,
      %add3A_204 = arith.addf %add3A_199, %gather3A_203 : vector<16xf32>
      %add3A_205 = arith.constant 13 : i32
      %add3A_206 = vector.broadcast %add3A_205 : i32 to vector<16xi32>
      %add3A_207 = arith.addi %mul3A_144, %add3A_206 : vector<16xi32>
      %gather3A_208 = tpu.vector_load_idx %arg13[%add3A_207] : memref<1024xf32, #tpu.memory_space<vmem>>[vector<16xi32>], vector<16xf32>,
      %add3A_209 = arith.addf %add3A_204, %gather3A_208 : vector<16xf32>
      %add3A_210 = arith.constant 14 : i32
      %add3A_211 = vector.broadcast %add3A_210 : i32 to vector<16xi32>
      %add3A_212 = arith.addi %mul3A_144, %add3A_211 : vector<16xi32>
      %gather3A_213 = tpu.vector_load_idx %arg13[%add3A_212] : memref<1024xf32, #tpu.memory_space<vmem>>[vector<16xi32>], vector<16xf32>,
      %add3A_214 = arith.addf %add3A_209, %gather3A_213 : vector<16xf32>
      %add3A_215 = arith.constant 15 : i32
      %add3A_216 = vector.broadcast %add3A_215 : i32 to vector<16xi32>
      %add3A_217 = arith.addi %mul3A_144, %add3A_216 : vector<16xi32>
      %gather3A_218 = tpu.vector_load_idx %arg13[%add3A_217] : memref<1024xf32, #tpu.memory_space<vmem>>[vector<16xi32>], vector<16xf32>,
      %add3A_219 = arith.addf %add3A_214, %gather3A_218 : vector<16xf32>
      %get3A_220 = arith.index_cast %add3A_59 : i32 to index
      %get3A_221 = arith.constant 0 : index
      %get3A_222 = tpu.vector_load %arg8[%get3A_220, %get3A_221] {strides = array<i32>} : memref<64x128xf32, #tpu.memory_space<vmem>>, vector<16xf32>,
      %add3A_223 = arith.addf %add3A_219, %get3A_222 : vector<16xf32>
      %add3A_224 = arith.constant 16 : i32
      %add3A_225 = vector.broadcast %add3A_224 : i32 to vector<16xi32>
      %add3A_226 = arith.addi %add3A_225, %iota3A : vector<16xi32>
      %mul3A_227 = arith.constant 16 : i32
      %mul3A_228 = vector.broadcast %mul3A_227 : i32 to vector<16xi32>
      %mul3A_229 = arith.muli %add3A_226, %mul3A_228 : vector<16xi32>
      %gather3A_230 = tpu.vector_load_idx %arg13[%mul3A_229] : memref<1024xf32, #tpu.memory_space<vmem>>[vector<16xi32>], vector<16xf32>,
      %add3A_231 = arith.constant 1 : i32
      %add3A_232 = vector.broadcast %add3A_231 : i32 to vector<16xi32>
      %add3A_233 = arith.addi %mul3A_229, %add3A_232 : vector<16xi32>
      %gather3A_234 = tpu.vector_load_idx %arg13[%add3A_233] : memref<1024xf32, #tpu.memory_space<vmem>>[vector<16xi32>], vector<16xf32>,
      %add3A_235 = arith.addf %gather3A_230, %gather3A_234 : vector<16xf32>
      %add3A_236 = arith.constant 2 : i32
      %add3A_237 = vector.broadcast %add3A_236 : i32 to vector<16xi32>
      %add3A_238 = arith.addi %mul3A_229, %add3A_237 : vector<16xi32>
      %gather3A_239 = tpu.vector_load_idx %arg13[%add3A_238] : memref<1024xf32, #tpu.memory_space<vmem>>[vector<16xi32>], vector<16xf32>,
      %add3A_240 = arith.addf %add3A_235, %gather3A_239 : vector<16xf32>
      %add3A_241 = arith.constant 3 : i32
      %add3A_242 = vector.broadcast %add3A_241 : i32 to vector<16xi32>
      %add3A_243 = arith.addi %mul3A_229, %add3A_242 : vector<16xi32>
      %gather3A_244 = tpu.vector_load_idx %arg13[%add3A_243] : memref<1024xf32, #tpu.memory_space<vmem>>[vector<16xi32>], vector<16xf32>,
      %add3A_245 = arith.addf %add3A_240, %gather3A_244 : vector<16xf32>
      %add3A_246 = arith.constant 4 : i32
      %add3A_247 = vector.broadcast %add3A_246 : i32 to vector<16xi32>
      %add3A_248 = arith.addi %mul3A_229, %add3A_247 : vector<16xi32>
      %gather3A_249 = tpu.vector_load_idx %arg13[%add3A_248] : memref<1024xf32, #tpu.memory_space<vmem>>[vector<16xi32>], vector<16xf32>,
      %add3A_250 = arith.addf %add3A_245, %gather3A_249 : vector<16xf32>
      %add3A_251 = arith.constant 5 : i32
      %add3A_252 = vector.broadcast %add3A_251 : i32 to vector<16xi32>
      %add3A_253 = arith.addi %mul3A_229, %add3A_252 : vector<16xi32>
      %gather3A_254 = tpu.vector_load_idx %arg13[%add3A_253] : memref<1024xf32, #tpu.memory_space<vmem>>[vector<16xi32>], vector<16xf32>,
      %add3A_255 = arith.addf %add3A_250, %gather3A_254 : vector<16xf32>
      %add3A_256 = arith.constant 6 : i32
      %add3A_257 = vector.broadcast %add3A_256 : i32 to vector<16xi32>
      %add3A_258 = arith.addi %mul3A_229, %add3A_257 : vector<16xi32>
      %gather3A_259 = tpu.vector_load_idx %arg13[%add3A_258] : memref<1024xf32, #tpu.memory_space<vmem>>[vector<16xi32>], vector<16xf32>,
      %add3A_260 = arith.addf %add3A_255, %gather3A_259 : vector<16xf32>
      %add3A_261 = arith.constant 7 : i32
      %add3A_262 = vector.broadcast %add3A_261 : i32 to vector<16xi32>
      %add3A_263 = arith.addi %mul3A_229, %add3A_262 : vector<16xi32>
      %gather3A_264 = tpu.vector_load_idx %arg13[%add3A_263] : memref<1024xf32, #tpu.memory_space<vmem>>[vector<16xi32>], vector<16xf32>,
      %add3A_265 = arith.addf %add3A_260, %gather3A_264 : vector<16xf32>
      %add3A_266 = arith.constant 8 : i32
      %add3A_267 = vector.broadcast %add3A_266 : i32 to vector<16xi32>
      %add3A_268 = arith.addi %mul3A_229, %add3A_267 : vector<16xi32>
      %gather3A_269 = tpu.vector_load_idx %arg13[%add3A_268] : memref<1024xf32, #tpu.memory_space<vmem>>[vector<16xi32>], vector<16xf32>,
      %add3A_270 = arith.addf %add3A_265, %gather3A_269 : vector<16xf32>
      %add3A_271 = arith.constant 9 : i32
      %add3A_272 = vector.broadcast %add3A_271 : i32 to vector<16xi32>
      %add3A_273 = arith.addi %mul3A_229, %add3A_272 : vector<16xi32>
      %gather3A_274 = tpu.vector_load_idx %arg13[%add3A_273] : memref<1024xf32, #tpu.memory_space<vmem>>[vector<16xi32>], vector<16xf32>,
      %add3A_275 = arith.addf %add3A_270, %gather3A_274 : vector<16xf32>
      %add3A_276 = arith.constant 10 : i32
      %add3A_277 = vector.broadcast %add3A_276 : i32 to vector<16xi32>
      %add3A_278 = arith.addi %mul3A_229, %add3A_277 : vector<16xi32>
      %gather3A_279 = tpu.vector_load_idx %arg13[%add3A_278] : memref<1024xf32, #tpu.memory_space<vmem>>[vector<16xi32>], vector<16xf32>,
      %add3A_280 = arith.addf %add3A_275, %gather3A_279 : vector<16xf32>
      %add3A_281 = arith.constant 11 : i32
      %add3A_282 = vector.broadcast %add3A_281 : i32 to vector<16xi32>
      %add3A_283 = arith.addi %mul3A_229, %add3A_282 : vector<16xi32>
      %gather3A_284 = tpu.vector_load_idx %arg13[%add3A_283] : memref<1024xf32, #tpu.memory_space<vmem>>[vector<16xi32>], vector<16xf32>,
      %add3A_285 = arith.addf %add3A_280, %gather3A_284 : vector<16xf32>
      %add3A_286 = arith.constant 12 : i32
      %add3A_287 = vector.broadcast %add3A_286 : i32 to vector<16xi32>
      %add3A_288 = arith.addi %mul3A_229, %add3A_287 : vector<16xi32>
      %gather3A_289 = tpu.vector_load_idx %arg13[%add3A_288] : memref<1024xf32, #tpu.memory_space<vmem>>[vector<16xi32>], vector<16xf32>,
      %add3A_290 = arith.addf %add3A_285, %gather3A_289 : vector<16xf32>
      %add3A_291 = arith.constant 13 : i32
      %add3A_292 = vector.broadcast %add3A_291 : i32 to vector<16xi32>
      %add3A_293 = arith.addi %mul3A_229, %add3A_292 : vector<16xi32>
      %gather3A_294 = tpu.vector_load_idx %arg13[%add3A_293] : memref<1024xf32, #tpu.memory_space<vmem>>[vector<16xi32>], vector<16xf32>,
      %add3A_295 = arith.addf %add3A_290, %gather3A_294 : vector<16xf32>
      %add3A_296 = arith.constant 14 : i32
      %add3A_297 = vector.broadcast %add3A_296 : i32 to vector<16xi32>
      %add3A_298 = arith.addi %mul3A_229, %add3A_297 : vector<16xi32>
      %gather3A_299 = tpu.vector_load_idx %arg13[%add3A_298] : memref<1024xf32, #tpu.memory_space<vmem>>[vector<16xi32>], vector<16xf32>,
      %add3A_300 = arith.addf %add3A_295, %gather3A_299 : vector<16xf32>
      %add3A_301 = arith.constant 15 : i32
      %add3A_302 = vector.broadcast %add3A_301 : i32 to vector<16xi32>
      %add3A_303 = arith.addi %mul3A_229, %add3A_302 : vector<16xi32>
      %gather3A_304 = tpu.vector_load_idx %arg13[%add3A_303] : memref<1024xf32, #tpu.memory_space<vmem>>[vector<16xi32>], vector<16xf32>,
      %add3A_305 = arith.addf %add3A_300, %gather3A_304 : vector<16xf32>
      %get3A_306 = arith.index_cast %add3A_59 : i32 to index
      %get3A_307 = arith.constant 16 : index
      %get3A_308 = tpu.vector_load %arg8[%get3A_306, %get3A_307] {strides = array<i32>} : memref<64x128xf32, #tpu.memory_space<vmem>>, vector<16xf32>,
      %add3A_309 = arith.addf %add3A_305, %get3A_308 : vector<16xf32>
      %add3A_310 = arith.constant 32 : i32
      %add3A_311 = vector.broadcast %add3A_310 : i32 to vector<16xi32>
      %add3A_312 = arith.addi %add3A_311, %iota3A : vector<16xi32>
      %mul3A_313 = arith.constant 16 : i32
      %mul3A_314 = vector.broadcast %mul3A_313 : i32 to vector<16xi32>
      %mul3A_315 = arith.muli %add3A_312, %mul3A_314 : vector<16xi32>
      %gather3A_316 = tpu.vector_load_idx %arg13[%mul3A_315] : memref<1024xf32, #tpu.memory_space<vmem>>[vector<16xi32>], vector<16xf32>,
      %add3A_317 = arith.constant 1 : i32
      %add3A_318 = vector.broadcast %add3A_317 : i32 to vector<16xi32>
      %add3A_319 = arith.addi %mul3A_315, %add3A_318 : vector<16xi32>
      %gather3A_320 = tpu.vector_load_idx %arg13[%add3A_319] : memref<1024xf32, #tpu.memory_space<vmem>>[vector<16xi32>], vector<16xf32>,
      %add3A_321 = arith.addf %gather3A_316, %gather3A_320 : vector<16xf32>
      %add3A_322 = arith.constant 2 : i32
      %add3A_323 = vector.broadcast %add3A_322 : i32 to vector<16xi32>
      %add3A_324 = arith.addi %mul3A_315, %add3A_323 : vector<16xi32>
      %gather3A_325 = tpu.vector_load_idx %arg13[%add3A_324] : memref<1024xf32, #tpu.memory_space<vmem>>[vector<16xi32>], vector<16xf32>,
      %add3A_326 = arith.addf %add3A_321, %gather3A_325 : vector<16xf32>
      %add3A_327 = arith.constant 3 : i32
      %add3A_328 = vector.broadcast %add3A_327 : i32 to vector<16xi32>
      %add3A_329 = arith.addi %mul3A_315, %add3A_328 : vector<16xi32>
      %gather3A_330 = tpu.vector_load_idx %arg13[%add3A_329] : memref<1024xf32, #tpu.memory_space<vmem>>[vector<16xi32>], vector<16xf32>,
      %add3A_331 = arith.addf %add3A_326, %gather3A_330 : vector<16xf32>
      %add3A_332 = arith.constant 4 : i32
      %add3A_333 = vector.broadcast %add3A_332 : i32 to vector<16xi32>
      %add3A_334 = arith.addi %mul3A_315, %add3A_333 : vector<16xi32>
      %gather3A_335 = tpu.vector_load_idx %arg13[%add3A_334] : memref<1024xf32, #tpu.memory_space<vmem>>[vector<16xi32>], vector<16xf32>,
      %add3A_336 = arith.addf %add3A_331, %gather3A_335 : vector<16xf32>
      %add3A_337 = arith.constant 5 : i32
      %add3A_338 = vector.broadcast %add3A_337 : i32 to vector<16xi32>
      %add3A_339 = arith.addi %mul3A_315, %add3A_338 : vector<16xi32>
      %gather3A_340 = tpu.vector_load_idx %arg13[%add3A_339] : memref<1024xf32, #tpu.memory_space<vmem>>[vector<16xi32>], vector<16xf32>,
      %add3A_341 = arith.addf %add3A_336, %gather3A_340 : vector<16xf32>
      %add3A_342 = arith.constant 6 : i32
      %add3A_343 = vector.broadcast %add3A_342 : i32 to vector<16xi32>
      %add3A_344 = arith.addi %mul3A_315, %add3A_343 : vector<16xi32>
      %gather3A_345 = tpu.vector_load_idx %arg13[%add3A_344] : memref<1024xf32, #tpu.memory_space<vmem>>[vector<16xi32>], vector<16xf32>,
      %add3A_346 = arith.addf %add3A_341, %gather3A_345 : vector<16xf32>
      %add3A_347 = arith.constant 7 : i32
      %add3A_348 = vector.broadcast %add3A_347 : i32 to vector<16xi32>
      %add3A_349 = arith.addi %mul3A_315, %add3A_348 : vector<16xi32>
      %gather3A_350 = tpu.vector_load_idx %arg13[%add3A_349] : memref<1024xf32, #tpu.memory_space<vmem>>[vector<16xi32>], vector<16xf32>,
      %add3A_351 = arith.addf %add3A_346, %gather3A_350 : vector<16xf32>
      %add3A_352 = arith.constant 8 : i32
      %add3A_353 = vector.broadcast %add3A_352 : i32 to vector<16xi32>
      %add3A_354 = arith.addi %mul3A_315, %add3A_353 : vector<16xi32>
      %gather3A_355 = tpu.vector_load_idx %arg13[%add3A_354] : memref<1024xf32, #tpu.memory_space<vmem>>[vector<16xi32>], vector<16xf32>,
      %add3A_356 = arith.addf %add3A_351, %gather3A_355 : vector<16xf32>
      %add3A_357 = arith.constant 9 : i32
      %add3A_358 = vector.broadcast %add3A_357 : i32 to vector<16xi32>
      %add3A_359 = arith.addi %mul3A_315, %add3A_358 : vector<16xi32>
      %gather3A_360 = tpu.vector_load_idx %arg13[%add3A_359] : memref<1024xf32, #tpu.memory_space<vmem>>[vector<16xi32>], vector<16xf32>,
      %add3A_361 = arith.addf %add3A_356, %gather3A_360 : vector<16xf32>
      %add3A_362 = arith.constant 10 : i32
      %add3A_363 = vector.broadcast %add3A_362 : i32 to vector<16xi32>
      %add3A_364 = arith.addi %mul3A_315, %add3A_363 : vector<16xi32>
      %gather3A_365 = tpu.vector_load_idx %arg13[%add3A_364] : memref<1024xf32, #tpu.memory_space<vmem>>[vector<16xi32>], vector<16xf32>,
      %add3A_366 = arith.addf %add3A_361, %gather3A_365 : vector<16xf32>
      %add3A_367 = arith.constant 11 : i32
      %add3A_368 = vector.broadcast %add3A_367 : i32 to vector<16xi32>
      %add3A_369 = arith.addi %mul3A_315, %add3A_368 : vector<16xi32>
      %gather3A_370 = tpu.vector_load_idx %arg13[%add3A_369] : memref<1024xf32, #tpu.memory_space<vmem>>[vector<16xi32>], vector<16xf32>,
      %add3A_371 = arith.addf %add3A_366, %gather3A_370 : vector<16xf32>
      %add3A_372 = arith.constant 12 : i32
      %add3A_373 = vector.broadcast %add3A_372 : i32 to vector<16xi32>
      %add3A_374 = arith.addi %mul3A_315, %add3A_373 : vector<16xi32>
      %gather3A_375 = tpu.vector_load_idx %arg13[%add3A_374] : memref<1024xf32, #tpu.memory_space<vmem>>[vector<16xi32>], vector<16xf32>,
      %add3A_376 = arith.addf %add3A_371, %gather3A_375 : vector<16xf32>
      %add3A_377 = arith.constant 13 : i32
      %add3A_378 = vector.broadcast %add3A_377 : i32 to vector<16xi32>
      %add3A_379 = arith.addi %mul3A_315, %add3A_378 : vector<16xi32>
      %gather3A_380 = tpu.vector_load_idx %arg13[%add3A_379] : memref<1024xf32, #tpu.memory_space<vmem>>[vector<16xi32>], vector<16xf32>,
      %add3A_381 = arith.addf %add3A_376, %gather3A_380 : vector<16xf32>
      %add3A_382 = arith.constant 14 : i32
      %add3A_383 = vector.broadcast %add3A_382 : i32 to vector<16xi32>
      %add3A_384 = arith.addi %mul3A_315, %add3A_383 : vector<16xi32>
      %gather3A_385 = tpu.vector_load_idx %arg13[%add3A_384] : memref<1024xf32, #tpu.memory_space<vmem>>[vector<16xi32>], vector<16xf32>,
      %add3A_386 = arith.addf %add3A_381, %gather3A_385 : vector<16xf32>
      %add3A_387 = arith.constant 15 : i32
      %add3A_388 = vector.broadcast %add3A_387 : i32 to vector<16xi32>
      %add3A_389 = arith.addi %mul3A_315, %add3A_388 : vector<16xi32>
      %gather3A_390 = tpu.vector_load_idx %arg13[%add3A_389] : memref<1024xf32, #tpu.memory_space<vmem>>[vector<16xi32>], vector<16xf32>,
      %add3A_391 = arith.addf %add3A_386, %gather3A_390 : vector<16xf32>
      %get3A_392 = arith.index_cast %add3A_59 : i32 to index
      %get3A_393 = arith.constant 32 : index
      %get3A_394 = tpu.vector_load %arg8[%get3A_392, %get3A_393] {strides = array<i32>} : memref<64x128xf32, #tpu.memory_space<vmem>>, vector<16xf32>,
      %add3A_395 = arith.addf %add3A_391, %get3A_394 : vector<16xf32>
      %add3A_396 = arith.constant 48 : i32
      %add3A_397 = vector.broadcast %add3A_396 : i32 to vector<16xi32>
      %add3A_398 = arith.addi %add3A_397, %iota3A : vector<16xi32>
      %mul3A_399 = arith.constant 16 : i32
      %mul3A_400 = vector.broadcast %mul3A_399 : i32 to vector<16xi32>
      %mul3A_401 = arith.muli %add3A_398, %mul3A_400 : vector<16xi32>
      %gather3A_402 = tpu.vector_load_idx %arg13[%mul3A_401] : memref<1024xf32, #tpu.memory_space<vmem>>[vector<16xi32>], vector<16xf32>,
      %add3A_403 = arith.constant 1 : i32
      %add3A_404 = vector.broadcast %add3A_403 : i32 to vector<16xi32>
      %add3A_405 = arith.addi %mul3A_401, %add3A_404 : vector<16xi32>
      %gather3A_406 = tpu.vector_load_idx %arg13[%add3A_405] : memref<1024xf32, #tpu.memory_space<vmem>>[vector<16xi32>], vector<16xf32>,
      %add3A_407 = arith.addf %gather3A_402, %gather3A_406 : vector<16xf32>
      %add3A_408 = arith.constant 2 : i32
      %add3A_409 = vector.broadcast %add3A_408 : i32 to vector<16xi32>
      %add3A_410 = arith.addi %mul3A_401, %add3A_409 : vector<16xi32>
      %gather3A_411 = tpu.vector_load_idx %arg13[%add3A_410] : memref<1024xf32, #tpu.memory_space<vmem>>[vector<16xi32>], vector<16xf32>,
      %add3A_412 = arith.addf %add3A_407, %gather3A_411 : vector<16xf32>
      %add3A_413 = arith.constant 3 : i32
      %add3A_414 = vector.broadcast %add3A_413 : i32 to vector<16xi32>
      %add3A_415 = arith.addi %mul3A_401, %add3A_414 : vector<16xi32>
      %gather3A_416 = tpu.vector_load_idx %arg13[%add3A_415] : memref<1024xf32, #tpu.memory_space<vmem>>[vector<16xi32>], vector<16xf32>,
      %add3A_417 = arith.addf %add3A_412, %gather3A_416 : vector<16xf32>
      %add3A_418 = arith.constant 4 : i32
      %add3A_419 = vector.broadcast %add3A_418 : i32 to vector<16xi32>
      %add3A_420 = arith.addi %mul3A_401, %add3A_419 : vector<16xi32>
      %gather3A_421 = tpu.vector_load_idx %arg13[%add3A_420] : memref<1024xf32, #tpu.memory_space<vmem>>[vector<16xi32>], vector<16xf32>,
      %add3A_422 = arith.addf %add3A_417, %gather3A_421 : vector<16xf32>
      %add3A_423 = arith.constant 5 : i32
      %add3A_424 = vector.broadcast %add3A_423 : i32 to vector<16xi32>
      %add3A_425 = arith.addi %mul3A_401, %add3A_424 : vector<16xi32>
      %gather3A_426 = tpu.vector_load_idx %arg13[%add3A_425] : memref<1024xf32, #tpu.memory_space<vmem>>[vector<16xi32>], vector<16xf32>,
      %add3A_427 = arith.addf %add3A_422, %gather3A_426 : vector<16xf32>
      %add3A_428 = arith.constant 6 : i32
      %add3A_429 = vector.broadcast %add3A_428 : i32 to vector<16xi32>
      %add3A_430 = arith.addi %mul3A_401, %add3A_429 : vector<16xi32>
      %gather3A_431 = tpu.vector_load_idx %arg13[%add3A_430] : memref<1024xf32, #tpu.memory_space<vmem>>[vector<16xi32>], vector<16xf32>,
      %add3A_432 = arith.addf %add3A_427, %gather3A_431 : vector<16xf32>
      %add3A_433 = arith.constant 7 : i32
      %add3A_434 = vector.broadcast %add3A_433 : i32 to vector<16xi32>
      %add3A_435 = arith.addi %mul3A_401, %add3A_434 : vector<16xi32>
      %gather3A_436 = tpu.vector_load_idx %arg13[%add3A_435] : memref<1024xf32, #tpu.memory_space<vmem>>[vector<16xi32>], vector<16xf32>,
      %add3A_437 = arith.addf %add3A_432, %gather3A_436 : vector<16xf32>
      %add3A_438 = arith.constant 8 : i32
      %add3A_439 = vector.broadcast %add3A_438 : i32 to vector<16xi32>
      %add3A_440 = arith.addi %mul3A_401, %add3A_439 : vector<16xi32>
      %gather3A_441 = tpu.vector_load_idx %arg13[%add3A_440] : memref<1024xf32, #tpu.memory_space<vmem>>[vector<16xi32>], vector<16xf32>,
      %add3A_442 = arith.addf %add3A_437, %gather3A_441 : vector<16xf32>
      %add3A_443 = arith.constant 9 : i32
      %add3A_444 = vector.broadcast %add3A_443 : i32 to vector<16xi32>
      %add3A_445 = arith.addi %mul3A_401, %add3A_444 : vector<16xi32>
      %gather3A_446 = tpu.vector_load_idx %arg13[%add3A_445] : memref<1024xf32, #tpu.memory_space<vmem>>[vector<16xi32>], vector<16xf32>,
      %add3A_447 = arith.addf %add3A_442, %gather3A_446 : vector<16xf32>
      %add3A_448 = arith.constant 10 : i32
      %add3A_449 = vector.broadcast %add3A_448 : i32 to vector<16xi32>
      %add3A_450 = arith.addi %mul3A_401, %add3A_449 : vector<16xi32>
      %gather3A_451 = tpu.vector_load_idx %arg13[%add3A_450] : memref<1024xf32, #tpu.memory_space<vmem>>[vector<16xi32>], vector<16xf32>,
      %add3A_452 = arith.addf %add3A_447, %gather3A_451 : vector<16xf32>
      %add3A_453 = arith.constant 11 : i32
      %add3A_454 = vector.broadcast %add3A_453 : i32 to vector<16xi32>
      %add3A_455 = arith.addi %mul3A_401, %add3A_454 : vector<16xi32>
      %gather3A_456 = tpu.vector_load_idx %arg13[%add3A_455] : memref<1024xf32, #tpu.memory_space<vmem>>[vector<16xi32>], vector<16xf32>,
      %add3A_457 = arith.addf %add3A_452, %gather3A_456 : vector<16xf32>
      %add3A_458 = arith.constant 12 : i32
      %add3A_459 = vector.broadcast %add3A_458 : i32 to vector<16xi32>
      %add3A_460 = arith.addi %mul3A_401, %add3A_459 : vector<16xi32>
      %gather3A_461 = tpu.vector_load_idx %arg13[%add3A_460] : memref<1024xf32, #tpu.memory_space<vmem>>[vector<16xi32>], vector<16xf32>,
      %add3A_462 = arith.addf %add3A_457, %gather3A_461 : vector<16xf32>
      %add3A_463 = arith.constant 13 : i32
      %add3A_464 = vector.broadcast %add3A_463 : i32 to vector<16xi32>
      %add3A_465 = arith.addi %mul3A_401, %add3A_464 : vector<16xi32>
      %gather3A_466 = tpu.vector_load_idx %arg13[%add3A_465] : memref<1024xf32, #tpu.memory_space<vmem>>[vector<16xi32>], vector<16xf32>,
      %add3A_467 = arith.addf %add3A_462, %gather3A_466 : vector<16xf32>
      %add3A_468 = arith.constant 14 : i32
      %add3A_469 = vector.broadcast %add3A_468 : i32 to vector<16xi32>
      %add3A_470 = arith.addi %mul3A_401, %add3A_469 : vector<16xi32>
      %gather3A_471 = tpu.vector_load_idx %arg13[%add3A_470] : memref<1024xf32, #tpu.memory_space<vmem>>[vector<16xi32>], vector<16xf32>,
      %add3A_472 = arith.addf %add3A_467, %gather3A_471 : vector<16xf32>
      %add3A_473 = arith.constant 15 : i32
      %add3A_474 = vector.broadcast %add3A_473 : i32 to vector<16xi32>
      %add3A_475 = arith.addi %mul3A_401, %add3A_474 : vector<16xi32>
      %gather3A_476 = tpu.vector_load_idx %arg13[%add3A_475] : memref<1024xf32, #tpu.memory_space<vmem>>[vector<16xi32>], vector<16xf32>,
      %add3A_477 = arith.addf %add3A_472, %gather3A_476 : vector<16xf32>
      %get3A_478 = arith.index_cast %add3A_59 : i32 to index
      %get3A_479 = arith.constant 48 : index
      %get3A_480 = tpu.vector_load %arg8[%get3A_478, %get3A_479] {strides = array<i32>} : memref<64x128xf32, #tpu.memory_space<vmem>>, vector<16xf32>,
      %add3A_481 = arith.addf %add3A_477, %get3A_480 : vector<16xf32>
      %max3A = arith.maximumf %add3A_223, %add3A_309 : vector<16xf32>
      %max3A_482 = arith.maximumf %add3A_395, %add3A_481 : vector<16xf32>
      %max3A_483 = arith.maximumf %max3A, %max3A_482 : vector<16xf32>
      %reduce_max3A = arith.constant true
      %reduce_max3A_484 = vector.broadcast %reduce_max3A : i1 to vector<16xi1>
      %reduce_max3A_485 = tpu.scan <max>, %max3A_483 masked %reduce_max3A_484 : vector<16xf32>, vector<16xi1> -> vector<16xf32>
      %reduce_max3A_486 = vector.extract %reduce_max3A_485[15] : f32 from vector<16xf32>
      %broadcast_in_dim3A_487 = vector.broadcast %reduce_max3A_486 : f32 to vector<16xf32>
      %sub3A = arith.subf %add3A_223, %broadcast_in_dim3A_487 : vector<16xf32>
      %exp3A = math.exp %sub3A : vector<16xf32>
      %sub3A_488 = arith.subf %add3A_309, %broadcast_in_dim3A_487 : vector<16xf32>
      %exp3A_489 = math.exp %sub3A_488 : vector<16xf32>
      %sub3A_490 = arith.subf %add3A_395, %broadcast_in_dim3A_487 : vector<16xf32>
      %exp3A_491 = math.exp %sub3A_490 : vector<16xf32>
      %sub3A_492 = arith.subf %add3A_481, %broadcast_in_dim3A_487 : vector<16xf32>
      %exp3A_493 = math.exp %sub3A_492 : vector<16xf32>
      %add3A_494 = arith.addf %exp3A, %exp3A_489 : vector<16xf32>
      %add3A_495 = arith.addf %add3A_494, %exp3A_491 : vector<16xf32>
      %add3A_496 = arith.addf %add3A_495, %exp3A_493 : vector<16xf32>
      %reduce_sum3A = arith.constant true
      %reduce_sum3A_497 = vector.broadcast %reduce_sum3A : i1 to vector<16xi1>
      %reduce_sum3A_498 = tpu.scan <sum>, %add3A_496 masked %reduce_sum3A_497 : vector<16xf32>, vector<16xi1> -> vector<16xf32>
      %reduce_sum3A_499 = vector.extract %reduce_sum3A_498[15] : f32 from vector<16xf32>
      %broadcast_in_dim3A_500 = vector.broadcast %reduce_sum3A_499 : f32 to vector<16xf32>
      %broadcast_in_dim3A_501 = arith.constant 1.000000e+00 : f32
      %broadcast_in_dim3A_502 = vector.broadcast %broadcast_in_dim3A_501 : f32 to vector<16xf32>
      %div3A = arith.divf %broadcast_in_dim3A_502, %broadcast_in_dim3A_500 : vector<16xf32>
      %get3A_503 = arith.index_cast %add3A_59 : i32 to index
      %get3A_504 = arith.constant 64 : index
      %get3A_505 = tpu.vector_load %arg8[%get3A_503, %get3A_504] {strides = array<i32>} : memref<64x128xf32, #tpu.memory_space<vmem>>, vector<16xf32>,
      %mul3A_506 = arith.mulf %exp3A, %get3A_505 : vector<16xf32>
      %mul3A_507 = arith.mulf %mul3A_506, %div3A : vector<16xf32>
      %swap3A_508 = arith.constant 0 : index
      %swap3A_509 = tpu.vector_load %arg14[%swap3A_508] {strides = array<i32>} : memref<64xf32, #tpu.memory_space<vmem>>, vector<16xf32>,
      tpu.vector_store %arg14[%swap3A_508], %mul3A_507 {strides = array<i32>} : memref<64xf32, #tpu.memory_space<vmem>>, vector<16xf32>,
      %get3A_510 = arith.index_cast %add3A_59 : i32 to index
      %get3A_511 = arith.constant 80 : index
      %get3A_512 = tpu.vector_load %arg8[%get3A_510, %get3A_511] {strides = array<i32>} : memref<64x128xf32, #tpu.memory_space<vmem>>, vector<16xf32>,
      %mul3A_513 = arith.mulf %exp3A_489, %get3A_512 : vector<16xf32>
      %mul3A_514 = arith.mulf %mul3A_513, %div3A : vector<16xf32>
      %swap3A_515 = arith.constant 16 : index
      %swap3A_516 = tpu.vector_load %arg14[%swap3A_515] {strides = array<i32>} : memref<64xf32, #tpu.memory_space<vmem>>, vector<16xf32>,
      tpu.vector_store %arg14[%swap3A_515], %mul3A_514 {strides = array<i32>} : memref<64xf32, #tpu.memory_space<vmem>>, vector<16xf32>,
      %get3A_517 = arith.index_cast %add3A_59 : i32 to index
      %get3A_518 = arith.constant 96 : index
      %get3A_519 = tpu.vector_load %arg8[%get3A_517, %get3A_518] {strides = array<i32>} : memref<64x128xf32, #tpu.memory_space<vmem>>, vector<16xf32>,
      %mul3A_520 = arith.mulf %exp3A_491, %get3A_519 : vector<16xf32>
      %mul3A_521 = arith.mulf %mul3A_520, %div3A : vector<16xf32>
      %swap3A_522 = arith.constant 32 : index
      %swap3A_523 = tpu.vector_load %arg14[%swap3A_522] {strides = array<i32>} : memref<64xf32, #tpu.memory_space<vmem>>, vector<16xf32>,
      tpu.vector_store %arg14[%swap3A_522], %mul3A_521 {strides = array<i32>} : memref<64xf32, #tpu.memory_space<vmem>>, vector<16xf32>,
      %get3A_524 = arith.index_cast %add3A_59 : i32 to index
      %get3A_525 = arith.constant 112 : index
      %get3A_526 = tpu.vector_load %arg8[%get3A_524, %get3A_525] {strides = array<i32>} : memref<64x128xf32, #tpu.memory_space<vmem>>, vector<16xf32>,
      %mul3A_527 = arith.mulf %exp3A_493, %get3A_526 : vector<16xf32>
      %mul3A_528 = arith.mulf %mul3A_527, %div3A : vector<16xf32>
      %swap3A_529 = arith.constant 48 : index
      %swap3A_530 = tpu.vector_load %arg14[%swap3A_529] {strides = array<i32>} : memref<64xf32, #tpu.memory_space<vmem>>, vector<16xf32>,
      tpu.vector_store %arg14[%swap3A_529], %mul3A_528 {strides = array<i32>} : memref<64xf32, #tpu.memory_space<vmem>>, vector<16xf32>,
      %scan3A_531 = arith.constant 0 : i32
      %scan3A_532 = arith.constant 7 : i32
      %scan3A_533 = arith.addi %scan3A_531, %scan3A_532 : i32
      %scan3A_534 = arith.constant 1 : i32
      %scan3A_535:12 = scf.for %scan3A_1111 = %scan3A_531 to %scan3A_533 step %scan3A_534 iter_args(%scan3A_1112 = %broadcast_in_dim3A_5, %scan3A_1113 = %broadcast_in_dim3A_5, %scan3A_1114 = %broadcast_in_dim3A_5, %scan3A_1115 = %broadcast_in_dim3A_5, %scan3A_1116 = %broadcast_in_dim3A_5, %scan3A_1117 = %broadcast_in_dim3A_5, %scan3A_1118 = %broadcast_in_dim3A_5, %scan3A_1119 = %broadcast_in_dim3A_5, %scan3A_1120 = %broadcast_in_dim3A_5, %scan3A_1121 = %broadcast_in_dim3A_5, %scan3A_1122 = %broadcast_in_dim3A_5, %scan3A_1123 = %broadcast_in_dim3A_5) -> (vector<16xf32>, vector<16xf32>, vector<16xf32>, vector<16xf32>, vector<16xf32>, vector<16xf32>, vector<16xf32>, vector<16xf32>, vector<16xf32>, vector<16xf32>, vector<16xf32>, vector<16xf32>)  : i32 {
        %mul3A_1124 = arith.constant 7 : i32
        %mul3A_1125 = arith.muli %scan3A_1111, %mul3A_1124 : i32
        %add3A_1126 = arith.constant 0 : i32
        %add3A_1127 = arith.addi %mul3A_1125, %add3A_1126 : i32
        %broadcast_in_dim3A_1128 = vector.broadcast %add3A_1127 : i32 to vector<16xi32>
        %gather3A_1129 = tpu.vector_load_idx %arg14[%broadcast_in_dim3A_1128] : memref<64xf32, #tpu.memory_space<vmem>>[vector<16xi32>], vector<16xf32>,
        %mul3A_1130 = arith.constant 2 : i32
        %mul3A_1131 = arith.muli %mul3A_1130, %add3A_1127 : i32
        %get3A_1132 = arith.index_cast %mul3A_1131 : i32 to index
        %get3A_1133 = arith.constant 0 : index
        %get3A_1134 = tpu.vector_load %arg11[%get3A_1132, %get3A_1133] {strides = array<i32>} : memref<104x128xf32, #tpu.memory_space<vmem>>, vector<16xf32>,
        %mul3A_1135 = arith.mulf %gather3A_1129, %get3A_1134 : vector<16xf32>
        %add3A_1136 = arith.addf %scan3A_1112, %mul3A_1135 : vector<16xf32>
        %mul3A_1137 = arith.constant 2 : i32
        %mul3A_1138 = arith.muli %mul3A_1137, %add3A_1127 : i32
        %get3A_1139 = arith.index_cast %mul3A_1138 : i32 to index
        %get3A_1140 = arith.constant 16 : index
        %get3A_1141 = tpu.vector_load %arg11[%get3A_1139, %get3A_1140] {strides = array<i32>} : memref<104x128xf32, #tpu.memory_space<vmem>>, vector<16xf32>,
        %mul3A_1142 = arith.mulf %gather3A_1129, %get3A_1141 : vector<16xf32>
        %add3A_1143 = arith.addf %scan3A_1113, %mul3A_1142 : vector<16xf32>
        %mul3A_1144 = arith.constant 2 : i32
        %mul3A_1145 = arith.muli %mul3A_1144, %add3A_1127 : i32
        %get3A_1146 = arith.index_cast %mul3A_1145 : i32 to index
        %get3A_1147 = arith.constant 32 : index
        %get3A_1148 = tpu.vector_load %arg11[%get3A_1146, %get3A_1147] {strides = array<i32>} : memref<104x128xf32, #tpu.memory_space<vmem>>, vector<16xf32>,
        %mul3A_1149 = arith.mulf %gather3A_1129, %get3A_1148 : vector<16xf32>
        %add3A_1150 = arith.addf %scan3A_1114, %mul3A_1149 : vector<16xf32>
        %mul3A_1151 = arith.constant 2 : i32
        %mul3A_1152 = arith.muli %mul3A_1151, %add3A_1127 : i32
        %get3A_1153 = arith.index_cast %mul3A_1152 : i32 to index
        %get3A_1154 = arith.constant 48 : index
        %get3A_1155 = tpu.vector_load %arg11[%get3A_1153, %get3A_1154] {strides = array<i32>} : memref<104x128xf32, #tpu.memory_space<vmem>>, vector<16xf32>,
        %mul3A_1156 = arith.mulf %gather3A_1129, %get3A_1155 : vector<16xf32>
        %add3A_1157 = arith.addf %scan3A_1115, %mul3A_1156 : vector<16xf32>
        %mul3A_1158 = arith.constant 2 : i32
        %mul3A_1159 = arith.muli %mul3A_1158, %add3A_1127 : i32
        %get3A_1160 = arith.index_cast %mul3A_1159 : i32 to index
        %get3A_1161 = arith.constant 64 : index
        %get3A_1162 = tpu.vector_load %arg11[%get3A_1160, %get3A_1161] {strides = array<i32>} : memref<104x128xf32, #tpu.memory_space<vmem>>, vector<16xf32>,
        %mul3A_1163 = arith.mulf %gather3A_1129, %get3A_1162 : vector<16xf32>
        %add3A_1164 = arith.addf %scan3A_1116, %mul3A_1163 : vector<16xf32>
        %mul3A_1165 = arith.constant 2 : i32
        %mul3A_1166 = arith.muli %mul3A_1165, %add3A_1127 : i32
        %get3A_1167 = arith.index_cast %mul3A_1166 : i32 to index
        %get3A_1168 = arith.constant 80 : index
        %get3A_1169 = tpu.vector_load %arg11[%get3A_1167, %get3A_1168] {strides = array<i32>} : memref<104x128xf32, #tpu.memory_space<vmem>>, vector<16xf32>,
        %mul3A_1170 = arith.mulf %gather3A_1129, %get3A_1169 : vector<16xf32>
        %add3A_1171 = arith.addf %scan3A_1117, %mul3A_1170 : vector<16xf32>
        %mul3A_1172 = arith.constant 2 : i32
        %mul3A_1173 = arith.muli %mul3A_1172, %add3A_1127 : i32
        %get3A_1174 = arith.index_cast %mul3A_1173 : i32 to index
        %get3A_1175 = arith.constant 96 : index
        %get3A_1176 = tpu.vector_load %arg11[%get3A_1174, %get3A_1175] {strides = array<i32>} : memref<104x128xf32, #tpu.memory_space<vmem>>, vector<16xf32>,
        %mul3A_1177 = arith.mulf %gather3A_1129, %get3A_1176 : vector<16xf32>
        %add3A_1178 = arith.addf %scan3A_1118, %mul3A_1177 : vector<16xf32>
        %mul3A_1179 = arith.constant 2 : i32
        %mul3A_1180 = arith.muli %mul3A_1179, %add3A_1127 : i32
        %get3A_1181 = arith.index_cast %mul3A_1180 : i32 to index
        %get3A_1182 = arith.constant 112 : index
        %get3A_1183 = tpu.vector_load %arg11[%get3A_1181, %get3A_1182] {strides = array<i32>} : memref<104x128xf32, #tpu.memory_space<vmem>>, vector<16xf32>,
        %mul3A_1184 = arith.mulf %gather3A_1129, %get3A_1183 : vector<16xf32>
        %add3A_1185 = arith.addf %scan3A_1119, %mul3A_1184 : vector<16xf32>
        %mul3A_1186 = arith.constant 2 : i32
        %mul3A_1187 = arith.muli %mul3A_1186, %add3A_1127 : i32
        %add3A_1188 = arith.constant 1 : i32
        %add3A_1189 = arith.addi %mul3A_1187, %add3A_1188 : i32
        %get3A_1190 = arith.index_cast %add3A_1189 : i32 to index
        %get3A_1191 = arith.constant 0 : index
        %get3A_1192 = tpu.vector_load %arg11[%get3A_1190, %get3A_1191] {strides = array<i32>} : memref<104x128xf32, #tpu.memory_space<vmem>>, vector<16xf32>,
        %mul3A_1193 = arith.mulf %gather3A_1129, %get3A_1192 : vector<16xf32>
        %add3A_1194 = arith.addf %scan3A_1120, %mul3A_1193 : vector<16xf32>
        %mul3A_1195 = arith.constant 2 : i32
        %mul3A_1196 = arith.muli %mul3A_1195, %add3A_1127 : i32
        %add3A_1197 = arith.constant 1 : i32
        %add3A_1198 = arith.addi %mul3A_1196, %add3A_1197 : i32
        %get3A_1199 = arith.index_cast %add3A_1198 : i32 to index
        %get3A_1200 = arith.constant 16 : index
        %get3A_1201 = tpu.vector_load %arg11[%get3A_1199, %get3A_1200] {strides = array<i32>} : memref<104x128xf32, #tpu.memory_space<vmem>>, vector<16xf32>,
        %mul3A_1202 = arith.mulf %gather3A_1129, %get3A_1201 : vector<16xf32>
        %add3A_1203 = arith.addf %scan3A_1121, %mul3A_1202 : vector<16xf32>
        %mul3A_1204 = arith.constant 2 : i32
        %mul3A_1205 = arith.muli %mul3A_1204, %add3A_1127 : i32
        %add3A_1206 = arith.constant 1 : i32
        %add3A_1207 = arith.addi %mul3A_1205, %add3A_1206 : i32
        %get3A_1208 = arith.index_cast %add3A_1207 : i32 to index
        %get3A_1209 = arith.constant 32 : index
        %get3A_1210 = tpu.vector_load %arg11[%get3A_1208, %get3A_1209] {strides = array<i32>} : memref<104x128xf32, #tpu.memory_space<vmem>>, vector<16xf32>,
        %mul3A_1211 = arith.mulf %gather3A_1129, %get3A_1210 : vector<16xf32>
        %add3A_1212 = arith.addf %scan3A_1122, %mul3A_1211 : vector<16xf32>
        %mul3A_1213 = arith.constant 2 : i32
        %mul3A_1214 = arith.muli %mul3A_1213, %add3A_1127 : i32
        %add3A_1215 = arith.constant 1 : i32
        %add3A_1216 = arith.addi %mul3A_1214, %add3A_1215 : i32
        %get3A_1217 = arith.index_cast %add3A_1216 : i32 to index
        %get3A_1218 = arith.constant 48 : index
        %get3A_1219 = tpu.vector_load %arg11[%get3A_1217, %get3A_1218] {strides = array<i32>} : memref<104x128xf32, #tpu.memory_space<vmem>>, vector<16xf32>,
        %mul3A_1220 = arith.mulf %gather3A_1129, %get3A_1219 : vector<16xf32>
        %add3A_1221 = arith.addf %scan3A_1123, %mul3A_1220 : vector<16xf32>
        %mul3A_1222 = arith.constant 7 : i32
        %mul3A_1223 = arith.muli %scan3A_1111, %mul3A_1222 : i32
        %add3A_1224 = arith.constant 1 : i32
        %add3A_1225 = arith.addi %mul3A_1223, %add3A_1224 : i32
        %broadcast_in_dim3A_1226 = vector.broadcast %add3A_1225 : i32 to vector<16xi32>
        %gather3A_1227 = tpu.vector_load_idx %arg14[%broadcast_in_dim3A_1226] : memref<64xf32, #tpu.memory_space<vmem>>[vector<16xi32>], vector<16xf32>,
        %mul3A_1228 = arith.constant 2 : i32
        %mul3A_1229 = arith.muli %mul3A_1228, %add3A_1225 : i32
        %get3A_1230 = arith.index_cast %mul3A_1229 : i32 to index
        %get3A_1231 = arith.constant 0 : index
        %get3A_1232 = tpu.vector_load %arg11[%get3A_1230, %get3A_1231] {strides = array<i32>} : memref<104x128xf32, #tpu.memory_space<vmem>>, vector<16xf32>,
        %mul3A_1233 = arith.mulf %gather3A_1227, %get3A_1232 : vector<16xf32>
        %add3A_1234 = arith.addf %add3A_1136, %mul3A_1233 : vector<16xf32>
        %mul3A_1235 = arith.constant 2 : i32
        %mul3A_1236 = arith.muli %mul3A_1235, %add3A_1225 : i32
        %get3A_1237 = arith.index_cast %mul3A_1236 : i32 to index
        %get3A_1238 = arith.constant 16 : index
        %get3A_1239 = tpu.vector_load %arg11[%get3A_1237, %get3A_1238] {strides = array<i32>} : memref<104x128xf32, #tpu.memory_space<vmem>>, vector<16xf32>,
        %mul3A_1240 = arith.mulf %gather3A_1227, %get3A_1239 : vector<16xf32>
        %add3A_1241 = arith.addf %add3A_1143, %mul3A_1240 : vector<16xf32>
        %mul3A_1242 = arith.constant 2 : i32
        %mul3A_1243 = arith.muli %mul3A_1242, %add3A_1225 : i32
        %get3A_1244 = arith.index_cast %mul3A_1243 : i32 to index
        %get3A_1245 = arith.constant 32 : index
        %get3A_1246 = tpu.vector_load %arg11[%get3A_1244, %get3A_1245] {strides = array<i32>} : memref<104x128xf32, #tpu.memory_space<vmem>>, vector<16xf32>,
        %mul3A_1247 = arith.mulf %gather3A_1227, %get3A_1246 : vector<16xf32>
        %add3A_1248 = arith.addf %add3A_1150, %mul3A_1247 : vector<16xf32>
        %mul3A_1249 = arith.constant 2 : i32
        %mul3A_1250 = arith.muli %mul3A_1249, %add3A_1225 : i32
        %get3A_1251 = arith.index_cast %mul3A_1250 : i32 to index
        %get3A_1252 = arith.constant 48 : index
        %get3A_1253 = tpu.vector_load %arg11[%get3A_1251, %get3A_1252] {strides = array<i32>} : memref<104x128xf32, #tpu.memory_space<vmem>>, vector<16xf32>,
        %mul3A_1254 = arith.mulf %gather3A_1227, %get3A_1253 : vector<16xf32>
        %add3A_1255 = arith.addf %add3A_1157, %mul3A_1254 : vector<16xf32>
        %mul3A_1256 = arith.constant 2 : i32
        %mul3A_1257 = arith.muli %mul3A_1256, %add3A_1225 : i32
        %get3A_1258 = arith.index_cast %mul3A_1257 : i32 to index
        %get3A_1259 = arith.constant 64 : index
        %get3A_1260 = tpu.vector_load %arg11[%get3A_1258, %get3A_1259] {strides = array<i32>} : memref<104x128xf32, #tpu.memory_space<vmem>>, vector<16xf32>,
        %mul3A_1261 = arith.mulf %gather3A_1227, %get3A_1260 : vector<16xf32>
        %add3A_1262 = arith.addf %add3A_1164, %mul3A_1261 : vector<16xf32>
        %mul3A_1263 = arith.constant 2 : i32
        %mul3A_1264 = arith.muli %mul3A_1263, %add3A_1225 : i32
        %get3A_1265 = arith.index_cast %mul3A_1264 : i32 to index
        %get3A_1266 = arith.constant 80 : index
        %get3A_1267 = tpu.vector_load %arg11[%get3A_1265, %get3A_1266] {strides = array<i32>} : memref<104x128xf32, #tpu.memory_space<vmem>>, vector<16xf32>,
        %mul3A_1268 = arith.mulf %gather3A_1227, %get3A_1267 : vector<16xf32>
        %add3A_1269 = arith.addf %add3A_1171, %mul3A_1268 : vector<16xf32>
        %mul3A_1270 = arith.constant 2 : i32
        %mul3A_1271 = arith.muli %mul3A_1270, %add3A_1225 : i32
        %get3A_1272 = arith.index_cast %mul3A_1271 : i32 to index
        %get3A_1273 = arith.constant 96 : index
        %get3A_1274 = tpu.vector_load %arg11[%get3A_1272, %get3A_1273] {strides = array<i32>} : memref<104x128xf32, #tpu.memory_space<vmem>>, vector<16xf32>,
        %mul3A_1275 = arith.mulf %gather3A_1227, %get3A_1274 : vector<16xf32>
        %add3A_1276 = arith.addf %add3A_1178, %mul3A_1275 : vector<16xf32>
        %mul3A_1277 = arith.constant 2 : i32
        %mul3A_1278 = arith.muli %mul3A_1277, %add3A_1225 : i32
        %get3A_1279 = arith.index_cast %mul3A_1278 : i32 to index
        %get3A_1280 = arith.constant 112 : index
        %get3A_1281 = tpu.vector_load %arg11[%get3A_1279, %get3A_1280] {strides = array<i32>} : memref<104x128xf32, #tpu.memory_space<vmem>>, vector<16xf32>,
        %mul3A_1282 = arith.mulf %gather3A_1227, %get3A_1281 : vector<16xf32>
        %add3A_1283 = arith.addf %add3A_1185, %mul3A_1282 : vector<16xf32>
        %mul3A_1284 = arith.constant 2 : i32
        %mul3A_1285 = arith.muli %mul3A_1284, %add3A_1225 : i32
        %add3A_1286 = arith.constant 1 : i32
        %add3A_1287 = arith.addi %mul3A_1285, %add3A_1286 : i32
        %get3A_1288 = arith.index_cast %add3A_1287 : i32 to index
        %get3A_1289 = arith.constant 0 : index
        %get3A_1290 = tpu.vector_load %arg11[%get3A_1288, %get3A_1289] {strides = array<i32>} : memref<104x128xf32, #tpu.memory_space<vmem>>, vector<16xf32>,
        %mul3A_1291 = arith.mulf %gather3A_1227, %get3A_1290 : vector<16xf32>
        %add3A_1292 = arith.addf %add3A_1194, %mul3A_1291 : vector<16xf32>
        %mul3A_1293 = arith.constant 2 : i32
        %mul3A_1294 = arith.muli %mul3A_1293, %add3A_1225 : i32
        %add3A_1295 = arith.constant 1 : i32
        %add3A_1296 = arith.addi %mul3A_1294, %add3A_1295 : i32
        %get3A_1297 = arith.index_cast %add3A_1296 : i32 to index
        %get3A_1298 = arith.constant 16 : index
        %get3A_1299 = tpu.vector_load %arg11[%get3A_1297, %get3A_1298] {strides = array<i32>} : memref<104x128xf32, #tpu.memory_space<vmem>>, vector<16xf32>,
        %mul3A_1300 = arith.mulf %gather3A_1227, %get3A_1299 : vector<16xf32>
        %add3A_1301 = arith.addf %add3A_1203, %mul3A_1300 : vector<16xf32>
        %mul3A_1302 = arith.constant 2 : i32
        %mul3A_1303 = arith.muli %mul3A_1302, %add3A_1225 : i32
        %add3A_1304 = arith.constant 1 : i32
        %add3A_1305 = arith.addi %mul3A_1303, %add3A_1304 : i32
        %get3A_1306 = arith.index_cast %add3A_1305 : i32 to index
        %get3A_1307 = arith.constant 32 : index
        %get3A_1308 = tpu.vector_load %arg11[%get3A_1306, %get3A_1307] {strides = array<i32>} : memref<104x128xf32, #tpu.memory_space<vmem>>, vector<16xf32>,
        %mul3A_1309 = arith.mulf %gather3A_1227, %get3A_1308 : vector<16xf32>
        %add3A_1310 = arith.addf %add3A_1212, %mul3A_1309 : vector<16xf32>
        %mul3A_1311 = arith.constant 2 : i32
        %mul3A_1312 = arith.muli %mul3A_1311, %add3A_1225 : i32
        %add3A_1313 = arith.constant 1 : i32
        %add3A_1314 = arith.addi %mul3A_1312, %add3A_1313 : i32
        %get3A_1315 = arith.index_cast %add3A_1314 : i32 to index
        %get3A_1316 = arith.constant 48 : index
        %get3A_1317 = tpu.vector_load %arg11[%get3A_1315, %get3A_1316] {strides = array<i32>} : memref<104x128xf32, #tpu.memory_space<vmem>>, vector<16xf32>,
        %mul3A_1318 = arith.mulf %gather3A_1227, %get3A_1317 : vector<16xf32>
        %add3A_1319 = arith.addf %add3A_1221, %mul3A_1318 : vector<16xf32>
        %mul3A_1320 = arith.constant 7 : i32
        %mul3A_1321 = arith.muli %scan3A_1111, %mul3A_1320 : i32
        %add3A_1322 = arith.constant 2 : i32
        %add3A_1323 = arith.addi %mul3A_1321, %add3A_1322 : i32
        %broadcast_in_dim3A_1324 = vector.broadcast %add3A_1323 : i32 to vector<16xi32>
        %gather3A_1325 = tpu.vector_load_idx %arg14[%broadcast_in_dim3A_1324] : memref<64xf32, #tpu.memory_space<vmem>>[vector<16xi32>], vector<16xf32>,
        %mul3A_1326 = arith.constant 2 : i32
        %mul3A_1327 = arith.muli %mul3A_1326, %add3A_1323 : i32
        %get3A_1328 = arith.index_cast %mul3A_1327 : i32 to index
        %get3A_1329 = arith.constant 0 : index
        %get3A_1330 = tpu.vector_load %arg11[%get3A_1328, %get3A_1329] {strides = array<i32>} : memref<104x128xf32, #tpu.memory_space<vmem>>, vector<16xf32>,
        %mul3A_1331 = arith.mulf %gather3A_1325, %get3A_1330 : vector<16xf32>
        %add3A_1332 = arith.addf %add3A_1234, %mul3A_1331 : vector<16xf32>
        %mul3A_1333 = arith.constant 2 : i32
        %mul3A_1334 = arith.muli %mul3A_1333, %add3A_1323 : i32
        %get3A_1335 = arith.index_cast %mul3A_1334 : i32 to index
        %get3A_1336 = arith.constant 16 : index
        %get3A_1337 = tpu.vector_load %arg11[%get3A_1335, %get3A_1336] {strides = array<i32>} : memref<104x128xf32, #tpu.memory_space<vmem>>, vector<16xf32>,
        %mul3A_1338 = arith.mulf %gather3A_1325, %get3A_1337 : vector<16xf32>
        %add3A_1339 = arith.addf %add3A_1241, %mul3A_1338 : vector<16xf32>
        %mul3A_1340 = arith.constant 2 : i32
        %mul3A_1341 = arith.muli %mul3A_1340, %add3A_1323 : i32
        %get3A_1342 = arith.index_cast %mul3A_1341 : i32 to index
        %get3A_1343 = arith.constant 32 : index
        %get3A_1344 = tpu.vector_load %arg11[%get3A_1342, %get3A_1343] {strides = array<i32>} : memref<104x128xf32, #tpu.memory_space<vmem>>, vector<16xf32>,
        %mul3A_1345 = arith.mulf %gather3A_1325, %get3A_1344 : vector<16xf32>
        %add3A_1346 = arith.addf %add3A_1248, %mul3A_1345 : vector<16xf32>
        %mul3A_1347 = arith.constant 2 : i32
        %mul3A_1348 = arith.muli %mul3A_1347, %add3A_1323 : i32
        %get3A_1349 = arith.index_cast %mul3A_1348 : i32 to index
        %get3A_1350 = arith.constant 48 : index
        %get3A_1351 = tpu.vector_load %arg11[%get3A_1349, %get3A_1350] {strides = array<i32>} : memref<104x128xf32, #tpu.memory_space<vmem>>, vector<16xf32>,
        %mul3A_1352 = arith.mulf %gather3A_1325, %get3A_1351 : vector<16xf32>
        %add3A_1353 = arith.addf %add3A_1255, %mul3A_1352 : vector<16xf32>
        %mul3A_1354 = arith.constant 2 : i32
        %mul3A_1355 = arith.muli %mul3A_1354, %add3A_1323 : i32
        %get3A_1356 = arith.index_cast %mul3A_1355 : i32 to index
        %get3A_1357 = arith.constant 64 : index
        %get3A_1358 = tpu.vector_load %arg11[%get3A_1356, %get3A_1357] {strides = array<i32>} : memref<104x128xf32, #tpu.memory_space<vmem>>, vector<16xf32>,
        %mul3A_1359 = arith.mulf %gather3A_1325, %get3A_1358 : vector<16xf32>
        %add3A_1360 = arith.addf %add3A_1262, %mul3A_1359 : vector<16xf32>
        %mul3A_1361 = arith.constant 2 : i32
        %mul3A_1362 = arith.muli %mul3A_1361, %add3A_1323 : i32
        %get3A_1363 = arith.index_cast %mul3A_1362 : i32 to index
        %get3A_1364 = arith.constant 80 : index
        %get3A_1365 = tpu.vector_load %arg11[%get3A_1363, %get3A_1364] {strides = array<i32>} : memref<104x128xf32, #tpu.memory_space<vmem>>, vector<16xf32>,
        %mul3A_1366 = arith.mulf %gather3A_1325, %get3A_1365 : vector<16xf32>
        %add3A_1367 = arith.addf %add3A_1269, %mul3A_1366 : vector<16xf32>
        %mul3A_1368 = arith.constant 2 : i32
        %mul3A_1369 = arith.muli %mul3A_1368, %add3A_1323 : i32
        %get3A_1370 = arith.index_cast %mul3A_1369 : i32 to index
        %get3A_1371 = arith.constant 96 : index
        %get3A_1372 = tpu.vector_load %arg11[%get3A_1370, %get3A_1371] {strides = array<i32>} : memref<104x128xf32, #tpu.memory_space<vmem>>, vector<16xf32>,
        %mul3A_1373 = arith.mulf %gather3A_1325, %get3A_1372 : vector<16xf32>
        %add3A_1374 = arith.addf %add3A_1276, %mul3A_1373 : vector<16xf32>
        %mul3A_1375 = arith.constant 2 : i32
        %mul3A_1376 = arith.muli %mul3A_1375, %add3A_1323 : i32
        %get3A_1377 = arith.index_cast %mul3A_1376 : i32 to index
        %get3A_1378 = arith.constant 112 : index
        %get3A_1379 = tpu.vector_load %arg11[%get3A_1377, %get3A_1378] {strides = array<i32>} : memref<104x128xf32, #tpu.memory_space<vmem>>, vector<16xf32>,
        %mul3A_1380 = arith.mulf %gather3A_1325, %get3A_1379 : vector<16xf32>
        %add3A_1381 = arith.addf %add3A_1283, %mul3A_1380 : vector<16xf32>
        %mul3A_1382 = arith.constant 2 : i32
        %mul3A_1383 = arith.muli %mul3A_1382, %add3A_1323 : i32
        %add3A_1384 = arith.constant 1 : i32
        %add3A_1385 = arith.addi %mul3A_1383, %add3A_1384 : i32
        %get3A_1386 = arith.index_cast %add3A_1385 : i32 to index
        %get3A_1387 = arith.constant 0 : index
        %get3A_1388 = tpu.vector_load %arg11[%get3A_1386, %get3A_1387] {strides = array<i32>} : memref<104x128xf32, #tpu.memory_space<vmem>>, vector<16xf32>,
        %mul3A_1389 = arith.mulf %gather3A_1325, %get3A_1388 : vector<16xf32>
        %add3A_1390 = arith.addf %add3A_1292, %mul3A_1389 : vector<16xf32>
        %mul3A_1391 = arith.constant 2 : i32
        %mul3A_1392 = arith.muli %mul3A_1391, %add3A_1323 : i32
        %add3A_1393 = arith.constant 1 : i32
        %add3A_1394 = arith.addi %mul3A_1392, %add3A_1393 : i32
        %get3A_1395 = arith.index_cast %add3A_1394 : i32 to index
        %get3A_1396 = arith.constant 16 : index
        %get3A_1397 = tpu.vector_load %arg11[%get3A_1395, %get3A_1396] {strides = array<i32>} : memref<104x128xf32, #tpu.memory_space<vmem>>, vector<16xf32>,
        %mul3A_1398 = arith.mulf %gather3A_1325, %get3A_1397 : vector<16xf32>
        %add3A_1399 = arith.addf %add3A_1301, %mul3A_1398 : vector<16xf32>
        %mul3A_1400 = arith.constant 2 : i32
        %mul3A_1401 = arith.muli %mul3A_1400, %add3A_1323 : i32
        %add3A_1402 = arith.constant 1 : i32
        %add3A_1403 = arith.addi %mul3A_1401, %add3A_1402 : i32
        %get3A_1404 = arith.index_cast %add3A_1403 : i32 to index
        %get3A_1405 = arith.constant 32 : index
        %get3A_1406 = tpu.vector_load %arg11[%get3A_1404, %get3A_1405] {strides = array<i32>} : memref<104x128xf32, #tpu.memory_space<vmem>>, vector<16xf32>,
        %mul3A_1407 = arith.mulf %gather3A_1325, %get3A_1406 : vector<16xf32>
        %add3A_1408 = arith.addf %add3A_1310, %mul3A_1407 : vector<16xf32>
        %mul3A_1409 = arith.constant 2 : i32
        %mul3A_1410 = arith.muli %mul3A_1409, %add3A_1323 : i32
        %add3A_1411 = arith.constant 1 : i32
        %add3A_1412 = arith.addi %mul3A_1410, %add3A_1411 : i32
        %get3A_1413 = arith.index_cast %add3A_1412 : i32 to index
        %get3A_1414 = arith.constant 48 : index
        %get3A_1415 = tpu.vector_load %arg11[%get3A_1413, %get3A_1414] {strides = array<i32>} : memref<104x128xf32, #tpu.memory_space<vmem>>, vector<16xf32>,
        %mul3A_1416 = arith.mulf %gather3A_1325, %get3A_1415 : vector<16xf32>
        %add3A_1417 = arith.addf %add3A_1319, %mul3A_1416 : vector<16xf32>
        %mul3A_1418 = arith.constant 7 : i32
        %mul3A_1419 = arith.muli %scan3A_1111, %mul3A_1418 : i32
        %add3A_1420 = arith.constant 3 : i32
        %add3A_1421 = arith.addi %mul3A_1419, %add3A_1420 : i32
        %broadcast_in_dim3A_1422 = vector.broadcast %add3A_1421 : i32 to vector<16xi32>
        %gather3A_1423 = tpu.vector_load_idx %arg14[%broadcast_in_dim3A_1422] : memref<64xf32, #tpu.memory_space<vmem>>[vector<16xi32>], vector<16xf32>,
        %mul3A_1424 = arith.constant 2 : i32
        %mul3A_1425 = arith.muli %mul3A_1424, %add3A_1421 : i32
        %get3A_1426 = arith.index_cast %mul3A_1425 : i32 to index
        %get3A_1427 = arith.constant 0 : index
        %get3A_1428 = tpu.vector_load %arg11[%get3A_1426, %get3A_1427] {strides = array<i32>} : memref<104x128xf32, #tpu.memory_space<vmem>>, vector<16xf32>,
        %mul3A_1429 = arith.mulf %gather3A_1423, %get3A_1428 : vector<16xf32>
        %add3A_1430 = arith.addf %add3A_1332, %mul3A_1429 : vector<16xf32>
        %mul3A_1431 = arith.constant 2 : i32
        %mul3A_1432 = arith.muli %mul3A_1431, %add3A_1421 : i32
        %get3A_1433 = arith.index_cast %mul3A_1432 : i32 to index
        %get3A_1434 = arith.constant 16 : index
        %get3A_1435 = tpu.vector_load %arg11[%get3A_1433, %get3A_1434] {strides = array<i32>} : memref<104x128xf32, #tpu.memory_space<vmem>>, vector<16xf32>,
        %mul3A_1436 = arith.mulf %gather3A_1423, %get3A_1435 : vector<16xf32>
        %add3A_1437 = arith.addf %add3A_1339, %mul3A_1436 : vector<16xf32>
        %mul3A_1438 = arith.constant 2 : i32
        %mul3A_1439 = arith.muli %mul3A_1438, %add3A_1421 : i32
        %get3A_1440 = arith.index_cast %mul3A_1439 : i32 to index
        %get3A_1441 = arith.constant 32 : index
        %get3A_1442 = tpu.vector_load %arg11[%get3A_1440, %get3A_1441] {strides = array<i32>} : memref<104x128xf32, #tpu.memory_space<vmem>>, vector<16xf32>,
        %mul3A_1443 = arith.mulf %gather3A_1423, %get3A_1442 : vector<16xf32>
        %add3A_1444 = arith.addf %add3A_1346, %mul3A_1443 : vector<16xf32>
        %mul3A_1445 = arith.constant 2 : i32
        %mul3A_1446 = arith.muli %mul3A_1445, %add3A_1421 : i32
        %get3A_1447 = arith.index_cast %mul3A_1446 : i32 to index
        %get3A_1448 = arith.constant 48 : index
        %get3A_1449 = tpu.vector_load %arg11[%get3A_1447, %get3A_1448] {strides = array<i32>} : memref<104x128xf32, #tpu.memory_space<vmem>>, vector<16xf32>,
        %mul3A_1450 = arith.mulf %gather3A_1423, %get3A_1449 : vector<16xf32>
        %add3A_1451 = arith.addf %add3A_1353, %mul3A_1450 : vector<16xf32>
        %mul3A_1452 = arith.constant 2 : i32
        %mul3A_1453 = arith.muli %mul3A_1452, %add3A_1421 : i32
        %get3A_1454 = arith.index_cast %mul3A_1453 : i32 to index
        %get3A_1455 = arith.constant 64 : index
        %get3A_1456 = tpu.vector_load %arg11[%get3A_1454, %get3A_1455] {strides = array<i32>} : memref<104x128xf32, #tpu.memory_space<vmem>>, vector<16xf32>,
        %mul3A_1457 = arith.mulf %gather3A_1423, %get3A_1456 : vector<16xf32>
        %add3A_1458 = arith.addf %add3A_1360, %mul3A_1457 : vector<16xf32>
        %mul3A_1459 = arith.constant 2 : i32
        %mul3A_1460 = arith.muli %mul3A_1459, %add3A_1421 : i32
        %get3A_1461 = arith.index_cast %mul3A_1460 : i32 to index
        %get3A_1462 = arith.constant 80 : index
        %get3A_1463 = tpu.vector_load %arg11[%get3A_1461, %get3A_1462] {strides = array<i32>} : memref<104x128xf32, #tpu.memory_space<vmem>>, vector<16xf32>,
        %mul3A_1464 = arith.mulf %gather3A_1423, %get3A_1463 : vector<16xf32>
        %add3A_1465 = arith.addf %add3A_1367, %mul3A_1464 : vector<16xf32>
        %mul3A_1466 = arith.constant 2 : i32
        %mul3A_1467 = arith.muli %mul3A_1466, %add3A_1421 : i32
        %get3A_1468 = arith.index_cast %mul3A_1467 : i32 to index
        %get3A_1469 = arith.constant 96 : index
        %get3A_1470 = tpu.vector_load %arg11[%get3A_1468, %get3A_1469] {strides = array<i32>} : memref<104x128xf32, #tpu.memory_space<vmem>>, vector<16xf32>,
        %mul3A_1471 = arith.mulf %gather3A_1423, %get3A_1470 : vector<16xf32>
        %add3A_1472 = arith.addf %add3A_1374, %mul3A_1471 : vector<16xf32>
        %mul3A_1473 = arith.constant 2 : i32
        %mul3A_1474 = arith.muli %mul3A_1473, %add3A_1421 : i32
        %get3A_1475 = arith.index_cast %mul3A_1474 : i32 to index
        %get3A_1476 = arith.constant 112 : index
        %get3A_1477 = tpu.vector_load %arg11[%get3A_1475, %get3A_1476] {strides = array<i32>} : memref<104x128xf32, #tpu.memory_space<vmem>>, vector<16xf32>,
        %mul3A_1478 = arith.mulf %gather3A_1423, %get3A_1477 : vector<16xf32>
        %add3A_1479 = arith.addf %add3A_1381, %mul3A_1478 : vector<16xf32>
        %mul3A_1480 = arith.constant 2 : i32
        %mul3A_1481 = arith.muli %mul3A_1480, %add3A_1421 : i32
        %add3A_1482 = arith.constant 1 : i32
        %add3A_1483 = arith.addi %mul3A_1481, %add3A_1482 : i32
        %get3A_1484 = arith.index_cast %add3A_1483 : i32 to index
        %get3A_1485 = arith.constant 0 : index
        %get3A_1486 = tpu.vector_load %arg11[%get3A_1484, %get3A_1485] {strides = array<i32>} : memref<104x128xf32, #tpu.memory_space<vmem>>, vector<16xf32>,
        %mul3A_1487 = arith.mulf %gather3A_1423, %get3A_1486 : vector<16xf32>
        %add3A_1488 = arith.addf %add3A_1390, %mul3A_1487 : vector<16xf32>
        %mul3A_1489 = arith.constant 2 : i32
        %mul3A_1490 = arith.muli %mul3A_1489, %add3A_1421 : i32
        %add3A_1491 = arith.constant 1 : i32
        %add3A_1492 = arith.addi %mul3A_1490, %add3A_1491 : i32
        %get3A_1493 = arith.index_cast %add3A_1492 : i32 to index
        %get3A_1494 = arith.constant 16 : index
        %get3A_1495 = tpu.vector_load %arg11[%get3A_1493, %get3A_1494] {strides = array<i32>} : memref<104x128xf32, #tpu.memory_space<vmem>>, vector<16xf32>,
        %mul3A_1496 = arith.mulf %gather3A_1423, %get3A_1495 : vector<16xf32>
        %add3A_1497 = arith.addf %add3A_1399, %mul3A_1496 : vector<16xf32>
        %mul3A_1498 = arith.constant 2 : i32
        %mul3A_1499 = arith.muli %mul3A_1498, %add3A_1421 : i32
        %add3A_1500 = arith.constant 1 : i32
        %add3A_1501 = arith.addi %mul3A_1499, %add3A_1500 : i32
        %get3A_1502 = arith.index_cast %add3A_1501 : i32 to index
        %get3A_1503 = arith.constant 32 : index
        %get3A_1504 = tpu.vector_load %arg11[%get3A_1502, %get3A_1503] {strides = array<i32>} : memref<104x128xf32, #tpu.memory_space<vmem>>, vector<16xf32>,
        %mul3A_1505 = arith.mulf %gather3A_1423, %get3A_1504 : vector<16xf32>
        %add3A_1506 = arith.addf %add3A_1408, %mul3A_1505 : vector<16xf32>
        %mul3A_1507 = arith.constant 2 : i32
        %mul3A_1508 = arith.muli %mul3A_1507, %add3A_1421 : i32
        %add3A_1509 = arith.constant 1 : i32
        %add3A_1510 = arith.addi %mul3A_1508, %add3A_1509 : i32
        %get3A_1511 = arith.index_cast %add3A_1510 : i32 to index
        %get3A_1512 = arith.constant 48 : index
        %get3A_1513 = tpu.vector_load %arg11[%get3A_1511, %get3A_1512] {strides = array<i32>} : memref<104x128xf32, #tpu.memory_space<vmem>>, vector<16xf32>,
        %mul3A_1514 = arith.mulf %gather3A_1423, %get3A_1513 : vector<16xf32>
        %add3A_1515 = arith.addf %add3A_1417, %mul3A_1514 : vector<16xf32>
        %mul3A_1516 = arith.constant 7 : i32
        %mul3A_1517 = arith.muli %scan3A_1111, %mul3A_1516 : i32
        %add3A_1518 = arith.constant 4 : i32
        %add3A_1519 = arith.addi %mul3A_1517, %add3A_1518 : i32
        %broadcast_in_dim3A_1520 = vector.broadcast %add3A_1519 : i32 to vector<16xi32>
        %gather3A_1521 = tpu.vector_load_idx %arg14[%broadcast_in_dim3A_1520] : memref<64xf32, #tpu.memory_space<vmem>>[vector<16xi32>], vector<16xf32>,
        %mul3A_1522 = arith.constant 2 : i32
        %mul3A_1523 = arith.muli %mul3A_1522, %add3A_1519 : i32
        %get3A_1524 = arith.index_cast %mul3A_1523 : i32 to index
        %get3A_1525 = arith.constant 0 : index
        %get3A_1526 = tpu.vector_load %arg11[%get3A_1524, %get3A_1525] {strides = array<i32>} : memref<104x128xf32, #tpu.memory_space<vmem>>, vector<16xf32>,
        %mul3A_1527 = arith.mulf %gather3A_1521, %get3A_1526 : vector<16xf32>
        %add3A_1528 = arith.addf %add3A_1430, %mul3A_1527 : vector<16xf32>
        %mul3A_1529 = arith.constant 2 : i32
        %mul3A_1530 = arith.muli %mul3A_1529, %add3A_1519 : i32
        %get3A_1531 = arith.index_cast %mul3A_1530 : i32 to index
        %get3A_1532 = arith.constant 16 : index
        %get3A_1533 = tpu.vector_load %arg11[%get3A_1531, %get3A_1532] {strides = array<i32>} : memref<104x128xf32, #tpu.memory_space<vmem>>, vector<16xf32>,
        %mul3A_1534 = arith.mulf %gather3A_1521, %get3A_1533 : vector<16xf32>
        %add3A_1535 = arith.addf %add3A_1437, %mul3A_1534 : vector<16xf32>
        %mul3A_1536 = arith.constant 2 : i32
        %mul3A_1537 = arith.muli %mul3A_1536, %add3A_1519 : i32
        %get3A_1538 = arith.index_cast %mul3A_1537 : i32 to index
        %get3A_1539 = arith.constant 32 : index
        %get3A_1540 = tpu.vector_load %arg11[%get3A_1538, %get3A_1539] {strides = array<i32>} : memref<104x128xf32, #tpu.memory_space<vmem>>, vector<16xf32>,
        %mul3A_1541 = arith.mulf %gather3A_1521, %get3A_1540 : vector<16xf32>
        %add3A_1542 = arith.addf %add3A_1444, %mul3A_1541 : vector<16xf32>
        %mul3A_1543 = arith.constant 2 : i32
        %mul3A_1544 = arith.muli %mul3A_1543, %add3A_1519 : i32
        %get3A_1545 = arith.index_cast %mul3A_1544 : i32 to index
        %get3A_1546 = arith.constant 48 : index
        %get3A_1547 = tpu.vector_load %arg11[%get3A_1545, %get3A_1546] {strides = array<i32>} : memref<104x128xf32, #tpu.memory_space<vmem>>, vector<16xf32>,
        %mul3A_1548 = arith.mulf %gather3A_1521, %get3A_1547 : vector<16xf32>
        %add3A_1549 = arith.addf %add3A_1451, %mul3A_1548 : vector<16xf32>
        %mul3A_1550 = arith.constant 2 : i32
        %mul3A_1551 = arith.muli %mul3A_1550, %add3A_1519 : i32
        %get3A_1552 = arith.index_cast %mul3A_1551 : i32 to index
        %get3A_1553 = arith.constant 64 : index
        %get3A_1554 = tpu.vector_load %arg11[%get3A_1552, %get3A_1553] {strides = array<i32>} : memref<104x128xf32, #tpu.memory_space<vmem>>, vector<16xf32>,
        %mul3A_1555 = arith.mulf %gather3A_1521, %get3A_1554 : vector<16xf32>
        %add3A_1556 = arith.addf %add3A_1458, %mul3A_1555 : vector<16xf32>
        %mul3A_1557 = arith.constant 2 : i32
        %mul3A_1558 = arith.muli %mul3A_1557, %add3A_1519 : i32
        %get3A_1559 = arith.index_cast %mul3A_1558 : i32 to index
        %get3A_1560 = arith.constant 80 : index
        %get3A_1561 = tpu.vector_load %arg11[%get3A_1559, %get3A_1560] {strides = array<i32>} : memref<104x128xf32, #tpu.memory_space<vmem>>, vector<16xf32>,
        %mul3A_1562 = arith.mulf %gather3A_1521, %get3A_1561 : vector<16xf32>
        %add3A_1563 = arith.addf %add3A_1465, %mul3A_1562 : vector<16xf32>
        %mul3A_1564 = arith.constant 2 : i32
        %mul3A_1565 = arith.muli %mul3A_1564, %add3A_1519 : i32
        %get3A_1566 = arith.index_cast %mul3A_1565 : i32 to index
        %get3A_1567 = arith.constant 96 : index
        %get3A_1568 = tpu.vector_load %arg11[%get3A_1566, %get3A_1567] {strides = array<i32>} : memref<104x128xf32, #tpu.memory_space<vmem>>, vector<16xf32>,
        %mul3A_1569 = arith.mulf %gather3A_1521, %get3A_1568 : vector<16xf32>
        %add3A_1570 = arith.addf %add3A_1472, %mul3A_1569 : vector<16xf32>
        %mul3A_1571 = arith.constant 2 : i32
        %mul3A_1572 = arith.muli %mul3A_1571, %add3A_1519 : i32
        %get3A_1573 = arith.index_cast %mul3A_1572 : i32 to index
        %get3A_1574 = arith.constant 112 : index
        %get3A_1575 = tpu.vector_load %arg11[%get3A_1573, %get3A_1574] {strides = array<i32>} : memref<104x128xf32, #tpu.memory_space<vmem>>, vector<16xf32>,
        %mul3A_1576 = arith.mulf %gather3A_1521, %get3A_1575 : vector<16xf32>
        %add3A_1577 = arith.addf %add3A_1479, %mul3A_1576 : vector<16xf32>
        %mul3A_1578 = arith.constant 2 : i32
        %mul3A_1579 = arith.muli %mul3A_1578, %add3A_1519 : i32
        %add3A_1580 = arith.constant 1 : i32
        %add3A_1581 = arith.addi %mul3A_1579, %add3A_1580 : i32
        %get3A_1582 = arith.index_cast %add3A_1581 : i32 to index
        %get3A_1583 = arith.constant 0 : index
        %get3A_1584 = tpu.vector_load %arg11[%get3A_1582, %get3A_1583] {strides = array<i32>} : memref<104x128xf32, #tpu.memory_space<vmem>>, vector<16xf32>,
        %mul3A_1585 = arith.mulf %gather3A_1521, %get3A_1584 : vector<16xf32>
        %add3A_1586 = arith.addf %add3A_1488, %mul3A_1585 : vector<16xf32>
        %mul3A_1587 = arith.constant 2 : i32
        %mul3A_1588 = arith.muli %mul3A_1587, %add3A_1519 : i32
        %add3A_1589 = arith.constant 1 : i32
        %add3A_1590 = arith.addi %mul3A_1588, %add3A_1589 : i32
        %get3A_1591 = arith.index_cast %add3A_1590 : i32 to index
        %get3A_1592 = arith.constant 16 : index
        %get3A_1593 = tpu.vector_load %arg11[%get3A_1591, %get3A_1592] {strides = array<i32>} : memref<104x128xf32, #tpu.memory_space<vmem>>, vector<16xf32>,
        %mul3A_1594 = arith.mulf %gather3A_1521, %get3A_1593 : vector<16xf32>
        %add3A_1595 = arith.addf %add3A_1497, %mul3A_1594 : vector<16xf32>
        %mul3A_1596 = arith.constant 2 : i32
        %mul3A_1597 = arith.muli %mul3A_1596, %add3A_1519 : i32
        %add3A_1598 = arith.constant 1 : i32
        %add3A_1599 = arith.addi %mul3A_1597, %add3A_1598 : i32
        %get3A_1600 = arith.index_cast %add3A_1599 : i32 to index
        %get3A_1601 = arith.constant 32 : index
        %get3A_1602 = tpu.vector_load %arg11[%get3A_1600, %get3A_1601] {strides = array<i32>} : memref<104x128xf32, #tpu.memory_space<vmem>>, vector<16xf32>,
        %mul3A_1603 = arith.mulf %gather3A_1521, %get3A_1602 : vector<16xf32>
        %add3A_1604 = arith.addf %add3A_1506, %mul3A_1603 : vector<16xf32>
        %mul3A_1605 = arith.constant 2 : i32
        %mul3A_1606 = arith.muli %mul3A_1605, %add3A_1519 : i32
        %add3A_1607 = arith.constant 1 : i32
        %add3A_1608 = arith.addi %mul3A_1606, %add3A_1607 : i32
        %get3A_1609 = arith.index_cast %add3A_1608 : i32 to index
        %get3A_1610 = arith.constant 48 : index
        %get3A_1611 = tpu.vector_load %arg11[%get3A_1609, %get3A_1610] {strides = array<i32>} : memref<104x128xf32, #tpu.memory_space<vmem>>, vector<16xf32>,
        %mul3A_1612 = arith.mulf %gather3A_1521, %get3A_1611 : vector<16xf32>
        %add3A_1613 = arith.addf %add3A_1515, %mul3A_1612 : vector<16xf32>
        %mul3A_1614 = arith.constant 7 : i32
        %mul3A_1615 = arith.muli %scan3A_1111, %mul3A_1614 : i32
        %add3A_1616 = arith.constant 5 : i32
        %add3A_1617 = arith.addi %mul3A_1615, %add3A_1616 : i32
        %broadcast_in_dim3A_1618 = vector.broadcast %add3A_1617 : i32 to vector<16xi32>
        %gather3A_1619 = tpu.vector_load_idx %arg14[%broadcast_in_dim3A_1618] : memref<64xf32, #tpu.memory_space<vmem>>[vector<16xi32>], vector<16xf32>,
        %mul3A_1620 = arith.constant 2 : i32
        %mul3A_1621 = arith.muli %mul3A_1620, %add3A_1617 : i32
        %get3A_1622 = arith.index_cast %mul3A_1621 : i32 to index
        %get3A_1623 = arith.constant 0 : index
        %get3A_1624 = tpu.vector_load %arg11[%get3A_1622, %get3A_1623] {strides = array<i32>} : memref<104x128xf32, #tpu.memory_space<vmem>>, vector<16xf32>,
        %mul3A_1625 = arith.mulf %gather3A_1619, %get3A_1624 : vector<16xf32>
        %add3A_1626 = arith.addf %add3A_1528, %mul3A_1625 : vector<16xf32>
        %mul3A_1627 = arith.constant 2 : i32
        %mul3A_1628 = arith.muli %mul3A_1627, %add3A_1617 : i32
        %get3A_1629 = arith.index_cast %mul3A_1628 : i32 to index
        %get3A_1630 = arith.constant 16 : index
        %get3A_1631 = tpu.vector_load %arg11[%get3A_1629, %get3A_1630] {strides = array<i32>} : memref<104x128xf32, #tpu.memory_space<vmem>>, vector<16xf32>,
        %mul3A_1632 = arith.mulf %gather3A_1619, %get3A_1631 : vector<16xf32>
        %add3A_1633 = arith.addf %add3A_1535, %mul3A_1632 : vector<16xf32>
        %mul3A_1634 = arith.constant 2 : i32
        %mul3A_1635 = arith.muli %mul3A_1634, %add3A_1617 : i32
        %get3A_1636 = arith.index_cast %mul3A_1635 : i32 to index
        %get3A_1637 = arith.constant 32 : index
        %get3A_1638 = tpu.vector_load %arg11[%get3A_1636, %get3A_1637] {strides = array<i32>} : memref<104x128xf32, #tpu.memory_space<vmem>>, vector<16xf32>,
        %mul3A_1639 = arith.mulf %gather3A_1619, %get3A_1638 : vector<16xf32>
        %add3A_1640 = arith.addf %add3A_1542, %mul3A_1639 : vector<16xf32>
        %mul3A_1641 = arith.constant 2 : i32
        %mul3A_1642 = arith.muli %mul3A_1641, %add3A_1617 : i32
        %get3A_1643 = arith.index_cast %mul3A_1642 : i32 to index
        %get3A_1644 = arith.constant 48 : index
        %get3A_1645 = tpu.vector_load %arg11[%get3A_1643, %get3A_1644] {strides = array<i32>} : memref<104x128xf32, #tpu.memory_space<vmem>>, vector<16xf32>,
        %mul3A_1646 = arith.mulf %gather3A_1619, %get3A_1645 : vector<16xf32>
        %add3A_1647 = arith.addf %add3A_1549, %mul3A_1646 : vector<16xf32>
        %mul3A_1648 = arith.constant 2 : i32
        %mul3A_1649 = arith.muli %mul3A_1648, %add3A_1617 : i32
        %get3A_1650 = arith.index_cast %mul3A_1649 : i32 to index
        %get3A_1651 = arith.constant 64 : index
        %get3A_1652 = tpu.vector_load %arg11[%get3A_1650, %get3A_1651] {strides = array<i32>} : memref<104x128xf32, #tpu.memory_space<vmem>>, vector<16xf32>,
        %mul3A_1653 = arith.mulf %gather3A_1619, %get3A_1652 : vector<16xf32>
        %add3A_1654 = arith.addf %add3A_1556, %mul3A_1653 : vector<16xf32>
        %mul3A_1655 = arith.constant 2 : i32
        %mul3A_1656 = arith.muli %mul3A_1655, %add3A_1617 : i32
        %get3A_1657 = arith.index_cast %mul3A_1656 : i32 to index
        %get3A_1658 = arith.constant 80 : index
        %get3A_1659 = tpu.vector_load %arg11[%get3A_1657, %get3A_1658] {strides = array<i32>} : memref<104x128xf32, #tpu.memory_space<vmem>>, vector<16xf32>,
        %mul3A_1660 = arith.mulf %gather3A_1619, %get3A_1659 : vector<16xf32>
        %add3A_1661 = arith.addf %add3A_1563, %mul3A_1660 : vector<16xf32>
        %mul3A_1662 = arith.constant 2 : i32
        %mul3A_1663 = arith.muli %mul3A_1662, %add3A_1617 : i32
        %get3A_1664 = arith.index_cast %mul3A_1663 : i32 to index
        %get3A_1665 = arith.constant 96 : index
        %get3A_1666 = tpu.vector_load %arg11[%get3A_1664, %get3A_1665] {strides = array<i32>} : memref<104x128xf32, #tpu.memory_space<vmem>>, vector<16xf32>,
        %mul3A_1667 = arith.mulf %gather3A_1619, %get3A_1666 : vector<16xf32>
        %add3A_1668 = arith.addf %add3A_1570, %mul3A_1667 : vector<16xf32>
        %mul3A_1669 = arith.constant 2 : i32
        %mul3A_1670 = arith.muli %mul3A_1669, %add3A_1617 : i32
        %get3A_1671 = arith.index_cast %mul3A_1670 : i32 to index
        %get3A_1672 = arith.constant 112 : index
        %get3A_1673 = tpu.vector_load %arg11[%get3A_1671, %get3A_1672] {strides = array<i32>} : memref<104x128xf32, #tpu.memory_space<vmem>>, vector<16xf32>,
        %mul3A_1674 = arith.mulf %gather3A_1619, %get3A_1673 : vector<16xf32>
        %add3A_1675 = arith.addf %add3A_1577, %mul3A_1674 : vector<16xf32>
        %mul3A_1676 = arith.constant 2 : i32
        %mul3A_1677 = arith.muli %mul3A_1676, %add3A_1617 : i32
        %add3A_1678 = arith.constant 1 : i32
        %add3A_1679 = arith.addi %mul3A_1677, %add3A_1678 : i32
        %get3A_1680 = arith.index_cast %add3A_1679 : i32 to index
        %get3A_1681 = arith.constant 0 : index
        %get3A_1682 = tpu.vector_load %arg11[%get3A_1680, %get3A_1681] {strides = array<i32>} : memref<104x128xf32, #tpu.memory_space<vmem>>, vector<16xf32>,
        %mul3A_1683 = arith.mulf %gather3A_1619, %get3A_1682 : vector<16xf32>
        %add3A_1684 = arith.addf %add3A_1586, %mul3A_1683 : vector<16xf32>
        %mul3A_1685 = arith.constant 2 : i32
        %mul3A_1686 = arith.muli %mul3A_1685, %add3A_1617 : i32
        %add3A_1687 = arith.constant 1 : i32
        %add3A_1688 = arith.addi %mul3A_1686, %add3A_1687 : i32
        %get3A_1689 = arith.index_cast %add3A_1688 : i32 to index
        %get3A_1690 = arith.constant 16 : index
        %get3A_1691 = tpu.vector_load %arg11[%get3A_1689, %get3A_1690] {strides = array<i32>} : memref<104x128xf32, #tpu.memory_space<vmem>>, vector<16xf32>,
        %mul3A_1692 = arith.mulf %gather3A_1619, %get3A_1691 : vector<16xf32>
        %add3A_1693 = arith.addf %add3A_1595, %mul3A_1692 : vector<16xf32>
        %mul3A_1694 = arith.constant 2 : i32
        %mul3A_1695 = arith.muli %mul3A_1694, %add3A_1617 : i32
        %add3A_1696 = arith.constant 1 : i32
        %add3A_1697 = arith.addi %mul3A_1695, %add3A_1696 : i32
        %get3A_1698 = arith.index_cast %add3A_1697 : i32 to index
        %get3A_1699 = arith.constant 32 : index
        %get3A_1700 = tpu.vector_load %arg11[%get3A_1698, %get3A_1699] {strides = array<i32>} : memref<104x128xf32, #tpu.memory_space<vmem>>, vector<16xf32>,
        %mul3A_1701 = arith.mulf %gather3A_1619, %get3A_1700 : vector<16xf32>
        %add3A_1702 = arith.addf %add3A_1604, %mul3A_1701 : vector<16xf32>
        %mul3A_1703 = arith.constant 2 : i32
        %mul3A_1704 = arith.muli %mul3A_1703, %add3A_1617 : i32
        %add3A_1705 = arith.constant 1 : i32
        %add3A_1706 = arith.addi %mul3A_1704, %add3A_1705 : i32
        %get3A_1707 = arith.index_cast %add3A_1706 : i32 to index
        %get3A_1708 = arith.constant 48 : index
        %get3A_1709 = tpu.vector_load %arg11[%get3A_1707, %get3A_1708] {strides = array<i32>} : memref<104x128xf32, #tpu.memory_space<vmem>>, vector<16xf32>,
        %mul3A_1710 = arith.mulf %gather3A_1619, %get3A_1709 : vector<16xf32>
        %add3A_1711 = arith.addf %add3A_1613, %mul3A_1710 : vector<16xf32>
        %mul3A_1712 = arith.constant 7 : i32
        %mul3A_1713 = arith.muli %scan3A_1111, %mul3A_1712 : i32
        %add3A_1714 = arith.constant 6 : i32
        %add3A_1715 = arith.addi %mul3A_1713, %add3A_1714 : i32
        %broadcast_in_dim3A_1716 = vector.broadcast %add3A_1715 : i32 to vector<16xi32>
        %gather3A_1717 = tpu.vector_load_idx %arg14[%broadcast_in_dim3A_1716] : memref<64xf32, #tpu.memory_space<vmem>>[vector<16xi32>], vector<16xf32>,
        %mul3A_1718 = arith.constant 2 : i32
        %mul3A_1719 = arith.muli %mul3A_1718, %add3A_1715 : i32
        %get3A_1720 = arith.index_cast %mul3A_1719 : i32 to index
        %get3A_1721 = arith.constant 0 : index
        %get3A_1722 = tpu.vector_load %arg11[%get3A_1720, %get3A_1721] {strides = array<i32>} : memref<104x128xf32, #tpu.memory_space<vmem>>, vector<16xf32>,
        %mul3A_1723 = arith.mulf %gather3A_1717, %get3A_1722 : vector<16xf32>
        %add3A_1724 = arith.addf %add3A_1626, %mul3A_1723 : vector<16xf32>
        %mul3A_1725 = arith.constant 2 : i32
        %mul3A_1726 = arith.muli %mul3A_1725, %add3A_1715 : i32
        %get3A_1727 = arith.index_cast %mul3A_1726 : i32 to index
        %get3A_1728 = arith.constant 16 : index
        %get3A_1729 = tpu.vector_load %arg11[%get3A_1727, %get3A_1728] {strides = array<i32>} : memref<104x128xf32, #tpu.memory_space<vmem>>, vector<16xf32>,
        %mul3A_1730 = arith.mulf %gather3A_1717, %get3A_1729 : vector<16xf32>
        %add3A_1731 = arith.addf %add3A_1633, %mul3A_1730 : vector<16xf32>
        %mul3A_1732 = arith.constant 2 : i32
        %mul3A_1733 = arith.muli %mul3A_1732, %add3A_1715 : i32
        %get3A_1734 = arith.index_cast %mul3A_1733 : i32 to index
        %get3A_1735 = arith.constant 32 : index
        %get3A_1736 = tpu.vector_load %arg11[%get3A_1734, %get3A_1735] {strides = array<i32>} : memref<104x128xf32, #tpu.memory_space<vmem>>, vector<16xf32>,
        %mul3A_1737 = arith.mulf %gather3A_1717, %get3A_1736 : vector<16xf32>
        %add3A_1738 = arith.addf %add3A_1640, %mul3A_1737 : vector<16xf32>
        %mul3A_1739 = arith.constant 2 : i32
        %mul3A_1740 = arith.muli %mul3A_1739, %add3A_1715 : i32
        %get3A_1741 = arith.index_cast %mul3A_1740 : i32 to index
        %get3A_1742 = arith.constant 48 : index
        %get3A_1743 = tpu.vector_load %arg11[%get3A_1741, %get3A_1742] {strides = array<i32>} : memref<104x128xf32, #tpu.memory_space<vmem>>, vector<16xf32>,
        %mul3A_1744 = arith.mulf %gather3A_1717, %get3A_1743 : vector<16xf32>
        %add3A_1745 = arith.addf %add3A_1647, %mul3A_1744 : vector<16xf32>
        %mul3A_1746 = arith.constant 2 : i32
        %mul3A_1747 = arith.muli %mul3A_1746, %add3A_1715 : i32
        %get3A_1748 = arith.index_cast %mul3A_1747 : i32 to index
        %get3A_1749 = arith.constant 64 : index
        %get3A_1750 = tpu.vector_load %arg11[%get3A_1748, %get3A_1749] {strides = array<i32>} : memref<104x128xf32, #tpu.memory_space<vmem>>, vector<16xf32>,
        %mul3A_1751 = arith.mulf %gather3A_1717, %get3A_1750 : vector<16xf32>
        %add3A_1752 = arith.addf %add3A_1654, %mul3A_1751 : vector<16xf32>
        %mul3A_1753 = arith.constant 2 : i32
        %mul3A_1754 = arith.muli %mul3A_1753, %add3A_1715 : i32
        %get3A_1755 = arith.index_cast %mul3A_1754 : i32 to index
        %get3A_1756 = arith.constant 80 : index
        %get3A_1757 = tpu.vector_load %arg11[%get3A_1755, %get3A_1756] {strides = array<i32>} : memref<104x128xf32, #tpu.memory_space<vmem>>, vector<16xf32>,
        %mul3A_1758 = arith.mulf %gather3A_1717, %get3A_1757 : vector<16xf32>
        %add3A_1759 = arith.addf %add3A_1661, %mul3A_1758 : vector<16xf32>
        %mul3A_1760 = arith.constant 2 : i32
        %mul3A_1761 = arith.muli %mul3A_1760, %add3A_1715 : i32
        %get3A_1762 = arith.index_cast %mul3A_1761 : i32 to index
        %get3A_1763 = arith.constant 96 : index
        %get3A_1764 = tpu.vector_load %arg11[%get3A_1762, %get3A_1763] {strides = array<i32>} : memref<104x128xf32, #tpu.memory_space<vmem>>, vector<16xf32>,
        %mul3A_1765 = arith.mulf %gather3A_1717, %get3A_1764 : vector<16xf32>
        %add3A_1766 = arith.addf %add3A_1668, %mul3A_1765 : vector<16xf32>
        %mul3A_1767 = arith.constant 2 : i32
        %mul3A_1768 = arith.muli %mul3A_1767, %add3A_1715 : i32
        %get3A_1769 = arith.index_cast %mul3A_1768 : i32 to index
        %get3A_1770 = arith.constant 112 : index
        %get3A_1771 = tpu.vector_load %arg11[%get3A_1769, %get3A_1770] {strides = array<i32>} : memref<104x128xf32, #tpu.memory_space<vmem>>, vector<16xf32>,
        %mul3A_1772 = arith.mulf %gather3A_1717, %get3A_1771 : vector<16xf32>
        %add3A_1773 = arith.addf %add3A_1675, %mul3A_1772 : vector<16xf32>
        %mul3A_1774 = arith.constant 2 : i32
        %mul3A_1775 = arith.muli %mul3A_1774, %add3A_1715 : i32
        %add3A_1776 = arith.constant 1 : i32
        %add3A_1777 = arith.addi %mul3A_1775, %add3A_1776 : i32
        %get3A_1778 = arith.index_cast %add3A_1777 : i32 to index
        %get3A_1779 = arith.constant 0 : index
        %get3A_1780 = tpu.vector_load %arg11[%get3A_1778, %get3A_1779] {strides = array<i32>} : memref<104x128xf32, #tpu.memory_space<vmem>>, vector<16xf32>,
        %mul3A_1781 = arith.mulf %gather3A_1717, %get3A_1780 : vector<16xf32>
        %add3A_1782 = arith.addf %add3A_1684, %mul3A_1781 : vector<16xf32>
        %mul3A_1783 = arith.constant 2 : i32
        %mul3A_1784 = arith.muli %mul3A_1783, %add3A_1715 : i32
        %add3A_1785 = arith.constant 1 : i32
        %add3A_1786 = arith.addi %mul3A_1784, %add3A_1785 : i32
        %get3A_1787 = arith.index_cast %add3A_1786 : i32 to index
        %get3A_1788 = arith.constant 16 : index
        %get3A_1789 = tpu.vector_load %arg11[%get3A_1787, %get3A_1788] {strides = array<i32>} : memref<104x128xf32, #tpu.memory_space<vmem>>, vector<16xf32>,
        %mul3A_1790 = arith.mulf %gather3A_1717, %get3A_1789 : vector<16xf32>
        %add3A_1791 = arith.addf %add3A_1693, %mul3A_1790 : vector<16xf32>
        %mul3A_1792 = arith.constant 2 : i32
        %mul3A_1793 = arith.muli %mul3A_1792, %add3A_1715 : i32
        %add3A_1794 = arith.constant 1 : i32
        %add3A_1795 = arith.addi %mul3A_1793, %add3A_1794 : i32
        %get3A_1796 = arith.index_cast %add3A_1795 : i32 to index
        %get3A_1797 = arith.constant 32 : index
        %get3A_1798 = tpu.vector_load %arg11[%get3A_1796, %get3A_1797] {strides = array<i32>} : memref<104x128xf32, #tpu.memory_space<vmem>>, vector<16xf32>,
        %mul3A_1799 = arith.mulf %gather3A_1717, %get3A_1798 : vector<16xf32>
        %add3A_1800 = arith.addf %add3A_1702, %mul3A_1799 : vector<16xf32>
        %mul3A_1801 = arith.constant 2 : i32
        %mul3A_1802 = arith.muli %mul3A_1801, %add3A_1715 : i32
        %add3A_1803 = arith.constant 1 : i32
        %add3A_1804 = arith.addi %mul3A_1802, %add3A_1803 : i32
        %get3A_1805 = arith.index_cast %add3A_1804 : i32 to index
        %get3A_1806 = arith.constant 48 : index
        %get3A_1807 = tpu.vector_load %arg11[%get3A_1805, %get3A_1806] {strides = array<i32>} : memref<104x128xf32, #tpu.memory_space<vmem>>, vector<16xf32>,
        %mul3A_1808 = arith.mulf %gather3A_1717, %get3A_1807 : vector<16xf32>
        %add3A_1809 = arith.addf %add3A_1711, %mul3A_1808 : vector<16xf32>
        scf.yield %add3A_1724, %add3A_1731, %add3A_1738, %add3A_1745, %add3A_1752, %add3A_1759, %add3A_1766, %add3A_1773, %add3A_1782, %add3A_1791, %add3A_1800, %add3A_1809 : vector<16xf32>, vector<16xf32>, vector<16xf32>, vector<16xf32>, vector<16xf32>, vector<16xf32>, vector<16xf32>, vector<16xf32>, vector<16xf32>, vector<16xf32>, vector<16xf32>, vector<16xf32>
      }
      %scan3A_536 = arith.constant 7 : i32
      %swap3A_537 = arith.index_cast %add3A_59 : i32 to index
      %swap3A_538 = arith.constant 0 : index
      %swap3A_539 = tpu.vector_load %arg10[%swap3A_537, %swap3A_538] {strides = array<i32>} : memref<64x192xf32, #tpu.memory_space<vmem>>, vector<16xf32>,
      tpu.vector_store %arg10[%swap3A_537, %swap3A_538], %scan3A_535#0 {strides = array<i32>} : memref<64x192xf32, #tpu.memory_space<vmem>>, vector<16xf32>,
      %swap3A_540 = arith.index_cast %add3A_59 : i32 to index
      %swap3A_541 = arith.constant 16 : index
      %swap3A_542 = tpu.vector_load %arg10[%swap3A_540, %swap3A_541] {strides = array<i32>} : memref<64x192xf32, #tpu.memory_space<vmem>>, vector<16xf32>,
      tpu.vector_store %arg10[%swap3A_540, %swap3A_541], %scan3A_535#1 {strides = array<i32>} : memref<64x192xf32, #tpu.memory_space<vmem>>, vector<16xf32>,
      %swap3A_543 = arith.index_cast %add3A_59 : i32 to index
      %swap3A_544 = arith.constant 32 : index
      %swap3A_545 = tpu.vector_load %arg10[%swap3A_543, %swap3A_544] {strides = array<i32>} : memref<64x192xf32, #tpu.memory_space<vmem>>, vector<16xf32>,
      tpu.vector_store %arg10[%swap3A_543, %swap3A_544], %scan3A_535#2 {strides = array<i32>} : memref<64x192xf32, #tpu.memory_space<vmem>>, vector<16xf32>,
      %swap3A_546 = arith.index_cast %add3A_59 : i32 to index
      %swap3A_547 = arith.constant 48 : index
      %swap3A_548 = tpu.vector_load %arg10[%swap3A_546, %swap3A_547] {strides = array<i32>} : memref<64x192xf32, #tpu.memory_space<vmem>>, vector<16xf32>,
      tpu.vector_store %arg10[%swap3A_546, %swap3A_547], %scan3A_535#3 {strides = array<i32>} : memref<64x192xf32, #tpu.memory_space<vmem>>, vector<16xf32>,
      %swap3A_549 = arith.index_cast %add3A_59 : i32 to index
      %swap3A_550 = arith.constant 64 : index
      %swap3A_551 = tpu.vector_load %arg10[%swap3A_549, %swap3A_550] {strides = array<i32>} : memref<64x192xf32, #tpu.memory_space<vmem>>, vector<16xf32>,
      tpu.vector_store %arg10[%swap3A_549, %swap3A_550], %scan3A_535#4 {strides = array<i32>} : memref<64x192xf32, #tpu.memory_space<vmem>>, vector<16xf32>,
      %swap3A_552 = arith.index_cast %add3A_59 : i32 to index
      %swap3A_553 = arith.constant 80 : index
      %swap3A_554 = tpu.vector_load %arg10[%swap3A_552, %swap3A_553] {strides = array<i32>} : memref<64x192xf32, #tpu.memory_space<vmem>>, vector<16xf32>,
      tpu.vector_store %arg10[%swap3A_552, %swap3A_553], %scan3A_535#5 {strides = array<i32>} : memref<64x192xf32, #tpu.memory_space<vmem>>, vector<16xf32>,
      %swap3A_555 = arith.index_cast %add3A_59 : i32 to index
      %swap3A_556 = arith.constant 96 : index
      %swap3A_557 = tpu.vector_load %arg10[%swap3A_555, %swap3A_556] {strides = array<i32>} : memref<64x192xf32, #tpu.memory_space<vmem>>, vector<16xf32>,
      tpu.vector_store %arg10[%swap3A_555, %swap3A_556], %scan3A_535#6 {strides = array<i32>} : memref<64x192xf32, #tpu.memory_space<vmem>>, vector<16xf32>,
      %swap3A_558 = arith.index_cast %add3A_59 : i32 to index
      %swap3A_559 = arith.constant 112 : index
      %swap3A_560 = tpu.vector_load %arg10[%swap3A_558, %swap3A_559] {strides = array<i32>} : memref<64x192xf32, #tpu.memory_space<vmem>>, vector<16xf32>,
      tpu.vector_store %arg10[%swap3A_558, %swap3A_559], %scan3A_535#7 {strides = array<i32>} : memref<64x192xf32, #tpu.memory_space<vmem>>, vector<16xf32>,
      %swap3A_561 = arith.index_cast %add3A_59 : i32 to index
      %swap3A_562 = arith.constant 128 : index
      %swap3A_563 = tpu.vector_load %arg10[%swap3A_561, %swap3A_562] {strides = array<i32>} : memref<64x192xf32, #tpu.memory_space<vmem>>, vector<16xf32>,
      tpu.vector_store %arg10[%swap3A_561, %swap3A_562], %scan3A_535#8 {strides = array<i32>} : memref<64x192xf32, #tpu.memory_space<vmem>>, vector<16xf32>,
      %swap3A_564 = arith.index_cast %add3A_59 : i32 to index
      %swap3A_565 = arith.constant 144 : index
      %swap3A_566 = tpu.vector_load %arg10[%swap3A_564, %swap3A_565] {strides = array<i32>} : memref<64x192xf32, #tpu.memory_space<vmem>>, vector<16xf32>,
      tpu.vector_store %arg10[%swap3A_564, %swap3A_565], %scan3A_535#9 {strides = array<i32>} : memref<64x192xf32, #tpu.memory_space<vmem>>, vector<16xf32>,
      %swap3A_567 = arith.index_cast %add3A_59 : i32 to index
      %swap3A_568 = arith.constant 160 : index
      %swap3A_569 = tpu.vector_load %arg10[%swap3A_567, %swap3A_568] {strides = array<i32>} : memref<64x192xf32, #tpu.memory_space<vmem>>, vector<16xf32>,
      tpu.vector_store %arg10[%swap3A_567, %swap3A_568], %scan3A_535#10 {strides = array<i32>} : memref<64x192xf32, #tpu.memory_space<vmem>>, vector<16xf32>,
      %swap3A_570 = arith.index_cast %add3A_59 : i32 to index
      %swap3A_571 = arith.constant 176 : index
      %swap3A_572 = tpu.vector_load %arg10[%swap3A_570, %swap3A_571] {strides = array<i32>} : memref<64x192xf32, #tpu.memory_space<vmem>>, vector<16xf32>,
      tpu.vector_store %arg10[%swap3A_570, %swap3A_571], %scan3A_535#11 {strides = array<i32>} : memref<64x192xf32, #tpu.memory_space<vmem>>, vector<16xf32>,
      %add3A_573 = arith.constant 2 : i32
      %add3A_574 = arith.addi %add3A_59, %add3A_573 : i32
      %lt3A = arith.constant 64 : i32
      %lt3A_575 = arith.cmpi slt, %add3A_574, %lt3A : i32
      %convert_element_type3A = arith.extui %lt3A_575 : i1 to i32
      %cond3A = arith.constant 0 : i32
      %cond3A_576 = arith.cmpi ne, %convert_element_type3A, %cond3A : i32
      scf.if %cond3A_576 {
        %add3A_1111 = arith.constant 2 : i32
        %add3A_1112 = arith.addi %add3A_59, %add3A_1111 : i32
        %dma_start3A_1113 = arith.constant 0 : i32
        %dma_start3A_1114 = tpu.memref_slice %arg7[%add3A_1112, %dma_start3A_1113] : memref<64x128xi32, #tpu.memory_space<vmem>> -> memref<1x104xi32, #tpu.memory_space<vmem>>
        %dma_start3A_1115 = tpu.memref_squeeze %dma_start3A_1114 : memref<1x104xi32, #tpu.memory_space<vmem>> -> memref<104xi32, #tpu.memory_space<vmem>>
        %dma_start3A_1116 = arith.constant 0 : i32
        %dma_start3A_1117 = arith.constant 0 : i32
        %dma_start3A_1118 = tpu.memref_slice %arg2[%dma_start3A_1116, %dma_start3A_1117] : memref<200704x128xf32, #tpu.memory_space<hbm>> -> memref<200704x128xf32, #tpu.memory_space<hbm>>
        tpu.enqueue_indirect_dma source(%dma_start3A_1118 : memref<200704x128xf32, #tpu.memory_space<hbm>>) target(%arg11 : memref<104x128xf32, #tpu.memory_space<vmem>>) offsets(%dma_start3A_1115 : memref<104xi32, #tpu.memory_space<vmem>>) semaphore(%arg15 : memref<!tpu.dma_semaphore, #tpu.memory_space<semaphore_mem>>)
      } else {
      }
      %mul3A_577 = arith.constant 2 : i32
      %mul3A_578 = arith.muli %mul3A_577, %scan3A_54 : i32
      %add3A_579 = arith.constant 1 : i32
      %add3A_580 = arith.addi %mul3A_578, %add3A_579 : i32
      %dma_wait3A_581 = arith.constant 0 : i32
      %dma_wait3A_582 = tpu.memref_slice %arg7[%add3A_580, %dma_wait3A_581] : memref<64x128xi32, #tpu.memory_space<vmem>> -> memref<1x104xi32, #tpu.memory_space<vmem>>
      %dma_wait3A_583 = tpu.memref_squeeze %dma_wait3A_582 : memref<1x104xi32, #tpu.memory_space<vmem>> -> memref<104xi32, #tpu.memory_space<vmem>>
      %dma_wait3A_584 = arith.constant 0 : i32
      %dma_wait3A_585 = arith.constant 0 : i32
      %dma_wait3A_586 = tpu.memref_slice %arg2[%dma_wait3A_584, %dma_wait3A_585] : memref<200704x128xf32, #tpu.memory_space<hbm>> -> memref<200704x128xf32, #tpu.memory_space<hbm>>
      tpu.wait_indirect_dma semaphore(%arg16 : memref<!tpu.dma_semaphore, #tpu.memory_space<semaphore_mem>>) src(%dma_wait3A_586 : memref<200704x128xf32, #tpu.memory_space<hbm>>) dst(%arg12 : memref<104x128xf32, #tpu.memory_space<vmem>>)
      %mul3A_587 = arith.constant 2 : i32
      %mul3A_588 = arith.muli %mul3A_587, %add3A_580 : i32
      %get3A_589 = arith.index_cast %mul3A_588 : i32 to index
      %get3A_590 = arith.constant 0 : index
      %get3A_591 = tpu.vector_load %arg9[%get3A_589, %get3A_590] {strides = array<i32>} : memref<128x128xf32, #tpu.memory_space<vmem>>, vector<16xf32>,
      %mul3A_592 = arith.constant 2 : i32
      %mul3A_593 = arith.muli %mul3A_592, %add3A_580 : i32
      %get3A_594 = arith.index_cast %mul3A_593 : i32 to index
      %get3A_595 = arith.constant 16 : index
      %get3A_596 = tpu.vector_load %arg9[%get3A_594, %get3A_595] {strides = array<i32>} : memref<128x128xf32, #tpu.memory_space<vmem>>, vector<16xf32>,
      %mul3A_597 = arith.constant 2 : i32
      %mul3A_598 = arith.muli %mul3A_597, %add3A_580 : i32
      %get3A_599 = arith.index_cast %mul3A_598 : i32 to index
      %get3A_600 = arith.constant 32 : index
      %get3A_601 = tpu.vector_load %arg9[%get3A_599, %get3A_600] {strides = array<i32>} : memref<128x128xf32, #tpu.memory_space<vmem>>, vector<16xf32>,
      %mul3A_602 = arith.constant 2 : i32
      %mul3A_603 = arith.muli %mul3A_602, %add3A_580 : i32
      %get3A_604 = arith.index_cast %mul3A_603 : i32 to index
      %get3A_605 = arith.constant 48 : index
      %get3A_606 = tpu.vector_load %arg9[%get3A_604, %get3A_605] {strides = array<i32>} : memref<128x128xf32, #tpu.memory_space<vmem>>, vector<16xf32>,
      %mul3A_607 = arith.constant 2 : i32
      %mul3A_608 = arith.muli %mul3A_607, %add3A_580 : i32
      %get3A_609 = arith.index_cast %mul3A_608 : i32 to index
      %get3A_610 = arith.constant 64 : index
      %get3A_611 = tpu.vector_load %arg9[%get3A_609, %get3A_610] {strides = array<i32>} : memref<128x128xf32, #tpu.memory_space<vmem>>, vector<16xf32>,
      %mul3A_612 = arith.constant 2 : i32
      %mul3A_613 = arith.muli %mul3A_612, %add3A_580 : i32
      %get3A_614 = arith.index_cast %mul3A_613 : i32 to index
      %get3A_615 = arith.constant 80 : index
      %get3A_616 = tpu.vector_load %arg9[%get3A_614, %get3A_615] {strides = array<i32>} : memref<128x128xf32, #tpu.memory_space<vmem>>, vector<16xf32>,
      %mul3A_617 = arith.constant 2 : i32
      %mul3A_618 = arith.muli %mul3A_617, %add3A_580 : i32
      %get3A_619 = arith.index_cast %mul3A_618 : i32 to index
      %get3A_620 = arith.constant 96 : index
      %get3A_621 = tpu.vector_load %arg9[%get3A_619, %get3A_620] {strides = array<i32>} : memref<128x128xf32, #tpu.memory_space<vmem>>, vector<16xf32>,
      %mul3A_622 = arith.constant 2 : i32
      %mul3A_623 = arith.muli %mul3A_622, %add3A_580 : i32
      %get3A_624 = arith.index_cast %mul3A_623 : i32 to index
      %get3A_625 = arith.constant 112 : index
      %get3A_626 = tpu.vector_load %arg9[%get3A_624, %get3A_625] {strides = array<i32>} : memref<128x128xf32, #tpu.memory_space<vmem>>, vector<16xf32>,
      %mul3A_627 = arith.constant 2 : i32
      %mul3A_628 = arith.muli %mul3A_627, %add3A_580 : i32
      %add3A_629 = arith.constant 1 : i32
      %add3A_630 = arith.addi %mul3A_628, %add3A_629 : i32
      %get3A_631 = arith.index_cast %add3A_630 : i32 to index
      %get3A_632 = arith.constant 0 : index
      %get3A_633 = tpu.vector_load %arg9[%get3A_631, %get3A_632] {strides = array<i32>} : memref<128x128xf32, #tpu.memory_space<vmem>>, vector<16xf32>,
      %mul3A_634 = arith.constant 2 : i32
      %mul3A_635 = arith.muli %mul3A_634, %add3A_580 : i32
      %add3A_636 = arith.constant 1 : i32
      %add3A_637 = arith.addi %mul3A_635, %add3A_636 : i32
      %get3A_638 = arith.index_cast %add3A_637 : i32 to index
      %get3A_639 = arith.constant 16 : index
      %get3A_640 = tpu.vector_load %arg9[%get3A_638, %get3A_639] {strides = array<i32>} : memref<128x128xf32, #tpu.memory_space<vmem>>, vector<16xf32>,
      %mul3A_641 = arith.constant 2 : i32
      %mul3A_642 = arith.muli %mul3A_641, %add3A_580 : i32
      %add3A_643 = arith.constant 1 : i32
      %add3A_644 = arith.addi %mul3A_642, %add3A_643 : i32
      %get3A_645 = arith.index_cast %add3A_644 : i32 to index
      %get3A_646 = arith.constant 32 : index
      %get3A_647 = tpu.vector_load %arg9[%get3A_645, %get3A_646] {strides = array<i32>} : memref<128x128xf32, #tpu.memory_space<vmem>>, vector<16xf32>,
      %mul3A_648 = arith.constant 2 : i32
      %mul3A_649 = arith.muli %mul3A_648, %add3A_580 : i32
      %add3A_650 = arith.constant 1 : i32
      %add3A_651 = arith.addi %mul3A_649, %add3A_650 : i32
      %get3A_652 = arith.index_cast %add3A_651 : i32 to index
      %get3A_653 = arith.constant 48 : index
      %get3A_654 = tpu.vector_load %arg9[%get3A_652, %get3A_653] {strides = array<i32>} : memref<128x128xf32, #tpu.memory_space<vmem>>, vector<16xf32>,
      %scan3A_655 = arith.constant 0 : i32
      %scan3A_656 = arith.constant 0 : i32
      %scan3A_657 = arith.constant 7 : i32
      %scan3A_658 = arith.addi %scan3A_656, %scan3A_657 : i32
      %scan3A_659 = arith.constant 1 : i32
      %scan3A_660 = scf.for %scan3A_1111 = %scan3A_656 to %scan3A_658 step %scan3A_659 iter_args(%scan3A_1112 = %scan3A_655) -> (i32)  : i32 {
        %mul3A_1113 = arith.constant 7 : i32
        %mul3A_1114 = arith.muli %scan3A_1111, %mul3A_1113 : i32
        %add3A_1115 = arith.constant 0 : i32
        %add3A_1116 = arith.addi %mul3A_1114, %add3A_1115 : i32
        %mul3A_1117 = arith.constant 2 : i32
        %mul3A_1118 = arith.muli %mul3A_1117, %add3A_1116 : i32
        %get3A_1119 = arith.index_cast %mul3A_1118 : i32 to index
        %get3A_1120 = arith.constant 0 : index
        %get3A_1121 = tpu.vector_load %arg12[%get3A_1119, %get3A_1120] {strides = array<i32>} : memref<104x128xf32, #tpu.memory_space<vmem>>, vector<16xf32>,
        %mul3A_1122 = arith.mulf %get3A_1121, %get3A_591 : vector<16xf32>
        %mul3A_1123 = arith.constant 2 : i32
        %mul3A_1124 = arith.muli %mul3A_1123, %add3A_1116 : i32
        %get3A_1125 = arith.index_cast %mul3A_1124 : i32 to index
        %get3A_1126 = arith.constant 16 : index
        %get3A_1127 = tpu.vector_load %arg12[%get3A_1125, %get3A_1126] {strides = array<i32>} : memref<104x128xf32, #tpu.memory_space<vmem>>, vector<16xf32>,
        %mul3A_1128 = arith.mulf %get3A_1127, %get3A_596 : vector<16xf32>
        %add3A_1129 = arith.addf %mul3A_1122, %mul3A_1128 : vector<16xf32>
        %mul3A_1130 = arith.constant 2 : i32
        %mul3A_1131 = arith.muli %mul3A_1130, %add3A_1116 : i32
        %get3A_1132 = arith.index_cast %mul3A_1131 : i32 to index
        %get3A_1133 = arith.constant 32 : index
        %get3A_1134 = tpu.vector_load %arg12[%get3A_1132, %get3A_1133] {strides = array<i32>} : memref<104x128xf32, #tpu.memory_space<vmem>>, vector<16xf32>,
        %mul3A_1135 = arith.mulf %get3A_1134, %get3A_601 : vector<16xf32>
        %add3A_1136 = arith.addf %add3A_1129, %mul3A_1135 : vector<16xf32>
        %mul3A_1137 = arith.constant 2 : i32
        %mul3A_1138 = arith.muli %mul3A_1137, %add3A_1116 : i32
        %get3A_1139 = arith.index_cast %mul3A_1138 : i32 to index
        %get3A_1140 = arith.constant 48 : index
        %get3A_1141 = tpu.vector_load %arg12[%get3A_1139, %get3A_1140] {strides = array<i32>} : memref<104x128xf32, #tpu.memory_space<vmem>>, vector<16xf32>,
        %mul3A_1142 = arith.mulf %get3A_1141, %get3A_606 : vector<16xf32>
        %add3A_1143 = arith.addf %add3A_1136, %mul3A_1142 : vector<16xf32>
        %mul3A_1144 = arith.constant 2 : i32
        %mul3A_1145 = arith.muli %mul3A_1144, %add3A_1116 : i32
        %get3A_1146 = arith.index_cast %mul3A_1145 : i32 to index
        %get3A_1147 = arith.constant 64 : index
        %get3A_1148 = tpu.vector_load %arg12[%get3A_1146, %get3A_1147] {strides = array<i32>} : memref<104x128xf32, #tpu.memory_space<vmem>>, vector<16xf32>,
        %mul3A_1149 = arith.mulf %get3A_1148, %get3A_611 : vector<16xf32>
        %add3A_1150 = arith.addf %add3A_1143, %mul3A_1149 : vector<16xf32>
        %mul3A_1151 = arith.constant 2 : i32
        %mul3A_1152 = arith.muli %mul3A_1151, %add3A_1116 : i32
        %get3A_1153 = arith.index_cast %mul3A_1152 : i32 to index
        %get3A_1154 = arith.constant 80 : index
        %get3A_1155 = tpu.vector_load %arg12[%get3A_1153, %get3A_1154] {strides = array<i32>} : memref<104x128xf32, #tpu.memory_space<vmem>>, vector<16xf32>,
        %mul3A_1156 = arith.mulf %get3A_1155, %get3A_616 : vector<16xf32>
        %add3A_1157 = arith.addf %add3A_1150, %mul3A_1156 : vector<16xf32>
        %mul3A_1158 = arith.constant 2 : i32
        %mul3A_1159 = arith.muli %mul3A_1158, %add3A_1116 : i32
        %get3A_1160 = arith.index_cast %mul3A_1159 : i32 to index
        %get3A_1161 = arith.constant 96 : index
        %get3A_1162 = tpu.vector_load %arg12[%get3A_1160, %get3A_1161] {strides = array<i32>} : memref<104x128xf32, #tpu.memory_space<vmem>>, vector<16xf32>,
        %mul3A_1163 = arith.mulf %get3A_1162, %get3A_621 : vector<16xf32>
        %add3A_1164 = arith.addf %add3A_1157, %mul3A_1163 : vector<16xf32>
        %mul3A_1165 = arith.constant 2 : i32
        %mul3A_1166 = arith.muli %mul3A_1165, %add3A_1116 : i32
        %get3A_1167 = arith.index_cast %mul3A_1166 : i32 to index
        %get3A_1168 = arith.constant 112 : index
        %get3A_1169 = tpu.vector_load %arg12[%get3A_1167, %get3A_1168] {strides = array<i32>} : memref<104x128xf32, #tpu.memory_space<vmem>>, vector<16xf32>,
        %mul3A_1170 = arith.mulf %get3A_1169, %get3A_626 : vector<16xf32>
        %add3A_1171 = arith.addf %add3A_1164, %mul3A_1170 : vector<16xf32>
        %mul3A_1172 = arith.constant 2 : i32
        %mul3A_1173 = arith.muli %mul3A_1172, %add3A_1116 : i32
        %add3A_1174 = arith.constant 1 : i32
        %add3A_1175 = arith.addi %mul3A_1173, %add3A_1174 : i32
        %get3A_1176 = arith.index_cast %add3A_1175 : i32 to index
        %get3A_1177 = arith.constant 0 : index
        %get3A_1178 = tpu.vector_load %arg12[%get3A_1176, %get3A_1177] {strides = array<i32>} : memref<104x128xf32, #tpu.memory_space<vmem>>, vector<16xf32>,
        %mul3A_1179 = arith.mulf %get3A_1178, %get3A_633 : vector<16xf32>
        %add3A_1180 = arith.addf %add3A_1171, %mul3A_1179 : vector<16xf32>
        %mul3A_1181 = arith.constant 2 : i32
        %mul3A_1182 = arith.muli %mul3A_1181, %add3A_1116 : i32
        %add3A_1183 = arith.constant 1 : i32
        %add3A_1184 = arith.addi %mul3A_1182, %add3A_1183 : i32
        %get3A_1185 = arith.index_cast %add3A_1184 : i32 to index
        %get3A_1186 = arith.constant 16 : index
        %get3A_1187 = tpu.vector_load %arg12[%get3A_1185, %get3A_1186] {strides = array<i32>} : memref<104x128xf32, #tpu.memory_space<vmem>>, vector<16xf32>,
        %mul3A_1188 = arith.mulf %get3A_1187, %get3A_640 : vector<16xf32>
        %add3A_1189 = arith.addf %add3A_1180, %mul3A_1188 : vector<16xf32>
        %mul3A_1190 = arith.constant 2 : i32
        %mul3A_1191 = arith.muli %mul3A_1190, %add3A_1116 : i32
        %add3A_1192 = arith.constant 1 : i32
        %add3A_1193 = arith.addi %mul3A_1191, %add3A_1192 : i32
        %get3A_1194 = arith.index_cast %add3A_1193 : i32 to index
        %get3A_1195 = arith.constant 32 : index
        %get3A_1196 = tpu.vector_load %arg12[%get3A_1194, %get3A_1195] {strides = array<i32>} : memref<104x128xf32, #tpu.memory_space<vmem>>, vector<16xf32>,
        %mul3A_1197 = arith.mulf %get3A_1196, %get3A_647 : vector<16xf32>
        %add3A_1198 = arith.addf %add3A_1189, %mul3A_1197 : vector<16xf32>
        %mul3A_1199 = arith.constant 2 : i32
        %mul3A_1200 = arith.muli %mul3A_1199, %add3A_1116 : i32
        %add3A_1201 = arith.constant 1 : i32
        %add3A_1202 = arith.addi %mul3A_1200, %add3A_1201 : i32
        %get3A_1203 = arith.index_cast %add3A_1202 : i32 to index
        %get3A_1204 = arith.constant 48 : index
        %get3A_1205 = tpu.vector_load %arg12[%get3A_1203, %get3A_1204] {strides = array<i32>} : memref<104x128xf32, #tpu.memory_space<vmem>>, vector<16xf32>,
        %mul3A_1206 = arith.mulf %get3A_1205, %get3A_654 : vector<16xf32>
        %add3A_1207 = arith.addf %add3A_1198, %mul3A_1206 : vector<16xf32>
        %mul3A_1208 = arith.constant 16 : i32
        %mul3A_1209 = arith.muli %add3A_1116, %mul3A_1208 : i32
        %swap3A_1210 = arith.index_cast %mul3A_1209 : i32 to index
        %swap3A_1211 = tpu.vector_load %arg13[%swap3A_1210] {strides = array<i32>} : memref<1024xf32, #tpu.memory_space<vmem>>, vector<16xf32>,
        tpu.vector_store %arg13[%swap3A_1210], %add3A_1207 {strides = array<i32>} : memref<1024xf32, #tpu.memory_space<vmem>>, vector<16xf32>,
        %mul3A_1212 = arith.constant 7 : i32
        %mul3A_1213 = arith.muli %scan3A_1111, %mul3A_1212 : i32
        %add3A_1214 = arith.constant 1 : i32
        %add3A_1215 = arith.addi %mul3A_1213, %add3A_1214 : i32
        %mul3A_1216 = arith.constant 2 : i32
        %mul3A_1217 = arith.muli %mul3A_1216, %add3A_1215 : i32
        %get3A_1218 = arith.index_cast %mul3A_1217 : i32 to index
        %get3A_1219 = arith.constant 0 : index
        %get3A_1220 = tpu.vector_load %arg12[%get3A_1218, %get3A_1219] {strides = array<i32>} : memref<104x128xf32, #tpu.memory_space<vmem>>, vector<16xf32>,
        %mul3A_1221 = arith.mulf %get3A_1220, %get3A_591 : vector<16xf32>
        %mul3A_1222 = arith.constant 2 : i32
        %mul3A_1223 = arith.muli %mul3A_1222, %add3A_1215 : i32
        %get3A_1224 = arith.index_cast %mul3A_1223 : i32 to index
        %get3A_1225 = arith.constant 16 : index
        %get3A_1226 = tpu.vector_load %arg12[%get3A_1224, %get3A_1225] {strides = array<i32>} : memref<104x128xf32, #tpu.memory_space<vmem>>, vector<16xf32>,
        %mul3A_1227 = arith.mulf %get3A_1226, %get3A_596 : vector<16xf32>
        %add3A_1228 = arith.addf %mul3A_1221, %mul3A_1227 : vector<16xf32>
        %mul3A_1229 = arith.constant 2 : i32
        %mul3A_1230 = arith.muli %mul3A_1229, %add3A_1215 : i32
        %get3A_1231 = arith.index_cast %mul3A_1230 : i32 to index
        %get3A_1232 = arith.constant 32 : index
        %get3A_1233 = tpu.vector_load %arg12[%get3A_1231, %get3A_1232] {strides = array<i32>} : memref<104x128xf32, #tpu.memory_space<vmem>>, vector<16xf32>,
        %mul3A_1234 = arith.mulf %get3A_1233, %get3A_601 : vector<16xf32>
        %add3A_1235 = arith.addf %add3A_1228, %mul3A_1234 : vector<16xf32>
        %mul3A_1236 = arith.constant 2 : i32
        %mul3A_1237 = arith.muli %mul3A_1236, %add3A_1215 : i32
        %get3A_1238 = arith.index_cast %mul3A_1237 : i32 to index
        %get3A_1239 = arith.constant 48 : index
        %get3A_1240 = tpu.vector_load %arg12[%get3A_1238, %get3A_1239] {strides = array<i32>} : memref<104x128xf32, #tpu.memory_space<vmem>>, vector<16xf32>,
        %mul3A_1241 = arith.mulf %get3A_1240, %get3A_606 : vector<16xf32>
        %add3A_1242 = arith.addf %add3A_1235, %mul3A_1241 : vector<16xf32>
        %mul3A_1243 = arith.constant 2 : i32
        %mul3A_1244 = arith.muli %mul3A_1243, %add3A_1215 : i32
        %get3A_1245 = arith.index_cast %mul3A_1244 : i32 to index
        %get3A_1246 = arith.constant 64 : index
        %get3A_1247 = tpu.vector_load %arg12[%get3A_1245, %get3A_1246] {strides = array<i32>} : memref<104x128xf32, #tpu.memory_space<vmem>>, vector<16xf32>,
        %mul3A_1248 = arith.mulf %get3A_1247, %get3A_611 : vector<16xf32>
        %add3A_1249 = arith.addf %add3A_1242, %mul3A_1248 : vector<16xf32>
        %mul3A_1250 = arith.constant 2 : i32
        %mul3A_1251 = arith.muli %mul3A_1250, %add3A_1215 : i32
        %get3A_1252 = arith.index_cast %mul3A_1251 : i32 to index
        %get3A_1253 = arith.constant 80 : index
        %get3A_1254 = tpu.vector_load %arg12[%get3A_1252, %get3A_1253] {strides = array<i32>} : memref<104x128xf32, #tpu.memory_space<vmem>>, vector<16xf32>,
        %mul3A_1255 = arith.mulf %get3A_1254, %get3A_616 : vector<16xf32>
        %add3A_1256 = arith.addf %add3A_1249, %mul3A_1255 : vector<16xf32>
        %mul3A_1257 = arith.constant 2 : i32
        %mul3A_1258 = arith.muli %mul3A_1257, %add3A_1215 : i32
        %get3A_1259 = arith.index_cast %mul3A_1258 : i32 to index
        %get3A_1260 = arith.constant 96 : index
        %get3A_1261 = tpu.vector_load %arg12[%get3A_1259, %get3A_1260] {strides = array<i32>} : memref<104x128xf32, #tpu.memory_space<vmem>>, vector<16xf32>,
        %mul3A_1262 = arith.mulf %get3A_1261, %get3A_621 : vector<16xf32>
        %add3A_1263 = arith.addf %add3A_1256, %mul3A_1262 : vector<16xf32>
        %mul3A_1264 = arith.constant 2 : i32
        %mul3A_1265 = arith.muli %mul3A_1264, %add3A_1215 : i32
        %get3A_1266 = arith.index_cast %mul3A_1265 : i32 to index
        %get3A_1267 = arith.constant 112 : index
        %get3A_1268 = tpu.vector_load %arg12[%get3A_1266, %get3A_1267] {strides = array<i32>} : memref<104x128xf32, #tpu.memory_space<vmem>>, vector<16xf32>,
        %mul3A_1269 = arith.mulf %get3A_1268, %get3A_626 : vector<16xf32>
        %add3A_1270 = arith.addf %add3A_1263, %mul3A_1269 : vector<16xf32>
        %mul3A_1271 = arith.constant 2 : i32
        %mul3A_1272 = arith.muli %mul3A_1271, %add3A_1215 : i32
        %add3A_1273 = arith.constant 1 : i32
        %add3A_1274 = arith.addi %mul3A_1272, %add3A_1273 : i32
        %get3A_1275 = arith.index_cast %add3A_1274 : i32 to index
        %get3A_1276 = arith.constant 0 : index
        %get3A_1277 = tpu.vector_load %arg12[%get3A_1275, %get3A_1276] {strides = array<i32>} : memref<104x128xf32, #tpu.memory_space<vmem>>, vector<16xf32>,
        %mul3A_1278 = arith.mulf %get3A_1277, %get3A_633 : vector<16xf32>
        %add3A_1279 = arith.addf %add3A_1270, %mul3A_1278 : vector<16xf32>
        %mul3A_1280 = arith.constant 2 : i32
        %mul3A_1281 = arith.muli %mul3A_1280, %add3A_1215 : i32
        %add3A_1282 = arith.constant 1 : i32
        %add3A_1283 = arith.addi %mul3A_1281, %add3A_1282 : i32
        %get3A_1284 = arith.index_cast %add3A_1283 : i32 to index
        %get3A_1285 = arith.constant 16 : index
        %get3A_1286 = tpu.vector_load %arg12[%get3A_1284, %get3A_1285] {strides = array<i32>} : memref<104x128xf32, #tpu.memory_space<vmem>>, vector<16xf32>,
        %mul3A_1287 = arith.mulf %get3A_1286, %get3A_640 : vector<16xf32>
        %add3A_1288 = arith.addf %add3A_1279, %mul3A_1287 : vector<16xf32>
        %mul3A_1289 = arith.constant 2 : i32
        %mul3A_1290 = arith.muli %mul3A_1289, %add3A_1215 : i32
        %add3A_1291 = arith.constant 1 : i32
        %add3A_1292 = arith.addi %mul3A_1290, %add3A_1291 : i32
        %get3A_1293 = arith.index_cast %add3A_1292 : i32 to index
        %get3A_1294 = arith.constant 32 : index
        %get3A_1295 = tpu.vector_load %arg12[%get3A_1293, %get3A_1294] {strides = array<i32>} : memref<104x128xf32, #tpu.memory_space<vmem>>, vector<16xf32>,
        %mul3A_1296 = arith.mulf %get3A_1295, %get3A_647 : vector<16xf32>
        %add3A_1297 = arith.addf %add3A_1288, %mul3A_1296 : vector<16xf32>
        %mul3A_1298 = arith.constant 2 : i32
        %mul3A_1299 = arith.muli %mul3A_1298, %add3A_1215 : i32
        %add3A_1300 = arith.constant 1 : i32
        %add3A_1301 = arith.addi %mul3A_1299, %add3A_1300 : i32
        %get3A_1302 = arith.index_cast %add3A_1301 : i32 to index
        %get3A_1303 = arith.constant 48 : index
        %get3A_1304 = tpu.vector_load %arg12[%get3A_1302, %get3A_1303] {strides = array<i32>} : memref<104x128xf32, #tpu.memory_space<vmem>>, vector<16xf32>,
        %mul3A_1305 = arith.mulf %get3A_1304, %get3A_654 : vector<16xf32>
        %add3A_1306 = arith.addf %add3A_1297, %mul3A_1305 : vector<16xf32>
        %mul3A_1307 = arith.constant 16 : i32
        %mul3A_1308 = arith.muli %add3A_1215, %mul3A_1307 : i32
        %swap3A_1309 = arith.index_cast %mul3A_1308 : i32 to index
        %swap3A_1310 = tpu.vector_load %arg13[%swap3A_1309] {strides = array<i32>} : memref<1024xf32, #tpu.memory_space<vmem>>, vector<16xf32>,
        tpu.vector_store %arg13[%swap3A_1309], %add3A_1306 {strides = array<i32>} : memref<1024xf32, #tpu.memory_space<vmem>>, vector<16xf32>,
        %mul3A_1311 = arith.constant 7 : i32
        %mul3A_1312 = arith.muli %scan3A_1111, %mul3A_1311 : i32
        %add3A_1313 = arith.constant 2 : i32
        %add3A_1314 = arith.addi %mul3A_1312, %add3A_1313 : i32
        %mul3A_1315 = arith.constant 2 : i32
        %mul3A_1316 = arith.muli %mul3A_1315, %add3A_1314 : i32
        %get3A_1317 = arith.index_cast %mul3A_1316 : i32 to index
        %get3A_1318 = arith.constant 0 : index
        %get3A_1319 = tpu.vector_load %arg12[%get3A_1317, %get3A_1318] {strides = array<i32>} : memref<104x128xf32, #tpu.memory_space<vmem>>, vector<16xf32>,
        %mul3A_1320 = arith.mulf %get3A_1319, %get3A_591 : vector<16xf32>
        %mul3A_1321 = arith.constant 2 : i32
        %mul3A_1322 = arith.muli %mul3A_1321, %add3A_1314 : i32
        %get3A_1323 = arith.index_cast %mul3A_1322 : i32 to index
        %get3A_1324 = arith.constant 16 : index
        %get3A_1325 = tpu.vector_load %arg12[%get3A_1323, %get3A_1324] {strides = array<i32>} : memref<104x128xf32, #tpu.memory_space<vmem>>, vector<16xf32>,
        %mul3A_1326 = arith.mulf %get3A_1325, %get3A_596 : vector<16xf32>
        %add3A_1327 = arith.addf %mul3A_1320, %mul3A_1326 : vector<16xf32>
        %mul3A_1328 = arith.constant 2 : i32
        %mul3A_1329 = arith.muli %mul3A_1328, %add3A_1314 : i32
        %get3A_1330 = arith.index_cast %mul3A_1329 : i32 to index
        %get3A_1331 = arith.constant 32 : index
        %get3A_1332 = tpu.vector_load %arg12[%get3A_1330, %get3A_1331] {strides = array<i32>} : memref<104x128xf32, #tpu.memory_space<vmem>>, vector<16xf32>,
        %mul3A_1333 = arith.mulf %get3A_1332, %get3A_601 : vector<16xf32>
        %add3A_1334 = arith.addf %add3A_1327, %mul3A_1333 : vector<16xf32>
        %mul3A_1335 = arith.constant 2 : i32
        %mul3A_1336 = arith.muli %mul3A_1335, %add3A_1314 : i32
        %get3A_1337 = arith.index_cast %mul3A_1336 : i32 to index
        %get3A_1338 = arith.constant 48 : index
        %get3A_1339 = tpu.vector_load %arg12[%get3A_1337, %get3A_1338] {strides = array<i32>} : memref<104x128xf32, #tpu.memory_space<vmem>>, vector<16xf32>,
        %mul3A_1340 = arith.mulf %get3A_1339, %get3A_606 : vector<16xf32>
        %add3A_1341 = arith.addf %add3A_1334, %mul3A_1340 : vector<16xf32>
        %mul3A_1342 = arith.constant 2 : i32
        %mul3A_1343 = arith.muli %mul3A_1342, %add3A_1314 : i32
        %get3A_1344 = arith.index_cast %mul3A_1343 : i32 to index
        %get3A_1345 = arith.constant 64 : index
        %get3A_1346 = tpu.vector_load %arg12[%get3A_1344, %get3A_1345] {strides = array<i32>} : memref<104x128xf32, #tpu.memory_space<vmem>>, vector<16xf32>,
        %mul3A_1347 = arith.mulf %get3A_1346, %get3A_611 : vector<16xf32>
        %add3A_1348 = arith.addf %add3A_1341, %mul3A_1347 : vector<16xf32>
        %mul3A_1349 = arith.constant 2 : i32
        %mul3A_1350 = arith.muli %mul3A_1349, %add3A_1314 : i32
        %get3A_1351 = arith.index_cast %mul3A_1350 : i32 to index
        %get3A_1352 = arith.constant 80 : index
        %get3A_1353 = tpu.vector_load %arg12[%get3A_1351, %get3A_1352] {strides = array<i32>} : memref<104x128xf32, #tpu.memory_space<vmem>>, vector<16xf32>,
        %mul3A_1354 = arith.mulf %get3A_1353, %get3A_616 : vector<16xf32>
        %add3A_1355 = arith.addf %add3A_1348, %mul3A_1354 : vector<16xf32>
        %mul3A_1356 = arith.constant 2 : i32
        %mul3A_1357 = arith.muli %mul3A_1356, %add3A_1314 : i32
        %get3A_1358 = arith.index_cast %mul3A_1357 : i32 to index
        %get3A_1359 = arith.constant 96 : index
        %get3A_1360 = tpu.vector_load %arg12[%get3A_1358, %get3A_1359] {strides = array<i32>} : memref<104x128xf32, #tpu.memory_space<vmem>>, vector<16xf32>,
        %mul3A_1361 = arith.mulf %get3A_1360, %get3A_621 : vector<16xf32>
        %add3A_1362 = arith.addf %add3A_1355, %mul3A_1361 : vector<16xf32>
        %mul3A_1363 = arith.constant 2 : i32
        %mul3A_1364 = arith.muli %mul3A_1363, %add3A_1314 : i32
        %get3A_1365 = arith.index_cast %mul3A_1364 : i32 to index
        %get3A_1366 = arith.constant 112 : index
        %get3A_1367 = tpu.vector_load %arg12[%get3A_1365, %get3A_1366] {strides = array<i32>} : memref<104x128xf32, #tpu.memory_space<vmem>>, vector<16xf32>,
        %mul3A_1368 = arith.mulf %get3A_1367, %get3A_626 : vector<16xf32>
        %add3A_1369 = arith.addf %add3A_1362, %mul3A_1368 : vector<16xf32>
        %mul3A_1370 = arith.constant 2 : i32
        %mul3A_1371 = arith.muli %mul3A_1370, %add3A_1314 : i32
        %add3A_1372 = arith.constant 1 : i32
        %add3A_1373 = arith.addi %mul3A_1371, %add3A_1372 : i32
        %get3A_1374 = arith.index_cast %add3A_1373 : i32 to index
        %get3A_1375 = arith.constant 0 : index
        %get3A_1376 = tpu.vector_load %arg12[%get3A_1374, %get3A_1375] {strides = array<i32>} : memref<104x128xf32, #tpu.memory_space<vmem>>, vector<16xf32>,
        %mul3A_1377 = arith.mulf %get3A_1376, %get3A_633 : vector<16xf32>
        %add3A_1378 = arith.addf %add3A_1369, %mul3A_1377 : vector<16xf32>
        %mul3A_1379 = arith.constant 2 : i32
        %mul3A_1380 = arith.muli %mul3A_1379, %add3A_1314 : i32
        %add3A_1381 = arith.constant 1 : i32
        %add3A_1382 = arith.addi %mul3A_1380, %add3A_1381 : i32
        %get3A_1383 = arith.index_cast %add3A_1382 : i32 to index
        %get3A_1384 = arith.constant 16 : index
        %get3A_1385 = tpu.vector_load %arg12[%get3A_1383, %get3A_1384] {strides = array<i32>} : memref<104x128xf32, #tpu.memory_space<vmem>>, vector<16xf32>,
        %mul3A_1386 = arith.mulf %get3A_1385, %get3A_640 : vector<16xf32>
        %add3A_1387 = arith.addf %add3A_1378, %mul3A_1386 : vector<16xf32>
        %mul3A_1388 = arith.constant 2 : i32
        %mul3A_1389 = arith.muli %mul3A_1388, %add3A_1314 : i32
        %add3A_1390 = arith.constant 1 : i32
        %add3A_1391 = arith.addi %mul3A_1389, %add3A_1390 : i32
        %get3A_1392 = arith.index_cast %add3A_1391 : i32 to index
        %get3A_1393 = arith.constant 32 : index
        %get3A_1394 = tpu.vector_load %arg12[%get3A_1392, %get3A_1393] {strides = array<i32>} : memref<104x128xf32, #tpu.memory_space<vmem>>, vector<16xf32>,
        %mul3A_1395 = arith.mulf %get3A_1394, %get3A_647 : vector<16xf32>
        %add3A_1396 = arith.addf %add3A_1387, %mul3A_1395 : vector<16xf32>
        %mul3A_1397 = arith.constant 2 : i32
        %mul3A_1398 = arith.muli %mul3A_1397, %add3A_1314 : i32
        %add3A_1399 = arith.constant 1 : i32
        %add3A_1400 = arith.addi %mul3A_1398, %add3A_1399 : i32
        %get3A_1401 = arith.index_cast %add3A_1400 : i32 to index
        %get3A_1402 = arith.constant 48 : index
        %get3A_1403 = tpu.vector_load %arg12[%get3A_1401, %get3A_1402] {strides = array<i32>} : memref<104x128xf32, #tpu.memory_space<vmem>>, vector<16xf32>,
        %mul3A_1404 = arith.mulf %get3A_1403, %get3A_654 : vector<16xf32>
        %add3A_1405 = arith.addf %add3A_1396, %mul3A_1404 : vector<16xf32>
        %mul3A_1406 = arith.constant 16 : i32
        %mul3A_1407 = arith.muli %add3A_1314, %mul3A_1406 : i32
        %swap3A_1408 = arith.index_cast %mul3A_1407 : i32 to index
        %swap3A_1409 = tpu.vector_load %arg13[%swap3A_1408] {strides = array<i32>} : memref<1024xf32, #tpu.memory_space<vmem>>, vector<16xf32>,
        tpu.vector_store %arg13[%swap3A_1408], %add3A_1405 {strides = array<i32>} : memref<1024xf32, #tpu.memory_space<vmem>>, vector<16xf32>,
        %mul3A_1410 = arith.constant 7 : i32
        %mul3A_1411 = arith.muli %scan3A_1111, %mul3A_1410 : i32
        %add3A_1412 = arith.constant 3 : i32
        %add3A_1413 = arith.addi %mul3A_1411, %add3A_1412 : i32
        %mul3A_1414 = arith.constant 2 : i32
        %mul3A_1415 = arith.muli %mul3A_1414, %add3A_1413 : i32
        %get3A_1416 = arith.index_cast %mul3A_1415 : i32 to index
        %get3A_1417 = arith.constant 0 : index
        %get3A_1418 = tpu.vector_load %arg12[%get3A_1416, %get3A_1417] {strides = array<i32>} : memref<104x128xf32, #tpu.memory_space<vmem>>, vector<16xf32>,
        %mul3A_1419 = arith.mulf %get3A_1418, %get3A_591 : vector<16xf32>
        %mul3A_1420 = arith.constant 2 : i32
        %mul3A_1421 = arith.muli %mul3A_1420, %add3A_1413 : i32
        %get3A_1422 = arith.index_cast %mul3A_1421 : i32 to index
        %get3A_1423 = arith.constant 16 : index
        %get3A_1424 = tpu.vector_load %arg12[%get3A_1422, %get3A_1423] {strides = array<i32>} : memref<104x128xf32, #tpu.memory_space<vmem>>, vector<16xf32>,
        %mul3A_1425 = arith.mulf %get3A_1424, %get3A_596 : vector<16xf32>
        %add3A_1426 = arith.addf %mul3A_1419, %mul3A_1425 : vector<16xf32>
        %mul3A_1427 = arith.constant 2 : i32
        %mul3A_1428 = arith.muli %mul3A_1427, %add3A_1413 : i32
        %get3A_1429 = arith.index_cast %mul3A_1428 : i32 to index
        %get3A_1430 = arith.constant 32 : index
        %get3A_1431 = tpu.vector_load %arg12[%get3A_1429, %get3A_1430] {strides = array<i32>} : memref<104x128xf32, #tpu.memory_space<vmem>>, vector<16xf32>,
        %mul3A_1432 = arith.mulf %get3A_1431, %get3A_601 : vector<16xf32>
        %add3A_1433 = arith.addf %add3A_1426, %mul3A_1432 : vector<16xf32>
        %mul3A_1434 = arith.constant 2 : i32
        %mul3A_1435 = arith.muli %mul3A_1434, %add3A_1413 : i32
        %get3A_1436 = arith.index_cast %mul3A_1435 : i32 to index
        %get3A_1437 = arith.constant 48 : index
        %get3A_1438 = tpu.vector_load %arg12[%get3A_1436, %get3A_1437] {strides = array<i32>} : memref<104x128xf32, #tpu.memory_space<vmem>>, vector<16xf32>,
        %mul3A_1439 = arith.mulf %get3A_1438, %get3A_606 : vector<16xf32>
        %add3A_1440 = arith.addf %add3A_1433, %mul3A_1439 : vector<16xf32>
        %mul3A_1441 = arith.constant 2 : i32
        %mul3A_1442 = arith.muli %mul3A_1441, %add3A_1413 : i32
        %get3A_1443 = arith.index_cast %mul3A_1442 : i32 to index
        %get3A_1444 = arith.constant 64 : index
        %get3A_1445 = tpu.vector_load %arg12[%get3A_1443, %get3A_1444] {strides = array<i32>} : memref<104x128xf32, #tpu.memory_space<vmem>>, vector<16xf32>,
        %mul3A_1446 = arith.mulf %get3A_1445, %get3A_611 : vector<16xf32>
        %add3A_1447 = arith.addf %add3A_1440, %mul3A_1446 : vector<16xf32>
        %mul3A_1448 = arith.constant 2 : i32
        %mul3A_1449 = arith.muli %mul3A_1448, %add3A_1413 : i32
        %get3A_1450 = arith.index_cast %mul3A_1449 : i32 to index
        %get3A_1451 = arith.constant 80 : index
        %get3A_1452 = tpu.vector_load %arg12[%get3A_1450, %get3A_1451] {strides = array<i32>} : memref<104x128xf32, #tpu.memory_space<vmem>>, vector<16xf32>,
        %mul3A_1453 = arith.mulf %get3A_1452, %get3A_616 : vector<16xf32>
        %add3A_1454 = arith.addf %add3A_1447, %mul3A_1453 : vector<16xf32>
        %mul3A_1455 = arith.constant 2 : i32
        %mul3A_1456 = arith.muli %mul3A_1455, %add3A_1413 : i32
        %get3A_1457 = arith.index_cast %mul3A_1456 : i32 to index
        %get3A_1458 = arith.constant 96 : index
        %get3A_1459 = tpu.vector_load %arg12[%get3A_1457, %get3A_1458] {strides = array<i32>} : memref<104x128xf32, #tpu.memory_space<vmem>>, vector<16xf32>,
        %mul3A_1460 = arith.mulf %get3A_1459, %get3A_621 : vector<16xf32>
        %add3A_1461 = arith.addf %add3A_1454, %mul3A_1460 : vector<16xf32>
        %mul3A_1462 = arith.constant 2 : i32
        %mul3A_1463 = arith.muli %mul3A_1462, %add3A_1413 : i32
        %get3A_1464 = arith.index_cast %mul3A_1463 : i32 to index
        %get3A_1465 = arith.constant 112 : index
        %get3A_1466 = tpu.vector_load %arg12[%get3A_1464, %get3A_1465] {strides = array<i32>} : memref<104x128xf32, #tpu.memory_space<vmem>>, vector<16xf32>,
        %mul3A_1467 = arith.mulf %get3A_1466, %get3A_626 : vector<16xf32>
        %add3A_1468 = arith.addf %add3A_1461, %mul3A_1467 : vector<16xf32>
        %mul3A_1469 = arith.constant 2 : i32
        %mul3A_1470 = arith.muli %mul3A_1469, %add3A_1413 : i32
        %add3A_1471 = arith.constant 1 : i32
        %add3A_1472 = arith.addi %mul3A_1470, %add3A_1471 : i32
        %get3A_1473 = arith.index_cast %add3A_1472 : i32 to index
        %get3A_1474 = arith.constant 0 : index
        %get3A_1475 = tpu.vector_load %arg12[%get3A_1473, %get3A_1474] {strides = array<i32>} : memref<104x128xf32, #tpu.memory_space<vmem>>, vector<16xf32>,
        %mul3A_1476 = arith.mulf %get3A_1475, %get3A_633 : vector<16xf32>
        %add3A_1477 = arith.addf %add3A_1468, %mul3A_1476 : vector<16xf32>
        %mul3A_1478 = arith.constant 2 : i32
        %mul3A_1479 = arith.muli %mul3A_1478, %add3A_1413 : i32
        %add3A_1480 = arith.constant 1 : i32
        %add3A_1481 = arith.addi %mul3A_1479, %add3A_1480 : i32
        %get3A_1482 = arith.index_cast %add3A_1481 : i32 to index
        %get3A_1483 = arith.constant 16 : index
        %get3A_1484 = tpu.vector_load %arg12[%get3A_1482, %get3A_1483] {strides = array<i32>} : memref<104x128xf32, #tpu.memory_space<vmem>>, vector<16xf32>,
        %mul3A_1485 = arith.mulf %get3A_1484, %get3A_640 : vector<16xf32>
        %add3A_1486 = arith.addf %add3A_1477, %mul3A_1485 : vector<16xf32>
        %mul3A_1487 = arith.constant 2 : i32
        %mul3A_1488 = arith.muli %mul3A_1487, %add3A_1413 : i32
        %add3A_1489 = arith.constant 1 : i32
        %add3A_1490 = arith.addi %mul3A_1488, %add3A_1489 : i32
        %get3A_1491 = arith.index_cast %add3A_1490 : i32 to index
        %get3A_1492 = arith.constant 32 : index
        %get3A_1493 = tpu.vector_load %arg12[%get3A_1491, %get3A_1492] {strides = array<i32>} : memref<104x128xf32, #tpu.memory_space<vmem>>, vector<16xf32>,
        %mul3A_1494 = arith.mulf %get3A_1493, %get3A_647 : vector<16xf32>
        %add3A_1495 = arith.addf %add3A_1486, %mul3A_1494 : vector<16xf32>
        %mul3A_1496 = arith.constant 2 : i32
        %mul3A_1497 = arith.muli %mul3A_1496, %add3A_1413 : i32
        %add3A_1498 = arith.constant 1 : i32
        %add3A_1499 = arith.addi %mul3A_1497, %add3A_1498 : i32
        %get3A_1500 = arith.index_cast %add3A_1499 : i32 to index
        %get3A_1501 = arith.constant 48 : index
        %get3A_1502 = tpu.vector_load %arg12[%get3A_1500, %get3A_1501] {strides = array<i32>} : memref<104x128xf32, #tpu.memory_space<vmem>>, vector<16xf32>,
        %mul3A_1503 = arith.mulf %get3A_1502, %get3A_654 : vector<16xf32>
        %add3A_1504 = arith.addf %add3A_1495, %mul3A_1503 : vector<16xf32>
        %mul3A_1505 = arith.constant 16 : i32
        %mul3A_1506 = arith.muli %add3A_1413, %mul3A_1505 : i32
        %swap3A_1507 = arith.index_cast %mul3A_1506 : i32 to index
        %swap3A_1508 = tpu.vector_load %arg13[%swap3A_1507] {strides = array<i32>} : memref<1024xf32, #tpu.memory_space<vmem>>, vector<16xf32>,
        tpu.vector_store %arg13[%swap3A_1507], %add3A_1504 {strides = array<i32>} : memref<1024xf32, #tpu.memory_space<vmem>>, vector<16xf32>,
        %mul3A_1509 = arith.constant 7 : i32
        %mul3A_1510 = arith.muli %scan3A_1111, %mul3A_1509 : i32
        %add3A_1511 = arith.constant 4 : i32
        %add3A_1512 = arith.addi %mul3A_1510, %add3A_1511 : i32
        %mul3A_1513 = arith.constant 2 : i32
        %mul3A_1514 = arith.muli %mul3A_1513, %add3A_1512 : i32
        %get3A_1515 = arith.index_cast %mul3A_1514 : i32 to index
        %get3A_1516 = arith.constant 0 : index
        %get3A_1517 = tpu.vector_load %arg12[%get3A_1515, %get3A_1516] {strides = array<i32>} : memref<104x128xf32, #tpu.memory_space<vmem>>, vector<16xf32>,
        %mul3A_1518 = arith.mulf %get3A_1517, %get3A_591 : vector<16xf32>
        %mul3A_1519 = arith.constant 2 : i32
        %mul3A_1520 = arith.muli %mul3A_1519, %add3A_1512 : i32
        %get3A_1521 = arith.index_cast %mul3A_1520 : i32 to index
        %get3A_1522 = arith.constant 16 : index
        %get3A_1523 = tpu.vector_load %arg12[%get3A_1521, %get3A_1522] {strides = array<i32>} : memref<104x128xf32, #tpu.memory_space<vmem>>, vector<16xf32>,
        %mul3A_1524 = arith.mulf %get3A_1523, %get3A_596 : vector<16xf32>
        %add3A_1525 = arith.addf %mul3A_1518, %mul3A_1524 : vector<16xf32>
        %mul3A_1526 = arith.constant 2 : i32
        %mul3A_1527 = arith.muli %mul3A_1526, %add3A_1512 : i32
        %get3A_1528 = arith.index_cast %mul3A_1527 : i32 to index
        %get3A_1529 = arith.constant 32 : index
        %get3A_1530 = tpu.vector_load %arg12[%get3A_1528, %get3A_1529] {strides = array<i32>} : memref<104x128xf32, #tpu.memory_space<vmem>>, vector<16xf32>,
        %mul3A_1531 = arith.mulf %get3A_1530, %get3A_601 : vector<16xf32>
        %add3A_1532 = arith.addf %add3A_1525, %mul3A_1531 : vector<16xf32>
        %mul3A_1533 = arith.constant 2 : i32
        %mul3A_1534 = arith.muli %mul3A_1533, %add3A_1512 : i32
        %get3A_1535 = arith.index_cast %mul3A_1534 : i32 to index
        %get3A_1536 = arith.constant 48 : index
        %get3A_1537 = tpu.vector_load %arg12[%get3A_1535, %get3A_1536] {strides = array<i32>} : memref<104x128xf32, #tpu.memory_space<vmem>>, vector<16xf32>,
        %mul3A_1538 = arith.mulf %get3A_1537, %get3A_606 : vector<16xf32>
        %add3A_1539 = arith.addf %add3A_1532, %mul3A_1538 : vector<16xf32>
        %mul3A_1540 = arith.constant 2 : i32
        %mul3A_1541 = arith.muli %mul3A_1540, %add3A_1512 : i32
        %get3A_1542 = arith.index_cast %mul3A_1541 : i32 to index
        %get3A_1543 = arith.constant 64 : index
        %get3A_1544 = tpu.vector_load %arg12[%get3A_1542, %get3A_1543] {strides = array<i32>} : memref<104x128xf32, #tpu.memory_space<vmem>>, vector<16xf32>,
        %mul3A_1545 = arith.mulf %get3A_1544, %get3A_611 : vector<16xf32>
        %add3A_1546 = arith.addf %add3A_1539, %mul3A_1545 : vector<16xf32>
        %mul3A_1547 = arith.constant 2 : i32
        %mul3A_1548 = arith.muli %mul3A_1547, %add3A_1512 : i32
        %get3A_1549 = arith.index_cast %mul3A_1548 : i32 to index
        %get3A_1550 = arith.constant 80 : index
        %get3A_1551 = tpu.vector_load %arg12[%get3A_1549, %get3A_1550] {strides = array<i32>} : memref<104x128xf32, #tpu.memory_space<vmem>>, vector<16xf32>,
        %mul3A_1552 = arith.mulf %get3A_1551, %get3A_616 : vector<16xf32>
        %add3A_1553 = arith.addf %add3A_1546, %mul3A_1552 : vector<16xf32>
        %mul3A_1554 = arith.constant 2 : i32
        %mul3A_1555 = arith.muli %mul3A_1554, %add3A_1512 : i32
        %get3A_1556 = arith.index_cast %mul3A_1555 : i32 to index
        %get3A_1557 = arith.constant 96 : index
        %get3A_1558 = tpu.vector_load %arg12[%get3A_1556, %get3A_1557] {strides = array<i32>} : memref<104x128xf32, #tpu.memory_space<vmem>>, vector<16xf32>,
        %mul3A_1559 = arith.mulf %get3A_1558, %get3A_621 : vector<16xf32>
        %add3A_1560 = arith.addf %add3A_1553, %mul3A_1559 : vector<16xf32>
        %mul3A_1561 = arith.constant 2 : i32
        %mul3A_1562 = arith.muli %mul3A_1561, %add3A_1512 : i32
        %get3A_1563 = arith.index_cast %mul3A_1562 : i32 to index
        %get3A_1564 = arith.constant 112 : index
        %get3A_1565 = tpu.vector_load %arg12[%get3A_1563, %get3A_1564] {strides = array<i32>} : memref<104x128xf32, #tpu.memory_space<vmem>>, vector<16xf32>,
        %mul3A_1566 = arith.mulf %get3A_1565, %get3A_626 : vector<16xf32>
        %add3A_1567 = arith.addf %add3A_1560, %mul3A_1566 : vector<16xf32>
        %mul3A_1568 = arith.constant 2 : i32
        %mul3A_1569 = arith.muli %mul3A_1568, %add3A_1512 : i32
        %add3A_1570 = arith.constant 1 : i32
        %add3A_1571 = arith.addi %mul3A_1569, %add3A_1570 : i32
        %get3A_1572 = arith.index_cast %add3A_1571 : i32 to index
        %get3A_1573 = arith.constant 0 : index
        %get3A_1574 = tpu.vector_load %arg12[%get3A_1572, %get3A_1573] {strides = array<i32>} : memref<104x128xf32, #tpu.memory_space<vmem>>, vector<16xf32>,
        %mul3A_1575 = arith.mulf %get3A_1574, %get3A_633 : vector<16xf32>
        %add3A_1576 = arith.addf %add3A_1567, %mul3A_1575 : vector<16xf32>
        %mul3A_1577 = arith.constant 2 : i32
        %mul3A_1578 = arith.muli %mul3A_1577, %add3A_1512 : i32
        %add3A_1579 = arith.constant 1 : i32
        %add3A_1580 = arith.addi %mul3A_1578, %add3A_1579 : i32
        %get3A_1581 = arith.index_cast %add3A_1580 : i32 to index
        %get3A_1582 = arith.constant 16 : index
        %get3A_1583 = tpu.vector_load %arg12[%get3A_1581, %get3A_1582] {strides = array<i32>} : memref<104x128xf32, #tpu.memory_space<vmem>>, vector<16xf32>,
        %mul3A_1584 = arith.mulf %get3A_1583, %get3A_640 : vector<16xf32>
        %add3A_1585 = arith.addf %add3A_1576, %mul3A_1584 : vector<16xf32>
        %mul3A_1586 = arith.constant 2 : i32
        %mul3A_1587 = arith.muli %mul3A_1586, %add3A_1512 : i32
        %add3A_1588 = arith.constant 1 : i32
        %add3A_1589 = arith.addi %mul3A_1587, %add3A_1588 : i32
        %get3A_1590 = arith.index_cast %add3A_1589 : i32 to index
        %get3A_1591 = arith.constant 32 : index
        %get3A_1592 = tpu.vector_load %arg12[%get3A_1590, %get3A_1591] {strides = array<i32>} : memref<104x128xf32, #tpu.memory_space<vmem>>, vector<16xf32>,
        %mul3A_1593 = arith.mulf %get3A_1592, %get3A_647 : vector<16xf32>
        %add3A_1594 = arith.addf %add3A_1585, %mul3A_1593 : vector<16xf32>
        %mul3A_1595 = arith.constant 2 : i32
        %mul3A_1596 = arith.muli %mul3A_1595, %add3A_1512 : i32
        %add3A_1597 = arith.constant 1 : i32
        %add3A_1598 = arith.addi %mul3A_1596, %add3A_1597 : i32
        %get3A_1599 = arith.index_cast %add3A_1598 : i32 to index
        %get3A_1600 = arith.constant 48 : index
        %get3A_1601 = tpu.vector_load %arg12[%get3A_1599, %get3A_1600] {strides = array<i32>} : memref<104x128xf32, #tpu.memory_space<vmem>>, vector<16xf32>,
        %mul3A_1602 = arith.mulf %get3A_1601, %get3A_654 : vector<16xf32>
        %add3A_1603 = arith.addf %add3A_1594, %mul3A_1602 : vector<16xf32>
        %mul3A_1604 = arith.constant 16 : i32
        %mul3A_1605 = arith.muli %add3A_1512, %mul3A_1604 : i32
        %swap3A_1606 = arith.index_cast %mul3A_1605 : i32 to index
        %swap3A_1607 = tpu.vector_load %arg13[%swap3A_1606] {strides = array<i32>} : memref<1024xf32, #tpu.memory_space<vmem>>, vector<16xf32>,
        tpu.vector_store %arg13[%swap3A_1606], %add3A_1603 {strides = array<i32>} : memref<1024xf32, #tpu.memory_space<vmem>>, vector<16xf32>,
        %mul3A_1608 = arith.constant 7 : i32
        %mul3A_1609 = arith.muli %scan3A_1111, %mul3A_1608 : i32
        %add3A_1610 = arith.constant 5 : i32
        %add3A_1611 = arith.addi %mul3A_1609, %add3A_1610 : i32
        %mul3A_1612 = arith.constant 2 : i32
        %mul3A_1613 = arith.muli %mul3A_1612, %add3A_1611 : i32
        %get3A_1614 = arith.index_cast %mul3A_1613 : i32 to index
        %get3A_1615 = arith.constant 0 : index
        %get3A_1616 = tpu.vector_load %arg12[%get3A_1614, %get3A_1615] {strides = array<i32>} : memref<104x128xf32, #tpu.memory_space<vmem>>, vector<16xf32>,
        %mul3A_1617 = arith.mulf %get3A_1616, %get3A_591 : vector<16xf32>
        %mul3A_1618 = arith.constant 2 : i32
        %mul3A_1619 = arith.muli %mul3A_1618, %add3A_1611 : i32
        %get3A_1620 = arith.index_cast %mul3A_1619 : i32 to index
        %get3A_1621 = arith.constant 16 : index
        %get3A_1622 = tpu.vector_load %arg12[%get3A_1620, %get3A_1621] {strides = array<i32>} : memref<104x128xf32, #tpu.memory_space<vmem>>, vector<16xf32>,
        %mul3A_1623 = arith.mulf %get3A_1622, %get3A_596 : vector<16xf32>
        %add3A_1624 = arith.addf %mul3A_1617, %mul3A_1623 : vector<16xf32>
        %mul3A_1625 = arith.constant 2 : i32
        %mul3A_1626 = arith.muli %mul3A_1625, %add3A_1611 : i32
        %get3A_1627 = arith.index_cast %mul3A_1626 : i32 to index
        %get3A_1628 = arith.constant 32 : index
        %get3A_1629 = tpu.vector_load %arg12[%get3A_1627, %get3A_1628] {strides = array<i32>} : memref<104x128xf32, #tpu.memory_space<vmem>>, vector<16xf32>,
        %mul3A_1630 = arith.mulf %get3A_1629, %get3A_601 : vector<16xf32>
        %add3A_1631 = arith.addf %add3A_1624, %mul3A_1630 : vector<16xf32>
        %mul3A_1632 = arith.constant 2 : i32
        %mul3A_1633 = arith.muli %mul3A_1632, %add3A_1611 : i32
        %get3A_1634 = arith.index_cast %mul3A_1633 : i32 to index
        %get3A_1635 = arith.constant 48 : index
        %get3A_1636 = tpu.vector_load %arg12[%get3A_1634, %get3A_1635] {strides = array<i32>} : memref<104x128xf32, #tpu.memory_space<vmem>>, vector<16xf32>,
        %mul3A_1637 = arith.mulf %get3A_1636, %get3A_606 : vector<16xf32>
        %add3A_1638 = arith.addf %add3A_1631, %mul3A_1637 : vector<16xf32>
        %mul3A_1639 = arith.constant 2 : i32
        %mul3A_1640 = arith.muli %mul3A_1639, %add3A_1611 : i32
        %get3A_1641 = arith.index_cast %mul3A_1640 : i32 to index
        %get3A_1642 = arith.constant 64 : index
        %get3A_1643 = tpu.vector_load %arg12[%get3A_1641, %get3A_1642] {strides = array<i32>} : memref<104x128xf32, #tpu.memory_space<vmem>>, vector<16xf32>,
        %mul3A_1644 = arith.mulf %get3A_1643, %get3A_611 : vector<16xf32>
        %add3A_1645 = arith.addf %add3A_1638, %mul3A_1644 : vector<16xf32>
        %mul3A_1646 = arith.constant 2 : i32
        %mul3A_1647 = arith.muli %mul3A_1646, %add3A_1611 : i32
        %get3A_1648 = arith.index_cast %mul3A_1647 : i32 to index
        %get3A_1649 = arith.constant 80 : index
        %get3A_1650 = tpu.vector_load %arg12[%get3A_1648, %get3A_1649] {strides = array<i32>} : memref<104x128xf32, #tpu.memory_space<vmem>>, vector<16xf32>,
        %mul3A_1651 = arith.mulf %get3A_1650, %get3A_616 : vector<16xf32>
        %add3A_1652 = arith.addf %add3A_1645, %mul3A_1651 : vector<16xf32>
        %mul3A_1653 = arith.constant 2 : i32
        %mul3A_1654 = arith.muli %mul3A_1653, %add3A_1611 : i32
        %get3A_1655 = arith.index_cast %mul3A_1654 : i32 to index
        %get3A_1656 = arith.constant 96 : index
        %get3A_1657 = tpu.vector_load %arg12[%get3A_1655, %get3A_1656] {strides = array<i32>} : memref<104x128xf32, #tpu.memory_space<vmem>>, vector<16xf32>,
        %mul3A_1658 = arith.mulf %get3A_1657, %get3A_621 : vector<16xf32>
        %add3A_1659 = arith.addf %add3A_1652, %mul3A_1658 : vector<16xf32>
        %mul3A_1660 = arith.constant 2 : i32
        %mul3A_1661 = arith.muli %mul3A_1660, %add3A_1611 : i32
        %get3A_1662 = arith.index_cast %mul3A_1661 : i32 to index
        %get3A_1663 = arith.constant 112 : index
        %get3A_1664 = tpu.vector_load %arg12[%get3A_1662, %get3A_1663] {strides = array<i32>} : memref<104x128xf32, #tpu.memory_space<vmem>>, vector<16xf32>,
        %mul3A_1665 = arith.mulf %get3A_1664, %get3A_626 : vector<16xf32>
        %add3A_1666 = arith.addf %add3A_1659, %mul3A_1665 : vector<16xf32>
        %mul3A_1667 = arith.constant 2 : i32
        %mul3A_1668 = arith.muli %mul3A_1667, %add3A_1611 : i32
        %add3A_1669 = arith.constant 1 : i32
        %add3A_1670 = arith.addi %mul3A_1668, %add3A_1669 : i32
        %get3A_1671 = arith.index_cast %add3A_1670 : i32 to index
        %get3A_1672 = arith.constant 0 : index
        %get3A_1673 = tpu.vector_load %arg12[%get3A_1671, %get3A_1672] {strides = array<i32>} : memref<104x128xf32, #tpu.memory_space<vmem>>, vector<16xf32>,
        %mul3A_1674 = arith.mulf %get3A_1673, %get3A_633 : vector<16xf32>
        %add3A_1675 = arith.addf %add3A_1666, %mul3A_1674 : vector<16xf32>
        %mul3A_1676 = arith.constant 2 : i32
        %mul3A_1677 = arith.muli %mul3A_1676, %add3A_1611 : i32
        %add3A_1678 = arith.constant 1 : i32
        %add3A_1679 = arith.addi %mul3A_1677, %add3A_1678 : i32
        %get3A_1680 = arith.index_cast %add3A_1679 : i32 to index
        %get3A_1681 = arith.constant 16 : index
        %get3A_1682 = tpu.vector_load %arg12[%get3A_1680, %get3A_1681] {strides = array<i32>} : memref<104x128xf32, #tpu.memory_space<vmem>>, vector<16xf32>,
        %mul3A_1683 = arith.mulf %get3A_1682, %get3A_640 : vector<16xf32>
        %add3A_1684 = arith.addf %add3A_1675, %mul3A_1683 : vector<16xf32>
        %mul3A_1685 = arith.constant 2 : i32
        %mul3A_1686 = arith.muli %mul3A_1685, %add3A_1611 : i32
        %add3A_1687 = arith.constant 1 : i32
        %add3A_1688 = arith.addi %mul3A_1686, %add3A_1687 : i32
        %get3A_1689 = arith.index_cast %add3A_1688 : i32 to index
        %get3A_1690 = arith.constant 32 : index
        %get3A_1691 = tpu.vector_load %arg12[%get3A_1689, %get3A_1690] {strides = array<i32>} : memref<104x128xf32, #tpu.memory_space<vmem>>, vector<16xf32>,
        %mul3A_1692 = arith.mulf %get3A_1691, %get3A_647 : vector<16xf32>
        %add3A_1693 = arith.addf %add3A_1684, %mul3A_1692 : vector<16xf32>
        %mul3A_1694 = arith.constant 2 : i32
        %mul3A_1695 = arith.muli %mul3A_1694, %add3A_1611 : i32
        %add3A_1696 = arith.constant 1 : i32
        %add3A_1697 = arith.addi %mul3A_1695, %add3A_1696 : i32
        %get3A_1698 = arith.index_cast %add3A_1697 : i32 to index
        %get3A_1699 = arith.constant 48 : index
        %get3A_1700 = tpu.vector_load %arg12[%get3A_1698, %get3A_1699] {strides = array<i32>} : memref<104x128xf32, #tpu.memory_space<vmem>>, vector<16xf32>,
        %mul3A_1701 = arith.mulf %get3A_1700, %get3A_654 : vector<16xf32>
        %add3A_1702 = arith.addf %add3A_1693, %mul3A_1701 : vector<16xf32>
        %mul3A_1703 = arith.constant 16 : i32
        %mul3A_1704 = arith.muli %add3A_1611, %mul3A_1703 : i32
        %swap3A_1705 = arith.index_cast %mul3A_1704 : i32 to index
        %swap3A_1706 = tpu.vector_load %arg13[%swap3A_1705] {strides = array<i32>} : memref<1024xf32, #tpu.memory_space<vmem>>, vector<16xf32>,
        tpu.vector_store %arg13[%swap3A_1705], %add3A_1702 {strides = array<i32>} : memref<1024xf32, #tpu.memory_space<vmem>>, vector<16xf32>,
        %mul3A_1707 = arith.constant 7 : i32
        %mul3A_1708 = arith.muli %scan3A_1111, %mul3A_1707 : i32
        %add3A_1709 = arith.constant 6 : i32
        %add3A_1710 = arith.addi %mul3A_1708, %add3A_1709 : i32
        %mul3A_1711 = arith.constant 2 : i32
        %mul3A_1712 = arith.muli %mul3A_1711, %add3A_1710 : i32
        %get3A_1713 = arith.index_cast %mul3A_1712 : i32 to index
        %get3A_1714 = arith.constant 0 : index
        %get3A_1715 = tpu.vector_load %arg12[%get3A_1713, %get3A_1714] {strides = array<i32>} : memref<104x128xf32, #tpu.memory_space<vmem>>, vector<16xf32>,
        %mul3A_1716 = arith.mulf %get3A_1715, %get3A_591 : vector<16xf32>
        %mul3A_1717 = arith.constant 2 : i32
        %mul3A_1718 = arith.muli %mul3A_1717, %add3A_1710 : i32
        %get3A_1719 = arith.index_cast %mul3A_1718 : i32 to index
        %get3A_1720 = arith.constant 16 : index
        %get3A_1721 = tpu.vector_load %arg12[%get3A_1719, %get3A_1720] {strides = array<i32>} : memref<104x128xf32, #tpu.memory_space<vmem>>, vector<16xf32>,
        %mul3A_1722 = arith.mulf %get3A_1721, %get3A_596 : vector<16xf32>
        %add3A_1723 = arith.addf %mul3A_1716, %mul3A_1722 : vector<16xf32>
        %mul3A_1724 = arith.constant 2 : i32
        %mul3A_1725 = arith.muli %mul3A_1724, %add3A_1710 : i32
        %get3A_1726 = arith.index_cast %mul3A_1725 : i32 to index
        %get3A_1727 = arith.constant 32 : index
        %get3A_1728 = tpu.vector_load %arg12[%get3A_1726, %get3A_1727] {strides = array<i32>} : memref<104x128xf32, #tpu.memory_space<vmem>>, vector<16xf32>,
        %mul3A_1729 = arith.mulf %get3A_1728, %get3A_601 : vector<16xf32>
        %add3A_1730 = arith.addf %add3A_1723, %mul3A_1729 : vector<16xf32>
        %mul3A_1731 = arith.constant 2 : i32
        %mul3A_1732 = arith.muli %mul3A_1731, %add3A_1710 : i32
        %get3A_1733 = arith.index_cast %mul3A_1732 : i32 to index
        %get3A_1734 = arith.constant 48 : index
        %get3A_1735 = tpu.vector_load %arg12[%get3A_1733, %get3A_1734] {strides = array<i32>} : memref<104x128xf32, #tpu.memory_space<vmem>>, vector<16xf32>,
        %mul3A_1736 = arith.mulf %get3A_1735, %get3A_606 : vector<16xf32>
        %add3A_1737 = arith.addf %add3A_1730, %mul3A_1736 : vector<16xf32>
        %mul3A_1738 = arith.constant 2 : i32
        %mul3A_1739 = arith.muli %mul3A_1738, %add3A_1710 : i32
        %get3A_1740 = arith.index_cast %mul3A_1739 : i32 to index
        %get3A_1741 = arith.constant 64 : index
        %get3A_1742 = tpu.vector_load %arg12[%get3A_1740, %get3A_1741] {strides = array<i32>} : memref<104x128xf32, #tpu.memory_space<vmem>>, vector<16xf32>,
        %mul3A_1743 = arith.mulf %get3A_1742, %get3A_611 : vector<16xf32>
        %add3A_1744 = arith.addf %add3A_1737, %mul3A_1743 : vector<16xf32>
        %mul3A_1745 = arith.constant 2 : i32
        %mul3A_1746 = arith.muli %mul3A_1745, %add3A_1710 : i32
        %get3A_1747 = arith.index_cast %mul3A_1746 : i32 to index
        %get3A_1748 = arith.constant 80 : index
        %get3A_1749 = tpu.vector_load %arg12[%get3A_1747, %get3A_1748] {strides = array<i32>} : memref<104x128xf32, #tpu.memory_space<vmem>>, vector<16xf32>,
        %mul3A_1750 = arith.mulf %get3A_1749, %get3A_616 : vector<16xf32>
        %add3A_1751 = arith.addf %add3A_1744, %mul3A_1750 : vector<16xf32>
        %mul3A_1752 = arith.constant 2 : i32
        %mul3A_1753 = arith.muli %mul3A_1752, %add3A_1710 : i32
        %get3A_1754 = arith.index_cast %mul3A_1753 : i32 to index
        %get3A_1755 = arith.constant 96 : index
        %get3A_1756 = tpu.vector_load %arg12[%get3A_1754, %get3A_1755] {strides = array<i32>} : memref<104x128xf32, #tpu.memory_space<vmem>>, vector<16xf32>,
        %mul3A_1757 = arith.mulf %get3A_1756, %get3A_621 : vector<16xf32>
        %add3A_1758 = arith.addf %add3A_1751, %mul3A_1757 : vector<16xf32>
        %mul3A_1759 = arith.constant 2 : i32
        %mul3A_1760 = arith.muli %mul3A_1759, %add3A_1710 : i32
        %get3A_1761 = arith.index_cast %mul3A_1760 : i32 to index
        %get3A_1762 = arith.constant 112 : index
        %get3A_1763 = tpu.vector_load %arg12[%get3A_1761, %get3A_1762] {strides = array<i32>} : memref<104x128xf32, #tpu.memory_space<vmem>>, vector<16xf32>,
        %mul3A_1764 = arith.mulf %get3A_1763, %get3A_626 : vector<16xf32>
        %add3A_1765 = arith.addf %add3A_1758, %mul3A_1764 : vector<16xf32>
        %mul3A_1766 = arith.constant 2 : i32
        %mul3A_1767 = arith.muli %mul3A_1766, %add3A_1710 : i32
        %add3A_1768 = arith.constant 1 : i32
        %add3A_1769 = arith.addi %mul3A_1767, %add3A_1768 : i32
        %get3A_1770 = arith.index_cast %add3A_1769 : i32 to index
        %get3A_1771 = arith.constant 0 : index
        %get3A_1772 = tpu.vector_load %arg12[%get3A_1770, %get3A_1771] {strides = array<i32>} : memref<104x128xf32, #tpu.memory_space<vmem>>, vector<16xf32>,
        %mul3A_1773 = arith.mulf %get3A_1772, %get3A_633 : vector<16xf32>
        %add3A_1774 = arith.addf %add3A_1765, %mul3A_1773 : vector<16xf32>
        %mul3A_1775 = arith.constant 2 : i32
        %mul3A_1776 = arith.muli %mul3A_1775, %add3A_1710 : i32
        %add3A_1777 = arith.constant 1 : i32
        %add3A_1778 = arith.addi %mul3A_1776, %add3A_1777 : i32
        %get3A_1779 = arith.index_cast %add3A_1778 : i32 to index
        %get3A_1780 = arith.constant 16 : index
        %get3A_1781 = tpu.vector_load %arg12[%get3A_1779, %get3A_1780] {strides = array<i32>} : memref<104x128xf32, #tpu.memory_space<vmem>>, vector<16xf32>,
        %mul3A_1782 = arith.mulf %get3A_1781, %get3A_640 : vector<16xf32>
        %add3A_1783 = arith.addf %add3A_1774, %mul3A_1782 : vector<16xf32>
        %mul3A_1784 = arith.constant 2 : i32
        %mul3A_1785 = arith.muli %mul3A_1784, %add3A_1710 : i32
        %add3A_1786 = arith.constant 1 : i32
        %add3A_1787 = arith.addi %mul3A_1785, %add3A_1786 : i32
        %get3A_1788 = arith.index_cast %add3A_1787 : i32 to index
        %get3A_1789 = arith.constant 32 : index
        %get3A_1790 = tpu.vector_load %arg12[%get3A_1788, %get3A_1789] {strides = array<i32>} : memref<104x128xf32, #tpu.memory_space<vmem>>, vector<16xf32>,
        %mul3A_1791 = arith.mulf %get3A_1790, %get3A_647 : vector<16xf32>
        %add3A_1792 = arith.addf %add3A_1783, %mul3A_1791 : vector<16xf32>
        %mul3A_1793 = arith.constant 2 : i32
        %mul3A_1794 = arith.muli %mul3A_1793, %add3A_1710 : i32
        %add3A_1795 = arith.constant 1 : i32
        %add3A_1796 = arith.addi %mul3A_1794, %add3A_1795 : i32
        %get3A_1797 = arith.index_cast %add3A_1796 : i32 to index
        %get3A_1798 = arith.constant 48 : index
        %get3A_1799 = tpu.vector_load %arg12[%get3A_1797, %get3A_1798] {strides = array<i32>} : memref<104x128xf32, #tpu.memory_space<vmem>>, vector<16xf32>,
        %mul3A_1800 = arith.mulf %get3A_1799, %get3A_654 : vector<16xf32>
        %add3A_1801 = arith.addf %add3A_1792, %mul3A_1800 : vector<16xf32>
        %mul3A_1802 = arith.constant 16 : i32
        %mul3A_1803 = arith.muli %add3A_1710, %mul3A_1802 : i32
        %swap3A_1804 = arith.index_cast %mul3A_1803 : i32 to index
        %swap3A_1805 = tpu.vector_load %arg13[%swap3A_1804] {strides = array<i32>} : memref<1024xf32, #tpu.memory_space<vmem>>, vector<16xf32>,
        tpu.vector_store %arg13[%swap3A_1804], %add3A_1801 {strides = array<i32>} : memref<1024xf32, #tpu.memory_space<vmem>>, vector<16xf32>,
        %scan3A_1806 = arith.constant 0 : i32
        scf.yield %scan3A_1806 : i32
      }
      %scan3A_661 = arith.constant 7 : i32
      %add3A_662 = arith.constant 0 : i32
      %add3A_663 = vector.broadcast %add3A_662 : i32 to vector<16xi32>
      %add3A_664 = arith.addi %add3A_663, %iota3A : vector<16xi32>
      %mul3A_665 = arith.constant 16 : i32
      %mul3A_666 = vector.broadcast %mul3A_665 : i32 to vector<16xi32>
      %mul3A_667 = arith.muli %add3A_664, %mul3A_666 : vector<16xi32>
      %gather3A_668 = tpu.vector_load_idx %arg13[%mul3A_667] : memref<1024xf32, #tpu.memory_space<vmem>>[vector<16xi32>], vector<16xf32>,
      %add3A_669 = arith.constant 1 : i32
      %add3A_670 = vector.broadcast %add3A_669 : i32 to vector<16xi32>
      %add3A_671 = arith.addi %mul3A_667, %add3A_670 : vector<16xi32>
      %gather3A_672 = tpu.vector_load_idx %arg13[%add3A_671] : memref<1024xf32, #tpu.memory_space<vmem>>[vector<16xi32>], vector<16xf32>,
      %add3A_673 = arith.addf %gather3A_668, %gather3A_672 : vector<16xf32>
      %add3A_674 = arith.constant 2 : i32
      %add3A_675 = vector.broadcast %add3A_674 : i32 to vector<16xi32>
      %add3A_676 = arith.addi %mul3A_667, %add3A_675 : vector<16xi32>
      %gather3A_677 = tpu.vector_load_idx %arg13[%add3A_676] : memref<1024xf32, #tpu.memory_space<vmem>>[vector<16xi32>], vector<16xf32>,
      %add3A_678 = arith.addf %add3A_673, %gather3A_677 : vector<16xf32>
      %add3A_679 = arith.constant 3 : i32
      %add3A_680 = vector.broadcast %add3A_679 : i32 to vector<16xi32>
      %add3A_681 = arith.addi %mul3A_667, %add3A_680 : vector<16xi32>
      %gather3A_682 = tpu.vector_load_idx %arg13[%add3A_681] : memref<1024xf32, #tpu.memory_space<vmem>>[vector<16xi32>], vector<16xf32>,
      %add3A_683 = arith.addf %add3A_678, %gather3A_682 : vector<16xf32>
      %add3A_684 = arith.constant 4 : i32
      %add3A_685 = vector.broadcast %add3A_684 : i32 to vector<16xi32>
      %add3A_686 = arith.addi %mul3A_667, %add3A_685 : vector<16xi32>
      %gather3A_687 = tpu.vector_load_idx %arg13[%add3A_686] : memref<1024xf32, #tpu.memory_space<vmem>>[vector<16xi32>], vector<16xf32>,
      %add3A_688 = arith.addf %add3A_683, %gather3A_687 : vector<16xf32>
      %add3A_689 = arith.constant 5 : i32
      %add3A_690 = vector.broadcast %add3A_689 : i32 to vector<16xi32>
      %add3A_691 = arith.addi %mul3A_667, %add3A_690 : vector<16xi32>
      %gather3A_692 = tpu.vector_load_idx %arg13[%add3A_691] : memref<1024xf32, #tpu.memory_space<vmem>>[vector<16xi32>], vector<16xf32>,
      %add3A_693 = arith.addf %add3A_688, %gather3A_692 : vector<16xf32>
      %add3A_694 = arith.constant 6 : i32
      %add3A_695 = vector.broadcast %add3A_694 : i32 to vector<16xi32>
      %add3A_696 = arith.addi %mul3A_667, %add3A_695 : vector<16xi32>
      %gather3A_697 = tpu.vector_load_idx %arg13[%add3A_696] : memref<1024xf32, #tpu.memory_space<vmem>>[vector<16xi32>], vector<16xf32>,
      %add3A_698 = arith.addf %add3A_693, %gather3A_697 : vector<16xf32>
      %add3A_699 = arith.constant 7 : i32
      %add3A_700 = vector.broadcast %add3A_699 : i32 to vector<16xi32>
      %add3A_701 = arith.addi %mul3A_667, %add3A_700 : vector<16xi32>
      %gather3A_702 = tpu.vector_load_idx %arg13[%add3A_701] : memref<1024xf32, #tpu.memory_space<vmem>>[vector<16xi32>], vector<16xf32>,
      %add3A_703 = arith.addf %add3A_698, %gather3A_702 : vector<16xf32>
      %add3A_704 = arith.constant 8 : i32
      %add3A_705 = vector.broadcast %add3A_704 : i32 to vector<16xi32>
      %add3A_706 = arith.addi %mul3A_667, %add3A_705 : vector<16xi32>
      %gather3A_707 = tpu.vector_load_idx %arg13[%add3A_706] : memref<1024xf32, #tpu.memory_space<vmem>>[vector<16xi32>], vector<16xf32>,
      %add3A_708 = arith.addf %add3A_703, %gather3A_707 : vector<16xf32>
      %add3A_709 = arith.constant 9 : i32
      %add3A_710 = vector.broadcast %add3A_709 : i32 to vector<16xi32>
      %add3A_711 = arith.addi %mul3A_667, %add3A_710 : vector<16xi32>
      %gather3A_712 = tpu.vector_load_idx %arg13[%add3A_711] : memref<1024xf32, #tpu.memory_space<vmem>>[vector<16xi32>], vector<16xf32>,
      %add3A_713 = arith.addf %add3A_708, %gather3A_712 : vector<16xf32>
      %add3A_714 = arith.constant 10 : i32
      %add3A_715 = vector.broadcast %add3A_714 : i32 to vector<16xi32>
      %add3A_716 = arith.addi %mul3A_667, %add3A_715 : vector<16xi32>
      %gather3A_717 = tpu.vector_load_idx %arg13[%add3A_716] : memref<1024xf32, #tpu.memory_space<vmem>>[vector<16xi32>], vector<16xf32>,
      %add3A_718 = arith.addf %add3A_713, %gather3A_717 : vector<16xf32>
      %add3A_719 = arith.constant 11 : i32
      %add3A_720 = vector.broadcast %add3A_719 : i32 to vector<16xi32>
      %add3A_721 = arith.addi %mul3A_667, %add3A_720 : vector<16xi32>
      %gather3A_722 = tpu.vector_load_idx %arg13[%add3A_721] : memref<1024xf32, #tpu.memory_space<vmem>>[vector<16xi32>], vector<16xf32>,
      %add3A_723 = arith.addf %add3A_718, %gather3A_722 : vector<16xf32>
      %add3A_724 = arith.constant 12 : i32
      %add3A_725 = vector.broadcast %add3A_724 : i32 to vector<16xi32>
      %add3A_726 = arith.addi %mul3A_667, %add3A_725 : vector<16xi32>
      %gather3A_727 = tpu.vector_load_idx %arg13[%add3A_726] : memref<1024xf32, #tpu.memory_space<vmem>>[vector<16xi32>], vector<16xf32>,
      %add3A_728 = arith.addf %add3A_723, %gather3A_727 : vector<16xf32>
      %add3A_729 = arith.constant 13 : i32
      %add3A_730 = vector.broadcast %add3A_729 : i32 to vector<16xi32>
      %add3A_731 = arith.addi %mul3A_667, %add3A_730 : vector<16xi32>
      %gather3A_732 = tpu.vector_load_idx %arg13[%add3A_731] : memref<1024xf32, #tpu.memory_space<vmem>>[vector<16xi32>], vector<16xf32>,
      %add3A_733 = arith.addf %add3A_728, %gather3A_732 : vector<16xf32>
      %add3A_734 = arith.constant 14 : i32
      %add3A_735 = vector.broadcast %add3A_734 : i32 to vector<16xi32>
      %add3A_736 = arith.addi %mul3A_667, %add3A_735 : vector<16xi32>
      %gather3A_737 = tpu.vector_load_idx %arg13[%add3A_736] : memref<1024xf32, #tpu.memory_space<vmem>>[vector<16xi32>], vector<16xf32>,
      %add3A_738 = arith.addf %add3A_733, %gather3A_737 : vector<16xf32>
      %add3A_739 = arith.constant 15 : i32
      %add3A_740 = vector.broadcast %add3A_739 : i32 to vector<16xi32>
      %add3A_741 = arith.addi %mul3A_667, %add3A_740 : vector<16xi32>
      %gather3A_742 = tpu.vector_load_idx %arg13[%add3A_741] : memref<1024xf32, #tpu.memory_space<vmem>>[vector<16xi32>], vector<16xf32>,
      %add3A_743 = arith.addf %add3A_738, %gather3A_742 : vector<16xf32>
      %get3A_744 = arith.index_cast %add3A_580 : i32 to index
      %get3A_745 = arith.constant 0 : index
      %get3A_746 = tpu.vector_load %arg8[%get3A_744, %get3A_745] {strides = array<i32>} : memref<64x128xf32, #tpu.memory_space<vmem>>, vector<16xf32>,
      %add3A_747 = arith.addf %add3A_743, %get3A_746 : vector<16xf32>
      %add3A_748 = arith.constant 16 : i32
      %add3A_749 = vector.broadcast %add3A_748 : i32 to vector<16xi32>
      %add3A_750 = arith.addi %add3A_749, %iota3A : vector<16xi32>
      %mul3A_751 = arith.constant 16 : i32
      %mul3A_752 = vector.broadcast %mul3A_751 : i32 to vector<16xi32>
      %mul3A_753 = arith.muli %add3A_750, %mul3A_752 : vector<16xi32>
      %gather3A_754 = tpu.vector_load_idx %arg13[%mul3A_753] : memref<1024xf32, #tpu.memory_space<vmem>>[vector<16xi32>], vector<16xf32>,
      %add3A_755 = arith.constant 1 : i32
      %add3A_756 = vector.broadcast %add3A_755 : i32 to vector<16xi32>
      %add3A_757 = arith.addi %mul3A_753, %add3A_756 : vector<16xi32>
      %gather3A_758 = tpu.vector_load_idx %arg13[%add3A_757] : memref<1024xf32, #tpu.memory_space<vmem>>[vector<16xi32>], vector<16xf32>,
      %add3A_759 = arith.addf %gather3A_754, %gather3A_758 : vector<16xf32>
      %add3A_760 = arith.constant 2 : i32
      %add3A_761 = vector.broadcast %add3A_760 : i32 to vector<16xi32>
      %add3A_762 = arith.addi %mul3A_753, %add3A_761 : vector<16xi32>
      %gather3A_763 = tpu.vector_load_idx %arg13[%add3A_762] : memref<1024xf32, #tpu.memory_space<vmem>>[vector<16xi32>], vector<16xf32>,
      %add3A_764 = arith.addf %add3A_759, %gather3A_763 : vector<16xf32>
      %add3A_765 = arith.constant 3 : i32
      %add3A_766 = vector.broadcast %add3A_765 : i32 to vector<16xi32>
      %add3A_767 = arith.addi %mul3A_753, %add3A_766 : vector<16xi32>
      %gather3A_768 = tpu.vector_load_idx %arg13[%add3A_767] : memref<1024xf32, #tpu.memory_space<vmem>>[vector<16xi32>], vector<16xf32>,
      %add3A_769 = arith.addf %add3A_764, %gather3A_768 : vector<16xf32>
      %add3A_770 = arith.constant 4 : i32
      %add3A_771 = vector.broadcast %add3A_770 : i32 to vector<16xi32>
      %add3A_772 = arith.addi %mul3A_753, %add3A_771 : vector<16xi32>
      %gather3A_773 = tpu.vector_load_idx %arg13[%add3A_772] : memref<1024xf32, #tpu.memory_space<vmem>>[vector<16xi32>], vector<16xf32>,
      %add3A_774 = arith.addf %add3A_769, %gather3A_773 : vector<16xf32>
      %add3A_775 = arith.constant 5 : i32
      %add3A_776 = vector.broadcast %add3A_775 : i32 to vector<16xi32>
      %add3A_777 = arith.addi %mul3A_753, %add3A_776 : vector<16xi32>
      %gather3A_778 = tpu.vector_load_idx %arg13[%add3A_777] : memref<1024xf32, #tpu.memory_space<vmem>>[vector<16xi32>], vector<16xf32>,
      %add3A_779 = arith.addf %add3A_774, %gather3A_778 : vector<16xf32>
      %add3A_780 = arith.constant 6 : i32
      %add3A_781 = vector.broadcast %add3A_780 : i32 to vector<16xi32>
      %add3A_782 = arith.addi %mul3A_753, %add3A_781 : vector<16xi32>
      %gather3A_783 = tpu.vector_load_idx %arg13[%add3A_782] : memref<1024xf32, #tpu.memory_space<vmem>>[vector<16xi32>], vector<16xf32>,
      %add3A_784 = arith.addf %add3A_779, %gather3A_783 : vector<16xf32>
      %add3A_785 = arith.constant 7 : i32
      %add3A_786 = vector.broadcast %add3A_785 : i32 to vector<16xi32>
      %add3A_787 = arith.addi %mul3A_753, %add3A_786 : vector<16xi32>
      %gather3A_788 = tpu.vector_load_idx %arg13[%add3A_787] : memref<1024xf32, #tpu.memory_space<vmem>>[vector<16xi32>], vector<16xf32>,
      %add3A_789 = arith.addf %add3A_784, %gather3A_788 : vector<16xf32>
      %add3A_790 = arith.constant 8 : i32
      %add3A_791 = vector.broadcast %add3A_790 : i32 to vector<16xi32>
      %add3A_792 = arith.addi %mul3A_753, %add3A_791 : vector<16xi32>
      %gather3A_793 = tpu.vector_load_idx %arg13[%add3A_792] : memref<1024xf32, #tpu.memory_space<vmem>>[vector<16xi32>], vector<16xf32>,
      %add3A_794 = arith.addf %add3A_789, %gather3A_793 : vector<16xf32>
      %add3A_795 = arith.constant 9 : i32
      %add3A_796 = vector.broadcast %add3A_795 : i32 to vector<16xi32>
      %add3A_797 = arith.addi %mul3A_753, %add3A_796 : vector<16xi32>
      %gather3A_798 = tpu.vector_load_idx %arg13[%add3A_797] : memref<1024xf32, #tpu.memory_space<vmem>>[vector<16xi32>], vector<16xf32>,
      %add3A_799 = arith.addf %add3A_794, %gather3A_798 : vector<16xf32>
      %add3A_800 = arith.constant 10 : i32
      %add3A_801 = vector.broadcast %add3A_800 : i32 to vector<16xi32>
      %add3A_802 = arith.addi %mul3A_753, %add3A_801 : vector<16xi32>
      %gather3A_803 = tpu.vector_load_idx %arg13[%add3A_802] : memref<1024xf32, #tpu.memory_space<vmem>>[vector<16xi32>], vector<16xf32>,
      %add3A_804 = arith.addf %add3A_799, %gather3A_803 : vector<16xf32>
      %add3A_805 = arith.constant 11 : i32
      %add3A_806 = vector.broadcast %add3A_805 : i32 to vector<16xi32>
      %add3A_807 = arith.addi %mul3A_753, %add3A_806 : vector<16xi32>
      %gather3A_808 = tpu.vector_load_idx %arg13[%add3A_807] : memref<1024xf32, #tpu.memory_space<vmem>>[vector<16xi32>], vector<16xf32>,
      %add3A_809 = arith.addf %add3A_804, %gather3A_808 : vector<16xf32>
      %add3A_810 = arith.constant 12 : i32
      %add3A_811 = vector.broadcast %add3A_810 : i32 to vector<16xi32>
      %add3A_812 = arith.addi %mul3A_753, %add3A_811 : vector<16xi32>
      %gather3A_813 = tpu.vector_load_idx %arg13[%add3A_812] : memref<1024xf32, #tpu.memory_space<vmem>>[vector<16xi32>], vector<16xf32>,
      %add3A_814 = arith.addf %add3A_809, %gather3A_813 : vector<16xf32>
      %add3A_815 = arith.constant 13 : i32
      %add3A_816 = vector.broadcast %add3A_815 : i32 to vector<16xi32>
      %add3A_817 = arith.addi %mul3A_753, %add3A_816 : vector<16xi32>
      %gather3A_818 = tpu.vector_load_idx %arg13[%add3A_817] : memref<1024xf32, #tpu.memory_space<vmem>>[vector<16xi32>], vector<16xf32>,
      %add3A_819 = arith.addf %add3A_814, %gather3A_818 : vector<16xf32>
      %add3A_820 = arith.constant 14 : i32
      %add3A_821 = vector.broadcast %add3A_820 : i32 to vector<16xi32>
      %add3A_822 = arith.addi %mul3A_753, %add3A_821 : vector<16xi32>
      %gather3A_823 = tpu.vector_load_idx %arg13[%add3A_822] : memref<1024xf32, #tpu.memory_space<vmem>>[vector<16xi32>], vector<16xf32>,
      %add3A_824 = arith.addf %add3A_819, %gather3A_823 : vector<16xf32>
      %add3A_825 = arith.constant 15 : i32
      %add3A_826 = vector.broadcast %add3A_825 : i32 to vector<16xi32>
      %add3A_827 = arith.addi %mul3A_753, %add3A_826 : vector<16xi32>
      %gather3A_828 = tpu.vector_load_idx %arg13[%add3A_827] : memref<1024xf32, #tpu.memory_space<vmem>>[vector<16xi32>], vector<16xf32>,
      %add3A_829 = arith.addf %add3A_824, %gather3A_828 : vector<16xf32>
      %get3A_830 = arith.index_cast %add3A_580 : i32 to index
      %get3A_831 = arith.constant 16 : index
      %get3A_832 = tpu.vector_load %arg8[%get3A_830, %get3A_831] {strides = array<i32>} : memref<64x128xf32, #tpu.memory_space<vmem>>, vector<16xf32>,
      %add3A_833 = arith.addf %add3A_829, %get3A_832 : vector<16xf32>
      %add3A_834 = arith.constant 32 : i32
      %add3A_835 = vector.broadcast %add3A_834 : i32 to vector<16xi32>
      %add3A_836 = arith.addi %add3A_835, %iota3A : vector<16xi32>
      %mul3A_837 = arith.constant 16 : i32
      %mul3A_838 = vector.broadcast %mul3A_837 : i32 to vector<16xi32>
      %mul3A_839 = arith.muli %add3A_836, %mul3A_838 : vector<16xi32>
      %gather3A_840 = tpu.vector_load_idx %arg13[%mul3A_839] : memref<1024xf32, #tpu.memory_space<vmem>>[vector<16xi32>], vector<16xf32>,
      %add3A_841 = arith.constant 1 : i32
      %add3A_842 = vector.broadcast %add3A_841 : i32 to vector<16xi32>
      %add3A_843 = arith.addi %mul3A_839, %add3A_842 : vector<16xi32>
      %gather3A_844 = tpu.vector_load_idx %arg13[%add3A_843] : memref<1024xf32, #tpu.memory_space<vmem>>[vector<16xi32>], vector<16xf32>,
      %add3A_845 = arith.addf %gather3A_840, %gather3A_844 : vector<16xf32>
      %add3A_846 = arith.constant 2 : i32
      %add3A_847 = vector.broadcast %add3A_846 : i32 to vector<16xi32>
      %add3A_848 = arith.addi %mul3A_839, %add3A_847 : vector<16xi32>
      %gather3A_849 = tpu.vector_load_idx %arg13[%add3A_848] : memref<1024xf32, #tpu.memory_space<vmem>>[vector<16xi32>], vector<16xf32>,
      %add3A_850 = arith.addf %add3A_845, %gather3A_849 : vector<16xf32>
      %add3A_851 = arith.constant 3 : i32
      %add3A_852 = vector.broadcast %add3A_851 : i32 to vector<16xi32>
      %add3A_853 = arith.addi %mul3A_839, %add3A_852 : vector<16xi32>
      %gather3A_854 = tpu.vector_load_idx %arg13[%add3A_853] : memref<1024xf32, #tpu.memory_space<vmem>>[vector<16xi32>], vector<16xf32>,
      %add3A_855 = arith.addf %add3A_850, %gather3A_854 : vector<16xf32>
      %add3A_856 = arith.constant 4 : i32
      %add3A_857 = vector.broadcast %add3A_856 : i32 to vector<16xi32>
      %add3A_858 = arith.addi %mul3A_839, %add3A_857 : vector<16xi32>
      %gather3A_859 = tpu.vector_load_idx %arg13[%add3A_858] : memref<1024xf32, #tpu.memory_space<vmem>>[vector<16xi32>], vector<16xf32>,
      %add3A_860 = arith.addf %add3A_855, %gather3A_859 : vector<16xf32>
      %add3A_861 = arith.constant 5 : i32
      %add3A_862 = vector.broadcast %add3A_861 : i32 to vector<16xi32>
      %add3A_863 = arith.addi %mul3A_839, %add3A_862 : vector<16xi32>
      %gather3A_864 = tpu.vector_load_idx %arg13[%add3A_863] : memref<1024xf32, #tpu.memory_space<vmem>>[vector<16xi32>], vector<16xf32>,
      %add3A_865 = arith.addf %add3A_860, %gather3A_864 : vector<16xf32>
      %add3A_866 = arith.constant 6 : i32
      %add3A_867 = vector.broadcast %add3A_866 : i32 to vector<16xi32>
      %add3A_868 = arith.addi %mul3A_839, %add3A_867 : vector<16xi32>
      %gather3A_869 = tpu.vector_load_idx %arg13[%add3A_868] : memref<1024xf32, #tpu.memory_space<vmem>>[vector<16xi32>], vector<16xf32>,
      %add3A_870 = arith.addf %add3A_865, %gather3A_869 : vector<16xf32>
      %add3A_871 = arith.constant 7 : i32
      %add3A_872 = vector.broadcast %add3A_871 : i32 to vector<16xi32>
      %add3A_873 = arith.addi %mul3A_839, %add3A_872 : vector<16xi32>
      %gather3A_874 = tpu.vector_load_idx %arg13[%add3A_873] : memref<1024xf32, #tpu.memory_space<vmem>>[vector<16xi32>], vector<16xf32>,
      %add3A_875 = arith.addf %add3A_870, %gather3A_874 : vector<16xf32>
      %add3A_876 = arith.constant 8 : i32
      %add3A_877 = vector.broadcast %add3A_876 : i32 to vector<16xi32>
      %add3A_878 = arith.addi %mul3A_839, %add3A_877 : vector<16xi32>
      %gather3A_879 = tpu.vector_load_idx %arg13[%add3A_878] : memref<1024xf32, #tpu.memory_space<vmem>>[vector<16xi32>], vector<16xf32>,
      %add3A_880 = arith.addf %add3A_875, %gather3A_879 : vector<16xf32>
      %add3A_881 = arith.constant 9 : i32
      %add3A_882 = vector.broadcast %add3A_881 : i32 to vector<16xi32>
      %add3A_883 = arith.addi %mul3A_839, %add3A_882 : vector<16xi32>
      %gather3A_884 = tpu.vector_load_idx %arg13[%add3A_883] : memref<1024xf32, #tpu.memory_space<vmem>>[vector<16xi32>], vector<16xf32>,
      %add3A_885 = arith.addf %add3A_880, %gather3A_884 : vector<16xf32>
      %add3A_886 = arith.constant 10 : i32
      %add3A_887 = vector.broadcast %add3A_886 : i32 to vector<16xi32>
      %add3A_888 = arith.addi %mul3A_839, %add3A_887 : vector<16xi32>
      %gather3A_889 = tpu.vector_load_idx %arg13[%add3A_888] : memref<1024xf32, #tpu.memory_space<vmem>>[vector<16xi32>], vector<16xf32>,
      %add3A_890 = arith.addf %add3A_885, %gather3A_889 : vector<16xf32>
      %add3A_891 = arith.constant 11 : i32
      %add3A_892 = vector.broadcast %add3A_891 : i32 to vector<16xi32>
      %add3A_893 = arith.addi %mul3A_839, %add3A_892 : vector<16xi32>
      %gather3A_894 = tpu.vector_load_idx %arg13[%add3A_893] : memref<1024xf32, #tpu.memory_space<vmem>>[vector<16xi32>], vector<16xf32>,
      %add3A_895 = arith.addf %add3A_890, %gather3A_894 : vector<16xf32>
      %add3A_896 = arith.constant 12 : i32
      %add3A_897 = vector.broadcast %add3A_896 : i32 to vector<16xi32>
      %add3A_898 = arith.addi %mul3A_839, %add3A_897 : vector<16xi32>
      %gather3A_899 = tpu.vector_load_idx %arg13[%add3A_898] : memref<1024xf32, #tpu.memory_space<vmem>>[vector<16xi32>], vector<16xf32>,
      %add3A_900 = arith.addf %add3A_895, %gather3A_899 : vector<16xf32>
      %add3A_901 = arith.constant 13 : i32
      %add3A_902 = vector.broadcast %add3A_901 : i32 to vector<16xi32>
      %add3A_903 = arith.addi %mul3A_839, %add3A_902 : vector<16xi32>
      %gather3A_904 = tpu.vector_load_idx %arg13[%add3A_903] : memref<1024xf32, #tpu.memory_space<vmem>>[vector<16xi32>], vector<16xf32>,
      %add3A_905 = arith.addf %add3A_900, %gather3A_904 : vector<16xf32>
      %add3A_906 = arith.constant 14 : i32
      %add3A_907 = vector.broadcast %add3A_906 : i32 to vector<16xi32>
      %add3A_908 = arith.addi %mul3A_839, %add3A_907 : vector<16xi32>
      %gather3A_909 = tpu.vector_load_idx %arg13[%add3A_908] : memref<1024xf32, #tpu.memory_space<vmem>>[vector<16xi32>], vector<16xf32>,
      %add3A_910 = arith.addf %add3A_905, %gather3A_909 : vector<16xf32>
      %add3A_911 = arith.constant 15 : i32
      %add3A_912 = vector.broadcast %add3A_911 : i32 to vector<16xi32>
      %add3A_913 = arith.addi %mul3A_839, %add3A_912 : vector<16xi32>
      %gather3A_914 = tpu.vector_load_idx %arg13[%add3A_913] : memref<1024xf32, #tpu.memory_space<vmem>>[vector<16xi32>], vector<16xf32>,
      %add3A_915 = arith.addf %add3A_910, %gather3A_914 : vector<16xf32>
      %get3A_916 = arith.index_cast %add3A_580 : i32 to index
      %get3A_917 = arith.constant 32 : index
      %get3A_918 = tpu.vector_load %arg8[%get3A_916, %get3A_917] {strides = array<i32>} : memref<64x128xf32, #tpu.memory_space<vmem>>, vector<16xf32>,
      %add3A_919 = arith.addf %add3A_915, %get3A_918 : vector<16xf32>
      %add3A_920 = arith.constant 48 : i32
      %add3A_921 = vector.broadcast %add3A_920 : i32 to vector<16xi32>
      %add3A_922 = arith.addi %add3A_921, %iota3A : vector<16xi32>
      %mul3A_923 = arith.constant 16 : i32
      %mul3A_924 = vector.broadcast %mul3A_923 : i32 to vector<16xi32>
      %mul3A_925 = arith.muli %add3A_922, %mul3A_924 : vector<16xi32>
      %gather3A_926 = tpu.vector_load_idx %arg13[%mul3A_925] : memref<1024xf32, #tpu.memory_space<vmem>>[vector<16xi32>], vector<16xf32>,
      %add3A_927 = arith.constant 1 : i32
      %add3A_928 = vector.broadcast %add3A_927 : i32 to vector<16xi32>
      %add3A_929 = arith.addi %mul3A_925, %add3A_928 : vector<16xi32>
      %gather3A_930 = tpu.vector_load_idx %arg13[%add3A_929] : memref<1024xf32, #tpu.memory_space<vmem>>[vector<16xi32>], vector<16xf32>,
      %add3A_931 = arith.addf %gather3A_926, %gather3A_930 : vector<16xf32>
      %add3A_932 = arith.constant 2 : i32
      %add3A_933 = vector.broadcast %add3A_932 : i32 to vector<16xi32>
      %add3A_934 = arith.addi %mul3A_925, %add3A_933 : vector<16xi32>
      %gather3A_935 = tpu.vector_load_idx %arg13[%add3A_934] : memref<1024xf32, #tpu.memory_space<vmem>>[vector<16xi32>], vector<16xf32>,
      %add3A_936 = arith.addf %add3A_931, %gather3A_935 : vector<16xf32>
      %add3A_937 = arith.constant 3 : i32
      %add3A_938 = vector.broadcast %add3A_937 : i32 to vector<16xi32>
      %add3A_939 = arith.addi %mul3A_925, %add3A_938 : vector<16xi32>
      %gather3A_940 = tpu.vector_load_idx %arg13[%add3A_939] : memref<1024xf32, #tpu.memory_space<vmem>>[vector<16xi32>], vector<16xf32>,
      %add3A_941 = arith.addf %add3A_936, %gather3A_940 : vector<16xf32>
      %add3A_942 = arith.constant 4 : i32
      %add3A_943 = vector.broadcast %add3A_942 : i32 to vector<16xi32>
      %add3A_944 = arith.addi %mul3A_925, %add3A_943 : vector<16xi32>
      %gather3A_945 = tpu.vector_load_idx %arg13[%add3A_944] : memref<1024xf32, #tpu.memory_space<vmem>>[vector<16xi32>], vector<16xf32>,
      %add3A_946 = arith.addf %add3A_941, %gather3A_945 : vector<16xf32>
      %add3A_947 = arith.constant 5 : i32
      %add3A_948 = vector.broadcast %add3A_947 : i32 to vector<16xi32>
      %add3A_949 = arith.addi %mul3A_925, %add3A_948 : vector<16xi32>
      %gather3A_950 = tpu.vector_load_idx %arg13[%add3A_949] : memref<1024xf32, #tpu.memory_space<vmem>>[vector<16xi32>], vector<16xf32>,
      %add3A_951 = arith.addf %add3A_946, %gather3A_950 : vector<16xf32>
      %add3A_952 = arith.constant 6 : i32
      %add3A_953 = vector.broadcast %add3A_952 : i32 to vector<16xi32>
      %add3A_954 = arith.addi %mul3A_925, %add3A_953 : vector<16xi32>
      %gather3A_955 = tpu.vector_load_idx %arg13[%add3A_954] : memref<1024xf32, #tpu.memory_space<vmem>>[vector<16xi32>], vector<16xf32>,
      %add3A_956 = arith.addf %add3A_951, %gather3A_955 : vector<16xf32>
      %add3A_957 = arith.constant 7 : i32
      %add3A_958 = vector.broadcast %add3A_957 : i32 to vector<16xi32>
      %add3A_959 = arith.addi %mul3A_925, %add3A_958 : vector<16xi32>
      %gather3A_960 = tpu.vector_load_idx %arg13[%add3A_959] : memref<1024xf32, #tpu.memory_space<vmem>>[vector<16xi32>], vector<16xf32>,
      %add3A_961 = arith.addf %add3A_956, %gather3A_960 : vector<16xf32>
      %add3A_962 = arith.constant 8 : i32
      %add3A_963 = vector.broadcast %add3A_962 : i32 to vector<16xi32>
      %add3A_964 = arith.addi %mul3A_925, %add3A_963 : vector<16xi32>
      %gather3A_965 = tpu.vector_load_idx %arg13[%add3A_964] : memref<1024xf32, #tpu.memory_space<vmem>>[vector<16xi32>], vector<16xf32>,
      %add3A_966 = arith.addf %add3A_961, %gather3A_965 : vector<16xf32>
      %add3A_967 = arith.constant 9 : i32
      %add3A_968 = vector.broadcast %add3A_967 : i32 to vector<16xi32>
      %add3A_969 = arith.addi %mul3A_925, %add3A_968 : vector<16xi32>
      %gather3A_970 = tpu.vector_load_idx %arg13[%add3A_969] : memref<1024xf32, #tpu.memory_space<vmem>>[vector<16xi32>], vector<16xf32>,
      %add3A_971 = arith.addf %add3A_966, %gather3A_970 : vector<16xf32>
      %add3A_972 = arith.constant 10 : i32
      %add3A_973 = vector.broadcast %add3A_972 : i32 to vector<16xi32>
      %add3A_974 = arith.addi %mul3A_925, %add3A_973 : vector<16xi32>
      %gather3A_975 = tpu.vector_load_idx %arg13[%add3A_974] : memref<1024xf32, #tpu.memory_space<vmem>>[vector<16xi32>], vector<16xf32>,
      %add3A_976 = arith.addf %add3A_971, %gather3A_975 : vector<16xf32>
      %add3A_977 = arith.constant 11 : i32
      %add3A_978 = vector.broadcast %add3A_977 : i32 to vector<16xi32>
      %add3A_979 = arith.addi %mul3A_925, %add3A_978 : vector<16xi32>
      %gather3A_980 = tpu.vector_load_idx %arg13[%add3A_979] : memref<1024xf32, #tpu.memory_space<vmem>>[vector<16xi32>], vector<16xf32>,
      %add3A_981 = arith.addf %add3A_976, %gather3A_980 : vector<16xf32>
      %add3A_982 = arith.constant 12 : i32
      %add3A_983 = vector.broadcast %add3A_982 : i32 to vector<16xi32>
      %add3A_984 = arith.addi %mul3A_925, %add3A_983 : vector<16xi32>
      %gather3A_985 = tpu.vector_load_idx %arg13[%add3A_984] : memref<1024xf32, #tpu.memory_space<vmem>>[vector<16xi32>], vector<16xf32>,
      %add3A_986 = arith.addf %add3A_981, %gather3A_985 : vector<16xf32>
      %add3A_987 = arith.constant 13 : i32
      %add3A_988 = vector.broadcast %add3A_987 : i32 to vector<16xi32>
      %add3A_989 = arith.addi %mul3A_925, %add3A_988 : vector<16xi32>
      %gather3A_990 = tpu.vector_load_idx %arg13[%add3A_989] : memref<1024xf32, #tpu.memory_space<vmem>>[vector<16xi32>], vector<16xf32>,
      %add3A_991 = arith.addf %add3A_986, %gather3A_990 : vector<16xf32>
      %add3A_992 = arith.constant 14 : i32
      %add3A_993 = vector.broadcast %add3A_992 : i32 to vector<16xi32>
      %add3A_994 = arith.addi %mul3A_925, %add3A_993 : vector<16xi32>
      %gather3A_995 = tpu.vector_load_idx %arg13[%add3A_994] : memref<1024xf32, #tpu.memory_space<vmem>>[vector<16xi32>], vector<16xf32>,
      %add3A_996 = arith.addf %add3A_991, %gather3A_995 : vector<16xf32>
      %add3A_997 = arith.constant 15 : i32
      %add3A_998 = vector.broadcast %add3A_997 : i32 to vector<16xi32>
      %add3A_999 = arith.addi %mul3A_925, %add3A_998 : vector<16xi32>
      %gather3A_1000 = tpu.vector_load_idx %arg13[%add3A_999] : memref<1024xf32, #tpu.memory_space<vmem>>[vector<16xi32>], vector<16xf32>,
      %add3A_1001 = arith.addf %add3A_996, %gather3A_1000 : vector<16xf32>
      %get3A_1002 = arith.index_cast %add3A_580 : i32 to index
      %get3A_1003 = arith.constant 48 : index
      %get3A_1004 = tpu.vector_load %arg8[%get3A_1002, %get3A_1003] {strides = array<i32>} : memref<64x128xf32, #tpu.memory_space<vmem>>, vector<16xf32>,
      %add3A_1005 = arith.addf %add3A_1001, %get3A_1004 : vector<16xf32>
      %max3A_1006 = arith.maximumf %add3A_747, %add3A_833 : vector<16xf32>
      %max3A_1007 = arith.maximumf %add3A_919, %add3A_1005 : vector<16xf32>
      %max3A_1008 = arith.maximumf %max3A_1006, %max3A_1007 : vector<16xf32>
      %reduce_max3A_1009 = arith.constant true
      %reduce_max3A_1010 = vector.broadcast %reduce_max3A_1009 : i1 to vector<16xi1>
      %reduce_max3A_1011 = tpu.scan <max>, %max3A_1008 masked %reduce_max3A_1010 : vector<16xf32>, vector<16xi1> -> vector<16xf32>
      %reduce_max3A_1012 = vector.extract %reduce_max3A_1011[15] : f32 from vector<16xf32>
      %broadcast_in_dim3A_1013 = vector.broadcast %reduce_max3A_1012 : f32 to vector<16xf32>
      %sub3A_1014 = arith.subf %add3A_747, %broadcast_in_dim3A_1013 : vector<16xf32>
      %exp3A_1015 = math.exp %sub3A_1014 : vector<16xf32>
      %sub3A_1016 = arith.subf %add3A_833, %broadcast_in_dim3A_1013 : vector<16xf32>
      %exp3A_1017 = math.exp %sub3A_1016 : vector<16xf32>
      %sub3A_1018 = arith.subf %add3A_919, %broadcast_in_dim3A_1013 : vector<16xf32>
      %exp3A_1019 = math.exp %sub3A_1018 : vector<16xf32>
      %sub3A_1020 = arith.subf %add3A_1005, %broadcast_in_dim3A_1013 : vector<16xf32>
      %exp3A_1021 = math.exp %sub3A_1020 : vector<16xf32>
      %add3A_1022 = arith.addf %exp3A_1015, %exp3A_1017 : vector<16xf32>
      %add3A_1023 = arith.addf %add3A_1022, %exp3A_1019 : vector<16xf32>
      %add3A_1024 = arith.addf %add3A_1023, %exp3A_1021 : vector<16xf32>
      %reduce_sum3A_1025 = arith.constant true
      %reduce_sum3A_1026 = vector.broadcast %reduce_sum3A_1025 : i1 to vector<16xi1>
      %reduce_sum3A_1027 = tpu.scan <sum>, %add3A_1024 masked %reduce_sum3A_1026 : vector<16xf32>, vector<16xi1> -> vector<16xf32>
      %reduce_sum3A_1028 = vector.extract %reduce_sum3A_1027[15] : f32 from vector<16xf32>
      %broadcast_in_dim3A_1029 = vector.broadcast %reduce_sum3A_1028 : f32 to vector<16xf32>
      %broadcast_in_dim3A_1030 = arith.constant 1.000000e+00 : f32
      %broadcast_in_dim3A_1031 = vector.broadcast %broadcast_in_dim3A_1030 : f32 to vector<16xf32>
      %div3A_1032 = arith.divf %broadcast_in_dim3A_1031, %broadcast_in_dim3A_1029 : vector<16xf32>
      %get3A_1033 = arith.index_cast %add3A_580 : i32 to index
      %get3A_1034 = arith.constant 64 : index
      %get3A_1035 = tpu.vector_load %arg8[%get3A_1033, %get3A_1034] {strides = array<i32>} : memref<64x128xf32, #tpu.memory_space<vmem>>, vector<16xf32>,
      %mul3A_1036 = arith.mulf %exp3A_1015, %get3A_1035 : vector<16xf32>
      %mul3A_1037 = arith.mulf %mul3A_1036, %div3A_1032 : vector<16xf32>
      %swap3A_1038 = arith.constant 0 : index
      %swap3A_1039 = tpu.vector_load %arg14[%swap3A_1038] {strides = array<i32>} : memref<64xf32, #tpu.memory_space<vmem>>, vector<16xf32>,
      tpu.vector_store %arg14[%swap3A_1038], %mul3A_1037 {strides = array<i32>} : memref<64xf32, #tpu.memory_space<vmem>>, vector<16xf32>,
      %get3A_1040 = arith.index_cast %add3A_580 : i32 to index
      %get3A_1041 = arith.constant 80 : index
      %get3A_1042 = tpu.vector_load %arg8[%get3A_1040, %get3A_1041] {strides = array<i32>} : memref<64x128xf32, #tpu.memory_space<vmem>>, vector<16xf32>,
      %mul3A_1043 = arith.mulf %exp3A_1017, %get3A_1042 : vector<16xf32>
      %mul3A_1044 = arith.mulf %mul3A_1043, %div3A_1032 : vector<16xf32>
      %swap3A_1045 = arith.constant 16 : index
      %swap3A_1046 = tpu.vector_load %arg14[%swap3A_1045] {strides = array<i32>} : memref<64xf32, #tpu.memory_space<vmem>>, vector<16xf32>,
      tpu.vector_store %arg14[%swap3A_1045], %mul3A_1044 {strides = array<i32>} : memref<64xf32, #tpu.memory_space<vmem>>, vector<16xf32>,
      %get3A_1047 = arith.index_cast %add3A_580 : i32 to index
      %get3A_1048 = arith.constant 96 : index
      %get3A_1049 = tpu.vector_load %arg8[%get3A_1047, %get3A_1048] {strides = array<i32>} : memref<64x128xf32, #tpu.memory_space<vmem>>, vector<16xf32>,
      %mul3A_1050 = arith.mulf %exp3A_1019, %get3A_1049 : vector<16xf32>
      %mul3A_1051 = arith.mulf %mul3A_1050, %div3A_1032 : vector<16xf32>
      %swap3A_1052 = arith.constant 32 : index
      %swap3A_1053 = tpu.vector_load %arg14[%swap3A_1052] {strides = array<i32>} : memref<64xf32, #tpu.memory_space<vmem>>, vector<16xf32>,
      tpu.vector_store %arg14[%swap3A_1052], %mul3A_1051 {strides = array<i32>} : memref<64xf32, #tpu.memory_space<vmem>>, vector<16xf32>,
      %get3A_1054 = arith.index_cast %add3A_580 : i32 to index
      %get3A_1055 = arith.constant 112 : index
      %get3A_1056 = tpu.vector_load %arg8[%get3A_1054, %get3A_1055] {strides = array<i32>} : memref<64x128xf32, #tpu.memory_space<vmem>>, vector<16xf32>,
      %mul3A_1057 = arith.mulf %exp3A_1021, %get3A_1056 : vector<16xf32>
      %mul3A_1058 = arith.mulf %mul3A_1057, %div3A_1032 : vector<16xf32>
      %swap3A_1059 = arith.constant 48 : index
      %swap3A_1060 = tpu.vector_load %arg14[%swap3A_1059] {strides = array<i32>} : memref<64xf32, #tpu.memory_space<vmem>>, vector<16xf32>,
      tpu.vector_store %arg14[%swap3A_1059], %mul3A_1058 {strides = array<i32>} : memref<64xf32, #tpu.memory_space<vmem>>, vector<16xf32>,
      %scan3A_1061 = arith.constant 0 : i32
      %scan3A_1062 = arith.constant 7 : i32
      %scan3A_1063 = arith.addi %scan3A_1061, %scan3A_1062 : i32
      %scan3A_1064 = arith.constant 1 : i32
      %scan3A_1065:12 = scf.for %scan3A_1111 = %scan3A_1061 to %scan3A_1063 step %scan3A_1064 iter_args(%scan3A_1112 = %broadcast_in_dim3A_5, %scan3A_1113 = %broadcast_in_dim3A_5, %scan3A_1114 = %broadcast_in_dim3A_5, %scan3A_1115 = %broadcast_in_dim3A_5, %scan3A_1116 = %broadcast_in_dim3A_5, %scan3A_1117 = %broadcast_in_dim3A_5, %scan3A_1118 = %broadcast_in_dim3A_5, %scan3A_1119 = %broadcast_in_dim3A_5, %scan3A_1120 = %broadcast_in_dim3A_5, %scan3A_1121 = %broadcast_in_dim3A_5, %scan3A_1122 = %broadcast_in_dim3A_5, %scan3A_1123 = %broadcast_in_dim3A_5) -> (vector<16xf32>, vector<16xf32>, vector<16xf32>, vector<16xf32>, vector<16xf32>, vector<16xf32>, vector<16xf32>, vector<16xf32>, vector<16xf32>, vector<16xf32>, vector<16xf32>, vector<16xf32>)  : i32 {
        %mul3A_1124 = arith.constant 7 : i32
        %mul3A_1125 = arith.muli %scan3A_1111, %mul3A_1124 : i32
        %add3A_1126 = arith.constant 0 : i32
        %add3A_1127 = arith.addi %mul3A_1125, %add3A_1126 : i32
        %broadcast_in_dim3A_1128 = vector.broadcast %add3A_1127 : i32 to vector<16xi32>
        %gather3A_1129 = tpu.vector_load_idx %arg14[%broadcast_in_dim3A_1128] : memref<64xf32, #tpu.memory_space<vmem>>[vector<16xi32>], vector<16xf32>,
        %mul3A_1130 = arith.constant 2 : i32
        %mul3A_1131 = arith.muli %mul3A_1130, %add3A_1127 : i32
        %get3A_1132 = arith.index_cast %mul3A_1131 : i32 to index
        %get3A_1133 = arith.constant 0 : index
        %get3A_1134 = tpu.vector_load %arg12[%get3A_1132, %get3A_1133] {strides = array<i32>} : memref<104x128xf32, #tpu.memory_space<vmem>>, vector<16xf32>,
        %mul3A_1135 = arith.mulf %gather3A_1129, %get3A_1134 : vector<16xf32>
        %add3A_1136 = arith.addf %scan3A_1112, %mul3A_1135 : vector<16xf32>
        %mul3A_1137 = arith.constant 2 : i32
        %mul3A_1138 = arith.muli %mul3A_1137, %add3A_1127 : i32
        %get3A_1139 = arith.index_cast %mul3A_1138 : i32 to index
        %get3A_1140 = arith.constant 16 : index
        %get3A_1141 = tpu.vector_load %arg12[%get3A_1139, %get3A_1140] {strides = array<i32>} : memref<104x128xf32, #tpu.memory_space<vmem>>, vector<16xf32>,
        %mul3A_1142 = arith.mulf %gather3A_1129, %get3A_1141 : vector<16xf32>
        %add3A_1143 = arith.addf %scan3A_1113, %mul3A_1142 : vector<16xf32>
        %mul3A_1144 = arith.constant 2 : i32
        %mul3A_1145 = arith.muli %mul3A_1144, %add3A_1127 : i32
        %get3A_1146 = arith.index_cast %mul3A_1145 : i32 to index
        %get3A_1147 = arith.constant 32 : index
        %get3A_1148 = tpu.vector_load %arg12[%get3A_1146, %get3A_1147] {strides = array<i32>} : memref<104x128xf32, #tpu.memory_space<vmem>>, vector<16xf32>,
        %mul3A_1149 = arith.mulf %gather3A_1129, %get3A_1148 : vector<16xf32>
        %add3A_1150 = arith.addf %scan3A_1114, %mul3A_1149 : vector<16xf32>
        %mul3A_1151 = arith.constant 2 : i32
        %mul3A_1152 = arith.muli %mul3A_1151, %add3A_1127 : i32
        %get3A_1153 = arith.index_cast %mul3A_1152 : i32 to index
        %get3A_1154 = arith.constant 48 : index
        %get3A_1155 = tpu.vector_load %arg12[%get3A_1153, %get3A_1154] {strides = array<i32>} : memref<104x128xf32, #tpu.memory_space<vmem>>, vector<16xf32>,
        %mul3A_1156 = arith.mulf %gather3A_1129, %get3A_1155 : vector<16xf32>
        %add3A_1157 = arith.addf %scan3A_1115, %mul3A_1156 : vector<16xf32>
        %mul3A_1158 = arith.constant 2 : i32
        %mul3A_1159 = arith.muli %mul3A_1158, %add3A_1127 : i32
        %get3A_1160 = arith.index_cast %mul3A_1159 : i32 to index
        %get3A_1161 = arith.constant 64 : index
        %get3A_1162 = tpu.vector_load %arg12[%get3A_1160, %get3A_1161] {strides = array<i32>} : memref<104x128xf32, #tpu.memory_space<vmem>>, vector<16xf32>,
        %mul3A_1163 = arith.mulf %gather3A_1129, %get3A_1162 : vector<16xf32>
        %add3A_1164 = arith.addf %scan3A_1116, %mul3A_1163 : vector<16xf32>
        %mul3A_1165 = arith.constant 2 : i32
        %mul3A_1166 = arith.muli %mul3A_1165, %add3A_1127 : i32
        %get3A_1167 = arith.index_cast %mul3A_1166 : i32 to index
        %get3A_1168 = arith.constant 80 : index
        %get3A_1169 = tpu.vector_load %arg12[%get3A_1167, %get3A_1168] {strides = array<i32>} : memref<104x128xf32, #tpu.memory_space<vmem>>, vector<16xf32>,
        %mul3A_1170 = arith.mulf %gather3A_1129, %get3A_1169 : vector<16xf32>
        %add3A_1171 = arith.addf %scan3A_1117, %mul3A_1170 : vector<16xf32>
        %mul3A_1172 = arith.constant 2 : i32
        %mul3A_1173 = arith.muli %mul3A_1172, %add3A_1127 : i32
        %get3A_1174 = arith.index_cast %mul3A_1173 : i32 to index
        %get3A_1175 = arith.constant 96 : index
        %get3A_1176 = tpu.vector_load %arg12[%get3A_1174, %get3A_1175] {strides = array<i32>} : memref<104x128xf32, #tpu.memory_space<vmem>>, vector<16xf32>,
        %mul3A_1177 = arith.mulf %gather3A_1129, %get3A_1176 : vector<16xf32>
        %add3A_1178 = arith.addf %scan3A_1118, %mul3A_1177 : vector<16xf32>
        %mul3A_1179 = arith.constant 2 : i32
        %mul3A_1180 = arith.muli %mul3A_1179, %add3A_1127 : i32
        %get3A_1181 = arith.index_cast %mul3A_1180 : i32 to index
        %get3A_1182 = arith.constant 112 : index
        %get3A_1183 = tpu.vector_load %arg12[%get3A_1181, %get3A_1182] {strides = array<i32>} : memref<104x128xf32, #tpu.memory_space<vmem>>, vector<16xf32>,
        %mul3A_1184 = arith.mulf %gather3A_1129, %get3A_1183 : vector<16xf32>
        %add3A_1185 = arith.addf %scan3A_1119, %mul3A_1184 : vector<16xf32>
        %mul3A_1186 = arith.constant 2 : i32
        %mul3A_1187 = arith.muli %mul3A_1186, %add3A_1127 : i32
        %add3A_1188 = arith.constant 1 : i32
        %add3A_1189 = arith.addi %mul3A_1187, %add3A_1188 : i32
        %get3A_1190 = arith.index_cast %add3A_1189 : i32 to index
        %get3A_1191 = arith.constant 0 : index
        %get3A_1192 = tpu.vector_load %arg12[%get3A_1190, %get3A_1191] {strides = array<i32>} : memref<104x128xf32, #tpu.memory_space<vmem>>, vector<16xf32>,
        %mul3A_1193 = arith.mulf %gather3A_1129, %get3A_1192 : vector<16xf32>
        %add3A_1194 = arith.addf %scan3A_1120, %mul3A_1193 : vector<16xf32>
        %mul3A_1195 = arith.constant 2 : i32
        %mul3A_1196 = arith.muli %mul3A_1195, %add3A_1127 : i32
        %add3A_1197 = arith.constant 1 : i32
        %add3A_1198 = arith.addi %mul3A_1196, %add3A_1197 : i32
        %get3A_1199 = arith.index_cast %add3A_1198 : i32 to index
        %get3A_1200 = arith.constant 16 : index
        %get3A_1201 = tpu.vector_load %arg12[%get3A_1199, %get3A_1200] {strides = array<i32>} : memref<104x128xf32, #tpu.memory_space<vmem>>, vector<16xf32>,
        %mul3A_1202 = arith.mulf %gather3A_1129, %get3A_1201 : vector<16xf32>
        %add3A_1203 = arith.addf %scan3A_1121, %mul3A_1202 : vector<16xf32>
        %mul3A_1204 = arith.constant 2 : i32
        %mul3A_1205 = arith.muli %mul3A_1204, %add3A_1127 : i32
        %add3A_1206 = arith.constant 1 : i32
        %add3A_1207 = arith.addi %mul3A_1205, %add3A_1206 : i32
        %get3A_1208 = arith.index_cast %add3A_1207 : i32 to index
        %get3A_1209 = arith.constant 32 : index
        %get3A_1210 = tpu.vector_load %arg12[%get3A_1208, %get3A_1209] {strides = array<i32>} : memref<104x128xf32, #tpu.memory_space<vmem>>, vector<16xf32>,
        %mul3A_1211 = arith.mulf %gather3A_1129, %get3A_1210 : vector<16xf32>
        %add3A_1212 = arith.addf %scan3A_1122, %mul3A_1211 : vector<16xf32>
        %mul3A_1213 = arith.constant 2 : i32
        %mul3A_1214 = arith.muli %mul3A_1213, %add3A_1127 : i32
        %add3A_1215 = arith.constant 1 : i32
        %add3A_1216 = arith.addi %mul3A_1214, %add3A_1215 : i32
        %get3A_1217 = arith.index_cast %add3A_1216 : i32 to index
        %get3A_1218 = arith.constant 48 : index
        %get3A_1219 = tpu.vector_load %arg12[%get3A_1217, %get3A_1218] {strides = array<i32>} : memref<104x128xf32, #tpu.memory_space<vmem>>, vector<16xf32>,
        %mul3A_1220 = arith.mulf %gather3A_1129, %get3A_1219 : vector<16xf32>
        %add3A_1221 = arith.addf %scan3A_1123, %mul3A_1220 : vector<16xf32>
        %mul3A_1222 = arith.constant 7 : i32
        %mul3A_1223 = arith.muli %scan3A_1111, %mul3A_1222 : i32
        %add3A_1224 = arith.constant 1 : i32
        %add3A_1225 = arith.addi %mul3A_1223, %add3A_1224 : i32
        %broadcast_in_dim3A_1226 = vector.broadcast %add3A_1225 : i32 to vector<16xi32>
        %gather3A_1227 = tpu.vector_load_idx %arg14[%broadcast_in_dim3A_1226] : memref<64xf32, #tpu.memory_space<vmem>>[vector<16xi32>], vector<16xf32>,
        %mul3A_1228 = arith.constant 2 : i32
        %mul3A_1229 = arith.muli %mul3A_1228, %add3A_1225 : i32
        %get3A_1230 = arith.index_cast %mul3A_1229 : i32 to index
        %get3A_1231 = arith.constant 0 : index
        %get3A_1232 = tpu.vector_load %arg12[%get3A_1230, %get3A_1231] {strides = array<i32>} : memref<104x128xf32, #tpu.memory_space<vmem>>, vector<16xf32>,
        %mul3A_1233 = arith.mulf %gather3A_1227, %get3A_1232 : vector<16xf32>
        %add3A_1234 = arith.addf %add3A_1136, %mul3A_1233 : vector<16xf32>
        %mul3A_1235 = arith.constant 2 : i32
        %mul3A_1236 = arith.muli %mul3A_1235, %add3A_1225 : i32
        %get3A_1237 = arith.index_cast %mul3A_1236 : i32 to index
        %get3A_1238 = arith.constant 16 : index
        %get3A_1239 = tpu.vector_load %arg12[%get3A_1237, %get3A_1238] {strides = array<i32>} : memref<104x128xf32, #tpu.memory_space<vmem>>, vector<16xf32>,
        %mul3A_1240 = arith.mulf %gather3A_1227, %get3A_1239 : vector<16xf32>
        %add3A_1241 = arith.addf %add3A_1143, %mul3A_1240 : vector<16xf32>
        %mul3A_1242 = arith.constant 2 : i32
        %mul3A_1243 = arith.muli %mul3A_1242, %add3A_1225 : i32
        %get3A_1244 = arith.index_cast %mul3A_1243 : i32 to index
        %get3A_1245 = arith.constant 32 : index
        %get3A_1246 = tpu.vector_load %arg12[%get3A_1244, %get3A_1245] {strides = array<i32>} : memref<104x128xf32, #tpu.memory_space<vmem>>, vector<16xf32>,
        %mul3A_1247 = arith.mulf %gather3A_1227, %get3A_1246 : vector<16xf32>
        %add3A_1248 = arith.addf %add3A_1150, %mul3A_1247 : vector<16xf32>
        %mul3A_1249 = arith.constant 2 : i32
        %mul3A_1250 = arith.muli %mul3A_1249, %add3A_1225 : i32
        %get3A_1251 = arith.index_cast %mul3A_1250 : i32 to index
        %get3A_1252 = arith.constant 48 : index
        %get3A_1253 = tpu.vector_load %arg12[%get3A_1251, %get3A_1252] {strides = array<i32>} : memref<104x128xf32, #tpu.memory_space<vmem>>, vector<16xf32>,
        %mul3A_1254 = arith.mulf %gather3A_1227, %get3A_1253 : vector<16xf32>
        %add3A_1255 = arith.addf %add3A_1157, %mul3A_1254 : vector<16xf32>
        %mul3A_1256 = arith.constant 2 : i32
        %mul3A_1257 = arith.muli %mul3A_1256, %add3A_1225 : i32
        %get3A_1258 = arith.index_cast %mul3A_1257 : i32 to index
        %get3A_1259 = arith.constant 64 : index
        %get3A_1260 = tpu.vector_load %arg12[%get3A_1258, %get3A_1259] {strides = array<i32>} : memref<104x128xf32, #tpu.memory_space<vmem>>, vector<16xf32>,
        %mul3A_1261 = arith.mulf %gather3A_1227, %get3A_1260 : vector<16xf32>
        %add3A_1262 = arith.addf %add3A_1164, %mul3A_1261 : vector<16xf32>
        %mul3A_1263 = arith.constant 2 : i32
        %mul3A_1264 = arith.muli %mul3A_1263, %add3A_1225 : i32
        %get3A_1265 = arith.index_cast %mul3A_1264 : i32 to index
        %get3A_1266 = arith.constant 80 : index
        %get3A_1267 = tpu.vector_load %arg12[%get3A_1265, %get3A_1266] {strides = array<i32>} : memref<104x128xf32, #tpu.memory_space<vmem>>, vector<16xf32>,
        %mul3A_1268 = arith.mulf %gather3A_1227, %get3A_1267 : vector<16xf32>
        %add3A_1269 = arith.addf %add3A_1171, %mul3A_1268 : vector<16xf32>
        %mul3A_1270 = arith.constant 2 : i32
        %mul3A_1271 = arith.muli %mul3A_1270, %add3A_1225 : i32
        %get3A_1272 = arith.index_cast %mul3A_1271 : i32 to index
        %get3A_1273 = arith.constant 96 : index
        %get3A_1274 = tpu.vector_load %arg12[%get3A_1272, %get3A_1273] {strides = array<i32>} : memref<104x128xf32, #tpu.memory_space<vmem>>, vector<16xf32>,
        %mul3A_1275 = arith.mulf %gather3A_1227, %get3A_1274 : vector<16xf32>
        %add3A_1276 = arith.addf %add3A_1178, %mul3A_1275 : vector<16xf32>
        %mul3A_1277 = arith.constant 2 : i32
        %mul3A_1278 = arith.muli %mul3A_1277, %add3A_1225 : i32
        %get3A_1279 = arith.index_cast %mul3A_1278 : i32 to index
        %get3A_1280 = arith.constant 112 : index
        %get3A_1281 = tpu.vector_load %arg12[%get3A_1279, %get3A_1280] {strides = array<i32>} : memref<104x128xf32, #tpu.memory_space<vmem>>, vector<16xf32>,
        %mul3A_1282 = arith.mulf %gather3A_1227, %get3A_1281 : vector<16xf32>
        %add3A_1283 = arith.addf %add3A_1185, %mul3A_1282 : vector<16xf32>
        %mul3A_1284 = arith.constant 2 : i32
        %mul3A_1285 = arith.muli %mul3A_1284, %add3A_1225 : i32
        %add3A_1286 = arith.constant 1 : i32
        %add3A_1287 = arith.addi %mul3A_1285, %add3A_1286 : i32
        %get3A_1288 = arith.index_cast %add3A_1287 : i32 to index
        %get3A_1289 = arith.constant 0 : index
        %get3A_1290 = tpu.vector_load %arg12[%get3A_1288, %get3A_1289] {strides = array<i32>} : memref<104x128xf32, #tpu.memory_space<vmem>>, vector<16xf32>,
        %mul3A_1291 = arith.mulf %gather3A_1227, %get3A_1290 : vector<16xf32>
        %add3A_1292 = arith.addf %add3A_1194, %mul3A_1291 : vector<16xf32>
        %mul3A_1293 = arith.constant 2 : i32
        %mul3A_1294 = arith.muli %mul3A_1293, %add3A_1225 : i32
        %add3A_1295 = arith.constant 1 : i32
        %add3A_1296 = arith.addi %mul3A_1294, %add3A_1295 : i32
        %get3A_1297 = arith.index_cast %add3A_1296 : i32 to index
        %get3A_1298 = arith.constant 16 : index
        %get3A_1299 = tpu.vector_load %arg12[%get3A_1297, %get3A_1298] {strides = array<i32>} : memref<104x128xf32, #tpu.memory_space<vmem>>, vector<16xf32>,
        %mul3A_1300 = arith.mulf %gather3A_1227, %get3A_1299 : vector<16xf32>
        %add3A_1301 = arith.addf %add3A_1203, %mul3A_1300 : vector<16xf32>
        %mul3A_1302 = arith.constant 2 : i32
        %mul3A_1303 = arith.muli %mul3A_1302, %add3A_1225 : i32
        %add3A_1304 = arith.constant 1 : i32
        %add3A_1305 = arith.addi %mul3A_1303, %add3A_1304 : i32
        %get3A_1306 = arith.index_cast %add3A_1305 : i32 to index
        %get3A_1307 = arith.constant 32 : index
        %get3A_1308 = tpu.vector_load %arg12[%get3A_1306, %get3A_1307] {strides = array<i32>} : memref<104x128xf32, #tpu.memory_space<vmem>>, vector<16xf32>,
        %mul3A_1309 = arith.mulf %gather3A_1227, %get3A_1308 : vector<16xf32>
        %add3A_1310 = arith.addf %add3A_1212, %mul3A_1309 : vector<16xf32>
        %mul3A_1311 = arith.constant 2 : i32
        %mul3A_1312 = arith.muli %mul3A_1311, %add3A_1225 : i32
        %add3A_1313 = arith.constant 1 : i32
        %add3A_1314 = arith.addi %mul3A_1312, %add3A_1313 : i32
        %get3A_1315 = arith.index_cast %add3A_1314 : i32 to index
        %get3A_1316 = arith.constant 48 : index
        %get3A_1317 = tpu.vector_load %arg12[%get3A_1315, %get3A_1316] {strides = array<i32>} : memref<104x128xf32, #tpu.memory_space<vmem>>, vector<16xf32>,
        %mul3A_1318 = arith.mulf %gather3A_1227, %get3A_1317 : vector<16xf32>
        %add3A_1319 = arith.addf %add3A_1221, %mul3A_1318 : vector<16xf32>
        %mul3A_1320 = arith.constant 7 : i32
        %mul3A_1321 = arith.muli %scan3A_1111, %mul3A_1320 : i32
        %add3A_1322 = arith.constant 2 : i32
        %add3A_1323 = arith.addi %mul3A_1321, %add3A_1322 : i32
        %broadcast_in_dim3A_1324 = vector.broadcast %add3A_1323 : i32 to vector<16xi32>
        %gather3A_1325 = tpu.vector_load_idx %arg14[%broadcast_in_dim3A_1324] : memref<64xf32, #tpu.memory_space<vmem>>[vector<16xi32>], vector<16xf32>,
        %mul3A_1326 = arith.constant 2 : i32
        %mul3A_1327 = arith.muli %mul3A_1326, %add3A_1323 : i32
        %get3A_1328 = arith.index_cast %mul3A_1327 : i32 to index
        %get3A_1329 = arith.constant 0 : index
        %get3A_1330 = tpu.vector_load %arg12[%get3A_1328, %get3A_1329] {strides = array<i32>} : memref<104x128xf32, #tpu.memory_space<vmem>>, vector<16xf32>,
        %mul3A_1331 = arith.mulf %gather3A_1325, %get3A_1330 : vector<16xf32>
        %add3A_1332 = arith.addf %add3A_1234, %mul3A_1331 : vector<16xf32>
        %mul3A_1333 = arith.constant 2 : i32
        %mul3A_1334 = arith.muli %mul3A_1333, %add3A_1323 : i32
        %get3A_1335 = arith.index_cast %mul3A_1334 : i32 to index
        %get3A_1336 = arith.constant 16 : index
        %get3A_1337 = tpu.vector_load %arg12[%get3A_1335, %get3A_1336] {strides = array<i32>} : memref<104x128xf32, #tpu.memory_space<vmem>>, vector<16xf32>,
        %mul3A_1338 = arith.mulf %gather3A_1325, %get3A_1337 : vector<16xf32>
        %add3A_1339 = arith.addf %add3A_1241, %mul3A_1338 : vector<16xf32>
        %mul3A_1340 = arith.constant 2 : i32
        %mul3A_1341 = arith.muli %mul3A_1340, %add3A_1323 : i32
        %get3A_1342 = arith.index_cast %mul3A_1341 : i32 to index
        %get3A_1343 = arith.constant 32 : index
        %get3A_1344 = tpu.vector_load %arg12[%get3A_1342, %get3A_1343] {strides = array<i32>} : memref<104x128xf32, #tpu.memory_space<vmem>>, vector<16xf32>,
        %mul3A_1345 = arith.mulf %gather3A_1325, %get3A_1344 : vector<16xf32>
        %add3A_1346 = arith.addf %add3A_1248, %mul3A_1345 : vector<16xf32>
        %mul3A_1347 = arith.constant 2 : i32
        %mul3A_1348 = arith.muli %mul3A_1347, %add3A_1323 : i32
        %get3A_1349 = arith.index_cast %mul3A_1348 : i32 to index
        %get3A_1350 = arith.constant 48 : index
        %get3A_1351 = tpu.vector_load %arg12[%get3A_1349, %get3A_1350] {strides = array<i32>} : memref<104x128xf32, #tpu.memory_space<vmem>>, vector<16xf32>,
        %mul3A_1352 = arith.mulf %gather3A_1325, %get3A_1351 : vector<16xf32>
        %add3A_1353 = arith.addf %add3A_1255, %mul3A_1352 : vector<16xf32>
        %mul3A_1354 = arith.constant 2 : i32
        %mul3A_1355 = arith.muli %mul3A_1354, %add3A_1323 : i32
        %get3A_1356 = arith.index_cast %mul3A_1355 : i32 to index
        %get3A_1357 = arith.constant 64 : index
        %get3A_1358 = tpu.vector_load %arg12[%get3A_1356, %get3A_1357] {strides = array<i32>} : memref<104x128xf32, #tpu.memory_space<vmem>>, vector<16xf32>,
        %mul3A_1359 = arith.mulf %gather3A_1325, %get3A_1358 : vector<16xf32>
        %add3A_1360 = arith.addf %add3A_1262, %mul3A_1359 : vector<16xf32>
        %mul3A_1361 = arith.constant 2 : i32
        %mul3A_1362 = arith.muli %mul3A_1361, %add3A_1323 : i32
        %get3A_1363 = arith.index_cast %mul3A_1362 : i32 to index
        %get3A_1364 = arith.constant 80 : index
        %get3A_1365 = tpu.vector_load %arg12[%get3A_1363, %get3A_1364] {strides = array<i32>} : memref<104x128xf32, #tpu.memory_space<vmem>>, vector<16xf32>,
        %mul3A_1366 = arith.mulf %gather3A_1325, %get3A_1365 : vector<16xf32>
        %add3A_1367 = arith.addf %add3A_1269, %mul3A_1366 : vector<16xf32>
        %mul3A_1368 = arith.constant 2 : i32
        %mul3A_1369 = arith.muli %mul3A_1368, %add3A_1323 : i32
        %get3A_1370 = arith.index_cast %mul3A_1369 : i32 to index
        %get3A_1371 = arith.constant 96 : index
        %get3A_1372 = tpu.vector_load %arg12[%get3A_1370, %get3A_1371] {strides = array<i32>} : memref<104x128xf32, #tpu.memory_space<vmem>>, vector<16xf32>,
        %mul3A_1373 = arith.mulf %gather3A_1325, %get3A_1372 : vector<16xf32>
        %add3A_1374 = arith.addf %add3A_1276, %mul3A_1373 : vector<16xf32>
        %mul3A_1375 = arith.constant 2 : i32
        %mul3A_1376 = arith.muli %mul3A_1375, %add3A_1323 : i32
        %get3A_1377 = arith.index_cast %mul3A_1376 : i32 to index
        %get3A_1378 = arith.constant 112 : index
        %get3A_1379 = tpu.vector_load %arg12[%get3A_1377, %get3A_1378] {strides = array<i32>} : memref<104x128xf32, #tpu.memory_space<vmem>>, vector<16xf32>,
        %mul3A_1380 = arith.mulf %gather3A_1325, %get3A_1379 : vector<16xf32>
        %add3A_1381 = arith.addf %add3A_1283, %mul3A_1380 : vector<16xf32>
        %mul3A_1382 = arith.constant 2 : i32
        %mul3A_1383 = arith.muli %mul3A_1382, %add3A_1323 : i32
        %add3A_1384 = arith.constant 1 : i32
        %add3A_1385 = arith.addi %mul3A_1383, %add3A_1384 : i32
        %get3A_1386 = arith.index_cast %add3A_1385 : i32 to index
        %get3A_1387 = arith.constant 0 : index
        %get3A_1388 = tpu.vector_load %arg12[%get3A_1386, %get3A_1387] {strides = array<i32>} : memref<104x128xf32, #tpu.memory_space<vmem>>, vector<16xf32>,
        %mul3A_1389 = arith.mulf %gather3A_1325, %get3A_1388 : vector<16xf32>
        %add3A_1390 = arith.addf %add3A_1292, %mul3A_1389 : vector<16xf32>
        %mul3A_1391 = arith.constant 2 : i32
        %mul3A_1392 = arith.muli %mul3A_1391, %add3A_1323 : i32
        %add3A_1393 = arith.constant 1 : i32
        %add3A_1394 = arith.addi %mul3A_1392, %add3A_1393 : i32
        %get3A_1395 = arith.index_cast %add3A_1394 : i32 to index
        %get3A_1396 = arith.constant 16 : index
        %get3A_1397 = tpu.vector_load %arg12[%get3A_1395, %get3A_1396] {strides = array<i32>} : memref<104x128xf32, #tpu.memory_space<vmem>>, vector<16xf32>,
        %mul3A_1398 = arith.mulf %gather3A_1325, %get3A_1397 : vector<16xf32>
        %add3A_1399 = arith.addf %add3A_1301, %mul3A_1398 : vector<16xf32>
        %mul3A_1400 = arith.constant 2 : i32
        %mul3A_1401 = arith.muli %mul3A_1400, %add3A_1323 : i32
        %add3A_1402 = arith.constant 1 : i32
        %add3A_1403 = arith.addi %mul3A_1401, %add3A_1402 : i32
        %get3A_1404 = arith.index_cast %add3A_1403 : i32 to index
        %get3A_1405 = arith.constant 32 : index
        %get3A_1406 = tpu.vector_load %arg12[%get3A_1404, %get3A_1405] {strides = array<i32>} : memref<104x128xf32, #tpu.memory_space<vmem>>, vector<16xf32>,
        %mul3A_1407 = arith.mulf %gather3A_1325, %get3A_1406 : vector<16xf32>
        %add3A_1408 = arith.addf %add3A_1310, %mul3A_1407 : vector<16xf32>
        %mul3A_1409 = arith.constant 2 : i32
        %mul3A_1410 = arith.muli %mul3A_1409, %add3A_1323 : i32
        %add3A_1411 = arith.constant 1 : i32
        %add3A_1412 = arith.addi %mul3A_1410, %add3A_1411 : i32
        %get3A_1413 = arith.index_cast %add3A_1412 : i32 to index
        %get3A_1414 = arith.constant 48 : index
        %get3A_1415 = tpu.vector_load %arg12[%get3A_1413, %get3A_1414] {strides = array<i32>} : memref<104x128xf32, #tpu.memory_space<vmem>>, vector<16xf32>,
        %mul3A_1416 = arith.mulf %gather3A_1325, %get3A_1415 : vector<16xf32>
        %add3A_1417 = arith.addf %add3A_1319, %mul3A_1416 : vector<16xf32>
        %mul3A_1418 = arith.constant 7 : i32
        %mul3A_1419 = arith.muli %scan3A_1111, %mul3A_1418 : i32
        %add3A_1420 = arith.constant 3 : i32
        %add3A_1421 = arith.addi %mul3A_1419, %add3A_1420 : i32
        %broadcast_in_dim3A_1422 = vector.broadcast %add3A_1421 : i32 to vector<16xi32>
        %gather3A_1423 = tpu.vector_load_idx %arg14[%broadcast_in_dim3A_1422] : memref<64xf32, #tpu.memory_space<vmem>>[vector<16xi32>], vector<16xf32>,
        %mul3A_1424 = arith.constant 2 : i32
        %mul3A_1425 = arith.muli %mul3A_1424, %add3A_1421 : i32
        %get3A_1426 = arith.index_cast %mul3A_1425 : i32 to index
        %get3A_1427 = arith.constant 0 : index
        %get3A_1428 = tpu.vector_load %arg12[%get3A_1426, %get3A_1427] {strides = array<i32>} : memref<104x128xf32, #tpu.memory_space<vmem>>, vector<16xf32>,
        %mul3A_1429 = arith.mulf %gather3A_1423, %get3A_1428 : vector<16xf32>
        %add3A_1430 = arith.addf %add3A_1332, %mul3A_1429 : vector<16xf32>
        %mul3A_1431 = arith.constant 2 : i32
        %mul3A_1432 = arith.muli %mul3A_1431, %add3A_1421 : i32
        %get3A_1433 = arith.index_cast %mul3A_1432 : i32 to index
        %get3A_1434 = arith.constant 16 : index
        %get3A_1435 = tpu.vector_load %arg12[%get3A_1433, %get3A_1434] {strides = array<i32>} : memref<104x128xf32, #tpu.memory_space<vmem>>, vector<16xf32>,
        %mul3A_1436 = arith.mulf %gather3A_1423, %get3A_1435 : vector<16xf32>
        %add3A_1437 = arith.addf %add3A_1339, %mul3A_1436 : vector<16xf32>
        %mul3A_1438 = arith.constant 2 : i32
        %mul3A_1439 = arith.muli %mul3A_1438, %add3A_1421 : i32
        %get3A_1440 = arith.index_cast %mul3A_1439 : i32 to index
        %get3A_1441 = arith.constant 32 : index
        %get3A_1442 = tpu.vector_load %arg12[%get3A_1440, %get3A_1441] {strides = array<i32>} : memref<104x128xf32, #tpu.memory_space<vmem>>, vector<16xf32>,
        %mul3A_1443 = arith.mulf %gather3A_1423, %get3A_1442 : vector<16xf32>
        %add3A_1444 = arith.addf %add3A_1346, %mul3A_1443 : vector<16xf32>
        %mul3A_1445 = arith.constant 2 : i32
        %mul3A_1446 = arith.muli %mul3A_1445, %add3A_1421 : i32
        %get3A_1447 = arith.index_cast %mul3A_1446 : i32 to index
        %get3A_1448 = arith.constant 48 : index
        %get3A_1449 = tpu.vector_load %arg12[%get3A_1447, %get3A_1448] {strides = array<i32>} : memref<104x128xf32, #tpu.memory_space<vmem>>, vector<16xf32>,
        %mul3A_1450 = arith.mulf %gather3A_1423, %get3A_1449 : vector<16xf32>
        %add3A_1451 = arith.addf %add3A_1353, %mul3A_1450 : vector<16xf32>
        %mul3A_1452 = arith.constant 2 : i32
        %mul3A_1453 = arith.muli %mul3A_1452, %add3A_1421 : i32
        %get3A_1454 = arith.index_cast %mul3A_1453 : i32 to index
        %get3A_1455 = arith.constant 64 : index
        %get3A_1456 = tpu.vector_load %arg12[%get3A_1454, %get3A_1455] {strides = array<i32>} : memref<104x128xf32, #tpu.memory_space<vmem>>, vector<16xf32>,
        %mul3A_1457 = arith.mulf %gather3A_1423, %get3A_1456 : vector<16xf32>
        %add3A_1458 = arith.addf %add3A_1360, %mul3A_1457 : vector<16xf32>
        %mul3A_1459 = arith.constant 2 : i32
        %mul3A_1460 = arith.muli %mul3A_1459, %add3A_1421 : i32
        %get3A_1461 = arith.index_cast %mul3A_1460 : i32 to index
        %get3A_1462 = arith.constant 80 : index
        %get3A_1463 = tpu.vector_load %arg12[%get3A_1461, %get3A_1462] {strides = array<i32>} : memref<104x128xf32, #tpu.memory_space<vmem>>, vector<16xf32>,
        %mul3A_1464 = arith.mulf %gather3A_1423, %get3A_1463 : vector<16xf32>
        %add3A_1465 = arith.addf %add3A_1367, %mul3A_1464 : vector<16xf32>
        %mul3A_1466 = arith.constant 2 : i32
        %mul3A_1467 = arith.muli %mul3A_1466, %add3A_1421 : i32
        %get3A_1468 = arith.index_cast %mul3A_1467 : i32 to index
        %get3A_1469 = arith.constant 96 : index
        %get3A_1470 = tpu.vector_load %arg12[%get3A_1468, %get3A_1469] {strides = array<i32>} : memref<104x128xf32, #tpu.memory_space<vmem>>, vector<16xf32>,
        %mul3A_1471 = arith.mulf %gather3A_1423, %get3A_1470 : vector<16xf32>
        %add3A_1472 = arith.addf %add3A_1374, %mul3A_1471 : vector<16xf32>
        %mul3A_1473 = arith.constant 2 : i32
        %mul3A_1474 = arith.muli %mul3A_1473, %add3A_1421 : i32
        %get3A_1475 = arith.index_cast %mul3A_1474 : i32 to index
        %get3A_1476 = arith.constant 112 : index
        %get3A_1477 = tpu.vector_load %arg12[%get3A_1475, %get3A_1476] {strides = array<i32>} : memref<104x128xf32, #tpu.memory_space<vmem>>, vector<16xf32>,
        %mul3A_1478 = arith.mulf %gather3A_1423, %get3A_1477 : vector<16xf32>
        %add3A_1479 = arith.addf %add3A_1381, %mul3A_1478 : vector<16xf32>
        %mul3A_1480 = arith.constant 2 : i32
        %mul3A_1481 = arith.muli %mul3A_1480, %add3A_1421 : i32
        %add3A_1482 = arith.constant 1 : i32
        %add3A_1483 = arith.addi %mul3A_1481, %add3A_1482 : i32
        %get3A_1484 = arith.index_cast %add3A_1483 : i32 to index
        %get3A_1485 = arith.constant 0 : index
        %get3A_1486 = tpu.vector_load %arg12[%get3A_1484, %get3A_1485] {strides = array<i32>} : memref<104x128xf32, #tpu.memory_space<vmem>>, vector<16xf32>,
        %mul3A_1487 = arith.mulf %gather3A_1423, %get3A_1486 : vector<16xf32>
        %add3A_1488 = arith.addf %add3A_1390, %mul3A_1487 : vector<16xf32>
        %mul3A_1489 = arith.constant 2 : i32
        %mul3A_1490 = arith.muli %mul3A_1489, %add3A_1421 : i32
        %add3A_1491 = arith.constant 1 : i32
        %add3A_1492 = arith.addi %mul3A_1490, %add3A_1491 : i32
        %get3A_1493 = arith.index_cast %add3A_1492 : i32 to index
        %get3A_1494 = arith.constant 16 : index
        %get3A_1495 = tpu.vector_load %arg12[%get3A_1493, %get3A_1494] {strides = array<i32>} : memref<104x128xf32, #tpu.memory_space<vmem>>, vector<16xf32>,
        %mul3A_1496 = arith.mulf %gather3A_1423, %get3A_1495 : vector<16xf32>
        %add3A_1497 = arith.addf %add3A_1399, %mul3A_1496 : vector<16xf32>
        %mul3A_1498 = arith.constant 2 : i32
        %mul3A_1499 = arith.muli %mul3A_1498, %add3A_1421 : i32
        %add3A_1500 = arith.constant 1 : i32
        %add3A_1501 = arith.addi %mul3A_1499, %add3A_1500 : i32
        %get3A_1502 = arith.index_cast %add3A_1501 : i32 to index
        %get3A_1503 = arith.constant 32 : index
        %get3A_1504 = tpu.vector_load %arg12[%get3A_1502, %get3A_1503] {strides = array<i32>} : memref<104x128xf32, #tpu.memory_space<vmem>>, vector<16xf32>,
        %mul3A_1505 = arith.mulf %gather3A_1423, %get3A_1504 : vector<16xf32>
        %add3A_1506 = arith.addf %add3A_1408, %mul3A_1505 : vector<16xf32>
        %mul3A_1507 = arith.constant 2 : i32
        %mul3A_1508 = arith.muli %mul3A_1507, %add3A_1421 : i32
        %add3A_1509 = arith.constant 1 : i32
        %add3A_1510 = arith.addi %mul3A_1508, %add3A_1509 : i32
        %get3A_1511 = arith.index_cast %add3A_1510 : i32 to index
        %get3A_1512 = arith.constant 48 : index
        %get3A_1513 = tpu.vector_load %arg12[%get3A_1511, %get3A_1512] {strides = array<i32>} : memref<104x128xf32, #tpu.memory_space<vmem>>, vector<16xf32>,
        %mul3A_1514 = arith.mulf %gather3A_1423, %get3A_1513 : vector<16xf32>
        %add3A_1515 = arith.addf %add3A_1417, %mul3A_1514 : vector<16xf32>
        %mul3A_1516 = arith.constant 7 : i32
        %mul3A_1517 = arith.muli %scan3A_1111, %mul3A_1516 : i32
        %add3A_1518 = arith.constant 4 : i32
        %add3A_1519 = arith.addi %mul3A_1517, %add3A_1518 : i32
        %broadcast_in_dim3A_1520 = vector.broadcast %add3A_1519 : i32 to vector<16xi32>
        %gather3A_1521 = tpu.vector_load_idx %arg14[%broadcast_in_dim3A_1520] : memref<64xf32, #tpu.memory_space<vmem>>[vector<16xi32>], vector<16xf32>,
        %mul3A_1522 = arith.constant 2 : i32
        %mul3A_1523 = arith.muli %mul3A_1522, %add3A_1519 : i32
        %get3A_1524 = arith.index_cast %mul3A_1523 : i32 to index
        %get3A_1525 = arith.constant 0 : index
        %get3A_1526 = tpu.vector_load %arg12[%get3A_1524, %get3A_1525] {strides = array<i32>} : memref<104x128xf32, #tpu.memory_space<vmem>>, vector<16xf32>,
        %mul3A_1527 = arith.mulf %gather3A_1521, %get3A_1526 : vector<16xf32>
        %add3A_1528 = arith.addf %add3A_1430, %mul3A_1527 : vector<16xf32>
        %mul3A_1529 = arith.constant 2 : i32
        %mul3A_1530 = arith.muli %mul3A_1529, %add3A_1519 : i32
        %get3A_1531 = arith.index_cast %mul3A_1530 : i32 to index
        %get3A_1532 = arith.constant 16 : index
        %get3A_1533 = tpu.vector_load %arg12[%get3A_1531, %get3A_1532] {strides = array<i32>} : memref<104x128xf32, #tpu.memory_space<vmem>>, vector<16xf32>,
        %mul3A_1534 = arith.mulf %gather3A_1521, %get3A_1533 : vector<16xf32>
        %add3A_1535 = arith.addf %add3A_1437, %mul3A_1534 : vector<16xf32>
        %mul3A_1536 = arith.constant 2 : i32
        %mul3A_1537 = arith.muli %mul3A_1536, %add3A_1519 : i32
        %get3A_1538 = arith.index_cast %mul3A_1537 : i32 to index
        %get3A_1539 = arith.constant 32 : index
        %get3A_1540 = tpu.vector_load %arg12[%get3A_1538, %get3A_1539] {strides = array<i32>} : memref<104x128xf32, #tpu.memory_space<vmem>>, vector<16xf32>,
        %mul3A_1541 = arith.mulf %gather3A_1521, %get3A_1540 : vector<16xf32>
        %add3A_1542 = arith.addf %add3A_1444, %mul3A_1541 : vector<16xf32>
        %mul3A_1543 = arith.constant 2 : i32
        %mul3A_1544 = arith.muli %mul3A_1543, %add3A_1519 : i32
        %get3A_1545 = arith.index_cast %mul3A_1544 : i32 to index
        %get3A_1546 = arith.constant 48 : index
        %get3A_1547 = tpu.vector_load %arg12[%get3A_1545, %get3A_1546] {strides = array<i32>} : memref<104x128xf32, #tpu.memory_space<vmem>>, vector<16xf32>,
        %mul3A_1548 = arith.mulf %gather3A_1521, %get3A_1547 : vector<16xf32>
        %add3A_1549 = arith.addf %add3A_1451, %mul3A_1548 : vector<16xf32>
        %mul3A_1550 = arith.constant 2 : i32
        %mul3A_1551 = arith.muli %mul3A_1550, %add3A_1519 : i32
        %get3A_1552 = arith.index_cast %mul3A_1551 : i32 to index
        %get3A_1553 = arith.constant 64 : index
        %get3A_1554 = tpu.vector_load %arg12[%get3A_1552, %get3A_1553] {strides = array<i32>} : memref<104x128xf32, #tpu.memory_space<vmem>>, vector<16xf32>,
        %mul3A_1555 = arith.mulf %gather3A_1521, %get3A_1554 : vector<16xf32>
        %add3A_1556 = arith.addf %add3A_1458, %mul3A_1555 : vector<16xf32>
        %mul3A_1557 = arith.constant 2 : i32
        %mul3A_1558 = arith.muli %mul3A_1557, %add3A_1519 : i32
        %get3A_1559 = arith.index_cast %mul3A_1558 : i32 to index
        %get3A_1560 = arith.constant 80 : index
        %get3A_1561 = tpu.vector_load %arg12[%get3A_1559, %get3A_1560] {strides = array<i32>} : memref<104x128xf32, #tpu.memory_space<vmem>>, vector<16xf32>,
        %mul3A_1562 = arith.mulf %gather3A_1521, %get3A_1561 : vector<16xf32>
        %add3A_1563 = arith.addf %add3A_1465, %mul3A_1562 : vector<16xf32>
        %mul3A_1564 = arith.constant 2 : i32
        %mul3A_1565 = arith.muli %mul3A_1564, %add3A_1519 : i32
        %get3A_1566 = arith.index_cast %mul3A_1565 : i32 to index
        %get3A_1567 = arith.constant 96 : index
        %get3A_1568 = tpu.vector_load %arg12[%get3A_1566, %get3A_1567] {strides = array<i32>} : memref<104x128xf32, #tpu.memory_space<vmem>>, vector<16xf32>,
        %mul3A_1569 = arith.mulf %gather3A_1521, %get3A_1568 : vector<16xf32>
        %add3A_1570 = arith.addf %add3A_1472, %mul3A_1569 : vector<16xf32>
        %mul3A_1571 = arith.constant 2 : i32
        %mul3A_1572 = arith.muli %mul3A_1571, %add3A_1519 : i32
        %get3A_1573 = arith.index_cast %mul3A_1572 : i32 to index
        %get3A_1574 = arith.constant 112 : index
        %get3A_1575 = tpu.vector_load %arg12[%get3A_1573, %get3A_1574] {strides = array<i32>} : memref<104x128xf32, #tpu.memory_space<vmem>>, vector<16xf32>,
        %mul3A_1576 = arith.mulf %gather3A_1521, %get3A_1575 : vector<16xf32>
        %add3A_1577 = arith.addf %add3A_1479, %mul3A_1576 : vector<16xf32>
        %mul3A_1578 = arith.constant 2 : i32
        %mul3A_1579 = arith.muli %mul3A_1578, %add3A_1519 : i32
        %add3A_1580 = arith.constant 1 : i32
        %add3A_1581 = arith.addi %mul3A_1579, %add3A_1580 : i32
        %get3A_1582 = arith.index_cast %add3A_1581 : i32 to index
        %get3A_1583 = arith.constant 0 : index
        %get3A_1584 = tpu.vector_load %arg12[%get3A_1582, %get3A_1583] {strides = array<i32>} : memref<104x128xf32, #tpu.memory_space<vmem>>, vector<16xf32>,
        %mul3A_1585 = arith.mulf %gather3A_1521, %get3A_1584 : vector<16xf32>
        %add3A_1586 = arith.addf %add3A_1488, %mul3A_1585 : vector<16xf32>
        %mul3A_1587 = arith.constant 2 : i32
        %mul3A_1588 = arith.muli %mul3A_1587, %add3A_1519 : i32
        %add3A_1589 = arith.constant 1 : i32
        %add3A_1590 = arith.addi %mul3A_1588, %add3A_1589 : i32
        %get3A_1591 = arith.index_cast %add3A_1590 : i32 to index
        %get3A_1592 = arith.constant 16 : index
        %get3A_1593 = tpu.vector_load %arg12[%get3A_1591, %get3A_1592] {strides = array<i32>} : memref<104x128xf32, #tpu.memory_space<vmem>>, vector<16xf32>,
        %mul3A_1594 = arith.mulf %gather3A_1521, %get3A_1593 : vector<16xf32>
        %add3A_1595 = arith.addf %add3A_1497, %mul3A_1594 : vector<16xf32>
        %mul3A_1596 = arith.constant 2 : i32
        %mul3A_1597 = arith.muli %mul3A_1596, %add3A_1519 : i32
        %add3A_1598 = arith.constant 1 : i32
        %add3A_1599 = arith.addi %mul3A_1597, %add3A_1598 : i32
        %get3A_1600 = arith.index_cast %add3A_1599 : i32 to index
        %get3A_1601 = arith.constant 32 : index
        %get3A_1602 = tpu.vector_load %arg12[%get3A_1600, %get3A_1601] {strides = array<i32>} : memref<104x128xf32, #tpu.memory_space<vmem>>, vector<16xf32>,
        %mul3A_1603 = arith.mulf %gather3A_1521, %get3A_1602 : vector<16xf32>
        %add3A_1604 = arith.addf %add3A_1506, %mul3A_1603 : vector<16xf32>
        %mul3A_1605 = arith.constant 2 : i32
        %mul3A_1606 = arith.muli %mul3A_1605, %add3A_1519 : i32
        %add3A_1607 = arith.constant 1 : i32
        %add3A_1608 = arith.addi %mul3A_1606, %add3A_1607 : i32
        %get3A_1609 = arith.index_cast %add3A_1608 : i32 to index
        %get3A_1610 = arith.constant 48 : index
        %get3A_1611 = tpu.vector_load %arg12[%get3A_1609, %get3A_1610] {strides = array<i32>} : memref<104x128xf32, #tpu.memory_space<vmem>>, vector<16xf32>,
        %mul3A_1612 = arith.mulf %gather3A_1521, %get3A_1611 : vector<16xf32>
        %add3A_1613 = arith.addf %add3A_1515, %mul3A_1612 : vector<16xf32>
        %mul3A_1614 = arith.constant 7 : i32
        %mul3A_1615 = arith.muli %scan3A_1111, %mul3A_1614 : i32
        %add3A_1616 = arith.constant 5 : i32
        %add3A_1617 = arith.addi %mul3A_1615, %add3A_1616 : i32
        %broadcast_in_dim3A_1618 = vector.broadcast %add3A_1617 : i32 to vector<16xi32>
        %gather3A_1619 = tpu.vector_load_idx %arg14[%broadcast_in_dim3A_1618] : memref<64xf32, #tpu.memory_space<vmem>>[vector<16xi32>], vector<16xf32>,
        %mul3A_1620 = arith.constant 2 : i32
        %mul3A_1621 = arith.muli %mul3A_1620, %add3A_1617 : i32
        %get3A_1622 = arith.index_cast %mul3A_1621 : i32 to index
        %get3A_1623 = arith.constant 0 : index
        %get3A_1624 = tpu.vector_load %arg12[%get3A_1622, %get3A_1623] {strides = array<i32>} : memref<104x128xf32, #tpu.memory_space<vmem>>, vector<16xf32>,
        %mul3A_1625 = arith.mulf %gather3A_1619, %get3A_1624 : vector<16xf32>
        %add3A_1626 = arith.addf %add3A_1528, %mul3A_1625 : vector<16xf32>
        %mul3A_1627 = arith.constant 2 : i32
        %mul3A_1628 = arith.muli %mul3A_1627, %add3A_1617 : i32
        %get3A_1629 = arith.index_cast %mul3A_1628 : i32 to index
        %get3A_1630 = arith.constant 16 : index
        %get3A_1631 = tpu.vector_load %arg12[%get3A_1629, %get3A_1630] {strides = array<i32>} : memref<104x128xf32, #tpu.memory_space<vmem>>, vector<16xf32>,
        %mul3A_1632 = arith.mulf %gather3A_1619, %get3A_1631 : vector<16xf32>
        %add3A_1633 = arith.addf %add3A_1535, %mul3A_1632 : vector<16xf32>
        %mul3A_1634 = arith.constant 2 : i32
        %mul3A_1635 = arith.muli %mul3A_1634, %add3A_1617 : i32
        %get3A_1636 = arith.index_cast %mul3A_1635 : i32 to index
        %get3A_1637 = arith.constant 32 : index
        %get3A_1638 = tpu.vector_load %arg12[%get3A_1636, %get3A_1637] {strides = array<i32>} : memref<104x128xf32, #tpu.memory_space<vmem>>, vector<16xf32>,
        %mul3A_1639 = arith.mulf %gather3A_1619, %get3A_1638 : vector<16xf32>
        %add3A_1640 = arith.addf %add3A_1542, %mul3A_1639 : vector<16xf32>
        %mul3A_1641 = arith.constant 2 : i32
        %mul3A_1642 = arith.muli %mul3A_1641, %add3A_1617 : i32
        %get3A_1643 = arith.index_cast %mul3A_1642 : i32 to index
        %get3A_1644 = arith.constant 48 : index
        %get3A_1645 = tpu.vector_load %arg12[%get3A_1643, %get3A_1644] {strides = array<i32>} : memref<104x128xf32, #tpu.memory_space<vmem>>, vector<16xf32>,
        %mul3A_1646 = arith.mulf %gather3A_1619, %get3A_1645 : vector<16xf32>
        %add3A_1647 = arith.addf %add3A_1549, %mul3A_1646 : vector<16xf32>
        %mul3A_1648 = arith.constant 2 : i32
        %mul3A_1649 = arith.muli %mul3A_1648, %add3A_1617 : i32
        %get3A_1650 = arith.index_cast %mul3A_1649 : i32 to index
        %get3A_1651 = arith.constant 64 : index
        %get3A_1652 = tpu.vector_load %arg12[%get3A_1650, %get3A_1651] {strides = array<i32>} : memref<104x128xf32, #tpu.memory_space<vmem>>, vector<16xf32>,
        %mul3A_1653 = arith.mulf %gather3A_1619, %get3A_1652 : vector<16xf32>
        %add3A_1654 = arith.addf %add3A_1556, %mul3A_1653 : vector<16xf32>
        %mul3A_1655 = arith.constant 2 : i32
        %mul3A_1656 = arith.muli %mul3A_1655, %add3A_1617 : i32
        %get3A_1657 = arith.index_cast %mul3A_1656 : i32 to index
        %get3A_1658 = arith.constant 80 : index
        %get3A_1659 = tpu.vector_load %arg12[%get3A_1657, %get3A_1658] {strides = array<i32>} : memref<104x128xf32, #tpu.memory_space<vmem>>, vector<16xf32>,
        %mul3A_1660 = arith.mulf %gather3A_1619, %get3A_1659 : vector<16xf32>
        %add3A_1661 = arith.addf %add3A_1563, %mul3A_1660 : vector<16xf32>
        %mul3A_1662 = arith.constant 2 : i32
        %mul3A_1663 = arith.muli %mul3A_1662, %add3A_1617 : i32
        %get3A_1664 = arith.index_cast %mul3A_1663 : i32 to index
        %get3A_1665 = arith.constant 96 : index
        %get3A_1666 = tpu.vector_load %arg12[%get3A_1664, %get3A_1665] {strides = array<i32>} : memref<104x128xf32, #tpu.memory_space<vmem>>, vector<16xf32>,
        %mul3A_1667 = arith.mulf %gather3A_1619, %get3A_1666 : vector<16xf32>
        %add3A_1668 = arith.addf %add3A_1570, %mul3A_1667 : vector<16xf32>
        %mul3A_1669 = arith.constant 2 : i32
        %mul3A_1670 = arith.muli %mul3A_1669, %add3A_1617 : i32
        %get3A_1671 = arith.index_cast %mul3A_1670 : i32 to index
        %get3A_1672 = arith.constant 112 : index
        %get3A_1673 = tpu.vector_load %arg12[%get3A_1671, %get3A_1672] {strides = array<i32>} : memref<104x128xf32, #tpu.memory_space<vmem>>, vector<16xf32>,
        %mul3A_1674 = arith.mulf %gather3A_1619, %get3A_1673 : vector<16xf32>
        %add3A_1675 = arith.addf %add3A_1577, %mul3A_1674 : vector<16xf32>
        %mul3A_1676 = arith.constant 2 : i32
        %mul3A_1677 = arith.muli %mul3A_1676, %add3A_1617 : i32
        %add3A_1678 = arith.constant 1 : i32
        %add3A_1679 = arith.addi %mul3A_1677, %add3A_1678 : i32
        %get3A_1680 = arith.index_cast %add3A_1679 : i32 to index
        %get3A_1681 = arith.constant 0 : index
        %get3A_1682 = tpu.vector_load %arg12[%get3A_1680, %get3A_1681] {strides = array<i32>} : memref<104x128xf32, #tpu.memory_space<vmem>>, vector<16xf32>,
        %mul3A_1683 = arith.mulf %gather3A_1619, %get3A_1682 : vector<16xf32>
        %add3A_1684 = arith.addf %add3A_1586, %mul3A_1683 : vector<16xf32>
        %mul3A_1685 = arith.constant 2 : i32
        %mul3A_1686 = arith.muli %mul3A_1685, %add3A_1617 : i32
        %add3A_1687 = arith.constant 1 : i32
        %add3A_1688 = arith.addi %mul3A_1686, %add3A_1687 : i32
        %get3A_1689 = arith.index_cast %add3A_1688 : i32 to index
        %get3A_1690 = arith.constant 16 : index
        %get3A_1691 = tpu.vector_load %arg12[%get3A_1689, %get3A_1690] {strides = array<i32>} : memref<104x128xf32, #tpu.memory_space<vmem>>, vector<16xf32>,
        %mul3A_1692 = arith.mulf %gather3A_1619, %get3A_1691 : vector<16xf32>
        %add3A_1693 = arith.addf %add3A_1595, %mul3A_1692 : vector<16xf32>
        %mul3A_1694 = arith.constant 2 : i32
        %mul3A_1695 = arith.muli %mul3A_1694, %add3A_1617 : i32
        %add3A_1696 = arith.constant 1 : i32
        %add3A_1697 = arith.addi %mul3A_1695, %add3A_1696 : i32
        %get3A_1698 = arith.index_cast %add3A_1697 : i32 to index
        %get3A_1699 = arith.constant 32 : index
        %get3A_1700 = tpu.vector_load %arg12[%get3A_1698, %get3A_1699] {strides = array<i32>} : memref<104x128xf32, #tpu.memory_space<vmem>>, vector<16xf32>,
        %mul3A_1701 = arith.mulf %gather3A_1619, %get3A_1700 : vector<16xf32>
        %add3A_1702 = arith.addf %add3A_1604, %mul3A_1701 : vector<16xf32>
        %mul3A_1703 = arith.constant 2 : i32
        %mul3A_1704 = arith.muli %mul3A_1703, %add3A_1617 : i32
        %add3A_1705 = arith.constant 1 : i32
        %add3A_1706 = arith.addi %mul3A_1704, %add3A_1705 : i32
        %get3A_1707 = arith.index_cast %add3A_1706 : i32 to index
        %get3A_1708 = arith.constant 48 : index
        %get3A_1709 = tpu.vector_load %arg12[%get3A_1707, %get3A_1708] {strides = array<i32>} : memref<104x128xf32, #tpu.memory_space<vmem>>, vector<16xf32>,
        %mul3A_1710 = arith.mulf %gather3A_1619, %get3A_1709 : vector<16xf32>
        %add3A_1711 = arith.addf %add3A_1613, %mul3A_1710 : vector<16xf32>
        %mul3A_1712 = arith.constant 7 : i32
        %mul3A_1713 = arith.muli %scan3A_1111, %mul3A_1712 : i32
        %add3A_1714 = arith.constant 6 : i32
        %add3A_1715 = arith.addi %mul3A_1713, %add3A_1714 : i32
        %broadcast_in_dim3A_1716 = vector.broadcast %add3A_1715 : i32 to vector<16xi32>
        %gather3A_1717 = tpu.vector_load_idx %arg14[%broadcast_in_dim3A_1716] : memref<64xf32, #tpu.memory_space<vmem>>[vector<16xi32>], vector<16xf32>,
        %mul3A_1718 = arith.constant 2 : i32
        %mul3A_1719 = arith.muli %mul3A_1718, %add3A_1715 : i32
        %get3A_1720 = arith.index_cast %mul3A_1719 : i32 to index
        %get3A_1721 = arith.constant 0 : index
        %get3A_1722 = tpu.vector_load %arg12[%get3A_1720, %get3A_1721] {strides = array<i32>} : memref<104x128xf32, #tpu.memory_space<vmem>>, vector<16xf32>,
        %mul3A_1723 = arith.mulf %gather3A_1717, %get3A_1722 : vector<16xf32>
        %add3A_1724 = arith.addf %add3A_1626, %mul3A_1723 : vector<16xf32>
        %mul3A_1725 = arith.constant 2 : i32
        %mul3A_1726 = arith.muli %mul3A_1725, %add3A_1715 : i32
        %get3A_1727 = arith.index_cast %mul3A_1726 : i32 to index
        %get3A_1728 = arith.constant 16 : index
        %get3A_1729 = tpu.vector_load %arg12[%get3A_1727, %get3A_1728] {strides = array<i32>} : memref<104x128xf32, #tpu.memory_space<vmem>>, vector<16xf32>,
        %mul3A_1730 = arith.mulf %gather3A_1717, %get3A_1729 : vector<16xf32>
        %add3A_1731 = arith.addf %add3A_1633, %mul3A_1730 : vector<16xf32>
        %mul3A_1732 = arith.constant 2 : i32
        %mul3A_1733 = arith.muli %mul3A_1732, %add3A_1715 : i32
        %get3A_1734 = arith.index_cast %mul3A_1733 : i32 to index
        %get3A_1735 = arith.constant 32 : index
        %get3A_1736 = tpu.vector_load %arg12[%get3A_1734, %get3A_1735] {strides = array<i32>} : memref<104x128xf32, #tpu.memory_space<vmem>>, vector<16xf32>,
        %mul3A_1737 = arith.mulf %gather3A_1717, %get3A_1736 : vector<16xf32>
        %add3A_1738 = arith.addf %add3A_1640, %mul3A_1737 : vector<16xf32>
        %mul3A_1739 = arith.constant 2 : i32
        %mul3A_1740 = arith.muli %mul3A_1739, %add3A_1715 : i32
        %get3A_1741 = arith.index_cast %mul3A_1740 : i32 to index
        %get3A_1742 = arith.constant 48 : index
        %get3A_1743 = tpu.vector_load %arg12[%get3A_1741, %get3A_1742] {strides = array<i32>} : memref<104x128xf32, #tpu.memory_space<vmem>>, vector<16xf32>,
        %mul3A_1744 = arith.mulf %gather3A_1717, %get3A_1743 : vector<16xf32>
        %add3A_1745 = arith.addf %add3A_1647, %mul3A_1744 : vector<16xf32>
        %mul3A_1746 = arith.constant 2 : i32
        %mul3A_1747 = arith.muli %mul3A_1746, %add3A_1715 : i32
        %get3A_1748 = arith.index_cast %mul3A_1747 : i32 to index
        %get3A_1749 = arith.constant 64 : index
        %get3A_1750 = tpu.vector_load %arg12[%get3A_1748, %get3A_1749] {strides = array<i32>} : memref<104x128xf32, #tpu.memory_space<vmem>>, vector<16xf32>,
        %mul3A_1751 = arith.mulf %gather3A_1717, %get3A_1750 : vector<16xf32>
        %add3A_1752 = arith.addf %add3A_1654, %mul3A_1751 : vector<16xf32>
        %mul3A_1753 = arith.constant 2 : i32
        %mul3A_1754 = arith.muli %mul3A_1753, %add3A_1715 : i32
        %get3A_1755 = arith.index_cast %mul3A_1754 : i32 to index
        %get3A_1756 = arith.constant 80 : index
        %get3A_1757 = tpu.vector_load %arg12[%get3A_1755, %get3A_1756] {strides = array<i32>} : memref<104x128xf32, #tpu.memory_space<vmem>>, vector<16xf32>,
        %mul3A_1758 = arith.mulf %gather3A_1717, %get3A_1757 : vector<16xf32>
        %add3A_1759 = arith.addf %add3A_1661, %mul3A_1758 : vector<16xf32>
        %mul3A_1760 = arith.constant 2 : i32
        %mul3A_1761 = arith.muli %mul3A_1760, %add3A_1715 : i32
        %get3A_1762 = arith.index_cast %mul3A_1761 : i32 to index
        %get3A_1763 = arith.constant 96 : index
        %get3A_1764 = tpu.vector_load %arg12[%get3A_1762, %get3A_1763] {strides = array<i32>} : memref<104x128xf32, #tpu.memory_space<vmem>>, vector<16xf32>,
        %mul3A_1765 = arith.mulf %gather3A_1717, %get3A_1764 : vector<16xf32>
        %add3A_1766 = arith.addf %add3A_1668, %mul3A_1765 : vector<16xf32>
        %mul3A_1767 = arith.constant 2 : i32
        %mul3A_1768 = arith.muli %mul3A_1767, %add3A_1715 : i32
        %get3A_1769 = arith.index_cast %mul3A_1768 : i32 to index
        %get3A_1770 = arith.constant 112 : index
        %get3A_1771 = tpu.vector_load %arg12[%get3A_1769, %get3A_1770] {strides = array<i32>} : memref<104x128xf32, #tpu.memory_space<vmem>>, vector<16xf32>,
        %mul3A_1772 = arith.mulf %gather3A_1717, %get3A_1771 : vector<16xf32>
        %add3A_1773 = arith.addf %add3A_1675, %mul3A_1772 : vector<16xf32>
        %mul3A_1774 = arith.constant 2 : i32
        %mul3A_1775 = arith.muli %mul3A_1774, %add3A_1715 : i32
        %add3A_1776 = arith.constant 1 : i32
        %add3A_1777 = arith.addi %mul3A_1775, %add3A_1776 : i32
        %get3A_1778 = arith.index_cast %add3A_1777 : i32 to index
        %get3A_1779 = arith.constant 0 : index
        %get3A_1780 = tpu.vector_load %arg12[%get3A_1778, %get3A_1779] {strides = array<i32>} : memref<104x128xf32, #tpu.memory_space<vmem>>, vector<16xf32>,
        %mul3A_1781 = arith.mulf %gather3A_1717, %get3A_1780 : vector<16xf32>
        %add3A_1782 = arith.addf %add3A_1684, %mul3A_1781 : vector<16xf32>
        %mul3A_1783 = arith.constant 2 : i32
        %mul3A_1784 = arith.muli %mul3A_1783, %add3A_1715 : i32
        %add3A_1785 = arith.constant 1 : i32
        %add3A_1786 = arith.addi %mul3A_1784, %add3A_1785 : i32
        %get3A_1787 = arith.index_cast %add3A_1786 : i32 to index
        %get3A_1788 = arith.constant 16 : index
        %get3A_1789 = tpu.vector_load %arg12[%get3A_1787, %get3A_1788] {strides = array<i32>} : memref<104x128xf32, #tpu.memory_space<vmem>>, vector<16xf32>,
        %mul3A_1790 = arith.mulf %gather3A_1717, %get3A_1789 : vector<16xf32>
        %add3A_1791 = arith.addf %add3A_1693, %mul3A_1790 : vector<16xf32>
        %mul3A_1792 = arith.constant 2 : i32
        %mul3A_1793 = arith.muli %mul3A_1792, %add3A_1715 : i32
        %add3A_1794 = arith.constant 1 : i32
        %add3A_1795 = arith.addi %mul3A_1793, %add3A_1794 : i32
        %get3A_1796 = arith.index_cast %add3A_1795 : i32 to index
        %get3A_1797 = arith.constant 32 : index
        %get3A_1798 = tpu.vector_load %arg12[%get3A_1796, %get3A_1797] {strides = array<i32>} : memref<104x128xf32, #tpu.memory_space<vmem>>, vector<16xf32>,
        %mul3A_1799 = arith.mulf %gather3A_1717, %get3A_1798 : vector<16xf32>
        %add3A_1800 = arith.addf %add3A_1702, %mul3A_1799 : vector<16xf32>
        %mul3A_1801 = arith.constant 2 : i32
        %mul3A_1802 = arith.muli %mul3A_1801, %add3A_1715 : i32
        %add3A_1803 = arith.constant 1 : i32
        %add3A_1804 = arith.addi %mul3A_1802, %add3A_1803 : i32
        %get3A_1805 = arith.index_cast %add3A_1804 : i32 to index
        %get3A_1806 = arith.constant 48 : index
        %get3A_1807 = tpu.vector_load %arg12[%get3A_1805, %get3A_1806] {strides = array<i32>} : memref<104x128xf32, #tpu.memory_space<vmem>>, vector<16xf32>,
        %mul3A_1808 = arith.mulf %gather3A_1717, %get3A_1807 : vector<16xf32>
        %add3A_1809 = arith.addf %add3A_1711, %mul3A_1808 : vector<16xf32>
        scf.yield %add3A_1724, %add3A_1731, %add3A_1738, %add3A_1745, %add3A_1752, %add3A_1759, %add3A_1766, %add3A_1773, %add3A_1782, %add3A_1791, %add3A_1800, %add3A_1809 : vector<16xf32>, vector<16xf32>, vector<16xf32>, vector<16xf32>, vector<16xf32>, vector<16xf32>, vector<16xf32>, vector<16xf32>, vector<16xf32>, vector<16xf32>, vector<16xf32>, vector<16xf32>
      }
      %scan3A_1066 = arith.constant 7 : i32
      %swap3A_1067 = arith.index_cast %add3A_580 : i32 to index
      %swap3A_1068 = arith.constant 0 : index
      %swap3A_1069 = tpu.vector_load %arg10[%swap3A_1067, %swap3A_1068] {strides = array<i32>} : memref<64x192xf32, #tpu.memory_space<vmem>>, vector<16xf32>,
      tpu.vector_store %arg10[%swap3A_1067, %swap3A_1068], %scan3A_1065#0 {strides = array<i32>} : memref<64x192xf32, #tpu.memory_space<vmem>>, vector<16xf32>,
      %swap3A_1070 = arith.index_cast %add3A_580 : i32 to index
      %swap3A_1071 = arith.constant 16 : index
      %swap3A_1072 = tpu.vector_load %arg10[%swap3A_1070, %swap3A_1071] {strides = array<i32>} : memref<64x192xf32, #tpu.memory_space<vmem>>, vector<16xf32>,
      tpu.vector_store %arg10[%swap3A_1070, %swap3A_1071], %scan3A_1065#1 {strides = array<i32>} : memref<64x192xf32, #tpu.memory_space<vmem>>, vector<16xf32>,
      %swap3A_1073 = arith.index_cast %add3A_580 : i32 to index
      %swap3A_1074 = arith.constant 32 : index
      %swap3A_1075 = tpu.vector_load %arg10[%swap3A_1073, %swap3A_1074] {strides = array<i32>} : memref<64x192xf32, #tpu.memory_space<vmem>>, vector<16xf32>,
      tpu.vector_store %arg10[%swap3A_1073, %swap3A_1074], %scan3A_1065#2 {strides = array<i32>} : memref<64x192xf32, #tpu.memory_space<vmem>>, vector<16xf32>,
      %swap3A_1076 = arith.index_cast %add3A_580 : i32 to index
      %swap3A_1077 = arith.constant 48 : index
      %swap3A_1078 = tpu.vector_load %arg10[%swap3A_1076, %swap3A_1077] {strides = array<i32>} : memref<64x192xf32, #tpu.memory_space<vmem>>, vector<16xf32>,
      tpu.vector_store %arg10[%swap3A_1076, %swap3A_1077], %scan3A_1065#3 {strides = array<i32>} : memref<64x192xf32, #tpu.memory_space<vmem>>, vector<16xf32>,
      %swap3A_1079 = arith.index_cast %add3A_580 : i32 to index
      %swap3A_1080 = arith.constant 64 : index
      %swap3A_1081 = tpu.vector_load %arg10[%swap3A_1079, %swap3A_1080] {strides = array<i32>} : memref<64x192xf32, #tpu.memory_space<vmem>>, vector<16xf32>,
      tpu.vector_store %arg10[%swap3A_1079, %swap3A_1080], %scan3A_1065#4 {strides = array<i32>} : memref<64x192xf32, #tpu.memory_space<vmem>>, vector<16xf32>,
      %swap3A_1082 = arith.index_cast %add3A_580 : i32 to index
      %swap3A_1083 = arith.constant 80 : index
      %swap3A_1084 = tpu.vector_load %arg10[%swap3A_1082, %swap3A_1083] {strides = array<i32>} : memref<64x192xf32, #tpu.memory_space<vmem>>, vector<16xf32>,
      tpu.vector_store %arg10[%swap3A_1082, %swap3A_1083], %scan3A_1065#5 {strides = array<i32>} : memref<64x192xf32, #tpu.memory_space<vmem>>, vector<16xf32>,
      %swap3A_1085 = arith.index_cast %add3A_580 : i32 to index
      %swap3A_1086 = arith.constant 96 : index
      %swap3A_1087 = tpu.vector_load %arg10[%swap3A_1085, %swap3A_1086] {strides = array<i32>} : memref<64x192xf32, #tpu.memory_space<vmem>>, vector<16xf32>,
      tpu.vector_store %arg10[%swap3A_1085, %swap3A_1086], %scan3A_1065#6 {strides = array<i32>} : memref<64x192xf32, #tpu.memory_space<vmem>>, vector<16xf32>,
      %swap3A_1088 = arith.index_cast %add3A_580 : i32 to index
      %swap3A_1089 = arith.constant 112 : index
      %swap3A_1090 = tpu.vector_load %arg10[%swap3A_1088, %swap3A_1089] {strides = array<i32>} : memref<64x192xf32, #tpu.memory_space<vmem>>, vector<16xf32>,
      tpu.vector_store %arg10[%swap3A_1088, %swap3A_1089], %scan3A_1065#7 {strides = array<i32>} : memref<64x192xf32, #tpu.memory_space<vmem>>, vector<16xf32>,
      %swap3A_1091 = arith.index_cast %add3A_580 : i32 to index
      %swap3A_1092 = arith.constant 128 : index
      %swap3A_1093 = tpu.vector_load %arg10[%swap3A_1091, %swap3A_1092] {strides = array<i32>} : memref<64x192xf32, #tpu.memory_space<vmem>>, vector<16xf32>,
      tpu.vector_store %arg10[%swap3A_1091, %swap3A_1092], %scan3A_1065#8 {strides = array<i32>} : memref<64x192xf32, #tpu.memory_space<vmem>>, vector<16xf32>,
      %swap3A_1094 = arith.index_cast %add3A_580 : i32 to index
      %swap3A_1095 = arith.constant 144 : index
      %swap3A_1096 = tpu.vector_load %arg10[%swap3A_1094, %swap3A_1095] {strides = array<i32>} : memref<64x192xf32, #tpu.memory_space<vmem>>, vector<16xf32>,
      tpu.vector_store %arg10[%swap3A_1094, %swap3A_1095], %scan3A_1065#9 {strides = array<i32>} : memref<64x192xf32, #tpu.memory_space<vmem>>, vector<16xf32>,
      %swap3A_1097 = arith.index_cast %add3A_580 : i32 to index
      %swap3A_1098 = arith.constant 160 : index
      %swap3A_1099 = tpu.vector_load %arg10[%swap3A_1097, %swap3A_1098] {strides = array<i32>} : memref<64x192xf32, #tpu.memory_space<vmem>>, vector<16xf32>,
      tpu.vector_store %arg10[%swap3A_1097, %swap3A_1098], %scan3A_1065#10 {strides = array<i32>} : memref<64x192xf32, #tpu.memory_space<vmem>>, vector<16xf32>,
      %swap3A_1100 = arith.index_cast %add3A_580 : i32 to index
      %swap3A_1101 = arith.constant 176 : index
      %swap3A_1102 = tpu.vector_load %arg10[%swap3A_1100, %swap3A_1101] {strides = array<i32>} : memref<64x192xf32, #tpu.memory_space<vmem>>, vector<16xf32>,
      tpu.vector_store %arg10[%swap3A_1100, %swap3A_1101], %scan3A_1065#11 {strides = array<i32>} : memref<64x192xf32, #tpu.memory_space<vmem>>, vector<16xf32>,
      %add3A_1103 = arith.constant 2 : i32
      %add3A_1104 = arith.addi %add3A_580, %add3A_1103 : i32
      %lt3A_1105 = arith.constant 64 : i32
      %lt3A_1106 = arith.cmpi slt, %add3A_1104, %lt3A_1105 : i32
      %convert_element_type3A_1107 = arith.extui %lt3A_1106 : i1 to i32
      %cond3A_1108 = arith.constant 0 : i32
      %cond3A_1109 = arith.cmpi ne, %convert_element_type3A_1107, %cond3A_1108 : i32
      scf.if %cond3A_1109 {
        %add3A_1111 = arith.constant 2 : i32
        %add3A_1112 = arith.addi %add3A_580, %add3A_1111 : i32
        %dma_start3A_1113 = arith.constant 0 : i32
        %dma_start3A_1114 = tpu.memref_slice %arg7[%add3A_1112, %dma_start3A_1113] : memref<64x128xi32, #tpu.memory_space<vmem>> -> memref<1x104xi32, #tpu.memory_space<vmem>>
        %dma_start3A_1115 = tpu.memref_squeeze %dma_start3A_1114 : memref<1x104xi32, #tpu.memory_space<vmem>> -> memref<104xi32, #tpu.memory_space<vmem>>
        %dma_start3A_1116 = arith.constant 0 : i32
        %dma_start3A_1117 = arith.constant 0 : i32
        %dma_start3A_1118 = tpu.memref_slice %arg2[%dma_start3A_1116, %dma_start3A_1117] : memref<200704x128xf32, #tpu.memory_space<hbm>> -> memref<200704x128xf32, #tpu.memory_space<hbm>>
        tpu.enqueue_indirect_dma source(%dma_start3A_1118 : memref<200704x128xf32, #tpu.memory_space<hbm>>) target(%arg12 : memref<104x128xf32, #tpu.memory_space<vmem>>) offsets(%dma_start3A_1115 : memref<104xi32, #tpu.memory_space<vmem>>) semaphore(%arg16 : memref<!tpu.dma_semaphore, #tpu.memory_space<semaphore_mem>>)
      } else {
      }
      %scan3A_1110 = arith.constant 0 : i32
      scf.yield %scan3A_1110 : i32
    }
    %scan3A_53 = arith.constant 32 : i32
    "tpu.region"() ({
      %run_scoped3A = tpu.sem_alloc : memref<!tpu.dma_semaphore, #tpu.memory_space<semaphore_mem>>
      %dma_start3A_54 = arith.constant 0 : i32
      %dma_start3A_55 = tpu.memref_slice %arg6[%mul3A_2, %dma_start3A_54] : memref<2048x192xf32, #tpu.memory_space<hbm>> -> memref<64x192xf32, #tpu.memory_space<hbm>>
      %dma_start3A_56 = arith.constant 0 : i32
      %dma_start3A_57 = tpu.memref_slice %arg6[%mul3A_2, %dma_start3A_56] : memref<2048x192xf32, #tpu.memory_space<hbm>> -> memref<64x192xf32, #tpu.memory_space<hbm>>
      tpu.enqueue_dma source(%arg10 : memref<64x192xf32, #tpu.memory_space<vmem>>) target(%dma_start3A_57 : memref<64x192xf32, #tpu.memory_space<hbm>>) target_semaphore(%run_scoped3A : memref<!tpu.dma_semaphore, #tpu.memory_space<semaphore_mem>>)
      %dma_wait3A = arith.constant 0 : i32
      %dma_wait3A_58 = tpu.memref_slice %arg6[%mul3A_2, %dma_wait3A] : memref<2048x192xf32, #tpu.memory_space<hbm>> -> memref<64x192xf32, #tpu.memory_space<hbm>>
      %dma_wait3A_59 = arith.constant 0 : i32
      %dma_wait3A_60 = tpu.memref_slice %arg6[%mul3A_2, %dma_wait3A_59] : memref<2048x192xf32, #tpu.memory_space<hbm>> -> memref<64x192xf32, #tpu.memory_space<hbm>>
      tpu.wait_dma2 semaphore(%run_scoped3A : memref<!tpu.dma_semaphore, #tpu.memory_space<semaphore_mem>>) src(%arg10 : memref<64x192xf32, #tpu.memory_space<vmem>>) dst(%dma_wait3A_60 : memref<64x192xf32, #tpu.memory_space<hbm>>)
      tpu.yield
    }) : () -> ()
    return
  }
}

module attributes {stable_mosaic.version = 14 : i64} {
  func.func @_trans_body(%arg0: i32, %arg1: i32, %arg2: memref<1x192x16x224xf32, #tpu.memory_space<vmem>>, %arg3: memref<7168x128xf32, #tpu.memory_space<vmem>>) attributes {dimension_semantics = [#tpu.dimension_semantics<arbitrary>, #tpu.dimension_semantics<arbitrary>], iteration_bounds = array<i64: 2, 14>, scalar_prefetch = 0 : i64, scratch_operands = 0 : i64, tpu.core_type = #tpu.core_type<tc>, window_params = [{transform_indices = @transform_0, window_bounds = array<i64: 1, 192, 16, 224>}, {transform_indices = @transform_1, window_bounds = array<i64: 7168, 128>}]} {
    %get3A = arith.constant 0 : index
    %get3A_0 = arith.constant 0 : index
    %get3A_1 = arith.constant 0 : index
    %get3A_2 = arith.constant 0 : index
    %get3A_3 = vector.load %arg2[%get3A, %get3A_0, %get3A_1, %get3A_2] : memref<1x192x16x224xf32, #tpu.memory_space<vmem>>, vector<1x192x16x224xf32>
    %get3A_4 = vector.shape_cast %get3A_3 : vector<1x192x16x224xf32> to vector<192x16x224xf32>
    %broadcast_in_dim3A = arith.constant 0.000000e+00 : f32
    %broadcast_in_dim3A_5 = vector.broadcast %broadcast_in_dim3A : f32 to vector<224x64xf32>
    %slice3A = vector.extract_strided_slice %get3A_4 {offsets = [0, 0, 0], sizes = [192, 1, 224], strides = [1, 1, 1]} : vector<192x16x224xf32> to vector<192x1x224xf32>
    %squeeze3A = vector.shape_cast %slice3A : vector<192x1x224xf32> to vector<192x224xf32>
    %transpose3A = tpu.transpose %squeeze3A, [1, 0] : vector<192x224xf32> -> vector<224x192xf32>
    %concatenate3A = tpu.concatenate %transpose3A, %broadcast_in_dim3A_5 in 1 : vector<224x192xf32>, vector<224x64xf32> -> vector<224x256xf32>
    %reshape3A = vector.shape_cast %concatenate3A : vector<224x256xf32> to vector<448x128xf32>
    %swap3A = arith.constant 0 : index
    %swap3A_6 = arith.constant 0 : index
    %swap3A_7 = vector.load %arg3[%swap3A, %swap3A_6] : memref<7168x128xf32, #tpu.memory_space<vmem>>, vector<448x128xf32>
    tpu.vector_store %arg3[%swap3A, %swap3A_6], %reshape3A {strides = array<i32>} : memref<7168x128xf32, #tpu.memory_space<vmem>>, vector<448x128xf32>,
    %slice3A_8 = vector.extract_strided_slice %get3A_4 {offsets = [0, 1, 0], sizes = [192, 1, 224], strides = [1, 1, 1]} : vector<192x16x224xf32> to vector<192x1x224xf32>
    %squeeze3A_9 = vector.shape_cast %slice3A_8 : vector<192x1x224xf32> to vector<192x224xf32>
    %transpose3A_10 = tpu.transpose %squeeze3A_9, [1, 0] : vector<192x224xf32> -> vector<224x192xf32>
    %concatenate3A_11 = tpu.concatenate %transpose3A_10, %broadcast_in_dim3A_5 in 1 : vector<224x192xf32>, vector<224x64xf32> -> vector<224x256xf32>
    %reshape3A_12 = vector.shape_cast %concatenate3A_11 : vector<224x256xf32> to vector<448x128xf32>
    %swap3A_13 = arith.constant 448 : index
    %swap3A_14 = arith.constant 0 : index
    %swap3A_15 = vector.load %arg3[%swap3A_13, %swap3A_14] : memref<7168x128xf32, #tpu.memory_space<vmem>>, vector<448x128xf32>
    tpu.vector_store %arg3[%swap3A_13, %swap3A_14], %reshape3A_12 {strides = array<i32>} : memref<7168x128xf32, #tpu.memory_space<vmem>>, vector<448x128xf32>,
    %slice3A_16 = vector.extract_strided_slice %get3A_4 {offsets = [0, 2, 0], sizes = [192, 1, 224], strides = [1, 1, 1]} : vector<192x16x224xf32> to vector<192x1x224xf32>
    %squeeze3A_17 = vector.shape_cast %slice3A_16 : vector<192x1x224xf32> to vector<192x224xf32>
    %transpose3A_18 = tpu.transpose %squeeze3A_17, [1, 0] : vector<192x224xf32> -> vector<224x192xf32>
    %concatenate3A_19 = tpu.concatenate %transpose3A_18, %broadcast_in_dim3A_5 in 1 : vector<224x192xf32>, vector<224x64xf32> -> vector<224x256xf32>
    %reshape3A_20 = vector.shape_cast %concatenate3A_19 : vector<224x256xf32> to vector<448x128xf32>
    %swap3A_21 = arith.constant 896 : index
    %swap3A_22 = arith.constant 0 : index
    %swap3A_23 = vector.load %arg3[%swap3A_21, %swap3A_22] : memref<7168x128xf32, #tpu.memory_space<vmem>>, vector<448x128xf32>
    tpu.vector_store %arg3[%swap3A_21, %swap3A_22], %reshape3A_20 {strides = array<i32>} : memref<7168x128xf32, #tpu.memory_space<vmem>>, vector<448x128xf32>,
    %slice3A_24 = vector.extract_strided_slice %get3A_4 {offsets = [0, 3, 0], sizes = [192, 1, 224], strides = [1, 1, 1]} : vector<192x16x224xf32> to vector<192x1x224xf32>
    %squeeze3A_25 = vector.shape_cast %slice3A_24 : vector<192x1x224xf32> to vector<192x224xf32>
    %transpose3A_26 = tpu.transpose %squeeze3A_25, [1, 0] : vector<192x224xf32> -> vector<224x192xf32>
    %concatenate3A_27 = tpu.concatenate %transpose3A_26, %broadcast_in_dim3A_5 in 1 : vector<224x192xf32>, vector<224x64xf32> -> vector<224x256xf32>
    %reshape3A_28 = vector.shape_cast %concatenate3A_27 : vector<224x256xf32> to vector<448x128xf32>
    %swap3A_29 = arith.constant 1344 : index
    %swap3A_30 = arith.constant 0 : index
    %swap3A_31 = vector.load %arg3[%swap3A_29, %swap3A_30] : memref<7168x128xf32, #tpu.memory_space<vmem>>, vector<448x128xf32>
    tpu.vector_store %arg3[%swap3A_29, %swap3A_30], %reshape3A_28 {strides = array<i32>} : memref<7168x128xf32, #tpu.memory_space<vmem>>, vector<448x128xf32>,
    %slice3A_32 = vector.extract_strided_slice %get3A_4 {offsets = [0, 4, 0], sizes = [192, 1, 224], strides = [1, 1, 1]} : vector<192x16x224xf32> to vector<192x1x224xf32>
    %squeeze3A_33 = vector.shape_cast %slice3A_32 : vector<192x1x224xf32> to vector<192x224xf32>
    %transpose3A_34 = tpu.transpose %squeeze3A_33, [1, 0] : vector<192x224xf32> -> vector<224x192xf32>
    %concatenate3A_35 = tpu.concatenate %transpose3A_34, %broadcast_in_dim3A_5 in 1 : vector<224x192xf32>, vector<224x64xf32> -> vector<224x256xf32>
    %reshape3A_36 = vector.shape_cast %concatenate3A_35 : vector<224x256xf32> to vector<448x128xf32>
    %swap3A_37 = arith.constant 1792 : index
    %swap3A_38 = arith.constant 0 : index
    %swap3A_39 = vector.load %arg3[%swap3A_37, %swap3A_38] : memref<7168x128xf32, #tpu.memory_space<vmem>>, vector<448x128xf32>
    tpu.vector_store %arg3[%swap3A_37, %swap3A_38], %reshape3A_36 {strides = array<i32>} : memref<7168x128xf32, #tpu.memory_space<vmem>>, vector<448x128xf32>,
    %slice3A_40 = vector.extract_strided_slice %get3A_4 {offsets = [0, 5, 0], sizes = [192, 1, 224], strides = [1, 1, 1]} : vector<192x16x224xf32> to vector<192x1x224xf32>
    %squeeze3A_41 = vector.shape_cast %slice3A_40 : vector<192x1x224xf32> to vector<192x224xf32>
    %transpose3A_42 = tpu.transpose %squeeze3A_41, [1, 0] : vector<192x224xf32> -> vector<224x192xf32>
    %concatenate3A_43 = tpu.concatenate %transpose3A_42, %broadcast_in_dim3A_5 in 1 : vector<224x192xf32>, vector<224x64xf32> -> vector<224x256xf32>
    %reshape3A_44 = vector.shape_cast %concatenate3A_43 : vector<224x256xf32> to vector<448x128xf32>
    %swap3A_45 = arith.constant 2240 : index
    %swap3A_46 = arith.constant 0 : index
    %swap3A_47 = vector.load %arg3[%swap3A_45, %swap3A_46] : memref<7168x128xf32, #tpu.memory_space<vmem>>, vector<448x128xf32>
    tpu.vector_store %arg3[%swap3A_45, %swap3A_46], %reshape3A_44 {strides = array<i32>} : memref<7168x128xf32, #tpu.memory_space<vmem>>, vector<448x128xf32>,
    %slice3A_48 = vector.extract_strided_slice %get3A_4 {offsets = [0, 6, 0], sizes = [192, 1, 224], strides = [1, 1, 1]} : vector<192x16x224xf32> to vector<192x1x224xf32>
    %squeeze3A_49 = vector.shape_cast %slice3A_48 : vector<192x1x224xf32> to vector<192x224xf32>
    %transpose3A_50 = tpu.transpose %squeeze3A_49, [1, 0] : vector<192x224xf32> -> vector<224x192xf32>
    %concatenate3A_51 = tpu.concatenate %transpose3A_50, %broadcast_in_dim3A_5 in 1 : vector<224x192xf32>, vector<224x64xf32> -> vector<224x256xf32>
    %reshape3A_52 = vector.shape_cast %concatenate3A_51 : vector<224x256xf32> to vector<448x128xf32>
    %swap3A_53 = arith.constant 2688 : index
    %swap3A_54 = arith.constant 0 : index
    %swap3A_55 = vector.load %arg3[%swap3A_53, %swap3A_54] : memref<7168x128xf32, #tpu.memory_space<vmem>>, vector<448x128xf32>
    tpu.vector_store %arg3[%swap3A_53, %swap3A_54], %reshape3A_52 {strides = array<i32>} : memref<7168x128xf32, #tpu.memory_space<vmem>>, vector<448x128xf32>,
    %slice3A_56 = vector.extract_strided_slice %get3A_4 {offsets = [0, 7, 0], sizes = [192, 1, 224], strides = [1, 1, 1]} : vector<192x16x224xf32> to vector<192x1x224xf32>
    %squeeze3A_57 = vector.shape_cast %slice3A_56 : vector<192x1x224xf32> to vector<192x224xf32>
    %transpose3A_58 = tpu.transpose %squeeze3A_57, [1, 0] : vector<192x224xf32> -> vector<224x192xf32>
    %concatenate3A_59 = tpu.concatenate %transpose3A_58, %broadcast_in_dim3A_5 in 1 : vector<224x192xf32>, vector<224x64xf32> -> vector<224x256xf32>
    %reshape3A_60 = vector.shape_cast %concatenate3A_59 : vector<224x256xf32> to vector<448x128xf32>
    %swap3A_61 = arith.constant 3136 : index
    %swap3A_62 = arith.constant 0 : index
    %swap3A_63 = vector.load %arg3[%swap3A_61, %swap3A_62] : memref<7168x128xf32, #tpu.memory_space<vmem>>, vector<448x128xf32>
    tpu.vector_store %arg3[%swap3A_61, %swap3A_62], %reshape3A_60 {strides = array<i32>} : memref<7168x128xf32, #tpu.memory_space<vmem>>, vector<448x128xf32>,
    %slice3A_64 = vector.extract_strided_slice %get3A_4 {offsets = [0, 8, 0], sizes = [192, 1, 224], strides = [1, 1, 1]} : vector<192x16x224xf32> to vector<192x1x224xf32>
    %squeeze3A_65 = vector.shape_cast %slice3A_64 : vector<192x1x224xf32> to vector<192x224xf32>
    %transpose3A_66 = tpu.transpose %squeeze3A_65, [1, 0] : vector<192x224xf32> -> vector<224x192xf32>
    %concatenate3A_67 = tpu.concatenate %transpose3A_66, %broadcast_in_dim3A_5 in 1 : vector<224x192xf32>, vector<224x64xf32> -> vector<224x256xf32>
    %reshape3A_68 = vector.shape_cast %concatenate3A_67 : vector<224x256xf32> to vector<448x128xf32>
    %swap3A_69 = arith.constant 3584 : index
    %swap3A_70 = arith.constant 0 : index
    %swap3A_71 = vector.load %arg3[%swap3A_69, %swap3A_70] : memref<7168x128xf32, #tpu.memory_space<vmem>>, vector<448x128xf32>
    tpu.vector_store %arg3[%swap3A_69, %swap3A_70], %reshape3A_68 {strides = array<i32>} : memref<7168x128xf32, #tpu.memory_space<vmem>>, vector<448x128xf32>,
    %slice3A_72 = vector.extract_strided_slice %get3A_4 {offsets = [0, 9, 0], sizes = [192, 1, 224], strides = [1, 1, 1]} : vector<192x16x224xf32> to vector<192x1x224xf32>
    %squeeze3A_73 = vector.shape_cast %slice3A_72 : vector<192x1x224xf32> to vector<192x224xf32>
    %transpose3A_74 = tpu.transpose %squeeze3A_73, [1, 0] : vector<192x224xf32> -> vector<224x192xf32>
    %concatenate3A_75 = tpu.concatenate %transpose3A_74, %broadcast_in_dim3A_5 in 1 : vector<224x192xf32>, vector<224x64xf32> -> vector<224x256xf32>
    %reshape3A_76 = vector.shape_cast %concatenate3A_75 : vector<224x256xf32> to vector<448x128xf32>
    %swap3A_77 = arith.constant 4032 : index
    %swap3A_78 = arith.constant 0 : index
    %swap3A_79 = vector.load %arg3[%swap3A_77, %swap3A_78] : memref<7168x128xf32, #tpu.memory_space<vmem>>, vector<448x128xf32>
    tpu.vector_store %arg3[%swap3A_77, %swap3A_78], %reshape3A_76 {strides = array<i32>} : memref<7168x128xf32, #tpu.memory_space<vmem>>, vector<448x128xf32>,
    %slice3A_80 = vector.extract_strided_slice %get3A_4 {offsets = [0, 10, 0], sizes = [192, 1, 224], strides = [1, 1, 1]} : vector<192x16x224xf32> to vector<192x1x224xf32>
    %squeeze3A_81 = vector.shape_cast %slice3A_80 : vector<192x1x224xf32> to vector<192x224xf32>
    %transpose3A_82 = tpu.transpose %squeeze3A_81, [1, 0] : vector<192x224xf32> -> vector<224x192xf32>
    %concatenate3A_83 = tpu.concatenate %transpose3A_82, %broadcast_in_dim3A_5 in 1 : vector<224x192xf32>, vector<224x64xf32> -> vector<224x256xf32>
    %reshape3A_84 = vector.shape_cast %concatenate3A_83 : vector<224x256xf32> to vector<448x128xf32>
    %swap3A_85 = arith.constant 4480 : index
    %swap3A_86 = arith.constant 0 : index
    %swap3A_87 = vector.load %arg3[%swap3A_85, %swap3A_86] : memref<7168x128xf32, #tpu.memory_space<vmem>>, vector<448x128xf32>
    tpu.vector_store %arg3[%swap3A_85, %swap3A_86], %reshape3A_84 {strides = array<i32>} : memref<7168x128xf32, #tpu.memory_space<vmem>>, vector<448x128xf32>,
    %slice3A_88 = vector.extract_strided_slice %get3A_4 {offsets = [0, 11, 0], sizes = [192, 1, 224], strides = [1, 1, 1]} : vector<192x16x224xf32> to vector<192x1x224xf32>
    %squeeze3A_89 = vector.shape_cast %slice3A_88 : vector<192x1x224xf32> to vector<192x224xf32>
    %transpose3A_90 = tpu.transpose %squeeze3A_89, [1, 0] : vector<192x224xf32> -> vector<224x192xf32>
    %concatenate3A_91 = tpu.concatenate %transpose3A_90, %broadcast_in_dim3A_5 in 1 : vector<224x192xf32>, vector<224x64xf32> -> vector<224x256xf32>
    %reshape3A_92 = vector.shape_cast %concatenate3A_91 : vector<224x256xf32> to vector<448x128xf32>
    %swap3A_93 = arith.constant 4928 : index
    %swap3A_94 = arith.constant 0 : index
    %swap3A_95 = vector.load %arg3[%swap3A_93, %swap3A_94] : memref<7168x128xf32, #tpu.memory_space<vmem>>, vector<448x128xf32>
    tpu.vector_store %arg3[%swap3A_93, %swap3A_94], %reshape3A_92 {strides = array<i32>} : memref<7168x128xf32, #tpu.memory_space<vmem>>, vector<448x128xf32>,
    %slice3A_96 = vector.extract_strided_slice %get3A_4 {offsets = [0, 12, 0], sizes = [192, 1, 224], strides = [1, 1, 1]} : vector<192x16x224xf32> to vector<192x1x224xf32>
    %squeeze3A_97 = vector.shape_cast %slice3A_96 : vector<192x1x224xf32> to vector<192x224xf32>
    %transpose3A_98 = tpu.transpose %squeeze3A_97, [1, 0] : vector<192x224xf32> -> vector<224x192xf32>
    %concatenate3A_99 = tpu.concatenate %transpose3A_98, %broadcast_in_dim3A_5 in 1 : vector<224x192xf32>, vector<224x64xf32> -> vector<224x256xf32>
    %reshape3A_100 = vector.shape_cast %concatenate3A_99 : vector<224x256xf32> to vector<448x128xf32>
    %swap3A_101 = arith.constant 5376 : index
    %swap3A_102 = arith.constant 0 : index
    %swap3A_103 = vector.load %arg3[%swap3A_101, %swap3A_102] : memref<7168x128xf32, #tpu.memory_space<vmem>>, vector<448x128xf32>
    tpu.vector_store %arg3[%swap3A_101, %swap3A_102], %reshape3A_100 {strides = array<i32>} : memref<7168x128xf32, #tpu.memory_space<vmem>>, vector<448x128xf32>,
    %slice3A_104 = vector.extract_strided_slice %get3A_4 {offsets = [0, 13, 0], sizes = [192, 1, 224], strides = [1, 1, 1]} : vector<192x16x224xf32> to vector<192x1x224xf32>
    %squeeze3A_105 = vector.shape_cast %slice3A_104 : vector<192x1x224xf32> to vector<192x224xf32>
    %transpose3A_106 = tpu.transpose %squeeze3A_105, [1, 0] : vector<192x224xf32> -> vector<224x192xf32>
    %concatenate3A_107 = tpu.concatenate %transpose3A_106, %broadcast_in_dim3A_5 in 1 : vector<224x192xf32>, vector<224x64xf32> -> vector<224x256xf32>
    %reshape3A_108 = vector.shape_cast %concatenate3A_107 : vector<224x256xf32> to vector<448x128xf32>
    %swap3A_109 = arith.constant 5824 : index
    %swap3A_110 = arith.constant 0 : index
    %swap3A_111 = vector.load %arg3[%swap3A_109, %swap3A_110] : memref<7168x128xf32, #tpu.memory_space<vmem>>, vector<448x128xf32>
    tpu.vector_store %arg3[%swap3A_109, %swap3A_110], %reshape3A_108 {strides = array<i32>} : memref<7168x128xf32, #tpu.memory_space<vmem>>, vector<448x128xf32>,
    %slice3A_112 = vector.extract_strided_slice %get3A_4 {offsets = [0, 14, 0], sizes = [192, 1, 224], strides = [1, 1, 1]} : vector<192x16x224xf32> to vector<192x1x224xf32>
    %squeeze3A_113 = vector.shape_cast %slice3A_112 : vector<192x1x224xf32> to vector<192x224xf32>
    %transpose3A_114 = tpu.transpose %squeeze3A_113, [1, 0] : vector<192x224xf32> -> vector<224x192xf32>
    %concatenate3A_115 = tpu.concatenate %transpose3A_114, %broadcast_in_dim3A_5 in 1 : vector<224x192xf32>, vector<224x64xf32> -> vector<224x256xf32>
    %reshape3A_116 = vector.shape_cast %concatenate3A_115 : vector<224x256xf32> to vector<448x128xf32>
    %swap3A_117 = arith.constant 6272 : index
    %swap3A_118 = arith.constant 0 : index
    %swap3A_119 = vector.load %arg3[%swap3A_117, %swap3A_118] : memref<7168x128xf32, #tpu.memory_space<vmem>>, vector<448x128xf32>
    tpu.vector_store %arg3[%swap3A_117, %swap3A_118], %reshape3A_116 {strides = array<i32>} : memref<7168x128xf32, #tpu.memory_space<vmem>>, vector<448x128xf32>,
    %slice3A_120 = vector.extract_strided_slice %get3A_4 {offsets = [0, 15, 0], sizes = [192, 1, 224], strides = [1, 1, 1]} : vector<192x16x224xf32> to vector<192x1x224xf32>
    %squeeze3A_121 = vector.shape_cast %slice3A_120 : vector<192x1x224xf32> to vector<192x224xf32>
    %transpose3A_122 = tpu.transpose %squeeze3A_121, [1, 0] : vector<192x224xf32> -> vector<224x192xf32>
    %concatenate3A_123 = tpu.concatenate %transpose3A_122, %broadcast_in_dim3A_5 in 1 : vector<224x192xf32>, vector<224x64xf32> -> vector<224x256xf32>
    %reshape3A_124 = vector.shape_cast %concatenate3A_123 : vector<224x256xf32> to vector<448x128xf32>
    %swap3A_125 = arith.constant 6720 : index
    %swap3A_126 = arith.constant 0 : index
    %swap3A_127 = vector.load %arg3[%swap3A_125, %swap3A_126] : memref<7168x128xf32, #tpu.memory_space<vmem>>, vector<448x128xf32>
    tpu.vector_store %arg3[%swap3A_125, %swap3A_126], %reshape3A_124 {strides = array<i32>} : memref<7168x128xf32, #tpu.memory_space<vmem>>, vector<448x128xf32>,
    return
  }
  func.func @transform_0(%arg0: i32, %arg1: i32) -> (i32, i32, i32, i32) {
    %c0_i32 = arith.constant 0 : i32
    %c0_i32_0 = arith.constant 0 : i32
    %c0_i32_1 = arith.constant 0 : i32
    return %arg0, %c0_i32, %arg1, %c0_i32_0 : i32, i32, i32, i32
  }
  func.func @transform_1(%arg0: i32, %arg1: i32) -> (i32, i32) {
    %mul3A = arith.constant 14 : i32
    %mul3A_0 = arith.muli %arg0, %mul3A : i32
    %add3A = arith.addi %mul3A_0, %arg1 : i32
    %c0_i32 = arith.constant 0 : i32
    %c0_i32_1 = arith.constant 0 : i32
    return %add3A, %c0_i32 : i32, i32
  }
}

module attributes {stable_mosaic.version = 14 : i64} {
  func.func @_prep_body(%arg0: memref<2048x192xf32, #tpu.memory_space<vmem>>, %arg1: memref<192x192xf32, #tpu.memory_space<vmem>>, %arg2: memref<2048x1xf32, #tpu.memory_space<vmem>>, %arg3: memref<2048x1xf32, #tpu.memory_space<vmem>>, %arg4: memref<2048x128xi32, #tpu.memory_space<vmem>>, %arg5: memref<2048x128xf32, #tpu.memory_space<vmem>>, %arg6: memref<4096x128xf32, #tpu.memory_space<vmem>>) attributes {dimension_semantics = [], scalar_prefetch = 0 : i64, scratch_operands = 0 : i64, tpu.core_type = #tpu.core_type<tc>} {
    %get3A = arith.constant 0 : index
    %get3A_0 = arith.constant 0 : index
    %get3A_1 = vector.load %arg0[%get3A, %get3A_0] : memref<2048x192xf32, #tpu.memory_space<vmem>>, vector<2048x192xf32>
    %get3A_2 = arith.constant 0 : index
    %get3A_3 = arith.constant 0 : index
    %get3A_4 = vector.load %arg2[%get3A_2, %get3A_3] : memref<2048x1xf32, #tpu.memory_space<vmem>>, vector<2048x1xf32>
    %get3A_5 = arith.constant 0 : index
    %get3A_6 = arith.constant 0 : index
    %get3A_7 = vector.load %arg3[%get3A_5, %get3A_6] : memref<2048x1xf32, #tpu.memory_space<vmem>>, vector<2048x1xf32>
    %get3A_8 = arith.constant 0 : index
    %get3A_9 = arith.constant 0 : index
    %get3A_10 = vector.load %arg1[%get3A_8, %get3A_9] : memref<192x192xf32, #tpu.memory_space<vmem>>, vector<192x192xf32>
    %dot_general3A = arith.constant dense<0.000000e+00> : vector<2048x192xf32>
    %dot_general3A_11 = tpu.matmul %get3A_1, %get3A_10, %dot_general3A {dimension_numbers = #tpu.dot_dimension_numbers<[1], [0], [0], [1], [0, 0, 1, 1], [], []>, transpose_lhs_hint = false} : vector<2048x192xf32>, vector<192x192xf32>, vector<2048x192xf32> -> vector<2048x192xf32>
    %broadcast_in_dim3A = arith.constant 0.000000e+00 : f32
    %broadcast_in_dim3A_12 = vector.broadcast %broadcast_in_dim3A : f32 to vector<2048x64xf32>
    %concatenate3A = tpu.concatenate %dot_general3A_11, %broadcast_in_dim3A_12 in 1 : vector<2048x192xf32>, vector<2048x64xf32> -> vector<2048x256xf32>
    %reshape3A = vector.shape_cast %concatenate3A : vector<2048x256xf32> to vector<4096x128xf32>
    %swap3A = arith.constant 0 : index
    %swap3A_13 = arith.constant 0 : index
    %swap3A_14 = vector.load %arg6[%swap3A, %swap3A_13] : memref<4096x128xf32, #tpu.memory_space<vmem>>, vector<4096x128xf32>
    tpu.vector_store %arg6[%swap3A, %swap3A_13], %reshape3A {strides = array<i32>} : memref<4096x128xf32, #tpu.memory_space<vmem>>, vector<4096x128xf32>,
    %iota3A = tpu.iota {dimensions = array<i32: 1>} : vector<2048x128xi32>
    %iota3A_15 = tpu.iota {dimensions = array<i32: 0>} : vector<2048x128xi32>
    %jit3A = arith.constant 2 : i32
    %div3A = vector.broadcast %jit3A : i32 to vector<2048x128xi32>
    %div3A_16 = arith.divsi %iota3A, %div3A : vector<2048x128xi32>
    %sign3A = arith.constant 0 : i32
    %sign3A_17 = vector.broadcast %sign3A : i32 to vector<2048x128xi32>
    %sign3A_18 = arith.cmpi sgt, %iota3A, %sign3A_17 : vector<2048x128xi32>
    %sign3A_19 = arith.extui %sign3A_18 : vector<2048x128xi1> to vector<2048x128xi32>
    %sign3A_20 = arith.constant 0 : i32
    %sign3A_21 = vector.broadcast %sign3A_20 : i32 to vector<2048x128xi32>
    %sign3A_22 = arith.cmpi slt, %iota3A, %sign3A_21 : vector<2048x128xi32>
    %sign3A_23 = arith.extui %sign3A_22 : vector<2048x128xi1> to vector<2048x128xi32>
    %sign3A_24 = arith.subi %sign3A_19, %sign3A_23 : vector<2048x128xi32>
    %sign3A_25 = arith.constant 0 : i32
    %sign3A_26 = arith.cmpi sgt, %jit3A, %sign3A_25 : i32
    %sign3A_27 = arith.extui %sign3A_26 : i1 to i32
    %sign3A_28 = arith.constant 0 : i32
    %sign3A_29 = arith.cmpi slt, %jit3A, %sign3A_28 : i32
    %sign3A_30 = arith.extui %sign3A_29 : i1 to i32
    %sign3A_31 = arith.subi %sign3A_27, %sign3A_30 : i32
    %ne3A = vector.broadcast %sign3A_31 : i32 to vector<2048x128xi32>
    %ne3A_32 = arith.cmpi ne, %sign3A_24, %ne3A : vector<2048x128xi32>
    %rem3A = vector.broadcast %jit3A : i32 to vector<2048x128xi32>
    %rem3A_33 = arith.remsi %iota3A, %rem3A : vector<2048x128xi32>
    %ne3A_34 = arith.constant 0 : i32
    %ne3A_35 = vector.broadcast %ne3A_34 : i32 to vector<2048x128xi32>
    %ne3A_36 = arith.cmpi ne, %rem3A_33, %ne3A_35 : vector<2048x128xi32>
    %and3A = arith.andi %ne3A_32, %ne3A_36 : vector<2048x128xi1>
    %sub3A = arith.constant 1 : i32
    %sub3A_37 = vector.broadcast %sub3A : i32 to vector<2048x128xi32>
    %sub3A_38 = arith.subi %div3A_16, %sub3A_37 : vector<2048x128xi32>
    %select_n3A = arith.select %and3A, %sub3A_38, %div3A_16 : vector<2048x128xi1>, vector<2048x128xi32>
    %jit3A_39 = arith.constant 7 : i32
    %div3A_40 = vector.broadcast %jit3A_39 : i32 to vector<2048x128xi32>
    %div3A_41 = arith.divsi %select_n3A, %div3A_40 : vector<2048x128xi32>
    %sign3A_42 = arith.constant 0 : i32
    %sign3A_43 = vector.broadcast %sign3A_42 : i32 to vector<2048x128xi32>
    %sign3A_44 = arith.cmpi sgt, %select_n3A, %sign3A_43 : vector<2048x128xi32>
    %sign3A_45 = arith.extui %sign3A_44 : vector<2048x128xi1> to vector<2048x128xi32>
    %sign3A_46 = arith.constant 0 : i32
    %sign3A_47 = vector.broadcast %sign3A_46 : i32 to vector<2048x128xi32>
    %sign3A_48 = arith.cmpi slt, %select_n3A, %sign3A_47 : vector<2048x128xi32>
    %sign3A_49 = arith.extui %sign3A_48 : vector<2048x128xi1> to vector<2048x128xi32>
    %sign3A_50 = arith.subi %sign3A_45, %sign3A_49 : vector<2048x128xi32>
    %sign3A_51 = arith.constant 0 : i32
    %sign3A_52 = arith.cmpi sgt, %jit3A_39, %sign3A_51 : i32
    %sign3A_53 = arith.extui %sign3A_52 : i1 to i32
    %sign3A_54 = arith.constant 0 : i32
    %sign3A_55 = arith.cmpi slt, %jit3A_39, %sign3A_54 : i32
    %sign3A_56 = arith.extui %sign3A_55 : i1 to i32
    %sign3A_57 = arith.subi %sign3A_53, %sign3A_56 : i32
    %ne3A_58 = vector.broadcast %sign3A_57 : i32 to vector<2048x128xi32>
    %ne3A_59 = arith.cmpi ne, %sign3A_50, %ne3A_58 : vector<2048x128xi32>
    %rem3A_60 = vector.broadcast %jit3A_39 : i32 to vector<2048x128xi32>
    %rem3A_61 = arith.remsi %select_n3A, %rem3A_60 : vector<2048x128xi32>
    %ne3A_62 = arith.constant 0 : i32
    %ne3A_63 = vector.broadcast %ne3A_62 : i32 to vector<2048x128xi32>
    %ne3A_64 = arith.cmpi ne, %rem3A_61, %ne3A_63 : vector<2048x128xi32>
    %and3A_65 = arith.andi %ne3A_59, %ne3A_64 : vector<2048x128xi1>
    %sub3A_66 = arith.constant 1 : i32
    %sub3A_67 = vector.broadcast %sub3A_66 : i32 to vector<2048x128xi32>
    %sub3A_68 = arith.subi %div3A_41, %sub3A_67 : vector<2048x128xi32>
    %select_n3A_69 = arith.select %and3A_65, %sub3A_68, %div3A_41 : vector<2048x128xi1>, vector<2048x128xi32>
    %min3A = arith.constant 6 : i32
    %min3A_70 = vector.broadcast %min3A : i32 to vector<2048x128xi32>
    %min3A_71 = arith.minsi %select_n3A_69, %min3A_70 : vector<2048x128xi32>
    %jit3A_72 = arith.constant 7 : i32
    %eq3A = arith.constant 0 : i32
    %eq3A_73 = arith.cmpi eq, %jit3A_72, %eq3A : i32
    %jit3A_74 = arith.constant 1 : i32
    %select_n3A_75 = arith.select %eq3A_73, %jit3A_74, %jit3A_72 : i32
    %rem3A_76 = vector.broadcast %select_n3A_75 : i32 to vector<2048x128xi32>
    %rem3A_77 = arith.remsi %select_n3A, %rem3A_76 : vector<2048x128xi32>
    %ne3A_78 = arith.constant 0 : i32
    %ne3A_79 = vector.broadcast %ne3A_78 : i32 to vector<2048x128xi32>
    %ne3A_80 = arith.cmpi ne, %rem3A_77, %ne3A_79 : vector<2048x128xi32>
    %lt3A = arith.constant 0 : i32
    %lt3A_81 = vector.broadcast %lt3A : i32 to vector<2048x128xi32>
    %lt3A_82 = arith.cmpi slt, %rem3A_77, %lt3A_81 : vector<2048x128xi32>
    %lt3A_83 = arith.constant 0 : i32
    %lt3A_84 = arith.cmpi slt, %select_n3A_75, %lt3A_83 : i32
    %ne3A_85 = vector.broadcast %lt3A_84 : i1 to vector<2048x128xi1>
    %ne3A_86 = vector.broadcast %ne3A_85 : vector<2048x128xi1> to vector<2048x128xi1>
    %ne3A_87 = arith.xori %lt3A_82, %ne3A_86 : vector<2048x128xi1>
    %and3A_88 = arith.andi %ne3A_87, %ne3A_80 : vector<2048x128xi1>
    %add3A = vector.broadcast %select_n3A_75 : i32 to vector<2048x128xi32>
    %add3A_89 = arith.addi %rem3A_77, %add3A : vector<2048x128xi32>
    %select_n3A_90 = arith.select %and3A_88, %add3A_89, %rem3A_77 : vector<2048x128xi1>, vector<2048x128xi32>
    %round3A = math.roundeven %get3A_4 : vector<2048x1xf32>
    %convert_element_type3A = arith.fptosi %round3A : vector<2048x1xf32> to vector<2048x1xi32>
    %round3A_91 = math.roundeven %get3A_7 : vector<2048x1xf32>
    %convert_element_type3A_92 = arith.fptosi %round3A_91 : vector<2048x1xf32> to vector<2048x1xi32>
    %sub3A_93 = arith.constant 3 : i32
    %sub3A_94 = vector.broadcast %sub3A_93 : i32 to vector<2048x128xi32>
    %sub3A_95 = arith.subi %min3A_71, %sub3A_94 : vector<2048x128xi32>
    %add3A_96 = vector.broadcast %convert_element_type3A : vector<2048x1xi32> to vector<2048x128xi32>
    %add3A_97 = arith.addi %add3A_96, %sub3A_95 : vector<2048x128xi32>
    %add3A_98 = arith.constant 1 : i32
    %add3A_99 = vector.broadcast %add3A_98 : i32 to vector<2048x128xi32>
    %add3A_100 = arith.addi %add3A_97, %add3A_99 : vector<2048x128xi32>
    %jit3A_101 = arith.constant 0 : i32
    %jit3A_102 = arith.constant 225 : i32
    %max3A = vector.broadcast %jit3A_101 : i32 to vector<2048x128xi32>
    %max3A_103 = arith.maxsi %max3A, %add3A_100 : vector<2048x128xi32>
    %min3A_104 = vector.broadcast %jit3A_102 : i32 to vector<2048x128xi32>
    %min3A_105 = arith.minsi %min3A_104, %max3A_103 : vector<2048x128xi32>
    %jit3A_106 = arith.constant 225 : i32
    %eq3A_107 = arith.constant 0 : i32
    %eq3A_108 = arith.cmpi eq, %jit3A_106, %eq3A_107 : i32
    %jit3A_109 = arith.constant 1 : i32
    %select_n3A_110 = arith.select %eq3A_108, %jit3A_109, %jit3A_106 : i32
    %rem3A_111 = vector.broadcast %select_n3A_110 : i32 to vector<2048x128xi32>
    %rem3A_112 = arith.remsi %min3A_105, %rem3A_111 : vector<2048x128xi32>
    %ne3A_113 = arith.constant 0 : i32
    %ne3A_114 = vector.broadcast %ne3A_113 : i32 to vector<2048x128xi32>
    %ne3A_115 = arith.cmpi ne, %rem3A_112, %ne3A_114 : vector<2048x128xi32>
    %lt3A_116 = arith.constant 0 : i32
    %lt3A_117 = vector.broadcast %lt3A_116 : i32 to vector<2048x128xi32>
    %lt3A_118 = arith.cmpi slt, %rem3A_112, %lt3A_117 : vector<2048x128xi32>
    %lt3A_119 = arith.constant 0 : i32
    %lt3A_120 = arith.cmpi slt, %select_n3A_110, %lt3A_119 : i32
    %ne3A_121 = vector.broadcast %lt3A_120 : i1 to vector<2048x128xi1>
    %ne3A_122 = vector.broadcast %ne3A_121 : vector<2048x128xi1> to vector<2048x128xi1>
    %ne3A_123 = arith.xori %lt3A_118, %ne3A_122 : vector<2048x128xi1>
    %and3A_124 = arith.andi %ne3A_123, %ne3A_115 : vector<2048x128xi1>
    %add3A_125 = vector.broadcast %select_n3A_110 : i32 to vector<2048x128xi32>
    %add3A_126 = arith.addi %rem3A_112, %add3A_125 : vector<2048x128xi32>
    %select_n3A_127 = arith.select %and3A_124, %add3A_126, %rem3A_112 : vector<2048x128xi1>, vector<2048x128xi32>
    %sub3A_128 = arith.constant 3 : i32
    %sub3A_129 = vector.broadcast %sub3A_128 : i32 to vector<2048x128xi32>
    %sub3A_130 = arith.subi %select_n3A_90, %sub3A_129 : vector<2048x128xi32>
    %add3A_131 = vector.broadcast %convert_element_type3A_92 : vector<2048x1xi32> to vector<2048x128xi32>
    %add3A_132 = arith.addi %add3A_131, %sub3A_130 : vector<2048x128xi32>
    %add3A_133 = arith.constant 1 : i32
    %add3A_134 = vector.broadcast %add3A_133 : i32 to vector<2048x128xi32>
    %add3A_135 = arith.addi %add3A_132, %add3A_134 : vector<2048x128xi32>
    %jit3A_136 = arith.constant 0 : i32
    %jit3A_137 = arith.constant 225 : i32
    %max3A_138 = vector.broadcast %jit3A_136 : i32 to vector<2048x128xi32>
    %max3A_139 = arith.maxsi %max3A_138, %add3A_135 : vector<2048x128xi32>
    %min3A_140 = vector.broadcast %jit3A_137 : i32 to vector<2048x128xi32>
    %min3A_141 = arith.minsi %min3A_140, %max3A_139 : vector<2048x128xi32>
    %jit3A_142 = arith.constant 225 : i32
    %eq3A_143 = arith.constant 0 : i32
    %eq3A_144 = arith.cmpi eq, %jit3A_142, %eq3A_143 : i32
    %jit3A_145 = arith.constant 1 : i32
    %select_n3A_146 = arith.select %eq3A_144, %jit3A_145, %jit3A_142 : i32
    %rem3A_147 = vector.broadcast %select_n3A_146 : i32 to vector<2048x128xi32>
    %rem3A_148 = arith.remsi %min3A_141, %rem3A_147 : vector<2048x128xi32>
    %ne3A_149 = arith.constant 0 : i32
    %ne3A_150 = vector.broadcast %ne3A_149 : i32 to vector<2048x128xi32>
    %ne3A_151 = arith.cmpi ne, %rem3A_148, %ne3A_150 : vector<2048x128xi32>
    %lt3A_152 = arith.constant 0 : i32
    %lt3A_153 = vector.broadcast %lt3A_152 : i32 to vector<2048x128xi32>
    %lt3A_154 = arith.cmpi slt, %rem3A_148, %lt3A_153 : vector<2048x128xi32>
    %lt3A_155 = arith.constant 0 : i32
    %lt3A_156 = arith.cmpi slt, %select_n3A_146, %lt3A_155 : i32
    %ne3A_157 = vector.broadcast %lt3A_156 : i1 to vector<2048x128xi1>
    %ne3A_158 = vector.broadcast %ne3A_157 : vector<2048x128xi1> to vector<2048x128xi1>
    %ne3A_159 = arith.xori %lt3A_154, %ne3A_158 : vector<2048x128xi1>
    %and3A_160 = arith.andi %ne3A_159, %ne3A_151 : vector<2048x128xi1>
    %add3A_161 = vector.broadcast %select_n3A_146 : i32 to vector<2048x128xi32>
    %add3A_162 = arith.addi %rem3A_148, %add3A_161 : vector<2048x128xi32>
    %select_n3A_163 = arith.select %and3A_160, %add3A_162, %rem3A_148 : vector<2048x128xi1>, vector<2048x128xi32>
    %gt3A = arith.constant 0 : i32
    %gt3A_164 = vector.broadcast %gt3A : i32 to vector<2048x128xi32>
    %gt3A_165 = arith.cmpi sgt, %select_n3A_127, %gt3A_164 : vector<2048x128xi32>
    %gt3A_166 = arith.constant 0 : i32
    %gt3A_167 = vector.broadcast %gt3A_166 : i32 to vector<2048x128xi32>
    %gt3A_168 = arith.cmpi sgt, %select_n3A_163, %gt3A_167 : vector<2048x128xi32>
    %and3A_169 = arith.andi %gt3A_165, %gt3A_168 : vector<2048x128xi1>
    %jit3A_170 = arith.constant 2 : i32
    %div3A_171 = vector.broadcast %jit3A_170 : i32 to vector<2048x128xi32>
    %div3A_172 = arith.divsi %iota3A, %div3A_171 : vector<2048x128xi32>
    %sign3A_173 = arith.constant 0 : i32
    %sign3A_174 = vector.broadcast %sign3A_173 : i32 to vector<2048x128xi32>
    %sign3A_175 = arith.cmpi sgt, %iota3A, %sign3A_174 : vector<2048x128xi32>
    %sign3A_176 = arith.extui %sign3A_175 : vector<2048x128xi1> to vector<2048x128xi32>
    %sign3A_177 = arith.constant 0 : i32
    %sign3A_178 = vector.broadcast %sign3A_177 : i32 to vector<2048x128xi32>
    %sign3A_179 = arith.cmpi slt, %iota3A, %sign3A_178 : vector<2048x128xi32>
    %sign3A_180 = arith.extui %sign3A_179 : vector<2048x128xi1> to vector<2048x128xi32>
    %sign3A_181 = arith.subi %sign3A_176, %sign3A_180 : vector<2048x128xi32>
    %sign3A_182 = arith.constant 0 : i32
    %sign3A_183 = arith.cmpi sgt, %jit3A_170, %sign3A_182 : i32
    %sign3A_184 = arith.extui %sign3A_183 : i1 to i32
    %sign3A_185 = arith.constant 0 : i32
    %sign3A_186 = arith.cmpi slt, %jit3A_170, %sign3A_185 : i32
    %sign3A_187 = arith.extui %sign3A_186 : i1 to i32
    %sign3A_188 = arith.subi %sign3A_184, %sign3A_187 : i32
    %ne3A_189 = vector.broadcast %sign3A_188 : i32 to vector<2048x128xi32>
    %ne3A_190 = arith.cmpi ne, %sign3A_181, %ne3A_189 : vector<2048x128xi32>
    %rem3A_191 = vector.broadcast %jit3A_170 : i32 to vector<2048x128xi32>
    %rem3A_192 = arith.remsi %iota3A, %rem3A_191 : vector<2048x128xi32>
    %ne3A_193 = arith.constant 0 : i32
    %ne3A_194 = vector.broadcast %ne3A_193 : i32 to vector<2048x128xi32>
    %ne3A_195 = arith.cmpi ne, %rem3A_192, %ne3A_194 : vector<2048x128xi32>
    %and3A_196 = arith.andi %ne3A_190, %ne3A_195 : vector<2048x128xi1>
    %sub3A_197 = arith.constant 1 : i32
    %sub3A_198 = vector.broadcast %sub3A_197 : i32 to vector<2048x128xi32>
    %sub3A_199 = arith.subi %div3A_172, %sub3A_198 : vector<2048x128xi32>
    %select_n3A_200 = arith.select %and3A_196, %sub3A_199, %div3A_172 : vector<2048x128xi1>, vector<2048x128xi32>
    %lt3A_201 = arith.constant 49 : i32
    %lt3A_202 = vector.broadcast %lt3A_201 : i32 to vector<2048x128xi32>
    %lt3A_203 = arith.cmpi slt, %select_n3A_200, %lt3A_202 : vector<2048x128xi32>
    %and3A_204 = arith.andi %and3A_169, %lt3A_203 : vector<2048x128xi1>
    %jit3A_205 = arith.constant 1024 : i32
    %div3A_206 = vector.broadcast %jit3A_205 : i32 to vector<2048x128xi32>
    %div3A_207 = arith.divsi %iota3A_15, %div3A_206 : vector<2048x128xi32>
    %sign3A_208 = arith.constant 0 : i32
    %sign3A_209 = vector.broadcast %sign3A_208 : i32 to vector<2048x128xi32>
    %sign3A_210 = arith.cmpi sgt, %iota3A_15, %sign3A_209 : vector<2048x128xi32>
    %sign3A_211 = arith.extui %sign3A_210 : vector<2048x128xi1> to vector<2048x128xi32>
    %sign3A_212 = arith.constant 0 : i32
    %sign3A_213 = vector.broadcast %sign3A_212 : i32 to vector<2048x128xi32>
    %sign3A_214 = arith.cmpi slt, %iota3A_15, %sign3A_213 : vector<2048x128xi32>
    %sign3A_215 = arith.extui %sign3A_214 : vector<2048x128xi1> to vector<2048x128xi32>
    %sign3A_216 = arith.subi %sign3A_211, %sign3A_215 : vector<2048x128xi32>
    %sign3A_217 = arith.constant 0 : i32
    %sign3A_218 = arith.cmpi sgt, %jit3A_205, %sign3A_217 : i32
    %sign3A_219 = arith.extui %sign3A_218 : i1 to i32
    %sign3A_220 = arith.constant 0 : i32
    %sign3A_221 = arith.cmpi slt, %jit3A_205, %sign3A_220 : i32
    %sign3A_222 = arith.extui %sign3A_221 : i1 to i32
    %sign3A_223 = arith.subi %sign3A_219, %sign3A_222 : i32
    %ne3A_224 = vector.broadcast %sign3A_223 : i32 to vector<2048x128xi32>
    %ne3A_225 = arith.cmpi ne, %sign3A_216, %ne3A_224 : vector<2048x128xi32>
    %rem3A_226 = vector.broadcast %jit3A_205 : i32 to vector<2048x128xi32>
    %rem3A_227 = arith.remsi %iota3A_15, %rem3A_226 : vector<2048x128xi32>
    %ne3A_228 = arith.constant 0 : i32
    %ne3A_229 = vector.broadcast %ne3A_228 : i32 to vector<2048x128xi32>
    %ne3A_230 = arith.cmpi ne, %rem3A_227, %ne3A_229 : vector<2048x128xi32>
    %and3A_231 = arith.andi %ne3A_225, %ne3A_230 : vector<2048x128xi1>
    %sub3A_232 = arith.constant 1 : i32
    %sub3A_233 = vector.broadcast %sub3A_232 : i32 to vector<2048x128xi32>
    %sub3A_234 = arith.subi %div3A_207, %sub3A_233 : vector<2048x128xi32>
    %select_n3A_235 = arith.select %and3A_231, %sub3A_234, %div3A_207 : vector<2048x128xi1>, vector<2048x128xi32>
    %mul3A = arith.constant 50176 : i32
    %mul3A_236 = vector.broadcast %mul3A : i32 to vector<2048x128xi32>
    %mul3A_237 = arith.muli %select_n3A_235, %mul3A_236 : vector<2048x128xi32>
    %sub3A_238 = arith.constant 1 : i32
    %sub3A_239 = vector.broadcast %sub3A_238 : i32 to vector<2048x128xi32>
    %sub3A_240 = arith.subi %select_n3A_127, %sub3A_239 : vector<2048x128xi32>
    %mul3A_241 = arith.constant 224 : i32
    %mul3A_242 = vector.broadcast %mul3A_241 : i32 to vector<2048x128xi32>
    %mul3A_243 = arith.muli %sub3A_240, %mul3A_242 : vector<2048x128xi32>
    %add3A_244 = arith.addi %mul3A_237, %mul3A_243 : vector<2048x128xi32>
    %sub3A_245 = arith.constant 1 : i32
    %sub3A_246 = vector.broadcast %sub3A_245 : i32 to vector<2048x128xi32>
    %sub3A_247 = arith.subi %select_n3A_163, %sub3A_246 : vector<2048x128xi32>
    %add3A_248 = arith.addi %add3A_244, %sub3A_247 : vector<2048x128xi32>
    %mul3A_249 = arith.constant 49 : i32
    %mul3A_250 = vector.broadcast %mul3A_249 : i32 to vector<2048x128xi32>
    %mul3A_251 = arith.muli %iota3A_15, %mul3A_250 : vector<2048x128xi32>
    %jit3A_252 = arith.constant 50176 : i32
    %eq3A_253 = arith.constant 0 : i32
    %eq3A_254 = arith.cmpi eq, %jit3A_252, %eq3A_253 : i32
    %jit3A_255 = arith.constant 1 : i32
    %select_n3A_256 = arith.select %eq3A_254, %jit3A_255, %jit3A_252 : i32
    %rem3A_257 = vector.broadcast %select_n3A_256 : i32 to vector<2048x128xi32>
    %rem3A_258 = arith.remsi %mul3A_251, %rem3A_257 : vector<2048x128xi32>
    %ne3A_259 = arith.constant 0 : i32
    %ne3A_260 = vector.broadcast %ne3A_259 : i32 to vector<2048x128xi32>
    %ne3A_261 = arith.cmpi ne, %rem3A_258, %ne3A_260 : vector<2048x128xi32>
    %lt3A_262 = arith.constant 0 : i32
    %lt3A_263 = vector.broadcast %lt3A_262 : i32 to vector<2048x128xi32>
    %lt3A_264 = arith.cmpi slt, %rem3A_258, %lt3A_263 : vector<2048x128xi32>
    %lt3A_265 = arith.constant 0 : i32
    %lt3A_266 = arith.cmpi slt, %select_n3A_256, %lt3A_265 : i32
    %ne3A_267 = vector.broadcast %lt3A_266 : i1 to vector<2048x128xi1>
    %ne3A_268 = vector.broadcast %ne3A_267 : vector<2048x128xi1> to vector<2048x128xi1>
    %ne3A_269 = arith.xori %lt3A_264, %ne3A_268 : vector<2048x128xi1>
    %and3A_270 = arith.andi %ne3A_269, %ne3A_261 : vector<2048x128xi1>
    %add3A_271 = vector.broadcast %select_n3A_256 : i32 to vector<2048x128xi32>
    %add3A_272 = arith.addi %rem3A_258, %add3A_271 : vector<2048x128xi32>
    %select_n3A_273 = arith.select %and3A_270, %add3A_272, %rem3A_258 : vector<2048x128xi1>, vector<2048x128xi32>
    %mul3A_274 = arith.constant 2 : i32
    %mul3A_275 = vector.broadcast %mul3A_274 : i32 to vector<2048x128xi32>
    %mul3A_276 = arith.muli %mul3A_275, %select_n3A_273 : vector<2048x128xi32>
    %jit3A_277 = arith.constant 2 : i32
    %eq3A_278 = arith.constant 0 : i32
    %eq3A_279 = arith.cmpi eq, %jit3A_277, %eq3A_278 : i32
    %jit3A_280 = arith.constant 1 : i32
    %select_n3A_281 = arith.select %eq3A_279, %jit3A_280, %jit3A_277 : i32
    %rem3A_282 = vector.broadcast %select_n3A_281 : i32 to vector<2048x128xi32>
    %rem3A_283 = arith.remsi %iota3A, %rem3A_282 : vector<2048x128xi32>
    %ne3A_284 = arith.constant 0 : i32
    %ne3A_285 = vector.broadcast %ne3A_284 : i32 to vector<2048x128xi32>
    %ne3A_286 = arith.cmpi ne, %rem3A_283, %ne3A_285 : vector<2048x128xi32>
    %lt3A_287 = arith.constant 0 : i32
    %lt3A_288 = vector.broadcast %lt3A_287 : i32 to vector<2048x128xi32>
    %lt3A_289 = arith.cmpi slt, %rem3A_283, %lt3A_288 : vector<2048x128xi32>
    %lt3A_290 = arith.constant 0 : i32
    %lt3A_291 = arith.cmpi slt, %select_n3A_281, %lt3A_290 : i32
    %ne3A_292 = vector.broadcast %lt3A_291 : i1 to vector<2048x128xi1>
    %ne3A_293 = vector.broadcast %ne3A_292 : vector<2048x128xi1> to vector<2048x128xi1>
    %ne3A_294 = arith.xori %lt3A_289, %ne3A_293 : vector<2048x128xi1>
    %and3A_295 = arith.andi %ne3A_294, %ne3A_286 : vector<2048x128xi1>
    %add3A_296 = vector.broadcast %select_n3A_281 : i32 to vector<2048x128xi32>
    %add3A_297 = arith.addi %rem3A_283, %add3A_296 : vector<2048x128xi32>
    %select_n3A_298 = arith.select %and3A_295, %add3A_297, %rem3A_283 : vector<2048x128xi1>, vector<2048x128xi32>
    %add3A_299 = arith.addi %mul3A_276, %select_n3A_298 : vector<2048x128xi32>
    %mul3A_300 = arith.constant 2 : i32
    %mul3A_301 = vector.broadcast %mul3A_300 : i32 to vector<2048x128xi32>
    %mul3A_302 = arith.muli %mul3A_301, %add3A_248 : vector<2048x128xi32>
    %jit3A_303 = arith.constant 2 : i32
    %eq3A_304 = arith.constant 0 : i32
    %eq3A_305 = arith.cmpi eq, %jit3A_303, %eq3A_304 : i32
    %jit3A_306 = arith.constant 1 : i32
    %select_n3A_307 = arith.select %eq3A_305, %jit3A_306, %jit3A_303 : i32
    %rem3A_308 = vector.broadcast %select_n3A_307 : i32 to vector<2048x128xi32>
    %rem3A_309 = arith.remsi %iota3A, %rem3A_308 : vector<2048x128xi32>
    %ne3A_310 = arith.constant 0 : i32
    %ne3A_311 = vector.broadcast %ne3A_310 : i32 to vector<2048x128xi32>
    %ne3A_312 = arith.cmpi ne, %rem3A_309, %ne3A_311 : vector<2048x128xi32>
    %lt3A_313 = arith.constant 0 : i32
    %lt3A_314 = vector.broadcast %lt3A_313 : i32 to vector<2048x128xi32>
    %lt3A_315 = arith.cmpi slt, %rem3A_309, %lt3A_314 : vector<2048x128xi32>
    %lt3A_316 = arith.constant 0 : i32
    %lt3A_317 = arith.cmpi slt, %select_n3A_307, %lt3A_316 : i32
    %ne3A_318 = vector.broadcast %lt3A_317 : i1 to vector<2048x128xi1>
    %ne3A_319 = vector.broadcast %ne3A_318 : vector<2048x128xi1> to vector<2048x128xi1>
    %ne3A_320 = arith.xori %lt3A_315, %ne3A_319 : vector<2048x128xi1>
    %and3A_321 = arith.andi %ne3A_320, %ne3A_312 : vector<2048x128xi1>
    %add3A_322 = vector.broadcast %select_n3A_307 : i32 to vector<2048x128xi32>
    %add3A_323 = arith.addi %rem3A_309, %add3A_322 : vector<2048x128xi32>
    %select_n3A_324 = arith.select %and3A_321, %add3A_323, %rem3A_309 : vector<2048x128xi1>, vector<2048x128xi32>
    %add3A_325 = arith.addi %mul3A_302, %select_n3A_324 : vector<2048x128xi32>
    %select_n3A_326 = arith.select %and3A_204, %add3A_325, %add3A_299 : vector<2048x128xi1>, vector<2048x128xi32>
    %swap3A_327 = arith.constant 0 : index
    %swap3A_328 = arith.constant 0 : index
    %swap3A_329 = vector.load %arg4[%swap3A_327, %swap3A_328] : memref<2048x128xi32, #tpu.memory_space<vmem>>, vector<2048x128xi32>
    tpu.vector_store %arg4[%swap3A_327, %swap3A_328], %select_n3A_326 {strides = array<i32>} : memref<2048x128xi32, #tpu.memory_space<vmem>>, vector<2048x128xi32>,
    %iota3A_330 = tpu.iota {dimensions = array<i32: 1>} : vector<2048x64xi32>
    %jit3A_331 = arith.constant 7 : i32
    %div3A_332 = vector.broadcast %jit3A_331 : i32 to vector<2048x64xi32>
    %div3A_333 = arith.divsi %iota3A_330, %div3A_332 : vector<2048x64xi32>
    %sign3A_334 = arith.constant 0 : i32
    %sign3A_335 = vector.broadcast %sign3A_334 : i32 to vector<2048x64xi32>
    %sign3A_336 = arith.cmpi sgt, %iota3A_330, %sign3A_335 : vector<2048x64xi32>
    %sign3A_337 = arith.extui %sign3A_336 : vector<2048x64xi1> to vector<2048x64xi32>
    %sign3A_338 = arith.constant 0 : i32
    %sign3A_339 = vector.broadcast %sign3A_338 : i32 to vector<2048x64xi32>
    %sign3A_340 = arith.cmpi slt, %iota3A_330, %sign3A_339 : vector<2048x64xi32>
    %sign3A_341 = arith.extui %sign3A_340 : vector<2048x64xi1> to vector<2048x64xi32>
    %sign3A_342 = arith.subi %sign3A_337, %sign3A_341 : vector<2048x64xi32>
    %sign3A_343 = arith.constant 0 : i32
    %sign3A_344 = arith.cmpi sgt, %jit3A_331, %sign3A_343 : i32
    %sign3A_345 = arith.extui %sign3A_344 : i1 to i32
    %sign3A_346 = arith.constant 0 : i32
    %sign3A_347 = arith.cmpi slt, %jit3A_331, %sign3A_346 : i32
    %sign3A_348 = arith.extui %sign3A_347 : i1 to i32
    %sign3A_349 = arith.subi %sign3A_345, %sign3A_348 : i32
    %ne3A_350 = vector.broadcast %sign3A_349 : i32 to vector<2048x64xi32>
    %ne3A_351 = arith.cmpi ne, %sign3A_342, %ne3A_350 : vector<2048x64xi32>
    %rem3A_352 = vector.broadcast %jit3A_331 : i32 to vector<2048x64xi32>
    %rem3A_353 = arith.remsi %iota3A_330, %rem3A_352 : vector<2048x64xi32>
    %ne3A_354 = arith.constant 0 : i32
    %ne3A_355 = vector.broadcast %ne3A_354 : i32 to vector<2048x64xi32>
    %ne3A_356 = arith.cmpi ne, %rem3A_353, %ne3A_355 : vector<2048x64xi32>
    %and3A_357 = arith.andi %ne3A_351, %ne3A_356 : vector<2048x64xi1>
    %sub3A_358 = arith.constant 1 : i32
    %sub3A_359 = vector.broadcast %sub3A_358 : i32 to vector<2048x64xi32>
    %sub3A_360 = arith.subi %div3A_333, %sub3A_359 : vector<2048x64xi32>
    %select_n3A_361 = arith.select %and3A_357, %sub3A_360, %div3A_333 : vector<2048x64xi1>, vector<2048x64xi32>
    %min3A_362 = arith.constant 6 : i32
    %min3A_363 = vector.broadcast %min3A_362 : i32 to vector<2048x64xi32>
    %min3A_364 = arith.minsi %select_n3A_361, %min3A_363 : vector<2048x64xi32>
    %jit3A_365 = arith.constant 7 : i32
    %eq3A_366 = arith.constant 0 : i32
    %eq3A_367 = arith.cmpi eq, %jit3A_365, %eq3A_366 : i32
    %jit3A_368 = arith.constant 1 : i32
    %select_n3A_369 = arith.select %eq3A_367, %jit3A_368, %jit3A_365 : i32
    %rem3A_370 = vector.broadcast %select_n3A_369 : i32 to vector<2048x64xi32>
    %rem3A_371 = arith.remsi %iota3A_330, %rem3A_370 : vector<2048x64xi32>
    %ne3A_372 = arith.constant 0 : i32
    %ne3A_373 = vector.broadcast %ne3A_372 : i32 to vector<2048x64xi32>
    %ne3A_374 = arith.cmpi ne, %rem3A_371, %ne3A_373 : vector<2048x64xi32>
    %lt3A_375 = arith.constant 0 : i32
    %lt3A_376 = vector.broadcast %lt3A_375 : i32 to vector<2048x64xi32>
    %lt3A_377 = arith.cmpi slt, %rem3A_371, %lt3A_376 : vector<2048x64xi32>
    %lt3A_378 = arith.constant 0 : i32
    %lt3A_379 = arith.cmpi slt, %select_n3A_369, %lt3A_378 : i32
    %ne3A_380 = vector.broadcast %lt3A_379 : i1 to vector<2048x64xi1>
    %ne3A_381 = vector.broadcast %ne3A_380 : vector<2048x64xi1> to vector<2048x64xi1>
    %ne3A_382 = arith.xori %lt3A_377, %ne3A_381 : vector<2048x64xi1>
    %and3A_383 = arith.andi %ne3A_382, %ne3A_374 : vector<2048x64xi1>
    %add3A_384 = vector.broadcast %select_n3A_369 : i32 to vector<2048x64xi32>
    %add3A_385 = arith.addi %rem3A_371, %add3A_384 : vector<2048x64xi32>
    %select_n3A_386 = arith.select %and3A_383, %add3A_385, %rem3A_371 : vector<2048x64xi1>, vector<2048x64xi32>
    %round3A_387 = math.roundeven %get3A_4 : vector<2048x1xf32>
    %convert_element_type3A_388 = arith.fptosi %round3A_387 : vector<2048x1xf32> to vector<2048x1xi32>
    %round3A_389 = math.roundeven %get3A_7 : vector<2048x1xf32>
    %convert_element_type3A_390 = arith.fptosi %round3A_389 : vector<2048x1xf32> to vector<2048x1xi32>
    %sub3A_391 = arith.constant 3 : i32
    %sub3A_392 = vector.broadcast %sub3A_391 : i32 to vector<2048x64xi32>
    %sub3A_393 = arith.subi %min3A_364, %sub3A_392 : vector<2048x64xi32>
    %add3A_394 = vector.broadcast %convert_element_type3A_388 : vector<2048x1xi32> to vector<2048x64xi32>
    %add3A_395 = arith.addi %add3A_394, %sub3A_393 : vector<2048x64xi32>
    %add3A_396 = arith.constant 1 : i32
    %add3A_397 = vector.broadcast %add3A_396 : i32 to vector<2048x64xi32>
    %add3A_398 = arith.addi %add3A_395, %add3A_397 : vector<2048x64xi32>
    %jit3A_399 = arith.constant 0 : i32
    %jit3A_400 = arith.constant 225 : i32
    %max3A_401 = vector.broadcast %jit3A_399 : i32 to vector<2048x64xi32>
    %max3A_402 = arith.maxsi %max3A_401, %add3A_398 : vector<2048x64xi32>
    %min3A_403 = vector.broadcast %jit3A_400 : i32 to vector<2048x64xi32>
    %min3A_404 = arith.minsi %min3A_403, %max3A_402 : vector<2048x64xi32>
    %jit3A_405 = arith.constant 225 : i32
    %eq3A_406 = arith.constant 0 : i32
    %eq3A_407 = arith.cmpi eq, %jit3A_405, %eq3A_406 : i32
    %jit3A_408 = arith.constant 1 : i32
    %select_n3A_409 = arith.select %eq3A_407, %jit3A_408, %jit3A_405 : i32
    %rem3A_410 = vector.broadcast %select_n3A_409 : i32 to vector<2048x64xi32>
    %rem3A_411 = arith.remsi %min3A_404, %rem3A_410 : vector<2048x64xi32>
    %ne3A_412 = arith.constant 0 : i32
    %ne3A_413 = vector.broadcast %ne3A_412 : i32 to vector<2048x64xi32>
    %ne3A_414 = arith.cmpi ne, %rem3A_411, %ne3A_413 : vector<2048x64xi32>
    %lt3A_415 = arith.constant 0 : i32
    %lt3A_416 = vector.broadcast %lt3A_415 : i32 to vector<2048x64xi32>
    %lt3A_417 = arith.cmpi slt, %rem3A_411, %lt3A_416 : vector<2048x64xi32>
    %lt3A_418 = arith.constant 0 : i32
    %lt3A_419 = arith.cmpi slt, %select_n3A_409, %lt3A_418 : i32
    %ne3A_420 = vector.broadcast %lt3A_419 : i1 to vector<2048x64xi1>
    %ne3A_421 = vector.broadcast %ne3A_420 : vector<2048x64xi1> to vector<2048x64xi1>
    %ne3A_422 = arith.xori %lt3A_417, %ne3A_421 : vector<2048x64xi1>
    %and3A_423 = arith.andi %ne3A_422, %ne3A_414 : vector<2048x64xi1>
    %add3A_424 = vector.broadcast %select_n3A_409 : i32 to vector<2048x64xi32>
    %add3A_425 = arith.addi %rem3A_411, %add3A_424 : vector<2048x64xi32>
    %select_n3A_426 = arith.select %and3A_423, %add3A_425, %rem3A_411 : vector<2048x64xi1>, vector<2048x64xi32>
    %sub3A_427 = arith.constant 3 : i32
    %sub3A_428 = vector.broadcast %sub3A_427 : i32 to vector<2048x64xi32>
    %sub3A_429 = arith.subi %select_n3A_386, %sub3A_428 : vector<2048x64xi32>
    %add3A_430 = vector.broadcast %convert_element_type3A_390 : vector<2048x1xi32> to vector<2048x64xi32>
    %add3A_431 = arith.addi %add3A_430, %sub3A_429 : vector<2048x64xi32>
    %add3A_432 = arith.constant 1 : i32
    %add3A_433 = vector.broadcast %add3A_432 : i32 to vector<2048x64xi32>
    %add3A_434 = arith.addi %add3A_431, %add3A_433 : vector<2048x64xi32>
    %jit3A_435 = arith.constant 0 : i32
    %jit3A_436 = arith.constant 225 : i32
    %max3A_437 = vector.broadcast %jit3A_435 : i32 to vector<2048x64xi32>
    %max3A_438 = arith.maxsi %max3A_437, %add3A_434 : vector<2048x64xi32>
    %min3A_439 = vector.broadcast %jit3A_436 : i32 to vector<2048x64xi32>
    %min3A_440 = arith.minsi %min3A_439, %max3A_438 : vector<2048x64xi32>
    %jit3A_441 = arith.constant 225 : i32
    %eq3A_442 = arith.constant 0 : i32
    %eq3A_443 = arith.cmpi eq, %jit3A_441, %eq3A_442 : i32
    %jit3A_444 = arith.constant 1 : i32
    %select_n3A_445 = arith.select %eq3A_443, %jit3A_444, %jit3A_441 : i32
    %rem3A_446 = vector.broadcast %select_n3A_445 : i32 to vector<2048x64xi32>
    %rem3A_447 = arith.remsi %min3A_440, %rem3A_446 : vector<2048x64xi32>
    %ne3A_448 = arith.constant 0 : i32
    %ne3A_449 = vector.broadcast %ne3A_448 : i32 to vector<2048x64xi32>
    %ne3A_450 = arith.cmpi ne, %rem3A_447, %ne3A_449 : vector<2048x64xi32>
    %lt3A_451 = arith.constant 0 : i32
    %lt3A_452 = vector.broadcast %lt3A_451 : i32 to vector<2048x64xi32>
    %lt3A_453 = arith.cmpi slt, %rem3A_447, %lt3A_452 : vector<2048x64xi32>
    %lt3A_454 = arith.constant 0 : i32
    %lt3A_455 = arith.cmpi slt, %select_n3A_445, %lt3A_454 : i32
    %ne3A_456 = vector.broadcast %lt3A_455 : i1 to vector<2048x64xi1>
    %ne3A_457 = vector.broadcast %ne3A_456 : vector<2048x64xi1> to vector<2048x64xi1>
    %ne3A_458 = arith.xori %lt3A_453, %ne3A_457 : vector<2048x64xi1>
    %and3A_459 = arith.andi %ne3A_458, %ne3A_450 : vector<2048x64xi1>
    %add3A_460 = vector.broadcast %select_n3A_445 : i32 to vector<2048x64xi32>
    %add3A_461 = arith.addi %rem3A_447, %add3A_460 : vector<2048x64xi32>
    %select_n3A_462 = arith.select %and3A_459, %add3A_461, %rem3A_447 : vector<2048x64xi1>, vector<2048x64xi32>
    %gt3A_463 = arith.constant 0 : i32
    %gt3A_464 = vector.broadcast %gt3A_463 : i32 to vector<2048x64xi32>
    %gt3A_465 = arith.cmpi sgt, %select_n3A_426, %gt3A_464 : vector<2048x64xi32>
    %gt3A_466 = arith.constant 0 : i32
    %gt3A_467 = vector.broadcast %gt3A_466 : i32 to vector<2048x64xi32>
    %gt3A_468 = arith.cmpi sgt, %select_n3A_462, %gt3A_467 : vector<2048x64xi32>
    %and3A_469 = arith.andi %gt3A_465, %gt3A_468 : vector<2048x64xi1>
    %lt3A_470 = arith.constant 49 : i32
    %lt3A_471 = vector.broadcast %lt3A_470 : i32 to vector<2048x64xi32>
    %lt3A_472 = arith.cmpi slt, %iota3A_330, %lt3A_471 : vector<2048x64xi32>
    %and3A_473 = arith.andi %and3A_469, %lt3A_472 : vector<2048x64xi1>
    %sub3A_474 = arith.constant 1 : i32
    %sub3A_475 = vector.broadcast %sub3A_474 : i32 to vector<2048x64xi32>
    %sub3A_476 = arith.subi %select_n3A_426, %sub3A_475 : vector<2048x64xi32>
    %max3A_477 = arith.constant 0 : i32
    %max3A_478 = vector.broadcast %max3A_477 : i32 to vector<2048x64xi32>
    %max3A_479 = arith.maxsi %sub3A_476, %max3A_478 : vector<2048x64xi32>
    %convert_element_type3A_480 = arith.sitofp %max3A_479 : vector<2048x64xi32> to vector<2048x64xf32>
    %sub3A_481 = vector.broadcast %get3A_4 : vector<2048x1xf32> to vector<2048x64xf32>
    %sub3A_482 = arith.subf %convert_element_type3A_480, %sub3A_481 : vector<2048x64xf32>
    %div3A_483 = arith.constant 3.000000e+00 : f32
    %div3A_484 = vector.broadcast %div3A_483 : f32 to vector<2048x64xf32>
    %div3A_485 = arith.divf %sub3A_482, %div3A_484 : vector<2048x64xf32>
    %integer_pow3A = arith.mulf %div3A_485, %div3A_485 : vector<2048x64xf32>
    %mul3A_486 = arith.constant -2.000000e+00 : f32
    %mul3A_487 = vector.broadcast %mul3A_486 : f32 to vector<2048x64xf32>
    %mul3A_488 = arith.mulf %mul3A_487, %integer_pow3A : vector<2048x64xf32>
    %sub3A_489 = arith.constant 1 : i32
    %sub3A_490 = vector.broadcast %sub3A_489 : i32 to vector<2048x64xi32>
    %sub3A_491 = arith.subi %select_n3A_462, %sub3A_490 : vector<2048x64xi32>
    %max3A_492 = arith.constant 0 : i32
    %max3A_493 = vector.broadcast %max3A_492 : i32 to vector<2048x64xi32>
    %max3A_494 = arith.maxsi %sub3A_491, %max3A_493 : vector<2048x64xi32>
    %convert_element_type3A_495 = arith.sitofp %max3A_494 : vector<2048x64xi32> to vector<2048x64xf32>
    %sub3A_496 = vector.broadcast %get3A_7 : vector<2048x1xf32> to vector<2048x64xf32>
    %sub3A_497 = arith.subf %convert_element_type3A_495, %sub3A_496 : vector<2048x64xf32>
    %div3A_498 = arith.constant 3.000000e+00 : f32
    %div3A_499 = vector.broadcast %div3A_498 : f32 to vector<2048x64xf32>
    %div3A_500 = arith.divf %sub3A_497, %div3A_499 : vector<2048x64xf32>
    %integer_pow3A_501 = arith.mulf %div3A_500, %div3A_500 : vector<2048x64xf32>
    %mul3A_502 = arith.constant -2.000000e+00 : f32
    %mul3A_503 = vector.broadcast %mul3A_502 : f32 to vector<2048x64xf32>
    %mul3A_504 = arith.mulf %mul3A_503, %integer_pow3A_501 : vector<2048x64xf32>
    %jit3A_505 = arith.constant 0.000000e+00 : f32
    %jit3A_506 = arith.constant -1.000000e+30 : f32
    %broadcast_in_dim3A_507 = vector.broadcast %jit3A_505 : f32 to vector<2048x64xf32>
    %broadcast_in_dim3A_508 = vector.broadcast %jit3A_506 : f32 to vector<2048x64xf32>
    %select_n3A_509 = arith.select %and3A_473, %broadcast_in_dim3A_507, %broadcast_in_dim3A_508 : vector<2048x64xi1>, vector<2048x64xf32>
    %add3A_510 = arith.addf %mul3A_488, %mul3A_504 : vector<2048x64xf32>
    %exp3A = math.exp %add3A_510 : vector<2048x64xf32>
    %concatenate3A_511 = tpu.concatenate %select_n3A_509, %exp3A in 1 : vector<2048x64xf32>, vector<2048x64xf32> -> vector<2048x128xf32>
    %swap3A_512 = arith.constant 0 : index
    %swap3A_513 = arith.constant 0 : index
    %swap3A_514 = vector.load %arg5[%swap3A_512, %swap3A_513] : memref<2048x128xf32, #tpu.memory_space<vmem>>, vector<2048x128xf32>
    tpu.vector_store %arg5[%swap3A_512, %swap3A_513], %concatenate3A_511 {strides = array<i32>} : memref<2048x128xf32, #tpu.memory_space<vmem>>, vector<2048x128xf32>,
    return
  }
}

</mosaic_0001>

<sc_bundles>
// kernel: kernel.5.cloned.1.call-start
scs
__scs_entry_jumppad:
0x0: {  	(pc) =	sbr.rel $0x88, $3  }
0x1: {  	(tag) =	ssettag $0x0;
	lr =	simm.s32 $0x1  }
0x2: {  	[smem:$0x3F9C] =	sst lr;
	_ =	strace $0xD0000000  }
0x3: {  	_ = 	snop  }
0x4: {  	_ = 	snop  }
0x5: {  	_ = 	snop  }
0x6: {  	_ = 	snop  }
0x7: {  	_ = 	snop  }
__scs_overlays_trampoline_lowered:
0x8: {  	[smem:$0x3FAB] =	sst s0  }
0x9: {  	[smem:$0x3FAC] =	sst s1  }
0xa: {  	[smem:$0x3FAD] =	sst s2  }
0xb: {  	[smem:$0x3FAE] =	sst s3  }
0xc: {  	[smem:$0x3FAF] =	sst s4  }
0xd: {  	[smem:$0x3FB0] =	sst s5  }
0xe: {  	[smem:$0x3FB1] =	sst s6  }
0xf: {  	[smem:$0x3FB2] =	sst s7  }
0x10: {  	[smem:$0x3FB3] =	sst s8  }
0x11: {  	[smem:$0x3FB4] =	sst s9;
	s0 =	simm.s32 @!p0 $0x0  }
0x12: {  	s1 =	sld [smem:$0x3F9A];
	s0 =	simm.s32 @p0 $0x1  }
0x13: {  	[smem:$0x3FB5] =	sst s0;
	s0 =	simm.s32 @!p1 $0x0  }
0x14: {  	s2 =	sld [smem:$0x3F99];
	s0 =	simm.s32 @p1 $0x1  }
0x15: {  	[smem:$0x3FB6] =	sst s0;
	s0 =	simm.s32 @!p2 $0x0  }
0x16: {  	s3 =	sld [smem:$0x3FDB];
	s0 =	simm.s32 @p2 $0x1  }
0x17: {  	s4 =	simm.s32 $0x1BF5;
	[smem:$0x3FB8] =	sst s0  }
0x18: {  	s0 =	sld [smem:$0x3F9B];
	_ =	swait.ge [sflag:s4], $0x0  }
0x19: {  	s7 =	sld [smem:$0x3F9C]  }
0x1a: {  	s8 =	sadd.s32 $0xFFFFE003, lr  }
0x1b: {  	s9 =	sadd.s32 $0xFFFFFEF7, lr;
	s5 =	simm.s32 $0xFFFFFFFF;
	p2 =	slt.u32 s8, $0xFFFFF086  }
0x1c: {  	p1 =	slt.u32 s9, $0xF7A;
	s5 =	simm.s32 @!p2 $0x0  }
0x1d: {  	s5 =	simm.s32 @p1 $0x1;
	p0 =	seq.s32 s7, s2  }
0x1e: {  	s7 =	smul.u32 @!p0 $0xF7A, s2;
	p2 =	seq.s32 @!p0 s5, $0x0  }
0x1f: {  	s9 =	smul.u32 $0xF7A, s1;
	s8 =	simm.s32 @!p0 $0x1BF5;
	p2 =	por !p2, p0  }
0x20: {  	[sflag:s8] =	ssyncset.s32 @!p0 $0xFFFFF086;
	s6 =	sadd.s32 @!p0 s3, s7;
	s7 =	simm.s32 @!p0 $0x108  }
0x21: {  	s3 =	sadd.s32 s3, s9;
	s6 =	sadd.s32 @!p0 $0x88, s6;
	s7 =	simm.s32 @p2 $0x1082  }
0x22: {  	[simem:s7], [sflag:s8] =	dma.local @!p0 [hbm:s6], $0xF7A  }
0x23: {  	s9 =	sor.u32 $0xD0000000, s2;
	s6 =	simm.s32 $0x108;
	_ =	swait.ge @!p0 [sflag:s8], $0x0  }
0x24: {  	s3 =	sadd.s32 $0x88, s3;
	s6 =	simm.s32 @!p1 $0x1082;
	[sflag:s4] =	ssyncset.s32 $0xFFFFF086  }
0x25: {  	[simem:s6], [sflag:s4] =	dma.local [hbm:s3], $0xF7A  }
0x26: {  	[smem:$0x3F9C] =	sst s1;
	(tag) =	ssettag s2;
	_ =	strace s9  }
0x27: {  	s1 =	sld [smem:$0x3FAC]  }
0x28: {  	s2 =	sld [smem:$0x3FAD]  }
0x29: {  	s4 =	sld [smem:$0x3FAF]  }
0x2a: {  	p0 =	seq.s32 s5, $0x0;
	s5 =	sld [smem:$0x3FB0]  }
0x2b: {  	s6 =	sld [smem:$0x3FB1]  }
0x2c: {  	s7 =	sld [smem:$0x3FB2]  }
0x2d: {  	s3 =	simm.s32 $0x108;
	s8 =	sld [smem:$0x3FB3]  }
0x2e: {  	s3 =	simm.s32 @!p0 $0x1082;
	s9 =	sld [smem:$0x3FB4]  }
0x2f: {  	lr =	sadd.s32 s0, s3;
	s0 =	sld [smem:$0x3FAB]  }
0x30: {  	s3 =	sld [smem:$0x3FAE]  }
0x31: {  	[smem:$0x3FB7] =	sst s10  }
0x32: {  	s10 =	sld [smem:$0x3FB5];
	_ =	sdelay $0x3  }
0x33: {  	p0 =	seq.s32 s10, $0x1;
	s10 =	sld [smem:$0x3FB7];
	_ =	sdelay $0x3  }
0x34: {  	[smem:$0x3FB7] =	sst s10  }
0x35: {  	s10 =	sld [smem:$0x3FB6];
	_ =	sdelay $0x3  }
0x36: {  	p1 =	seq.s32 s10, $0x1;
	s10 =	sld [smem:$0x3FB7];
	_ =	sdelay $0x3  }
0x37: {  	[smem:$0x3FB7] =	sst s10  }
0x38: {  	s10 =	sld [smem:$0x3FB8]  }
0x39: {  	_ = 	snop;
	(pc) =	sbr.ind lr, $3  }
0x3a: {  	_ = 	snop  }
0x3b: {  	_ = 	snop  }
0x3c: {  	p2 =	seq.s32 s10, $0x1;
	s10 =	sld [smem:$0x3FB7]  }
0x3d: {  	_ =	shalt  }
0x3e: {  	_ =	shalt  }
0x3f: {  	_ =	shalt  }
0x40: {  	_ =	shalt  }
0x41: {  	_ =	shalt  }
0x42: {  	_ =	shalt  }
0x43: {  	_ =	shalt  }
0x44: {  	_ =	shalt  }
0x45: {  	_ =	shalt  }
0x46: {  	_ =	shalt  }
0x47: {  	_ =	shalt  }
0x48: {  	_ =	shalt  }
0x49: {  	_ =	shalt  }
0x4a: {  	_ =	shalt  }
0x4b: {  	_ =	shalt  }
0x4c: {  	_ =	shalt  }
0x4d: {  	_ =	shalt  }
0x4e: {  	_ =	shalt  }
0x4f: {  	_ =	shalt  }
0x50: {  	_ =	shalt  }
0x51: {  	_ =	shalt  }
0x52: {  	_ =	shalt  }
0x53: {  	_ =	shalt  }
0x54: {  	_ =	shalt  }
0x55: {  	_ =	shalt  }
0x56: {  	_ =	shalt  }
0x57: {  	_ =	shalt  }
0x58: {  	_ =	shalt  }
0x59: {  	_ =	shalt  }
0x5a: {  	_ =	shalt  }
0x5b: {  	_ =	shalt  }
0x5c: {  	_ =	shalt  }
0x5d: {  	_ =	shalt  }
0x5e: {  	_ =	shalt  }
0x5f: {  	_ =	shalt  }
0x60: {  	_ =	shalt  }
0x61: {  	_ =	shalt  }
0x62: {  	_ =	shalt  }
0x63: {  	_ =	shalt  }
0x64: {  	_ =	shalt  }
0x65: {  	_ =	shalt  }
0x66: {  	_ =	shalt  }
0x67: {  	_ =	shalt  }
0x68: {  	_ =	shalt  }
0x69: {  	_ =	shalt  }
0x6a: {  	_ =	shalt  }
0x6b: {  	_ =	shalt  }
0x6c: {  	_ =	shalt  }
0x6d: {  	_ =	shalt  }
0x6e: {  	_ =	shalt  }
0x6f: {  	_ =	shalt  }
0x70: {  	_ =	shalt  }
0x71: {  	_ =	shalt  }
0x72: {  	_ =	shalt  }
0x73: {  	_ =	shalt  }
0x74: {  	_ =	shalt  }
0x75: {  	_ =	shalt  }
0x76: {  	_ =	shalt  }
0x77: {  	_ =	shalt  }
0x78: {  	_ =	shalt  }
0x79: {  	_ =	shalt  }
0x7a: {  	_ =	shalt  }
0x7b: {  	_ =	shalt  }
0x7c: {  	_ =	shalt  }
0x7d: {  	_ =	shalt  }
0x7e: {  	_ =	shalt  }
0x7f: {  	_ =	shalt  }
0x80: {  	_ =	shalt  }
0x81: {  	_ =	shalt  }
0x82: {  	_ =	shalt  }
0x83: {  	_ =	shalt  }
0x84: {  	_ =	shalt  }
0x85: {  	_ =	shalt  }
0x86: {  	_ =	shalt  }
0x87: {  	_ =	shalt  }
.Lfunc_end0:
.L_simem_size_0:
called_computation_lowered:
.L_overlay_start_0:
0x88: {  	s2 =	sld [smem:$0x3FD9]  }
0x89: {  	s3 =	sld [smem:$0x3FFE];
	_ =	sdelay $0x1  }
0x8a: {  	s1 =	srdreg.scid  }
0x8b: {  	s0 =	sand.u32 $0x1, s1  }
0x8c: {  	s17 =	sshll.u32 s0, $0xA;
	s2 =	sadd.s32 s3, s2  }
0x8d: {  	s2 =	sadd.s32 s2, s17  }
0x8e: {  	[smem:$0x3FC3] =	sst s2  }
0x8f: {  	_ = 	snop  }
0x90: {  	s2 =	sld [smem:$0x3FD0];
	(tm) =	ssettm $0x1  }
0x91: {  	s18 =	sld [smem:$0x3FFB];
	_ =	sdelay $0x3  }
0x92: {  	_ =	strace s18  }
0x93: {  	s3 =	sld [smem:$0x3FFC];
	_ =	sdelay $0x3  }
0x94: {  	_ =	strace s3  }
0x95: {  	s3 =	sld [smem:$0x3FFD];
	_ =	sdelay $0x3  }
0x96: {  	_ =	strace s3  }
0x97: {  	_ =	strace $0x8FFFFFFF  }
0x98: {  	s19 =	sld [smem:$0x3FDB];
	_ =	sdelay $0x1  }
0x99: {  	s4 =	simm.s32 $_scs_section_size  }
0x9a: {  	s5 =	simm.s32 $_size__tile_overlayer_lowered;
	s6 =	simm.s32 $_tile_overlayer_lowered  }
0x9b: {  	s22 =	simm.s32 $0x1BFF;
	s21 =	sshll.u32 s6, $0x1;
	s3 =	sadd.s32 s4, s19  }
0x9c: {  	s7 =	simm.s32 $0x0;
	s20 =	sshll.u32 s5, $0x1;
	s5 =	sadd.s32 s21, s3  }
0x9d: {  	[timem:s7], [sflag:s22] =	dma.local [hbm:s5], s20  }
0x9e: {  	_ =	swait.ge [sflag:s22], s20  }
0x9f: {  	s4 =	ssub.s32 $0x0, s20;
	[sflag:s22] =	ssyncset.done $0x0  }
0xa0: {  	[sflag:s22] =	ssyncadd.s32 s4;
	_ =	sdelay $0x1  }
0xa1: {  	s23 =	simm.s32 $0x1B8B  }
0xa2: {  	_ =	swait.ge [sflag:s23], $0x1  }
0xa3: {  	[sflag:s23] =	ssyncset.done $0x0  }
0xa4: {  	s25 =	simm.s32 $0x1B8E;
	s24 =	sld [smem:$0x3FFE];
	[sflag:s23] =	ssyncadd.s32 $0xFFFFFFFF  }
0xa5: {  	s26 =	simm.s32 $execute0_lowered;
	[smem:$0x3FD2] =	sst s25  }
0xa6: {  	s5 =	sshll.u32 s26, $0x1;
	_ =	strace $0x80000046;
	[dreg:$0x1] =	wrdreg $0xFFFFFFFF  }
0xa7: {  	s28 =	simm.s32 $_size_execute0_lowered;
	s3 =	sadd.s32 s3, s5;
	[dreg:$0x0] =	wrdreg $0x0  }
0xa8: {  	s5 =	sshll.u32 s28, $0x1;
	[dreg:$0x2] =	wrdreg s3  }
0xa9: {  	[dreg:$0x3] =	wrdreg s5  }
0xaa: {  	[dreg:$0x4] =	wrdreg $0xC0  }
0xab: {  	_ =	task [dreg:s7], $0x5FFFF  }
0xac: {  	[dreg:$0x1] =	wrdreg $0xFFFFFFFF  }
0xad: {  	[dreg:$0x0] =	wrdreg $0x60  }
0xae: {  	[dreg:$0x2] =	wrdreg s24  }
0xaf: {  	[dreg:$0x3] =	wrdreg s2  }
0xb0: {  	[dreg:$0x4] =	wrdreg $0x9  }
0xb1: {  	_ =	task.clear_ibuf [dreg:s7], $0x5FFFF;
	_ =	strace $0x90000046  }
0xb2: {  	s29 =	simm.s32 $0x9;
	_ =	strace $0x80000048  }
0xb3: {  	_ =	swait.ge [sflag:s29], $0x1  }
0xb4: {  	[sflag:s29] =	ssyncadd.s32 $0xFFFFFFFF  }
0xb5: {  	_ =	strace $0x90000048  }
0xb6: {  	_ =	sfence  }
0xb7: {  	s30 =	sld [smem:$0x0];
	_ =	sdelay $0x2  }
0xb8: {  	s31 =	sshll.u32 s1, $0xD;
	s1 =	sshrl.u32 s1, $0x2  }
0xb9: {  	s3 =	sand.u32 $0x4000, s31;
	s1 =	sadd.s32 s1, s30  }
0xba: {  	s0 =	sor.u32 s3, s0;
	s1 =	sshll.u32 s1, $0x11  }
0xbb: {  	s0 =	sor.u32 s1, s0  }
0xbc: {  	s0 =	sadd.s32 $0x8F2B, s0  }
0xbd: {  	[sflag:s0] =	ssyncadd.remote.s32 $0x1  }
0xbe: {  	_ =	sfence.sel $0xFFFF  }
0xbf: {  	[dreg:$0x0] =	wrdreg $0xFFFFFFFF;
	(pc) =	sbr.abs _section_cstart, $3  }
0xc0: {  	[dreg:$0x1] =	wrdreg $0xFFFFFFFF  }
0xc1: {  	_ =	task.clear_ibuf [dreg:s7], $0x2FFFF;
	_ =	strace $0x9FFFFFFF  }
0xc2: {  	(tm) =	ssettm $0x7FFFFFFF  }
0xc3: {  	_ =	shalt  }
tec
execute0_lowered:
.L_overlay_start_1:
0x0: {  	(tag) =	ssettag $0x1  }
0x1: {  	v0 =	vlaneseq.u32  }
0x2: {  	v0 =	vmul.u32 $0x10, v0;
	_ =	sdelay $0x1  }
0x3: {  	v1 =	vor.u32 $0x1, v0  }
0x4: {  	v16 =	vor.u32 $0x2, v0;
	[tilespmem:$0x1FCD0] =	vst v1  }
0x5: {  	v17 =	vor.u32 $0x3, v0;
	[tilespmem:$0x1FCE0] =	vst v16  }
0x6: {  	v18 =	vor.u32 $0x4, v0;
	[tilespmem:$0x1FCF0] =	vst v17  }
0x7: {  	v19 =	vor.u32 $0x5, v0;
	[tilespmem:$0x1FD00] =	vst v18  }
0x8: {  	v20 =	vor.u32 $0x6, v0;
	[tilespmem:$0x1FD10] =	vst v19  }
0x9: {  	v21 =	vor.u32 $0x7, v0;
	[tilespmem:$0x1FD20] =	vst v20  }
0xa: {  	v22 =	vor.u32 $0x8, v0;
	[tilespmem:$0x1FD30] =	vst v21  }
0xb: {  	v23 =	vor.u32 $0x9, v0;
	[tilespmem:$0x1FD40] =	vst v22  }
0xc: {  	v24 =	vor.u32 $0xA, v0;
	[tilespmem:$0x1FD50] =	vst v23  }
0xd: {  	v25 =	vor.u32 $0xB, v0;
	[tilespmem:$0x1FD60] =	vst v24  }
0xe: {  	v26 =	vor.u32 $0xC, v0;
	[tilespmem:$0x1FD70] =	vst v25  }
0xf: {  	v27 =	vor.u32 $0xD, v0;
	[tilespmem:$0x1FD80] =	vst v26  }
0x10: {  	v28 =	vor.u32 $0xE, v0;
	[tilespmem:$0x1FD90] =	vst v27  }
0x11: {  	v29 =	vor.u32 $0xF, v0;
	[tilespmem:$0x1FDA0] =	vst v28  }
0x12: {  	v30 =	vor.u32 $0x100, v0;
	[tilespmem:$0x1FDB0] =	vst v29  }
0x13: {  	v31 =	vor.u32 $0x101, v0;
	[tilespmem:$0x1FDC0] =	vst v30  }
0x14: {  	v32 =	vor.u32 $0x102, v0;
	[tilespmem:$0x1FDD0] =	vst v31  }
0x15: {  	v33 =	vor.u32 $0x103, v0;
	[tilespmem:$0x1FDE0] =	vst v32  }
0x16: {  	v34 =	vor.u32 $0x104, v0;
	[tilespmem:$0x1FDF0] =	vst v33  }
0x17: {  	v35 =	vor.u32 $0x105, v0;
	[tilespmem:$0x1FE00] =	vst v34  }
0x18: {  	s5 =	rddreg [dreg:$0x0];
	v36 =	vor.u32 $0x106, v0;
	[tilespmem:$0x1FE10] =	vst v35  }
0x19: {  	s7 =	rddreg [dreg:$0x1];
	s2 =	simm.s32 $0x0;
	v37 =	vor.u32 $0x107, v0;
	[tilespmem:$0x1FE20] =	vst v36  }
0x1a: {  	s1 =	srdreg.scid;
	[smem:$0x7FF] =	sst s2;
	v38 =	vor.u32 $0x108, v0;
	[tilespmem:$0x1FE30] =	vst v37  }
0x1b: {  	s3 =	sand.u32 $0x1, s1;
	s1 =	rddreg [dreg:$0x2];
	v39 =	vor.u32 $0x109, v0;
	_ =	strace $0x80000047;
	[tilespmem:$0x1FE40] =	vst v38  }
0x1c: {  	v40 =	vor.u32 $0x10A, v0;
	[tilespmem:$0x1FE50] =	vst v39  }
0x1d: {  	v41 =	vor.u32 $0x10B, v0;
	[tilespmem:$0x1FE60] =	vst v40  }
0x1e: {  	v42 =	vor.u32 $0x10C, v0;
	[tilespmem:$0x1FE70] =	vst v41  }
0x1f: {  	v43 =	vor.u32 $0x10D, v0;
	[tilespmem:$0x1FE80] =	vst v42  }
0x20: {  	v44 =	vor.u32 $0x10E, v0;
	[tilespmem:$0x1FE90] =	vst v43  }
0x21: {  	v45 =	vor.u32 $0x10F, v0;
	[tilespmem:$0x1FEA0] =	vst v44  }
0x22: {  	v46 =	vor.u32 $0x200, v0;
	[tilespmem:$0x1FEB0] =	vst v45  }
0x23: {  	v47 =	vor.u32 $0x201, v0;
	[tilespmem:$0x1FEC0] =	vst v46  }
0x24: {  	v48 =	vor.u32 $0x202, v0;
	[tilespmem:$0x1FED0] =	vst v47  }
0x25: {  	v49 =	vor.u32 $0x203, v0;
	[tilespmem:$0x1FEE0] =	vst v48  }
0x26: {  	v50 =	vor.u32 $0x204, v0;
	[tilespmem:$0x1FEF0] =	vst v49  }
0x27: {  	v51 =	vor.u32 $0x205, v0;
	[tilespmem:$0x1FF00] =	vst v50  }
0x28: {  	v52 =	vor.u32 $0x206, v0;
	[tilespmem:$0x1FF10] =	vst v51  }
0x29: {  	v53 =	vor.u32 $0x207, v0;
	[tilespmem:$0x1FF20] =	vst v52  }
0x2a: {  	v54 =	vor.u32 $0x208, v0;
	[tilespmem:$0x1FF30] =	vst v53  }
0x2b: {  	v55 =	vor.u32 $0x209, v0;
	[tilespmem:$0x1FF40] =	vst v54  }
0x2c: {  	s0 =	stileid.u32;
	v56 =	vor.u32 $0x20A, v0;
	[tilespmem:$0x1FF50] =	vst v55  }
0x2d: {  	s12 =	simm.s32 $0x68;
	s13 =	simm.s32 $0xB000;
	s14 =	simm.s32 $0x80;
	v57 =	vor.u32 $0x20B, v0;
	[tilespmem:$0x1FF60] =	vst v56  }
0x2e: {  	s15 =	simm.s32 $0xE400;
	s16 =	simm.s32 $0x1;
	s17 =	simm.s32 $0x11800;
	v58 =	vor.u32 $0x20C, v0;
	[tilespmem:$0x1FF70] =	vst v57  }
0x2f: {  	s18 =	simm.s32 $0x11C00;
	s19 =	simm.s32 $0x2;
	s4 =	sshll.u32 s0, $0x1;
	v59 =	vor.u32 $0x20D, v0;
	[tilespmem:$0x1FF80] =	vst v58  }
0x30: {  	s20 =	simm.s32 $0x8000;
	s21 =	simm.s32 $0x0;
	s6 =	sor.u32 s3, s4;
	v60 =	vor.u32 $0x20E, v0;
	[tilespmem:$0x1FF90] =	vst v59  }
0x31: {  	s9 =	ssub.s32 $0x2, s3;
	s4 =	sshll.u32 s6, $0xA;
	s11 =	smul.u32 $0x600, s6;
	v61 =	vor.u32 $0x20F, v0;
	[tilespmem:$0x1FFA0] =	vst v60  }
.Ltmp0:
0x32: {  	s8 =	sshll.u32 s6, $0xB;
	s10 =	sshrl.u32 s9, $0x1;
	v62 =	vor.u32 $0x300, v0;
	[tilespmem:$0x1FFB0] =	vst v61;
	(pc) =	sbr.rel .LBB2_1-.Ltmp0, $4  }
0x33: {  	v63 =	vor.u32 $0x301, v0;
	s4 =	sadd.s32 s4, s5;
	s8 =	sadd.s32 s8, s5;
	s5 =	sadd.s32 $0x1600, s5;
	[tilespmem:$0x1FFC0] =	vst v62  }
0x34: {  	s9 =	ssub.s32 s9, s10;
	s10 =	simm.s32 $0x2000;
	s3 =	sadd.s32 $0x321600, s4;
	[tilespmem:$0x1FFD0] =	vst v63  }
0x35: {  	s4 =	sadd.s32 $0x329600, s4;
	s6 =	sadd.s32 $0x311600, s8;
	s7 =	sadd.s32 s7, s11;
	[tilespmem:$0x1FFE0] =	vst v0;
	v0 =	vor.u32 $0x302, v0  }
0x36: {  	s8 =	smax.u32 s9, $0x1;
	s9 =	simm.s32 $0x3;
	s11 =	simm.s32 $0x4000;
	[tilespmem:$0x1FFF0] =	vst v0  }
.LBB2_12:
0x37: {  	s21 =	sadd.s32 $0x1, s21  }
0x38: {  	p0 =	sne.s32 s21, s8  }
.Ltmp1:
0x39: {  	_ = 	snop;
	(pc) =	sbr.rel @!p0 .LBB2_13-.Ltmp1, $4  }
0x3a: {  	[hbm4b:s7+s2] =	stream.linear.scatter [tilespmem:s20], [sflag:$0x3], $0x3000, $0x38;
	[tilespmem:$0x11C40] =	vst v63  }
0x3b: {  	_ =	swait.ge [sflag:s9], $0x3000  }
0x3c: {  	[sflag:s9] =	ssyncset.done $0x0  }
0x3d: {  	[sflag:s9] =	ssyncadd.s32 $0xFFFFD000  }
.LBB2_1:
0x3e: {  	[tilespmem:s2], [sflag:$0x3] =	stream.linear.gather [hbm4b:s3+s2], $0x2000, $0x38;
	[tilespmem:$0x11C40] =	vst v63  }
0x3f: {  	_ =	swait.ge [sflag:s9], $0x2000  }
0x40: {  	[sflag:s9] =	ssyncset.done $0x0  }
0x41: {  	[sflag:s9] =	ssyncadd.s32 $0xFFFFE000  }
0x42: {  	[tilespmem:s10], [sflag:$0x3] =	stream.linear.gather [hbm4b:s4+s2], $0x2000, $0x38;
	[tilespmem:$0x11C40] =	vst v63  }
0x43: {  	_ =	swait.ge [sflag:s9], $0x2000  }
0x44: {  	[sflag:s9] =	ssyncset.done $0x0  }
0x45: {  	[sflag:s9] =	ssyncadd.s32 $0xFFFFE000  }
0x46: {  	[tilespmem:s11], [sflag:$0x3] =	stream.linear.gather [hbm4b:s6+s2], $0x4000, $0x38;
	[tilespmem:$0x11C40] =	vst v63  }
0x47: {  	_ =	swait.ge [sflag:s9], $0x4000  }
0x48: {  	[sflag:s9] =	ssyncset.done $0x0  }
0x49: {  	v0 =	vimm.f32 $0.0e+00;
	[sflag:s9] =	ssyncadd.s32 $0xFFFFC000  }
0x4a: {  	[tilespmem:$0x11B10] =	vst v0  }
0x4b: {  	[tilespmem:$0x11B20] =	vst v0  }
0x4c: {  	[tilespmem:$0x11B30] =	vst v0  }
0x4d: {  	[tilespmem:$0x11B40] =	vst v0  }
0x4e: {  	[tilespmem:$0x11B50] =	vst v0  }
0x4f: {  	[tilespmem:$0x11B60] =	vst v0  }
0x50: {  	[tilespmem:$0x11B70] =	vst v0  }
0x51: {  	[tilespmem:$0x11B80] =	vst v0  }
0x52: {  	[tilespmem:$0x11B90] =	vst v0  }
0x53: {  	[tilespmem:$0x11BA0] =	vst v0  }
0x54: {  	[tilespmem:$0x11BB0] =	vst v0  }
0x55: {  	[tilespmem:$0x11BC0] =	vst v0  }
0x56: {  	[tilespmem:$0x11BD0] =	vst v0  }
0x57: {  	[tilespmem:$0x11BE0] =	vst v0  }
0x58: {  	[tilespmem:$0x11BF0] =	vst v0  }
0x59: {  	[tilespmem:s13], [sflag:$0x1] =	stream.indirect.gather [hbm4b:s5+s12], $0x80, s2, s12, $0xb8;
	[tilespmem:$0x11C40] =	vst v63  }
0x5a: {  	s22 =	simm.s32 $0x0  }
0x5b: {  	[tilespmem:s15], [sflag:$0x2] =	stream.indirect.gather [hbm4b:s5+s12], $0x80, s14, s12, $0xb8;
	[tilespmem:$0x11C40] =	vst v63  }
.LBB2_2:
0x5c: {  	_ =	swait.ge [sflag:s16], $0x3400  }
0x5d: {  	s23 =	sshll.u32 s22, $0x9;
	[sflag:s16] =	ssyncset.done $0x0  }
0x5e: {  	s24 =	sand.u32 $0x3FFFFE00, s23;
	[sflag:s16] =	ssyncadd.s32 $0xFFFFCC00  }
0x5f: {  	v1 =	vld [tilespmem:s24+$0x4000]  }
0x60: {  	s23 =	simm.s32 $0xB360;
	v2 =	vld [tilespmem:s24+$0x4010]  }
0x61: {  	v6 =	vld [tilespmem:s23+$0xFFFFFCA0]  }
0x62: {  	v7 =	vld [tilespmem:s23+$0xFFFFFCB0]  }
0x63: {  	v3 =	vld [tilespmem:s24+$0x4020]  }
0x64: {  	v8 =	vld [tilespmem:s23+$0xFFFFFCC0]  }
0x65: {  	v4 =	vld [tilespmem:s24+$0x4030]  }
0x66: {  	v9 =	vld [tilespmem:s23+$0xFFFFFCD0]  }
0x67: {  	v5 =	vld [tilespmem:s24+$0x4040];
	v10 =	vmul.f32 v6, v1;
	v7 =	vmul.f32 v7, v2  }
0x68: {  	v11 =	vld [tilespmem:s23+$0xFFFFFCE0]  }
0x69: {  	v12 =	vld [tilespmem:s23+$0xFFFFFCF0];
	v8 =	vmul.f32 v8, v3;
	v10 =	vadd.f32 v7, v10  }
0x6a: {  	v6 =	vld [tilespmem:s24+$0x4050]  }
0x6b: {  	v13 =	vld [tilespmem:s23+$0xFFFFFD00];
	v9 =	vmul.f32 v9, v4;
	v10 =	vadd.f32 v8, v10  }
0x6c: {  	v7 =	vld [tilespmem:s24+$0x4060]  }
0x6d: {  	v14 =	vld [tilespmem:s23+$0xFFFFFD10];
	v11 =	vmul.f32 v11, v5;
	v10 =	vadd.f32 v9, v10  }
0x6e: {  	v8 =	vld [tilespmem:s24+$0x4070]  }
0x6f: {  	v15 =	vld [tilespmem:s23+$0xFFFFFD20];
	v12 =	vmul.f32 v12, v6;
	v11 =	vadd.f32 v11, v10  }
0x70: {  	v9 =	vld [tilespmem:s24+$0x4080]  }
0x71: {  	v16 =	vld [tilespmem:s23+$0xFFFFFD30];
	v13 =	vmul.f32 v13, v7;
	v12 =	vadd.f32 v12, v11  }
0x72: {  	v10 =	vld [tilespmem:s24+$0x4090]  }
0x73: {  	v17 =	vld [tilespmem:s23+$0xFFFFFD40];
	v14 =	vmul.f32 v14, v8;
	v13 =	vadd.f32 v13, v12  }
0x74: {  	v11 =	vld [tilespmem:s24+$0x40A0]  }
0x75: {  	v12 =	vld [tilespmem:s24+$0x40B0];
	v13 =	vadd.f32 v14, v13;
	v14 =	vmul.f32 v15, v9  }
0x76: {  	v15 =	vld [tilespmem:s23+$0xFFFFFD50]  }
0x77: {  	v13 =	vadd.f32 v14, v13;
	v14 =	vmul.f32 v16, v10;
	_ =	sdelay $0x1  }
0x78: {  	v13 =	vadd.f32 v14, v13;
	v14 =	vmul.f32 v17, v11;
	_ =	sdelay $0x1  }
0x79: {  	v13 =	vadd.f32 v14, v13;
	v14 =	vmul.f32 v15, v12;
	_ =	sdelay $0x1  }
0x7a: {  	v13 =	vadd.f32 v14, v13  }
0x7b: {  	s24 =	simm.s32 $0x60  }
0x7c: {  	[tilespmem:s24+$0x117A0] =	vst v13  }
0x7d: {  	v13 =	vld [tilespmem:s23+$0xFFFFFDA0]  }
0x7e: {  	v14 =	vld [tilespmem:s23+$0xFFFFFDB0];
	_ =	sdelay $0x1  }
0x7f: {  	v15 =	vld [tilespmem:s23+$0xFFFFFDC0];
	_ =	sdelay $0x1  }
0x80: {  	v16 =	vld [tilespmem:s23+$0xFFFFFDD0]  }
0x81: {  	v13 =	vmul.f32 v13, v1;
	v14 =	vmul.f32 v14, v2  }
0x82: {  	v17 =	vld [tilespmem:s23+$0xFFFFFDE0]  }
0x83: {  	v13 =	vadd.f32 v14, v13;
	v14 =	vmul.f32 v15, v3  }
0x84: {  	v15 =	vld [tilespmem:s23+$0xFFFFFDF0]  }
0x85: {  	v13 =	vadd.f32 v14, v13;
	v14 =	vmul.f32 v16, v4  }
0x86: {  	v16 =	vld [tilespmem:s23+$0xFFFFFE00]  }
0x87: {  	v13 =	vadd.f32 v14, v13;
	v14 =	vmul.f32 v17, v5  }
0x88: {  	v17 =	vld [tilespmem:s23+$0xFFFFFE10]  }
0x89: {  	v13 =	vadd.f32 v14, v13;
	v14 =	vmul.f32 v15, v6  }
0x8a: {  	v15 =	vld [tilespmem:s23+$0xFFFFFE20]  }
0x8b: {  	v13 =	vadd.f32 v14, v13;
	v14 =	vmul.f32 v16, v7  }
0x8c: {  	v16 =	vld [tilespmem:s23+$0xFFFFFE30]  }
0x8d: {  	v13 =	vadd.f32 v14, v13;
	v14 =	vmul.f32 v17, v8  }
0x8e: {  	v17 =	vld [tilespmem:s23+$0xFFFFFE40]  }
0x8f: {  	v13 =	vadd.f32 v14, v13;
	v14 =	vmul.f32 v15, v9  }
0x90: {  	v15 =	vld [tilespmem:s23+$0xFFFFFE50]  }
0x91: {  	v13 =	vadd.f32 v14, v13;
	v14 =	vmul.f32 v16, v10;
	_ =	sdelay $0x1  }
0x92: {  	v13 =	vadd.f32 v14, v13;
	v14 =	vmul.f32 v17, v11;
	_ =	sdelay $0x1  }
0x93: {  	v13 =	vadd.f32 v14, v13;
	v14 =	vmul.f32 v15, v12;
	_ =	sdelay $0x1  }
0x94: {  	v13 =	vadd.f32 v14, v13;
	_ =	sdelay $0x1  }
0x95: {  	[tilespmem:s24+$0x117B0] =	vst v13  }
0x96: {  	v13 =	vld [tilespmem:s23+$0xFFFFFEA0]  }
0x97: {  	v14 =	vld [tilespmem:s23+$0xFFFFFEB0];
	_ =	sdelay $0x1  }
0x98: {  	v15 =	vld [tilespmem:s23+$0xFFFFFEC0];
	_ =	sdelay $0x1  }
0x99: {  	v16 =	vld [tilespmem:s23+$0xFFFFFED0]  }
0x9a: {  	v13 =	vmul.f32 v13, v1;
	v14 =	vmul.f32 v14, v2  }
0x9b: {  	v17 =	vld [tilespmem:s23+$0xFFFFFEE0]  }
0x9c: {  	v13 =	vadd.f32 v14, v13;
	v14 =	vmul.f32 v15, v3  }
0x9d: {  	v15 =	vld [tilespmem:s23+$0xFFFFFEF0]  }
0x9e: {  	v13 =	vadd.f32 v14, v13;
	v14 =	vmul.f32 v16, v4  }
0x9f: {  	v16 =	vld [tilespmem:s23+$0xFFFFFF00]  }
0xa0: {  	v13 =	vadd.f32 v14, v13;
	v14 =	vmul.f32 v17, v5  }
0xa1: {  	v17 =	vld [tilespmem:s23+$0xFFFFFF10]  }
0xa2: {  	v13 =	vadd.f32 v14, v13;
	v14 =	vmul.f32 v15, v6  }
0xa3: {  	v15 =	vld [tilespmem:s23+$0xFFFFFF20]  }
0xa4: {  	v13 =	vadd.f32 v14, v13;
	v14 =	vmul.f32 v16, v7  }
0xa5: {  	v16 =	vld [tilespmem:s23+$0xFFFFFF30]  }
0xa6: {  	v13 =	vadd.f32 v14, v13;
	v14 =	vmul.f32 v17, v8  }
0xa7: {  	v17 =	vld [tilespmem:s23+$0xFFFFFF40]  }
0xa8: {  	v13 =	vadd.f32 v14, v13;
	v14 =	vmul.f32 v15, v9  }
0xa9: {  	v15 =	vld [tilespmem:s23+$0xFFFFFF50]  }
0xaa: {  	v13 =	vadd.f32 v14, v13;
	v14 =	vmul.f32 v16, v10;
	_ =	sdelay $0x1  }
0xab: {  	v13 =	vadd.f32 v14, v13;
	v14 =	vmul.f32 v17, v11;
	_ =	sdelay $0x1  }
0xac: {  	v13 =	vadd.f32 v14, v13;
	v14 =	vmul.f32 v15, v12;
	_ =	sdelay $0x1  }
0xad: {  	v13 =	vadd.f32 v14, v13;
	_ =	sdelay $0x1  }
0xae: {  	[tilespmem:s24+$0x117C0] =	vst v13  }
0xaf: {  	v13 =	vld [tilespmem:s23+$0xFFFFFFA0]  }
0xb0: {  	v14 =	vld [tilespmem:s23+$0xFFFFFFB0];
	_ =	sdelay $0x1  }
0xb1: {  	v15 =	vld [tilespmem:s23+$0xFFFFFFC0];
	_ =	sdelay $0x1  }
0xb2: {  	v16 =	vld [tilespmem:s23+$0xFFFFFFD0]  }
0xb3: {  	v13 =	vmul.f32 v13, v1;
	v14 =	vmul.f32 v14, v2  }
0xb4: {  	v17 =	vld [tilespmem:s23+$0xFFFFFFE0]  }
0xb5: {  	v13 =	vadd.f32 v14, v13;
	v14 =	vmul.f32 v15, v3  }
0xb6: {  	v15 =	vld [tilespmem:s23+$0xFFFFFFF0]  }
0xb7: {  	v13 =	vadd.f32 v14, v13;
	v14 =	vmul.f32 v16, v4  }
0xb8: {  	v16 =	vld [tilespmem:s23+$0x0]  }
0xb9: {  	v13 =	vadd.f32 v14, v13;
	v14 =	vmul.f32 v17, v5  }
0xba: {  	v17 =	vld [tilespmem:s23+$0x10]  }
0xbb: {  	v13 =	vadd.f32 v14, v13;
	v14 =	vmul.f32 v15, v6  }
0xbc: {  	v15 =	vld [tilespmem:s23+$0x20]  }
0xbd: {  	v13 =	vadd.f32 v14, v13;
	v14 =	vmul.f32 v16, v7  }
0xbe: {  	v16 =	vld [tilespmem:s23+$0x30]  }
0xbf: {  	v13 =	vadd.f32 v14, v13;
	v14 =	vmul.f32 v17, v8  }
0xc0: {  	v17 =	vld [tilespmem:s23+$0x40]  }
0xc1: {  	v13 =	vadd.f32 v14, v13;
	v14 =	vmul.f32 v15, v9  }
0xc2: {  	v15 =	vld [tilespmem:s23+$0x50]  }
0xc3: {  	v13 =	vadd.f32 v14, v13;
	v14 =	vmul.f32 v16, v10;
	_ =	sdelay $0x1  }
0xc4: {  	v13 =	vadd.f32 v14, v13;
	v14 =	vmul.f32 v17, v11;
	_ =	sdelay $0x1  }
0xc5: {  	v13 =	vadd.f32 v14, v13;
	v14 =	vmul.f32 v15, v12;
	_ =	sdelay $0x1  }
0xc6: {  	v13 =	vadd.f32 v14, v13;
	_ =	sdelay $0x1  }
0xc7: {  	[tilespmem:s24+$0x117D0] =	vst v13  }
0xc8: {  	v13 =	vld [tilespmem:s23+$0xA0]  }
0xc9: {  	v14 =	vld [tilespmem:s23+$0xB0];
	_ =	sdelay $0x1  }
0xca: {  	v15 =	vld [tilespmem:s23+$0xC0];
	_ =	sdelay $0x1  }
0xcb: {  	v16 =	vld [tilespmem:s23+$0xD0]  }
0xcc: {  	v13 =	vmul.f32 v13, v1;
	v14 =	vmul.f32 v14, v2  }
0xcd: {  	v17 =	vld [tilespmem:s23+$0xE0]  }
0xce: {  	v13 =	vadd.f32 v14, v13;
	v14 =	vmul.f32 v15, v3  }
0xcf: {  	v15 =	vld [tilespmem:s23+$0xF0]  }
0xd0: {  	v13 =	vadd.f32 v14, v13;
	v14 =	vmul.f32 v16, v4  }
0xd1: {  	v16 =	vld [tilespmem:s23+$0x100]  }
0xd2: {  	v13 =	vadd.f32 v14, v13;
	v14 =	vmul.f32 v17, v5  }
0xd3: {  	v17 =	vld [tilespmem:s23+$0x110]  }
0xd4: {  	v13 =	vadd.f32 v14, v13;
	v14 =	vmul.f32 v15, v6  }
0xd5: {  	v15 =	vld [tilespmem:s23+$0x120]  }
0xd6: {  	v13 =	vadd.f32 v14, v13;
	v14 =	vmul.f32 v16, v7  }
0xd7: {  	v16 =	vld [tilespmem:s23+$0x130]  }
0xd8: {  	v13 =	vadd.f32 v14, v13;
	v14 =	vmul.f32 v17, v8  }
0xd9: {  	v17 =	vld [tilespmem:s23+$0x140]  }
0xda: {  	v13 =	vadd.f32 v14, v13;
	v14 =	vmul.f32 v15, v9  }
0xdb: {  	v15 =	vld [tilespmem:s23+$0x150]  }
0xdc: {  	v13 =	vadd.f32 v14, v13;
	v14 =	vmul.f32 v16, v10;
	_ =	sdelay $0x1  }
0xdd: {  	v13 =	vadd.f32 v14, v13;
	v14 =	vmul.f32 v17, v11;
	_ =	sdelay $0x1  }
0xde: {  	v13 =	vadd.f32 v14, v13;
	v14 =	vmul.f32 v15, v12;
	_ =	sdelay $0x1  }
0xdf: {  	v13 =	vadd.f32 v14, v13;
	_ =	sdelay $0x1  }
0xe0: {  	[tilespmem:s24+$0x117E0] =	vst v13  }
0xe1: {  	v13 =	vld [tilespmem:s23+$0x1A0]  }
0xe2: {  	v14 =	vld [tilespmem:s23+$0x1B0];
	_ =	sdelay $0x1  }
0xe3: {  	v15 =	vld [tilespmem:s23+$0x1C0];
	_ =	sdelay $0x1  }
0xe4: {  	v16 =	vld [tilespmem:s23+$0x1D0]  }
0xe5: {  	v13 =	vmul.f32 v13, v1;
	v14 =	vmul.f32 v14, v2  }
0xe6: {  	v17 =	vld [tilespmem:s23+$0x1E0]  }
0xe7: {  	v13 =	vadd.f32 v14, v13;
	v14 =	vmul.f32 v15, v3  }
0xe8: {  	v15 =	vld [tilespmem:s23+$0x1F0]  }
0xe9: {  	v13 =	vadd.f32 v14, v13;
	v14 =	vmul.f32 v16, v4  }
0xea: {  	v16 =	vld [tilespmem:s23+$0x200]  }
0xeb: {  	v13 =	vadd.f32 v14, v13;
	v14 =	vmul.f32 v17, v5  }
0xec: {  	v17 =	vld [tilespmem:s23+$0x210]  }
0xed: {  	v13 =	vadd.f32 v14, v13;
	v14 =	vmul.f32 v15, v6  }
0xee: {  	v15 =	vld [tilespmem:s23+$0x220]  }
0xef: {  	v13 =	vadd.f32 v14, v13;
	v14 =	vmul.f32 v16, v7  }
0xf0: {  	v16 =	vld [tilespmem:s23+$0x230]  }
0xf1: {  	v13 =	vadd.f32 v14, v13;
	v14 =	vmul.f32 v17, v8  }
0xf2: {  	v17 =	vld [tilespmem:s23+$0x240]  }
0xf3: {  	v13 =	vadd.f32 v14, v13;
	v14 =	vmul.f32 v15, v9  }
0xf4: {  	v15 =	vld [tilespmem:s23+$0x250]  }
0xf5: {  	v13 =	vadd.f32 v14, v13;
	v14 =	vmul.f32 v16, v10;
	_ =	sdelay $0x1  }
0xf6: {  	v13 =	vadd.f32 v14, v13;
	v14 =	vmul.f32 v17, v11;
	_ =	sdelay $0x1  }
0xf7: {  	v13 =	vadd.f32 v14, v13;
	v14 =	vmul.f32 v15, v12;
	_ =	sdelay $0x1  }
0xf8: {  	v13 =	vadd.f32 v14, v13;
	_ =	sdelay $0x1  }
0xf9: {  	[tilespmem:s24+$0x117F0] =	vst v13  }
0xfa: {  	v13 =	vld [tilespmem:s23+$0x2A0]  }
0xfb: {  	v14 =	vld [tilespmem:s23+$0x2B0];
	_ =	sdelay $0x1  }
0xfc: {  	v15 =	vld [tilespmem:s23+$0x2C0];
	_ =	sdelay $0x1  }
0xfd: {  	v16 =	vld [tilespmem:s23+$0x2D0]  }
0xfe: {  	v13 =	vmul.f32 v13, v1;
	v14 =	vmul.f32 v14, v2  }
0xff: {  	v17 =	vld [tilespmem:s23+$0x2E0]  }
0x100: {  	v13 =	vadd.f32 v14, v13;
	v14 =	vmul.f32 v15, v3  }
0x101: {  	v15 =	vld [tilespmem:s23+$0x2F0]  }
0x102: {  	v16 =	vmul.f32 v16, v4;
	v13 =	vadd.f32 v14, v13  }
0x103: {  	v18 =	vld [tilespmem:s23+$0x300]  }
0x104: {  	v19 =	vld [tilespmem:s23+$0x310];
	v14 =	vmul.f32 v17, v5;
	v13 =	vadd.f32 v16, v13  }
0x105: {  	v17 =	vld [tilespmem:s23+$0x320]  }
0x106: {  	v15 =	vmul.f32 v15, v6;
	v13 =	vadd.f32 v14, v13;
	_ =	sdelay $0x1  }
0x107: {  	v18 =	vmul.f32 v18, v7;
	v14 =	vld [tilespmem:s23+$0x330];
	v20 =	vadd.f32 v15, v13  }
0x108: {  	v15 =	vld [tilespmem:s23+$0x340]  }
0x109: {  	s25 =	simm.s32 $0x340;
	v16 =	vmul.f32 v19, v8;
	v17 =	vmul.f32 v17, v9;
	v13 =	vld [tilespmem:s23+$0x350];
	v18 =	vadd.f32 v18, v20  }
.LBB2_3:
0x10a: {  	p0 =	sne.s32 s25, $0xC00  }
0x10b: {  	s23 =	sadd.s32 $0x700, s23;
	s26 =	smov.u32 s25;
	s25 =	sadd.s32 $0x1C0, s25  }
0x10c: {  	v14 =	vmul.f32 v14, v10;
	v16 =	vadd.f32 v16, v18;
	_ =	sdelay $0x1  }
0x10d: {  	v15 =	vmul.f32 v15, v11;
	v16 =	vadd.f32 v17, v16;
	_ =	sdelay $0x1  }
0x10e: {  	v13 =	vmul.f32 v13, v12;
	v14 =	vadd.f32 v14, v16;
	_ =	sdelay $0x1  }
0x10f: {  	v14 =	vadd.f32 v15, v14;
	_ =	sdelay $0x1  }
0x110: {  	v13 =	vadd.f32 v13, v14;
	_ =	sdelay $0x1  }
0x111: {  	[tilespmem:s24+$0x11800] =	vst v13  }
0x112: {  	v13 =	vld [tilespmem:s23+$0xFFFFFCA0]  }
0x113: {  	v14 =	vld [tilespmem:s23+$0xFFFFFCB0]  }
0x114: {  	v15 =	vld [tilespmem:s23+$0xFFFFFCD0]  }
0x115: {  	v16 =	vld [tilespmem:s23+$0xFFFFFCC0];
	_ =	sdelay $0x1  }
0x116: {  	v13 =	vmul.f32 v13, v1  }
0x117: {  	v14 =	vmul.f32 v14, v2  }
0x118: {  	v15 =	vmul.f32 v15, v4;
	v17 =	vld [tilespmem:s23+$0xFFFFFCE0]  }
0x119: {  	v13 =	vadd.f32 v14, v13;
	v14 =	vmul.f32 v16, v3  }
0x11a: {  	v16 =	vld [tilespmem:s23+$0xFFFFFCF0]  }
0x11b: {  	v13 =	vadd.f32 v14, v13  }
0x11c: {  	v14 =	vld [tilespmem:s23+$0xFFFFFD00]  }
0x11d: {  	v13 =	vadd.f32 v15, v13;
	v15 =	vmul.f32 v17, v5  }
0x11e: {  	v17 =	vld [tilespmem:s23+$0xFFFFFD10]  }
0x11f: {  	v13 =	vadd.f32 v15, v13;
	v15 =	vmul.f32 v16, v6  }
0x120: {  	v16 =	vld [tilespmem:s23+$0xFFFFFD20]  }
0x121: {  	v13 =	vadd.f32 v15, v13;
	v14 =	vmul.f32 v14, v7  }
0x122: {  	v15 =	vld [tilespmem:s23+$0xFFFFFD30]  }
0x123: {  	v13 =	vadd.f32 v14, v13;
	v14 =	vmul.f32 v17, v8  }
0x124: {  	v17 =	vld [tilespmem:s23+$0xFFFFFD40]  }
0x125: {  	v13 =	vadd.f32 v14, v13;
	v14 =	vmul.f32 v16, v9  }
0x126: {  	v16 =	vld [tilespmem:s23+$0xFFFFFD50]  }
0x127: {  	v13 =	vadd.f32 v14, v13;
	v14 =	vmul.f32 v15, v10;
	_ =	sdelay $0x1  }
0x128: {  	v13 =	vadd.f32 v14, v13;
	v14 =	vmul.f32 v17, v11;
	_ =	sdelay $0x1  }
0x129: {  	v13 =	vadd.f32 v14, v13;
	v14 =	vmul.f32 v16, v12;
	_ =	sdelay $0x1  }
0x12a: {  	v13 =	vadd.f32 v14, v13  }
0x12b: {  	s24 =	sshra.s32 s26, $0x2  }
0x12c: {  	[tilespmem:s24+$0x117A0] =	vst v13  }
0x12d: {  	v13 =	vld [tilespmem:s23+$0xFFFFFDA0]  }
0x12e: {  	v14 =	vld [tilespmem:s23+$0xFFFFFDB0];
	_ =	sdelay $0x1  }
0x12f: {  	v15 =	vld [tilespmem:s23+$0xFFFFFDC0];
	_ =	sdelay $0x1  }
0x130: {  	v16 =	vld [tilespmem:s23+$0xFFFFFDD0]  }
0x131: {  	v13 =	vmul.f32 v13, v1;
	v14 =	vmul.f32 v14, v2  }
0x132: {  	v17 =	vld [tilespmem:s23+$0xFFFFFDE0]  }
0x133: {  	v13 =	vadd.f32 v14, v13;
	v14 =	vmul.f32 v15, v3  }
0x134: {  	v15 =	vld [tilespmem:s23+$0xFFFFFDF0]  }
0x135: {  	v13 =	vadd.f32 v14, v13;
	v14 =	vmul.f32 v16, v4  }
0x136: {  	v16 =	vld [tilespmem:s23+$0xFFFFFE00]  }
0x137: {  	v13 =	vadd.f32 v14, v13;
	v14 =	vmul.f32 v17, v5  }
0x138: {  	v17 =	vld [tilespmem:s23+$0xFFFFFE10]  }
0x139: {  	v13 =	vadd.f32 v14, v13;
	v14 =	vmul.f32 v15, v6  }
0x13a: {  	v15 =	vld [tilespmem:s23+$0xFFFFFE20]  }
0x13b: {  	v13 =	vadd.f32 v14, v13;
	v14 =	vmul.f32 v16, v7  }
0x13c: {  	v16 =	vld [tilespmem:s23+$0xFFFFFE30]  }
0x13d: {  	v13 =	vadd.f32 v14, v13;
	v14 =	vmul.f32 v17, v8  }
0x13e: {  	v17 =	vld [tilespmem:s23+$0xFFFFFE40]  }
0x13f: {  	v13 =	vadd.f32 v14, v13;
	v14 =	vmul.f32 v15, v9  }
0x140: {  	v15 =	vld [tilespmem:s23+$0xFFFFFE50]  }
0x141: {  	v13 =	vadd.f32 v14, v13;
	v14 =	vmul.f32 v16, v10;
	_ =	sdelay $0x1  }
0x142: {  	v13 =	vadd.f32 v14, v13;
	v14 =	vmul.f32 v17, v11;
	_ =	sdelay $0x1  }
0x143: {  	v13 =	vadd.f32 v14, v13;
	v14 =	vmul.f32 v15, v12;
	_ =	sdelay $0x1  }
0x144: {  	v13 =	vadd.f32 v14, v13;
	_ =	sdelay $0x1  }
0x145: {  	[tilespmem:s24+$0x117B0] =	vst v13  }
0x146: {  	v13 =	vld [tilespmem:s23+$0xFFFFFEA0]  }
0x147: {  	v14 =	vld [tilespmem:s23+$0xFFFFFEB0]  }
0x148: {  	v15 =	vld [tilespmem:s23+$0xFFFFFEC0];
	_ =	sdelay $0x2  }
0x149: {  	v13 =	vmul.f32 v13, v1;
	v16 =	vld [tilespmem:s23+$0xFFFFFED0]  }
0x14a: {  	v14 =	vmul.f32 v14, v2  }
0x14b: {  	v17 =	vld [tilespmem:s23+$0xFFFFFEE0]  }
0x14c: {  	v13 =	vadd.f32 v14, v13;
	v14 =	vmul.f32 v15, v3  }
0x14d: {  	v15 =	vld [tilespmem:s23+$0xFFFFFEF0]  }
0x14e: {  	v13 =	vadd.f32 v14, v13;
	v14 =	vmul.f32 v16, v4  }
0x14f: {  	v16 =	vld [tilespmem:s23+$0xFFFFFF00]  }
0x150: {  	v13 =	vadd.f32 v14, v13;
	v14 =	vmul.f32 v17, v5  }
0x151: {  	v17 =	vld [tilespmem:s23+$0xFFFFFF10]  }
0x152: {  	v13 =	vadd.f32 v14, v13;
	v14 =	vmul.f32 v15, v6  }
0x153: {  	v15 =	vld [tilespmem:s23+$0xFFFFFF20]  }
0x154: {  	v13 =	vadd.f32 v14, v13;
	v14 =	vmul.f32 v16, v7  }
0x155: {  	v16 =	vld [tilespmem:s23+$0xFFFFFF30]  }
0x156: {  	v13 =	vadd.f32 v14, v13;
	v14 =	vmul.f32 v17, v8  }
0x157: {  	v17 =	vld [tilespmem:s23+$0xFFFFFF40]  }
0x158: {  	v13 =	vadd.f32 v14, v13;
	v14 =	vmul.f32 v15, v9  }
0x159: {  	v15 =	vld [tilespmem:s23+$0xFFFFFF50]  }
0x15a: {  	v13 =	vadd.f32 v14, v13;
	v14 =	vmul.f32 v16, v10;
	_ =	sdelay $0x1  }
0x15b: {  	v13 =	vadd.f32 v14, v13;
	v14 =	vmul.f32 v17, v11;
	_ =	sdelay $0x1  }
0x15c: {  	v13 =	vadd.f32 v14, v13;
	v14 =	vmul.f32 v15, v12;
	_ =	sdelay $0x1  }
0x15d: {  	v13 =	vadd.f32 v14, v13;
	_ =	sdelay $0x1  }
0x15e: {  	[tilespmem:s24+$0x117C0] =	vst v13  }
0x15f: {  	v13 =	vld [tilespmem:s23+$0xFFFFFFA0]  }
0x160: {  	v14 =	vld [tilespmem:s23+$0xFFFFFFB0];
	_ =	sdelay $0x1  }
0x161: {  	v15 =	vld [tilespmem:s23+$0xFFFFFFC0];
	_ =	sdelay $0x1  }
0x162: {  	v13 =	vmul.f32 v13, v1;
	v16 =	vld [tilespmem:s23+$0xFFFFFFD0]  }
0x163: {  	v14 =	vmul.f32 v14, v2  }
0x164: {  	v17 =	vld [tilespmem:s23+$0xFFFFFFE0]  }
0x165: {  	v13 =	vadd.f32 v14, v13;
	v14 =	vmul.f32 v15, v3  }
0x166: {  	v15 =	vld [tilespmem:s23+$0xFFFFFFF0]  }
0x167: {  	v13 =	vadd.f32 v14, v13;
	v14 =	vmul.f32 v16, v4  }
0x168: {  	v16 =	vld [tilespmem:s23+$0x0]  }
0x169: {  	v13 =	vadd.f32 v14, v13;
	v14 =	vmul.f32 v17, v5  }
0x16a: {  	v17 =	vld [tilespmem:s23+$0x10]  }
0x16b: {  	v13 =	vadd.f32 v14, v13;
	v14 =	vmul.f32 v15, v6  }
0x16c: {  	v15 =	vld [tilespmem:s23+$0x20]  }
0x16d: {  	v13 =	vadd.f32 v14, v13;
	v14 =	vmul.f32 v16, v7  }
0x16e: {  	v16 =	vld [tilespmem:s23+$0x30]  }
0x16f: {  	v13 =	vadd.f32 v14, v13;
	v14 =	vmul.f32 v17, v8  }
0x170: {  	v17 =	vld [tilespmem:s23+$0x40]  }
0x171: {  	v13 =	vadd.f32 v14, v13;
	v14 =	vmul.f32 v15, v9  }
0x172: {  	v15 =	vld [tilespmem:s23+$0x50]  }
0x173: {  	v13 =	vadd.f32 v14, v13;
	v14 =	vmul.f32 v16, v10;
	_ =	sdelay $0x1  }
0x174: {  	v13 =	vadd.f32 v14, v13;
	v14 =	vmul.f32 v17, v11;
	_ =	sdelay $0x1  }
0x175: {  	v13 =	vadd.f32 v14, v13;
	v14 =	vmul.f32 v15, v12;
	_ =	sdelay $0x1  }
0x176: {  	v13 =	vadd.f32 v14, v13;
	_ =	sdelay $0x1  }
0x177: {  	[tilespmem:s24+$0x117D0] =	vst v13  }
0x178: {  	v13 =	vld [tilespmem:s23+$0xA0]  }
0x179: {  	v14 =	vld [tilespmem:s23+$0xB0]  }
0x17a: {  	v15 =	vld [tilespmem:s23+$0xC0]  }
0x17b: {  	v16 =	vld [tilespmem:s23+$0xD0]  }
0x17c: {  	v17 =	vld [tilespmem:s23+$0xE0]  }
0x17d: {  	v18 =	vld [tilespmem:s23+$0x100]  }
0x17e: {  	v13 =	vmul.f32 v13, v1;
	v14 =	vmul.f32 v14, v2;
	v19 =	vld [tilespmem:s23+$0x110]  }
0x17f: {  	v20 =	vld [tilespmem:s23+$0x120]  }
0x180: {  	v13 =	vadd.f32 v14, v13;
	v14 =	vmul.f32 v15, v3;
	v15 =	vld [tilespmem:s23+$0x130]  }
0x181: {  	v21 =	vld [tilespmem:s23+$0xF0]  }
0x182: {  	v13 =	vadd.f32 v14, v13;
	v14 =	vmul.f32 v16, v4;
	v16 =	vld [tilespmem:s23+$0x140]  }
0x183: {  	v22 =	vld [tilespmem:s23+$0x150]  }
0x184: {  	v13 =	vadd.f32 v14, v13;
	v14 =	vmul.f32 v17, v5;
	_ =	sdelay $0x1  }
0x185: {  	v13 =	vadd.f32 v14, v13;
	v14 =	vmul.f32 v21, v6;
	_ =	sdelay $0x1  }
0x186: {  	v13 =	vadd.f32 v14, v13;
	v14 =	vmul.f32 v18, v7;
	_ =	sdelay $0x1  }
0x187: {  	v13 =	vadd.f32 v14, v13;
	v14 =	vmul.f32 v19, v8;
	_ =	sdelay $0x1  }
0x188: {  	v13 =	vadd.f32 v14, v13;
	v14 =	vmul.f32 v20, v9;
	_ =	sdelay $0x1  }
0x189: {  	v13 =	vadd.f32 v14, v13;
	v14 =	vmul.f32 v15, v10;
	_ =	sdelay $0x1  }
0x18a: {  	v13 =	vadd.f32 v14, v13;
	v14 =	vmul.f32 v16, v11;
	_ =	sdelay $0x1  }
0x18b: {  	v13 =	vadd.f32 v14, v13;
	v14 =	vmul.f32 v22, v12;
	_ =	sdelay $0x1  }
0x18c: {  	v13 =	vadd.f32 v14, v13;
	_ =	sdelay $0x1  }
0x18d: {  	[tilespmem:s24+$0x117E0] =	vst v13  }
0x18e: {  	v13 =	vld [tilespmem:s23+$0x1A0]  }
0x18f: {  	v14 =	vld [tilespmem:s23+$0x1B0]  }
0x190: {  	v15 =	vld [tilespmem:s23+$0x1C0]  }
0x191: {  	v16 =	vld [tilespmem:s23+$0x1D0]  }
0x192: {  	v17 =	vld [tilespmem:s23+$0x1E0]  }
0x193: {  	v13 =	vmul.f32 v13, v1;
	v18 =	vld [tilespmem:s23+$0x1F0]  }
0x194: {  	v14 =	vmul.f32 v14, v2;
	v19 =	vld [tilespmem:s23+$0x200]  }
0x195: {  	v20 =	vld [tilespmem:s23+$0x210]  }
0x196: {  	v13 =	vadd.f32 v14, v13;
	v14 =	vmul.f32 v15, v3;
	v15 =	vld [tilespmem:s23+$0x220]  }
0x197: {  	v21 =	vld [tilespmem:s23+$0x230]  }
0x198: {  	v13 =	vadd.f32 v14, v13;
	v14 =	vmul.f32 v16, v4;
	v16 =	vld [tilespmem:s23+$0x240]  }
0x199: {  	v22 =	vld [tilespmem:s23+$0x250]  }
0x19a: {  	v13 =	vadd.f32 v14, v13;
	v14 =	vmul.f32 v17, v5;
	_ =	sdelay $0x1  }
0x19b: {  	v13 =	vadd.f32 v14, v13;
	v14 =	vmul.f32 v18, v6;
	_ =	sdelay $0x1  }
0x19c: {  	v13 =	vadd.f32 v14, v13;
	v14 =	vmul.f32 v19, v7;
	_ =	sdelay $0x1  }
0x19d: {  	v13 =	vadd.f32 v14, v13;
	v14 =	vmul.f32 v20, v8;
	_ =	sdelay $0x1  }
0x19e: {  	v13 =	vadd.f32 v14, v13;
	v14 =	vmul.f32 v15, v9;
	_ =	sdelay $0x1  }
0x19f: {  	v13 =	vadd.f32 v14, v13;
	v14 =	vmul.f32 v21, v10;
	_ =	sdelay $0x1  }
0x1a0: {  	v13 =	vadd.f32 v14, v13;
	v14 =	vmul.f32 v16, v11;
	_ =	sdelay $0x1  }
0x1a1: {  	v13 =	vadd.f32 v14, v13;
	v14 =	vmul.f32 v22, v12;
	_ =	sdelay $0x1  }
0x1a2: {  	v13 =	vadd.f32 v14, v13;
	_ =	sdelay $0x1  }
0x1a3: {  	[tilespmem:s24+$0x117F0] =	vst v13  }
0x1a4: {  	v13 =	vld [tilespmem:s23+$0x2A0]  }
0x1a5: {  	v14 =	vld [tilespmem:s23+$0x2B0]  }
0x1a6: {  	v15 =	vld [tilespmem:s23+$0x2C0]  }
0x1a7: {  	v16 =	vld [tilespmem:s23+$0x2D0]  }
0x1a8: {  	v17 =	vld [tilespmem:s23+$0x2E0]  }
0x1a9: {  	v13 =	vmul.f32 v13, v1;
	v18 =	vld [tilespmem:s23+$0x2F0]  }
0x1aa: {  	v14 =	vmul.f32 v14, v2;
	v19 =	vld [tilespmem:s23+$0x300]  }
0x1ab: {  	v20 =	vld [tilespmem:s23+$0x310]  }
0x1ac: {  	v15 =	vmul.f32 v15, v3;
	v13 =	vadd.f32 v14, v13;
	v16 =	vmul.f32 v16, v4;
	v21 =	vld [tilespmem:s23+$0x320]  }
0x1ad: {  	v14 =	vld [tilespmem:s23+$0x330]  }
0x1ae: {  	v17 =	vmul.f32 v17, v5;
	v22 =	vadd.f32 v15, v13;
	v15 =	vld [tilespmem:s23+$0x340]  }
0x1af: {  	v13 =	vld [tilespmem:s23+$0x350]  }
0x1b0: {  	v18 =	vmul.f32 v18, v6;
	v16 =	vadd.f32 v16, v22;
	_ =	sdelay $0x1  }
.Ltmp2:
0x1b1: {  	v16 =	vadd.f32 v17, v16;
	v17 =	vmul.f32 v19, v7;
	(pc) =	sbr.rel @p0 .LBB2_3-.Ltmp2, $3  }
0x1b2: {  	_ = 	snop  }
0x1b3: {  	v18 =	vadd.f32 v18, v16;
	v16 =	vmul.f32 v20, v8;
	_ =	sdelay $0x1  }
0x1b4: {  	v18 =	vadd.f32 v17, v18;
	v17 =	vmul.f32 v21, v9  }
0x1b5: {  	v0 =	vld [tilespmem:$0x1FFE0]  }
0x1b6: {  	v4 =	vld [tilespmem:$0x1FCF0]  }
0x1b7: {  	v5 =	vld [tilespmem:$0x1FD00]  }
0x1b8: {  	v6 =	vld [tilespmem:$0x1FD10]  }
0x1b9: {  	v7 =	vld [tilespmem:$0x1FD20]  }
0x1ba: {  	v8 =	vld [tilespmem:$0x1FD30]  }
0x1bb: {  	v9 =	vld [tilespmem:$0x1FD40]  }
0x1bc: {  	v2 =	vmul.f32 v14, v10;
	v10 =	vld [tilespmem:$0x1FD50]  }
0x1bd: {  	v3 =	vmul.f32 v15, v11;
	v11 =	vld [tilespmem:$0x1FD60]  }
0x1be: {  	v14 =	vld [tilespmem:$0x1FD90]  }
0x1bf: {  	v15 =	vld [tilespmem:$0x1FDA0]  }
0x1c0: {  	v19 =	vld [tilespmem:$0x1FDD0]  }
0x1c1: {  	v20 =	vld [tilespmem:$0x1FDE0]  }
0x1c2: {  	v21 =	vld [tilespmem:$0x1FDF0]  }
0x1c3: {  	v22 =	vld [tilespmem:$0x1FE00]  }
0x1c4: {  	v23 =	vld [tilespmem:$0x1FE10]  }
0x1c5: {  	v24 =	vld [tilespmem:$0x1FE20]  }
0x1c6: {  	v25 =	vld [tilespmem:$0x1FE30]  }
0x1c7: {  	v26 =	vld [tilespmem:$0x1FE40]  }
0x1c8: {  	v27 =	vld [tilespmem:$0x1FE50]  }
0x1c9: {  	v28 =	vld [tilespmem:$0x1FE60]  }
0x1ca: {  	v29 =	vld [tilespmem:$0x1FE70]  }
0x1cb: {  	v30 =	vld [tilespmem:$0x1FE80]  }
0x1cc: {  	v31 =	vld [tilespmem:$0x1FE90]  }
0x1cd: {  	v32 =	vld [tilespmem:$0x1FEA0]  }
0x1ce: {  	v33 =	vld [tilespmem:$0x1FEB0]  }
0x1cf: {  	v35 =	vld [tilespmem:$0x1FEC0]  }
0x1d0: {  	v36 =	vld [tilespmem:$0x1FED0]  }
0x1d1: {  	v37 =	vld [tilespmem:$0x1FFC0]  }
0x1d2: {  	v38 =	vld [tilespmem:$0x1FFD0];
	v1 =	vadd.f32 v16, v18  }
0x1d3: {  	v39 =	vld [tilespmem:$0x1FEE0]  }
0x1d4: {  	v40 =	vld [tilespmem:$0x1FFF0];
	v1 =	vadd.f32 v17, v1  }
0x1d5: {  	v41 =	vld [tilespmem:$0x1FEF0]  }
0x1d6: {  	v50 =	vld [tilespmem:$0x1FF00];
	v1 =	vadd.f32 v2, v1  }
0x1d7: {  	v16 =	vld [tilespmem:$0x1FDB0]  }
0x1d8: {  	v18 =	vld [tilespmem:$0x1FDC0];
	v2 =	vmul.f32 v13, v12;
	v1 =	vadd.f32 v3, v1  }
0x1d9: {  	v12 =	vld [tilespmem:$0x1FD70]  }
0x1da: {  	v13 =	vld [tilespmem:$0x1FD80];
	v1 =	vadd.f32 v2, v1  }
0x1db: {  	v3 =	vld [tilespmem:$0x1FCE0]  }
0x1dc: {  	v2 =	vld [tilespmem:$0x1FCD0];
	[tilespmem:s24+$0x11800] =	vst v1  }
0x1dd: {  	v1 =	vld.idx.msk [tilespmem:v0+s17+$0x0], $0xffff  }
0x1de: {  	v4 =	vld.idx.msk [tilespmem:v4+s17+$0x0], $0xffff  }
0x1df: {  	v5 =	vld.idx.msk [tilespmem:v5+s17+$0x0], $0xffff  }
0x1e0: {  	v6 =	vld.idx.msk [tilespmem:v6+s17+$0x0], $0xffff  }
0x1e1: {  	v7 =	vld.idx.msk [tilespmem:v7+s17+$0x0], $0xffff  }
0x1e2: {  	v8 =	vld.idx.msk [tilespmem:v8+s17+$0x0], $0xffff  }
0x1e3: {  	v9 =	vld.idx.msk [tilespmem:v9+s17+$0x0], $0xffff  }
0x1e4: {  	v10 =	vld.idx.msk [tilespmem:v10+s17+$0x0], $0xffff  }
0x1e5: {  	v11 =	vld.idx.msk [tilespmem:v11+s17+$0x0], $0xffff  }
0x1e6: {  	v14 =	vld.idx.msk [tilespmem:v14+s17+$0x0], $0xffff  }
0x1e7: {  	v15 =	vld.idx.msk [tilespmem:v15+s17+$0x0], $0xffff  }
0x1e8: {  	v16 =	vld.idx.msk [tilespmem:v16+s17+$0x0], $0xffff  }
0x1e9: {  	v18 =	vld.idx.msk [tilespmem:v18+s17+$0x0], $0xffff  }
0x1ea: {  	v19 =	vld.idx.msk [tilespmem:v19+s17+$0x0], $0xffff  }
0x1eb: {  	v20 =	vld.idx.msk [tilespmem:v20+s17+$0x0], $0xffff  }
0x1ec: {  	v21 =	vld.idx.msk [tilespmem:v21+s17+$0x0], $0xffff  }
0x1ed: {  	v22 =	vld.idx.msk [tilespmem:v22+s17+$0x0], $0xffff  }
0x1ee: {  	v23 =	vld.idx.msk [tilespmem:v23+s17+$0x0], $0xffff  }
0x1ef: {  	v24 =	vld.idx.msk [tilespmem:v24+s17+$0x0], $0xffff  }
0x1f0: {  	v25 =	vld.idx.msk [tilespmem:v25+s17+$0x0], $0xffff  }
0x1f1: {  	v26 =	vld.idx.msk [tilespmem:v26+s17+$0x0], $0xffff  }
0x1f2: {  	v2 =	vld.idx.msk [tilespmem:v2+s17+$0x0], $0xffff  }
0x1f3: {  	v35 =	vld.idx.msk [tilespmem:v35+s17+$0x0], $0xffff  }
0x1f4: {  	v36 =	vld.idx.msk [tilespmem:v36+s17+$0x0], $0xffff  }
0x1f5: {  	v37 =	vld.idx.msk [tilespmem:v37+s17+$0x0], $0xffff  }
0x1f6: {  	v38 =	vld.idx.msk [tilespmem:v38+s17+$0x0], $0xffff  }
0x1f7: {  	v39 =	vld.idx.msk [tilespmem:v39+s17+$0x0], $0xffff;
	v1 =	vadd.f32 v2, v1;
	v2 =	vadd.f32 v19, v18  }
0x1f8: {  	v44 =	vor.u32 $0x303, v0;
	v3 =	vld.idx.msk [tilespmem:v3+s17+$0x0], $0xffff  }
0x1f9: {  	v2 =	vadd.f32 v20, v2;
	v20 =	vld [tilespmem:$0x1FF10]  }
0x1fa: {  	v43 =	vor.u32 $0x304, v0;
	v40 =	vld.idx.msk [tilespmem:v40+s17+$0x0], $0xffff  }
0x1fb: {  	v42 =	vor.u32 $0x305, v0;
	v2 =	vadd.f32 v21, v2;
	v21 =	vld [tilespmem:$0x1FF20]  }
0x1fc: {  	v41 =	vld.idx.msk [tilespmem:v41+s17+$0x0], $0xffff  }
0x1fd: {  	v52 =	vor.u32 $0x306, v0;
	v18 =	vld.idx.msk [tilespmem:v44+s17+$0x0], $0xffff  }
0x1fe: {  	v19 =	vadd.f32 v36, v35;
	v35 =	vld.idx.msk [tilespmem:v50+s17+$0x0], $0xffff;
	v1 =	vadd.f32 v3, v1  }
0x1ff: {  	v51 =	vadd.f32 v38, v37;
	v3 =	vld.idx.msk [tilespmem:v43+s17+$0x0], $0xffff  }
0x200: {  	v53 =	vor.u32 $0x307, v0;
	v19 =	vadd.f32 v39, v19;
	v1 =	vadd.f32 v4, v1;
	v4 =	vld.idx.msk [tilespmem:v42+s17+$0x0], $0xffff  }
0x201: {  	v36 =	vadd.f32 v40, v51;
	v20 =	vld.idx.msk [tilespmem:v20+s17+$0x0], $0xffff  }
0x202: {  	v54 =	vor.u32 $0x308, v0;
	v19 =	vadd.f32 v41, v19;
	v1 =	vadd.f32 v5, v1;
	v5 =	vld.idx.msk [tilespmem:v52+s17+$0x0], $0xffff  }
0x203: {  	v18 =	vadd.f32 v18, v36;
	v21 =	vld.idx.msk [tilespmem:v21+s17+$0x0], $0xffff  }
0x204: {  	v55 =	vor.u32 $0x309, v0;
	v2 =	vadd.f32 v22, v2;
	v19 =	vadd.f32 v35, v19;
	v22 =	vld [tilespmem:$0x1FF30]  }
0x205: {  	v3 =	vadd.f32 v3, v18;
	v1 =	vadd.f32 v6, v1;
	v6 =	vld.idx.msk [tilespmem:v53+s17+$0x0], $0xffff  }
0x206: {  	v18 =	vadd.f32 v20, v19;
	v19 =	vld [tilespmem:$0x1FF40]  }
0x207: {  	v3 =	vadd.f32 v4, v3;
	v4 =	vld.idx.msk [tilespmem:v54+s17+$0x0], $0xffff;
	v1 =	vadd.f32 v7, v1  }
0x208: {  	v7 =	vadd.f32 v21, v18;
	v18 =	vld [tilespmem:$0x1FF50]  }
0x209: {  	v3 =	vadd.f32 v5, v3;
	v5 =	vld.idx.msk [tilespmem:v55+s17+$0x0], $0xffff;
	v1 =	vadd.f32 v8, v1  }
0x20a: {  	v8 =	vld [tilespmem:$0x1FF60]  }
0x20b: {  	v27 =	vld.idx.msk [tilespmem:v27+s17+$0x0], $0xffff;
	v3 =	vadd.f32 v6, v3;
	v1 =	vadd.f32 v9, v1  }
0x20c: {  	v22 =	vld.idx.msk [tilespmem:v22+s17+$0x0], $0xffff  }
0x20d: {  	v28 =	vld.idx.msk [tilespmem:v28+s17+$0x0], $0xffff;
	v3 =	vadd.f32 v4, v3;
	v1 =	vadd.f32 v10, v1  }
0x20e: {  	v19 =	vld.idx.msk [tilespmem:v19+s17+$0x0], $0xffff  }
0x20f: {  	v3 =	vadd.f32 v5, v3;
	v5 =	vadd.f32 v11, v1;
	v1 =	vld [tilespmem:$0x1FF90]  }
0x210: {  	v18 =	vld.idx.msk [tilespmem:v18+s17+$0x0], $0xffff  }
0x211: {  	v29 =	vld.idx.msk [tilespmem:v29+s17+$0x0], $0xffff;
	v7 =	vadd.f32 v22, v7  }
0x212: {  	v8 =	vld.idx.msk [tilespmem:v8+s17+$0x0], $0xffff  }
0x213: {  	v9 =	vld [tilespmem:$0x1FF70];
	v7 =	vadd.f32 v19, v7  }
0x214: {  	v30 =	vld.idx.msk [tilespmem:v30+s17+$0x0], $0xffff  }
0x215: {  	v31 =	vld.idx.msk [tilespmem:v31+s17+$0x0], $0xffff;
	v7 =	vadd.f32 v18, v7  }
0x216: {  	v32 =	vld.idx.msk [tilespmem:v32+s17+$0x0], $0xffff;
	v20 =	vor.u32 $0x30A, v0  }
0x217: {  	v21 =	vor.u32 $0x30B, v0;
	v22 =	vor.u32 $0x30C, v0;
	v7 =	vadd.f32 v8, v7;
	v8 =	vld.idx.msk [tilespmem:v1+s17+$0x0], $0xffff  }
0x218: {  	v19 =	vor.u32 $0x30D, v0;
	v18 =	vor.u32 $0x30E, v0;
	v1 =	vor.u32 $0x30F, v0;
	v0 =	vld [tilespmem:$0x1FFA0]  }
0x219: {  	v33 =	vld.idx.msk [tilespmem:v33+s17+$0x0], $0xffff;
	v2 =	vadd.f32 v23, v2  }
0x21a: {  	v10 =	vld [tilespmem:$0x1FF80]  }
0x21b: {  	v2 =	vadd.f32 v24, v2;
	v9 =	vld.idx.msk [tilespmem:v9+s17+$0x0], $0xffff  }
0x21c: {  	v12 =	vld.idx.msk [tilespmem:v12+s17+$0x0], $0xffff  }
0x21d: {  	v13 =	vld.idx.msk [tilespmem:v13+s17+$0x0], $0xffff;
	v2 =	vadd.f32 v25, v2  }
0x21e: {  	v6 =	vld.idx.msk [tilespmem:v20+s17+$0x0], $0xffff  }
0x21f: {  	v2 =	vadd.f32 v26, v2;
	v4 =	vld.idx.msk [tilespmem:v21+s17+$0x0], $0xffff  }
0x220: {  	v7 =	vadd.f32 v9, v7;
	v9 =	vld.idx.msk [tilespmem:v0+s17+$0x0], $0xffff  }
0x221: {  	v2 =	vadd.f32 v27, v2;
	v0 =	vld [tilespmem:$0x1FFB0]  }
0x222: {  	s24 =	sshll.u32 s22, $0xA;
	v10 =	vld.idx.msk [tilespmem:v10+s17+$0x0], $0xffff  }
0x223: {  	s23 =	sshrl.u32 s24, $0x2;
	v2 =	vadd.f32 v28, v2;
	v11 =	vld.idx.msk [tilespmem:v22+s17+$0x0], $0xffff  }
0x224: {  	v17 =	vld [tilespmem:s23+$0x2000];
	v3 =	vadd.f32 v6, v3  }
0x225: {  	v5 =	vadd.f32 v12, v5;
	v2 =	vadd.f32 v29, v2;
	v6 =	vld.idx.msk [tilespmem:v19+s17+$0x0], $0xffff  }
0x226: {  	v34 =	vld [tilespmem:s23+$0x2010];
	v3 =	vadd.f32 v4, v3  }
0x227: {  	v2 =	vadd.f32 v30, v2;
	v4 =	vadd.f32 v13, v5;
	v5 =	vld.idx.msk [tilespmem:v18+s17+$0x0], $0xffff  }
0x228: {  	v3 =	vadd.f32 v11, v3;
	v7 =	vadd.f32 v10, v7;
	v11 =	vld.idx.msk [tilespmem:v1+s17+$0x0], $0xffff  }
0x229: {  	v2 =	vadd.f32 v31, v2;
	v4 =	vadd.f32 v14, v4;
	v10 =	vld.idx.msk [tilespmem:v0+s17+$0x0], $0xffff  }
0x22a: {  	v7 =	vadd.f32 v8, v7;
	v8 =	vld [tilespmem:s23+$0x2020];
	v3 =	vadd.f32 v6, v3  }
0x22b: {  	v2 =	vadd.f32 v32, v2;
	v4 =	vadd.f32 v15, v4;
	v6 =	vld [tilespmem:s23+$0x2030]  }
0x22c: {  	v3 =	vadd.f32 v5, v3;
	v7 =	vadd.f32 v9, v7  }
0x22d: {  	v2 =	vadd.f32 v33, v2;
	v4 =	vadd.f32 v16, v4  }
0x22e: {  	v3 =	vadd.f32 v11, v3;
	v5 =	vadd.f32 v10, v7  }
0x22f: {  	v2 =	vadd.f32 v34, v2;
	v4 =	vadd.f32 v17, v4  }
0x230: {  	v3 =	vadd.f32 v6, v3;
	v5 =	vadd.f32 v8, v5;
	_ =	sdelay $0x1  }
0x231: {  	v6 =	vmax.f32 v4, v2;
	v7 =	vmax.f32 v5, v3  }
0x232: {  	v6 =	vmax.f32 v6, v7  }
0x233: {  	(xrf0) =	vmax.scan.msk.f32 $0xffff, v6;
	_ =	sdelay $0x5  }
0x234: {  	v6, _, _ =	vpop (xrf0)  }
0x235: {  	v6 =	vbroadcast v6, $0xF;
	_ =	sdelay $0x1  }
0x236: {  	v4 =	vsub.f32 v4, v6  }
0x237: {  	v2 =	vsub.f32 v2, v6  }
0x238: {  	v4 =	vmul.f32 $1.442695020e+00, v4  }
0x239: {  	v5 =	vsub.f32 v5, v6;
	v2 =	vmul.f32 $1.442695020e+00, v2  }
0x23a: {  	(erf) = vpow2.f32 v4  }
0x23b: {  	v3 =	vsub.f32 v3, v6;
	(erf) = vpow2.f32 v2;
	v2 =	vmul.f32 $1.442695020e+00, v5;
	_ =	sdelay $0x1  }
0x23c: {  	(erf) = vpow2.f32 v2;
	v2 =	vmul.f32 $1.442695020e+00, v3;
	_ =	sdelay $0x1  }
0x23d: {  	(erf) = vpow2.f32 v2;
	_ =	sdelay $0x3  }
0x23e: {  	v2 =	vpop (erf)  }
0x23f: {  	v3 =	vpop (erf)  }
0x240: {  	v4 =	vadd.f32 v3, v2  }
0x241: {  	v5 =	vpop (erf)  }
0x242: {  	v4 =	vadd.f32 v4, v5  }
0x243: {  	v6 =	vpop (erf)  }
0x244: {  	v4 =	vadd.f32 v4, v6;
	_ =	sdelay $0x1  }
0x245: {  	(xrf2) =	vadd.scan.msk.f32 $0xffff, v4;
	_ =	sdelay $0x9  }
0x246: {  	v4, _, _ =	vpop (xrf2)  }
0x247: {  	v4 =	vbroadcast v4, $0xF;
	_ =	sdelay $0x1  }
0x248: {  	(erf) = vrcp.f32 v4;
	_ =	sdelay $0x2  }
0x249: {  	v4 =	vld [tilespmem:s23+$0x2040];
	_ =	sdelay $0x4  }
0x24a: {  	v2 =	vmul.f32 v2, v4  }
0x24b: {  	v4 =	vpop (erf)  }
0x24c: {  	v2 =	vmul.f32 v4, v2;
	_ =	sdelay $0x1  }
0x24d: {  	[tilespmem:$0x11C00] =	vst v2  }
0x24e: {  	v2 =	vld [tilespmem:s23+$0x2050];
	_ =	sdelay $0x4  }
0x24f: {  	v2 =	vmul.f32 v3, v2;
	_ =	sdelay $0x1  }
0x250: {  	v2 =	vmul.f32 v4, v2;
	_ =	sdelay $0x1  }
0x251: {  	[tilespmem:$0x11C10] =	vst v2  }
0x252: {  	v2 =	vld [tilespmem:s23+$0x2060];
	_ =	sdelay $0x4  }
0x253: {  	v2 =	vmul.f32 v5, v2;
	_ =	sdelay $0x1  }
0x254: {  	v2 =	vmul.f32 v4, v2;
	_ =	sdelay $0x1  }
0x255: {  	[tilespmem:$0x11C20] =	vst v2  }
0x256: {  	v2 =	vld [tilespmem:s23+$0x2070];
	_ =	sdelay $0x4  }
0x257: {  	v2 =	vmul.f32 v6, v2;
	_ =	sdelay $0x1  }
0x258: {  	v2 =	vmul.f32 v4, v2;
	_ =	sdelay $0x1  }
0x259: {  	s25 =	simm.s32 $0xB360;
	[tilespmem:$0x11C30] =	vst v2  }
0x25a: {  	v4 =	vld [tilespmem:s25+$0x2A0]  }
0x25b: {  	v5 =	vld [tilespmem:s25+$0x2B0]  }
0x25c: {  	v7 =	vld [tilespmem:s25+$0x2C0]  }
0x25d: {  	v8 =	vld [tilespmem:s25+$0x2D0]  }
0x25e: {  	v9 =	vld [tilespmem:s25+$0x2E0]  }
0x25f: {  	v10 =	vld [tilespmem:s25+$0x2F0]  }
0x260: {  	v11 =	vld [tilespmem:s25+$0x300]  }
0x261: {  	v12 =	vld [tilespmem:s25+$0x310]  }
0x262: {  	v13 =	vld [tilespmem:s25+$0x320]  }
0x263: {  	[tilespmem:$0x1FCB0] =	vst v18;
	v18 =	vld [tilespmem:s25+$0x330]  }
0x264: {  	[tilespmem:$0x1FCA0] =	vst v19;
	v19 =	vld [tilespmem:s25+$0x1A0]  }
0x265: {  	[tilespmem:$0x1FC80] =	vst v21;
	v21 =	vld [tilespmem:s25+$0x1B0]  }
0x266: {  	[tilespmem:$0x1FC90] =	vst v22;
	v22 =	vld [tilespmem:s25+$0x1C0]  }
0x267: {  	v23 =	vld [tilespmem:s25+$0x1D0]  }
0x268: {  	v24 =	vld [tilespmem:s25+$0x1E0]  }
0x269: {  	v26 =	vld [tilespmem:s25+$0x1F0]  }
0x26a: {  	v29 =	vld [tilespmem:s25+$0x200]  }
0x26b: {  	v30 =	vld [tilespmem:s25+$0x210]  }
0x26c: {  	v31 =	vld [tilespmem:s25+$0x220]  }
0x26d: {  	v32 =	vld [tilespmem:s25+$0x230]  }
0x26e: {  	v33 =	vld [tilespmem:s25+$0xA0]  }
0x26f: {  	v34 =	vld [tilespmem:s25+$0xB0]  }
0x270: {  	v35 =	vld [tilespmem:s25+$0xC0]  }
0x271: {  	v36 =	vld [tilespmem:s25+$0xD0]  }
0x272: {  	s30 =	simm.s32 $0x5;
	v37 =	vld [tilespmem:s25+$0xE0]  }
0x273: {  	v3 =	vmov s30;
	v38 =	vld [tilespmem:s25+$0xF0]  }
0x274: {  	s29 =	simm.s32 $0x1;
	v39 =	vld [tilespmem:s25+$0x100]  }
0x275: {  	[tilespmem:$0x1FC70] =	vst v20;
	v20 =	vmov s29;
	v40 =	vld [tilespmem:s25+$0x110]  }
0x276: {  	v41 =	vld [tilespmem:s25+$0x120]  }
0x277: {  	s31 =	simm.s32 $0x4;
	[tilespmem:$0x1FC20] =	vst v42;
	v42 =	vld [tilespmem:s25+$0x130]  }
0x278: {  	v6 =	vmov s31;
	v3 =	vld.idx.msk [tilespmem:v3+s18+$0x0], $0xffff  }
0x279: {  	s26 =	simm.s32 $0x6;
	v48 =	vld [tilespmem:s25+$0xFFFFFDB0]  }
0x27a: {  	v2 =	vmov s26;
	v20 =	vld.idx.msk [tilespmem:v20+s18+$0x0], $0xffff  }
0x27b: {  	[tilespmem:$0x1FC10] =	vst v43;
	v43 =	vld [tilespmem:s25+$0xFFFFFFA0]  }
0x27c: {  	[tilespmem:$0x1FC00] =	vst v44;
	v44 =	vld [tilespmem:s25+$0xFFFFFFB0]  }
0x27d: {  	s28 =	simm.s32 $0x0;
	v6 =	vld.idx.msk [tilespmem:v6+s18+$0x0], $0xffff  }
0x27e: {  	v14 =	vmov s28;
	v45 =	vld [tilespmem:s25+$0xFFFFFFC0]  }
0x27f: {  	v2 =	vld.idx.msk [tilespmem:v2+s18+$0x0], $0xffff;
	v28 =	vmul.f32 v26, v3;
	v56 =	vmul.f32 v48, v20  }
0x280: {  	v46 =	vld [tilespmem:s25+$0xFFFFFEA0];
	v29 =	vmul.f32 v29, v3;
	v30 =	vmul.f32 v30, v3  }
0x281: {  	v47 =	vld [tilespmem:s25+$0xFFFFFDA0];
	v60 =	vmul.f32 v31, v3;
	v61 =	vmul.f32 v32, v3  }
0x282: {  	v27 =	vld [tilespmem:s25+$0xFFFFFCA0];
	v32 =	vmul.f32 v33, v6;
	v34 =	vmul.f32 v34, v6  }
0x283: {  	v25 =	vld.idx.msk [tilespmem:v14+s18+$0x0], $0xffff;
	v51 =	vmul.f32 v36, v6;
	v36 =	vmul.f32 v38, v6  }
0x284: {  	[tilespmem:$0x1FC30] =	vst v52;
	v57 =	vld [tilespmem:s25+$0xFFFFFEC0];
	v38 =	vmul.f32 v40, v6;
	v52 =	vmul.f32 v4, v2  }
0x285: {  	[tilespmem:$0x1FC60] =	vst v55;
	s30 =	simm.s32 $0x2;
	v50 =	vld [tilespmem:s25+$0xFFFFFED0];
	v55 =	vmul.f32 v8, v2;
	v16 =	vmul.f32 v9, v2  }
0x286: {  	v17 =	vmul.f32 v10, v2;
	v15 =	vmul.f32 v11, v2;
	v8 =	vld [tilespmem:s25+$0xFFFFFCB0];
	v9 =	vmov s30  }
0x287: {  	v62 =	vmul.f32 v12, v2;
	v59 =	vmul.f32 v13, v2;
	v11 =	vld [tilespmem:s25+$0xFFFFFCC0]  }
0x288: {  	s31 =	simm.s32 $0x3;
	v58 =	vmul.f32 v18, v2;
	v12 =	vmul.f32 v21, v3;
	v18 =	vld [tilespmem:s25+$0xFFFFFCD0]  }
0x289: {  	v49 =	vmov s31;
	v13 =	vmul.f32 v22, v3;
	v21 =	vmul.f32 v23, v3;
	v22 =	vld [tilespmem:s25+$0xFFFFFDC0]  }
0x28a: {  	v23 =	vmul.f32 v27, v25;
	v27 =	vmul.f32 v24, v3;
	v24 =	vld [tilespmem:s25+$0xFFFFFDD0]  }
0x28b: {  	v14 =	vimm.f32 $0.0e+00;
	v10 =	vmul.f32 v19, v3;
	v8 =	vmul.f32 v8, v25;
	v19 =	vld.idx.msk [tilespmem:v9+s18+$0x0], $0xffff  }
0x28c: {  	[tilespmem:$0x1FC40] =	vst v53;
	v26 =	vld [tilespmem:s25+$0xFFFFFEB0];
	v53 =	vmul.f32 v5, v2;
	v23 =	vadd.f32 v23, v14;
	v9 =	vmul.f32 v47, v20  }
0x28d: {  	[tilespmem:$0x1FC50] =	vst v54;
	v33 =	vld [tilespmem:s25+$0x10];
	v54 =	vmul.f32 v7, v2;
	v11 =	vmul.f32 v11, v25;
	v8 =	vadd.f32 v8, v14  }
0x28e: {  	v23 =	vadd.f32 v9, v23;
	v9 =	vmul.f32 v18, v25;
	v18 =	vld.idx.msk [tilespmem:v49+s18+$0x0], $0xffff;
	v49 =	vmul.f32 v35, v6  }
0x28f: {  	v48 =	vld [tilespmem:s25+$0xFFFFFEE0];
	v35 =	vmul.f32 v37, v6;
	v47 =	vadd.f32 v56, v8;
	v8 =	vmul.f32 v22, v20  }
0x290: {  	v11 =	vadd.f32 v11, v14;
	v22 =	vmul.f32 v24, v20;
	v24 =	vld [tilespmem:s25+$0xFFFFFFD0];
	v31 =	vmul.f32 v46, v19  }
0x291: {  	v9 =	vadd.f32 v9, v14;
	v46 =	vld [tilespmem:s25+$0xFFFFFFE0];
	v26 =	vmul.f32 v26, v19;
	v56 =	vmul.f32 v57, v19  }
0x292: {  	v57 =	vmul.f32 v50, v19;
	v11 =	vadd.f32 v8, v11;
	v23 =	vadd.f32 v31, v23;
	v31 =	vld [tilespmem:s25+$0xFFFFFFF0]  }
0x293: {  	v22 =	vadd.f32 v22, v9;
	v26 =	vadd.f32 v26, v47;
	v47 =	vld [tilespmem:s25+$0x0];
	v43 =	vmul.f32 v43, v18  }
0x294: {  	v37 =	vmul.f32 v39, v6;
	v44 =	vmul.f32 v44, v18;
	v11 =	vadd.f32 v56, v11;
	v56 =	vld [tilespmem:s25+$0xFFFFFDE0]  }
0x295: {  	v45 =	vmul.f32 v45, v18;
	v22 =	vadd.f32 v57, v22;
	v57 =	vld [tilespmem:s25+$0xFFFFFDF0];
	v23 =	vadd.f32 v43, v23  }
0x296: {  	v43 =	vld [tilespmem:s25+$0xFFFFFEF0];
	v63 =	vmul.f32 v24, v18;
	v44 =	vadd.f32 v44, v26;
	v26 =	vmul.f32 v41, v6  }
0x297: {  	v24 =	vmul.f32 v42, v6;
	v41 =	vld [tilespmem:s25+$0xFFFFFCE0];
	v11 =	vadd.f32 v45, v11;
	v39 =	vmul.f32 v46, v18  }
0x298: {  	v46 =	vmul.f32 v33, v18;
	v22 =	vadd.f32 v63, v22;
	v23 =	vadd.f32 v32, v23;
	v63 =	vld [tilespmem:s25+$0xFFFFFD00]  }
0x299: {  	v32 =	vadd.f32 v34, v44;
	v44 =	vld [tilespmem:s25+$0xFFFFFD10];
	v40 =	vmul.f32 v31, v18;
	v45 =	vmul.f32 v47, v18  }
0x29a: {  	v31 =	vld [tilespmem:s25+$0xFFFFFCF0];
	v47 =	vmul.f32 v48, v19;
	v11 =	vadd.f32 v49, v11;
	v49 =	vmul.f32 v56, v20  }
0x29b: {  	v50 =	vmul.f32 v57, v20;
	v22 =	vadd.f32 v51, v22;
	v56 =	vld [tilespmem:s25+$0xFFFFFE00];
	v10 =	vadd.f32 v10, v23  }
0x29c: {  	v23 =	vld [tilespmem:s25+$0xFFFFFE10];
	v12 =	vadd.f32 v12, v32;
	v48 =	vmul.f32 v43, v19;
	v11 =	vadd.f32 v13, v11  }
0x29d: {  	v41 =	vmul.f32 v41, v25;
	v21 =	vadd.f32 v21, v22;
	v13 =	vadd.f32 v52, v10  }
0x29e: {  	v51 =	vld [tilespmem:s25+$0xFFFFFF00];
	v12 =	vadd.f32 v53, v12;
	v22 =	vmul.f32 v63, v25;
	v63 =	vmul.f32 v44, v25  }
0x29f: {  	v32 =	vld [tilespmem:s25+$0xFFFFFF20];
	v11 =	vadd.f32 v54, v11;
	v44 =	vadd.f32 v41, v14;
	v31 =	vmul.f32 v31, v25  }
0x2a0: {  	v43 =	vld [tilespmem:s25+$0x20];
	v10 =	vadd.f32 v55, v21;
	v21 =	vimm.f32 $0.0e+00;
	v41 =	vmul.f32 v56, v20  }
0x2a1: {  	v52 =	vld [tilespmem:s25+$0xFFFFFF10];
	v53 =	vadd.f32 v22, v14;
	v33 =	vadd.f32 v63, v14;
	v34 =	vmul.f32 v23, v20  }
0x2a2: {  	[tilespmem:$0x1FCC0] =	vst v1;
	s26 =	simm.s32 $0xD;
	v23 =	vimm.f32 $0.0e+00;
	v22 =	vimm.f32 $0.0e+00;
	v42 =	vadd.f32 v31, v14;
	v31 =	vld [tilespmem:s25+$0x30]  }
.LBB2_5:
0x2a3: {  	v44 =	vadd.f32 v49, v44  }
0x2a4: {  	v42 =	vadd.f32 v50, v42;
	v50 =	vld [tilespmem:s25+$0xFFFFFF30]  }
0x2a5: {  	v54 =	vld [tilespmem:s25+$0xFFFFFD20];
	v41 =	vadd.f32 v41, v53;
	v44 =	vadd.f32 v47, v44  }
0x2a6: {  	v33 =	vadd.f32 v34, v33;
	v57 =	vmul.f32 v51, v19;
	v63 =	vmul.f32 v52, v19;
	v52 =	vld [tilespmem:s25+$0xFFFFFE30]  }
0x2a7: {  	v42 =	vadd.f32 v48, v42;
	v48 =	vmul.f32 v31, v18;
	v31 =	vld [tilespmem:s25+$0xFFFFFD30];
	v55 =	vadd.f32 v39, v44  }
0x2a8: {  	v44 =	vld [tilespmem:s25+$0xFFFFFD50];
	v41 =	vadd.f32 v57, v41;
	v33 =	vadd.f32 v63, v33  }
0x2a9: {  	v49 =	vmul.f32 v32, v19;
	v56 =	vadd.f32 v40, v42;
	v57 =	vld [tilespmem:s25+$0xFFFFFD40];
	v32 =	vadd.f32 v35, v55  }
0x2aa: {  	v34 =	vld [tilespmem:s25+$0xFFFFFE20];
	v42 =	vmul.f32 v50, v19;
	v41 =	vadd.f32 v45, v41;
	v33 =	vadd.f32 v46, v33  }
0x2ab: {  	v53 =	vld [tilespmem:s25+$0xFFFFFE50];
	v46 =	vadd.f32 v36, v56;
	v27 =	vadd.f32 v27, v32;
	v50 =	vmul.f32 v52, v20  }
0x2ac: {  	v51 =	vld [tilespmem:s25+$0xFFFFFE40];
	v52 =	vmul.f32 v54, v25;
	v54 =	vmul.f32 v31, v25;
	v37 =	vadd.f32 v37, v41  }
0x2ad: {  	v55 =	vld [tilespmem:s25+$0xFFFFFF40];
	v28 =	vadd.f32 v28, v46;
	v0 =	vadd.f32 v16, v27;
	v16 =	vmul.f32 v44, v25  }
0x2ae: {  	v56 =	vmul.f32 v57, v25;
	v57 =	vld [tilespmem:s25+$0xFFFFFF50];
	v7 =	vadd.f32 v52, v14;
	v14 =	vadd.f32 v54, v23  }
0x2af: {  	v23 =	vld [tilespmem:s25+$0x50];
	v29 =	vadd.f32 v29, v37;
	[tilespmem:$0x1FBC0] =	vst v0;
	v0 =	vadd.f32 v17, v28  }
0x2b0: {  	v63 =	vmul.f32 v34, v20;
	v17 =	vld [tilespmem:s25+$0x40];
	v16 =	vadd.f32 v16, v21  }
0x2b1: {  	v27 =	vld [tilespmem:s25+$0x150];
	[tilespmem:$0x1FBD0] =	vst v0;
	v0 =	vadd.f32 v15, v29;
	v15 =	vmul.f32 v51, v20;
	v20 =	vmul.f32 v53, v20  }
0x2b2: {  	v21 =	vld [tilespmem:s25+$0x140];
	v22 =	vadd.f32 v56, v22  }
0x2b3: {  	v43 =	vmul.f32 v43, v18;
	v25 =	vmul.f32 v55, v19;
	v16 =	vadd.f32 v20, v16;
	v20 =	vld [tilespmem:s25+$0x240]  }
0x2b4: {  	v14 =	vadd.f32 v50, v14;
	v15 =	vadd.f32 v15, v22;
	v19 =	vmul.f32 v57, v19;
	v22 =	vld [tilespmem:s25+$0x250]  }
0x2b5: {  	v7 =	vadd.f32 v63, v7;
	v17 =	vmul.f32 v17, v18;
	v18 =	vmul.f32 v23, v18;
	v23 =	vld [tilespmem:s25+$0x350]  }
0x2b6: {  	v14 =	vadd.f32 v42, v14;
	v16 =	vadd.f32 v19, v16;
	v19 =	vld [tilespmem:s25+$0x340];
	s25 =	sadd.s32 $0x700, s25  }
0x2b7: {  	v7 =	vadd.f32 v49, v7;
	v15 =	vadd.f32 v25, v15;
	v25 =	vld [tilespmem:s25+$0x2A0]  }
0x2b8: {  	v14 =	vadd.f32 v48, v14;
	v4 =	vld [tilespmem:s25+$0x300]  }
0x2b9: {  	v7 =	vadd.f32 v43, v7;
	v5 =	vld [tilespmem:s25+$0x310]  }
0x2ba: {  	v14 =	vadd.f32 v24, v14;
	v24 =	vld [tilespmem:s25+$0x1C0]  }
0x2bb: {  	v7 =	vadd.f32 v26, v7;
	v26 =	vld [tilespmem:s25+$0x1D0]  }
0x2bc: {  	v21 =	vmul.f32 v21, v6;
	v6 =	vmul.f32 v27, v6;
	v27 =	vld [tilespmem:s25+$0x1E0]  }
0x2bd: {  	v35 =	vld [tilespmem:s25+$0x220]  }
0x2be: {  	v36 =	vld [tilespmem:s25+$0x230]  }
0x2bf: {  	v37 =	vld [tilespmem:s25+$0xA0]  }
0x2c0: {  	v33 =	vadd.f32 v38, v33;
	v38 =	vld [tilespmem:s25+$0xB0]  }
0x2c1: {  	v39 =	vld [tilespmem:s25+$0xC0]  }
0x2c2: {  	v40 =	vld [tilespmem:s25+$0xD0]  }
0x2c3: {  	v45 =	vld [tilespmem:s25+$0xE0]  }
0x2c4: {  	v46 =	vld [tilespmem:s25+$0xF0]  }
0x2c5: {  	v47 =	vld [tilespmem:s25+$0x100]  }
0x2c6: {  	v48 =	vld [tilespmem:s25+$0x110]  }
0x2c7: {  	v49 =	vld [tilespmem:s25+$0x120];
	v16 =	vadd.f32 v18, v16  }
0x2c8: {  	v30 =	vadd.f32 v30, v33;
	v50 =	vld [tilespmem:s25+$0x130]  }
0x2c9: {  	v51 =	vld [tilespmem:s25+$0xFFFFFFA0];
	v18 =	vmul.f32 v20, v3;
	v3 =	vmul.f32 v22, v3;
	v6 =	vadd.f32 v6, v16  }
0x2ca: {  	[tilespmem:$0x1FBE0] =	vst v0;
	v0 =	vadd.f32 v62, v30;
	v52 =	vld [tilespmem:s25+$0xFFFFFFB0]  }
0x2cb: {  	v54 =	vld [tilespmem:s25+$0xFFFFFFC0];
	v9 =	vmul.f32 v19, v2;
	v2 =	vmul.f32 v23, v2;
	v3 =	vadd.f32 v3, v6  }
0x2cc: {  	v55 =	vld [tilespmem:s25+$0xFFFFFFD0]  }
0x2cd: {  	[tilespmem:$0x1FBF0] =	vst v0;
	v56 =	vld [tilespmem:s25+$0xFFFFFFE0];
	v0 =	vadd.f32 v2, v3;
	v2 =	vmov s26  }
0x2ce: {  	s28 =	sadd.s32 $0xFFFFFFFF, s26;
	v15 =	vadd.f32 v17, v15;
	v17 =	vld [tilespmem:s25+$0x2B0]  }
0x2cf: {  	v20 =	vld [tilespmem:s25+$0x2C0];
	v3 =	vmov s28  }
0x2d0: {  	v8 =	vadd.f32 v61, v14;
	v14 =	vld [tilespmem:s25+$0x2E0]  }
0x2d1: {  	v16 =	vld [tilespmem:s25+$0x2D0]  }
0x2d2: {  	v2 =	vld.idx.msk [tilespmem:v2+s18+$0x0], $0xffff  }
0x2d3: {  	v15 =	vadd.f32 v21, v15;
	v32 =	vadd.f32 v58, v8;
	v8 =	vld [tilespmem:s25+$0x320]  }
0x2d4: {  	s31 =	sadd.s32 $0xFFFFFFFE, s26;
	v3 =	vld.idx.msk [tilespmem:v3+s18+$0x0], $0xffff  }
0x2d5: {  	v62 =	vmov s31;
	v15 =	vadd.f32 v18, v15;
	v6 =	vld [tilespmem:s25+$0x2F0]  }
0x2d6: {  	s31 =	sadd.s32 $0xFFFFFFFA, s26;
	v7 =	vadd.f32 v60, v7;
	v19 =	vld [tilespmem:s25+$0x1B0]  }
0x2d7: {  	s29 =	sadd.s32 $0xFFFFFFFD, s26;
	v18 =	vld [tilespmem:s25+$0x1A0];
	v33 =	vadd.f32 v9, v15;
	v43 =	vmul.f32 v25, v2;
	v25 =	vmov s31  }
0x2d8: {  	v9 =	vld [tilespmem:s25+$0x330];
	v44 =	vmul.f32 v17, v2;
	v41 =	vmul.f32 v20, v2;
	v20 =	vmov s29;
	s29 =	sadd.s32 $0xFFFFFFFB, s26  }
0x2d9: {  	v1 =	vld [tilespmem:s25+$0xFFFFFDB0];
	v42 =	vmul.f32 v16, v2;
	v17 =	vmul.f32 v24, v3;
	v24 =	vmov s29  }
0x2da: {  	s30 =	sadd.s32 $0xFFFFFFFC, s26;
	v34 =	vadd.f32 v59, v7;
	v23 =	vmul.f32 v14, v2;
	v31 =	vmul.f32 v6, v2;
	v6 =	vld.idx.msk [tilespmem:v62+s18+$0x0], $0xffff  }
0x2db: {  	v7 =	vld [tilespmem:s25+$0xFFFFFCB0];
	v22 =	vmul.f32 v4, v2;
	v59 =	vmul.f32 v19, v3;
	v19 =	vmov s30  }
0x2dc: {  	v21 =	vmul.f32 v5, v2;
	v15 =	vmul.f32 v8, v2;
	v25 =	vld.idx.msk [tilespmem:v25+s18+$0x0], $0xffff  }
0x2dd: {  	v14 =	vmul.f32 v9, v2;
	v58 =	vmul.f32 v18, v3;
	v18 =	vld.idx.msk [tilespmem:v20+s18+$0x0], $0xffff  }
0x2de: {  	v62 =	vmul.f32 v26, v3;
	v16 =	vmul.f32 v35, v3;
	v20 =	vld.idx.msk [tilespmem:v24+s18+$0x0], $0xffff  }
0x2df: {  	v60 =	vld [tilespmem:s25+$0xFFFFFEB0];
	v61 =	vmul.f32 v36, v3;
	v4 =	vmul.f32 v37, v6  }
0x2e0: {  	v5 =	vmul.f32 v38, v6;
	v8 =	vmul.f32 v39, v6;
	v19 =	vld.idx.msk [tilespmem:v19+s18+$0x0], $0xffff  }
0x2e1: {  	v35 =	vmul.f32 v45, v6;
	v45 =	vld [tilespmem:s25+$0xFFFFFCC0];
	v7 =	vmul.f32 v7, v25  }
0x2e2: {  	v57 =	vld [tilespmem:s25+$0xFFFFFFF0];
	v9 =	vmul.f32 v40, v6;
	v36 =	vmul.f32 v46, v6  }
0x2e3: {  	v37 =	vmul.f32 v47, v6;
	v47 =	vld [tilespmem:s25+$0xFFFFFDC0];
	v1 =	vmul.f32 v1, v20;
	v7 =	vadd.f32 v7, v12  }
0x2e4: {  	v26 =	vmul.f32 v49, v6;
	v46 =	vld [tilespmem:s25+$0xFFFFFCD0];
	v24 =	vmul.f32 v50, v6  }
0x2e5: {  	v63 =	vld [tilespmem:s25+$0xFFFFFDA0];
	v50 =	vmul.f32 v54, v18;
	v54 =	vmul.f32 v60, v19;
	v1 =	vadd.f32 v1, v7  }
0x2e6: {  	v49 =	vmul.f32 v52, v18;
	v52 =	vld [tilespmem:s25+$0xFFFFFDD0];
	v45 =	vmul.f32 v45, v25  }
0x2e7: {  	v38 =	vmul.f32 v48, v6;
	v39 =	vmul.f32 v56, v18;
	v56 =	vld [tilespmem:s25+$0xFFFFFEC0];
	v1 =	vadd.f32 v54, v1  }
0x2e8: {  	[tilespmem:$0x1FBB0] =	vst v0;
	v0 =	vld [tilespmem:s25+$0xFFFFFCA0];
	v48 =	vmul.f32 v51, v18;
	v12 =	vmul.f32 v47, v20;
	v11 =	vadd.f32 v45, v11  }
0x2e9: {  	v40 =	vmul.f32 v57, v18;
	v57 =	vld [tilespmem:s25+$0xFFFFFED0];
	v46 =	vmul.f32 v46, v25;
	v1 =	vadd.f32 v49, v1  }
0x2ea: {  	v51 =	vmul.f32 v55, v18;
	v55 =	vmul.f32 v63, v20;
	v11 =	vadd.f32 v12, v11;
	v12 =	vld [tilespmem:s25+$0xFFFFFDE0]  }
0x2eb: {  	v28 =	vld [tilespmem:s25+$0x1F0];
	v10 =	vadd.f32 v46, v10;
	v63 =	vmul.f32 v52, v20;
	v1 =	vadd.f32 v5, v1  }
0x2ec: {  	v29 =	vld [tilespmem:s25+$0x200];
	v7 =	vmul.f32 v56, v19  }
0x2ed: {  	v10 =	vadd.f32 v63, v10;
	v63 =	vld [tilespmem:s25+$0xFFFFFCE0];
	v1 =	vadd.f32 v59, v1  }
0x2ee: {  	v53 =	vld [tilespmem:s25+$0xFFFFFEA0];
	v0 =	vmul.f32 v0, v25;
	v7 =	vadd.f32 v7, v11  }
0x2ef: {  	v46 =	vmul.f32 v57, v19;
	v49 =	vmul.f32 v12, v20;
	v12 =	vadd.f32 v44, v1;
	v1 =	vld [tilespmem:$0x1FBC0]  }
0x2f0: {  	v0 =	vadd.f32 v0, v13;
	v13 =	vld [tilespmem:s25+$0x10];
	v7 =	vadd.f32 v50, v7  }
0x2f1: {  	v57 =	vld [tilespmem:s25+$0xFFFFFDF0];
	v10 =	vadd.f32 v46, v10  }
0x2f2: {  	v11 =	vld [tilespmem:s25+$0xFFFFFCF0];
	v5 =	vadd.f32 v8, v7;
	v8 =	vmul.f32 v63, v25  }
0x2f3: {  	v30 =	vld [tilespmem:s25+$0x210];
	v10 =	vadd.f32 v51, v10  }
0x2f4: {  	v53 =	vmul.f32 v53, v19;
	v0 =	vadd.f32 v55, v0;
	v44 =	vadd.f32 v8, v1;
	v1 =	vld [tilespmem:$0x1FBD0]  }
0x2f5: {  	v60 =	vld [tilespmem:s25+$0x0];
	v7 =	vadd.f32 v9, v10  }
0x2f6: {  	v52 =	vld [tilespmem:s25+$0xFFFFFEF0];
	v0 =	vadd.f32 v53, v0;
	v46 =	vmul.f32 v13, v18  }
0x2f7: {  	v13 =	vld [tilespmem:s25+$0xFFFFFD00];
	v50 =	vmul.f32 v57, v20;
	v57 =	vmul.f32 v11, v25;
	v7 =	vadd.f32 v62, v7  }
0x2f8: {  	v47 =	vld [tilespmem:s25+$0xFFFFFEE0];
	v0 =	vadd.f32 v48, v0  }
0x2f9: {  	v10 =	vadd.f32 v42, v7;
	v42 =	vadd.f32 v57, v1;
	v1 =	vld [tilespmem:$0x1FBE0]  }
0x2fa: {  	v45 =	vmul.f32 v60, v18;
	v60 =	vmovc v16;
	v16 =	vmov v23;
	v23 =	vmov v32;
	v32 =	vld [tilespmem:s25+$0xFFFFFD10]  }
0x2fb: {  	v0 =	vadd.f32 v4, v0;
	v4 =	vld [tilespmem:s25+$0xFFFFFE00]  }
0x2fc: {  	v48 =	vmul.f32 v52, v19;
	v52 =	vld [tilespmem:s25+$0xFFFFFF10];
	v63 =	vmul.f32 v13, v25  }
0x2fd: {  	v9 =	vld [tilespmem:s25+$0xFFFFFE10]  }
0x2fe: {  	p0 =	sne.s32 s26, $0x30;
	v53 =	vadd.f32 v63, v1;
	v1 =	vld [tilespmem:$0x1FBF0]  }
.Ltmp3:
0x2ff: {  	v27 =	vmul.f32 v27, v3;
	v28 =	vmul.f32 v28, v3;
	v51 =	vld [tilespmem:s25+$0xFFFFFF00];
	v0 =	vadd.f32 v58, v0;
	(pc) =	sbr.rel @p0 .LBB2_5-.Ltmp3, $4  }
0x300: {  	v29 =	vmul.f32 v29, v3;
	v30 =	vmul.f32 v30, v3;
	v5 =	vadd.f32 v17, v5;
	v17 =	vmovc v31;
	v31 =	vld [tilespmem:s25+$0x30]  }
0x301: {  	v47 =	vmul.f32 v47, v19;
	v58 =	vmovc v14;
	v13 =	vadd.f32 v43, v0;
	v0 =	vmul.f32 v32, v25;
	v43 =	vld [tilespmem:s25+$0x20]  }
0x302: {  	v14 =	vmovc v34;
	v59 =	vmovc v15;
	v15 =	vmov v22;
	v22 =	vmov v33;
	v32 =	vld [tilespmem:s25+$0xFFFFFF20];
	v11 =	vadd.f32 v41, v5  }
0x303: {  	s26 =	sadd.s32 $0x7, s26;
	v62 =	vmovc v21;
	v21 =	vld [tilespmem:$0x1FBB0];
	v41 =	vmul.f32 v4, v20;
	v34 =	vmul.f32 v9, v20;
	v33 =	vadd.f32 v0, v1  }
0x304: {  	v0 =	vld [tilespmem:s25+$0xFFFFFF30];
	v1 =	vadd.f32 v49, v44  }
0x305: {  	v5 =	vadd.f32 v50, v42;
	v9 =	vmul.f32 v51, v19;
	v44 =	vld [tilespmem:s25+$0xFFFFFD50];
	v7 =	vadd.f32 v41, v53  }
0x306: {  	v4 =	vld [tilespmem:s25+$0xFFFFFE20];
	v55 =	vmul.f32 v52, v19;
	v33 =	vadd.f32 v34, v33;
	v1 =	vadd.f32 v47, v1  }
0x307: {  	v8 =	vld [tilespmem:s25+$0xFFFFFE30];
	v5 =	vadd.f32 v48, v5;
	v7 =	vadd.f32 v9, v7  }
0x308: {  	v56 =	vld [tilespmem:s25+$0xFFFFFD20];
	v31 =	vmul.f32 v31, v18;
	v9 =	vadd.f32 v55, v33;
	v1 =	vadd.f32 v39, v1  }
0x309: {  	v57 =	vld [tilespmem:s25+$0xFFFFFD30];
	v43 =	vmul.f32 v43, v18;
	v5 =	vadd.f32 v40, v5;
	v7 =	vadd.f32 v45, v7  }
0x30a: {  	v63 =	vld [tilespmem:s25+$0xFFFFFD40];
	v9 =	vadd.f32 v46, v9;
	v54 =	vmul.f32 v44, v25;
	v1 =	vadd.f32 v35, v1  }
0x30b: {  	v49 =	vld [tilespmem:s25+$0xFFFFFF50];
	v32 =	vmul.f32 v32, v19;
	v5 =	vadd.f32 v36, v5;
	v7 =	vadd.f32 v37, v7  }
0x30c: {  	v46 =	vld [tilespmem:s25+$0xFFFFFE40];
	v0 =	vmul.f32 v0, v19;
	v9 =	vadd.f32 v38, v9;
	v21 =	vadd.f32 v54, v21  }
0x30d: {  	v47 =	vld [tilespmem:s25+$0xFFFFFE50];
	v4 =	vmul.f32 v4, v20;
	v1 =	vadd.f32 v27, v1;
	v5 =	vadd.f32 v28, v5  }
0x30e: {  	v48 =	vld [tilespmem:s25+$0xFFFFFF40];
	v50 =	vmul.f32 v56, v25;
	v7 =	vadd.f32 v29, v7;
	v9 =	vadd.f32 v30, v9  }
0x30f: {  	v51 =	vld [tilespmem:s25+$0x40];
	v52 =	vmul.f32 v57, v25;
	v1 =	vadd.f32 v16, v1;
	v5 =	vadd.f32 v17, v5  }
0x310: {  	v53 =	vld [tilespmem:s25+$0x140];
	v8 =	vmul.f32 v8, v20;
	v7 =	vadd.f32 v15, v7;
	v15 =	vadd.f32 v50, v14  }
0x311: {  	v16 =	vld [tilespmem:s25+$0x50];
	v17 =	vmul.f32 v63, v25;
	v56 =	vmul.f32 v46, v20;
	v14 =	vadd.f32 v52, v23  }
0x312: {  	v55 =	vld [tilespmem:s25+$0x150];
	v20 =	vmul.f32 v47, v20;
	v9 =	vadd.f32 v62, v9;
	v4 =	vadd.f32 v4, v15  }
0x313: {  	s26 =	smul.u32 $0x600, s22;
	v57 =	vmul.f32 v48, v19;
	v62 =	vld [tilespmem:s25+$0x340];
	v17 =	vadd.f32 v17, v22;
	v8 =	vadd.f32 v8, v14  }
0x314: {  	v19 =	vmul.f32 v49, v19;
	v20 =	vadd.f32 v20, v21;
	v15 =	vld [tilespmem:s25+$0x240];
	v4 =	vadd.f32 v32, v4  }
0x315: {  	s26 =	sshra.s32 s26, $0x2;
	v63 =	vmul.f32 v51, v18;
	v14 =	vld [tilespmem:s25+$0x250];
	v17 =	vadd.f32 v56, v17;
	v0 =	vadd.f32 v0, v8  }
0x316: {  	v8 =	vld [tilespmem:s25+$0x350];
	[tilespmem:s26+$0x8000] =	vst v13;
	v13 =	vadd.f32 v19, v20;
	v16 =	vmul.f32 v16, v18;
	v4 =	vadd.f32 v43, v4  }
0x317: {  	[tilespmem:s26+$0x8010] =	vst v12;
	v12 =	vmul.f32 v53, v6;
	v17 =	vadd.f32 v57, v17;
	v0 =	vadd.f32 v31, v0  }
0x318: {  	[tilespmem:s26+$0x8020] =	vst v11;
	v6 =	vmul.f32 v55, v6;
	v11 =	vadd.f32 v16, v13;
	v4 =	vadd.f32 v26, v4  }
0x319: {  	[tilespmem:s26+$0x8030] =	vst v10;
	v17 =	vadd.f32 v63, v17;
	v10 =	vmul.f32 v15, v3;
	v0 =	vadd.f32 v24, v0  }
0x31a: {  	[tilespmem:s26+$0x8040] =	vst v1;
	v3 =	vmul.f32 v14, v3;
	v1 =	vadd.f32 v6, v11;
	v4 =	vadd.f32 v60, v4  }
0x31b: {  	[tilespmem:s26+$0x8050] =	vst v5;
	v5 =	vmul.f32 v62, v2;
	v12 =	vadd.f32 v12, v17;
	v0 =	vadd.f32 v61, v0  }
0x31c: {  	[tilespmem:s26+$0x8060] =	vst v7;
	v2 =	vmul.f32 v8, v2;
	v1 =	vadd.f32 v3, v1;
	v4 =	vadd.f32 v59, v4  }
0x31d: {  	[tilespmem:s26+$0x8070] =	vst v9;
	v6 =	vadd.f32 v10, v12;
	v0 =	vadd.f32 v58, v0  }
0x31e: {  	v1 =	vadd.f32 v2, v1;
	[tilespmem:s26+$0x8080] =	vst v4  }
0x31f: {  	p0 =	seq.s32 s22, $0x1F;
	v3 =	vadd.f32 v5, v6;
	[tilespmem:s26+$0x8090] =	vst v0  }
0x320: {  	s29 =	sshll.u32 s22, $0x1;
	s24 =	sshrl.u32 @!p0 s24, $0x2;
	[tilespmem:s26+$0x80B0] =	vst v1  }
0x321: {  	s28 =	simm.s32 @!p0 $0xB000;
	s24 =	sadd.s32 @!p0 $0x100, s24;
	s25 =	simm.s32 @!p0 $0x68;
	[tilespmem:s26+$0x80A0] =	vst v3  }
0x322: {  	[tilespmem:s28], [sflag:$0x1] =	stream.indirect.gather @!p0 [hbm4b:s5+s25], $0x80, s24, s25, $0xb8;
	[tilespmem:$0x11C40] =	vst v63  }
0x323: {  	s24 =	sor.u32 $0x1, s29;
	_ =	swait.ge [sflag:s19], $0x3400  }
0x324: {  	s30 =	sshll.u32 s24, $0x8;
	[sflag:s19] =	ssyncset.done $0x0  }
0x325: {  	s31 =	sand.u32 $0x3FFFFF00, s30;
	[sflag:s19] =	ssyncadd.s32 $0xFFFFCC00  }
0x326: {  	v2 =	vld [tilespmem:s31+$0x4000]  }
0x327: {  	s25 =	simm.s32 $0xE760;
	v3 =	vld [tilespmem:s31+$0x4010]  }
0x328: {  	v0 =	vld [tilespmem:s25+$0xFFFFFCA0]  }
0x329: {  	v1 =	vld [tilespmem:s25+$0xFFFFFCB0]  }
0x32a: {  	v4 =	vld [tilespmem:s31+$0x4020]  }
0x32b: {  	v8 =	vld [tilespmem:s25+$0xFFFFFCC0]  }
0x32c: {  	v5 =	vld [tilespmem:s31+$0x4030]  }
0x32d: {  	v9 =	vld [tilespmem:s25+$0xFFFFFCD0]  }
0x32e: {  	v6 =	vld [tilespmem:s31+$0x4040];
	v0 =	vmul.f32 v0, v2;
	v1 =	vmul.f32 v1, v3  }
0x32f: {  	v10 =	vld [tilespmem:s25+$0xFFFFFCE0]  }
0x330: {  	v7 =	vld [tilespmem:s31+$0x4050];
	v0 =	vadd.f32 v1, v0;
	v1 =	vmul.f32 v8, v4  }
0x331: {  	v11 =	vld [tilespmem:s25+$0xFFFFFCF0]  }
0x332: {  	v12 =	vmul.f32 v9, v5;
	v8 =	vld [tilespmem:s31+$0x4060];
	v0 =	vadd.f32 v1, v0  }
0x333: {  	v1 =	vld [tilespmem:s25+$0xFFFFFD00]  }
0x334: {  	v13 =	vld [tilespmem:s25+$0xFFFFFD10];
	v0 =	vadd.f32 v12, v0;
	v12 =	vmul.f32 v10, v6  }
0x335: {  	v9 =	vld [tilespmem:s31+$0x4070]  }
0x336: {  	v14 =	vld [tilespmem:s25+$0xFFFFFD20];
	v0 =	vadd.f32 v12, v0;
	v12 =	vmul.f32 v11, v7  }
0x337: {  	v10 =	vld [tilespmem:s31+$0x4080]  }
0x338: {  	v15 =	vld [tilespmem:s25+$0xFFFFFD30];
	v1 =	vmul.f32 v1, v8;
	v0 =	vadd.f32 v12, v0  }
0x339: {  	v11 =	vld [tilespmem:s31+$0x4090]  }
0x33a: {  	v16 =	vld [tilespmem:s25+$0xFFFFFD40];
	v0 =	vadd.f32 v1, v0;
	v1 =	vmul.f32 v13, v9  }
0x33b: {  	v12 =	vld [tilespmem:s31+$0x40A0]  }
0x33c: {  	v13 =	vld [tilespmem:s31+$0x40B0];
	v0 =	vadd.f32 v1, v0;
	v1 =	vmul.f32 v14, v10  }
0x33d: {  	v14 =	vld [tilespmem:s25+$0xFFFFFD50]  }
0x33e: {  	v0 =	vadd.f32 v1, v0;
	v1 =	vmul.f32 v15, v11;
	_ =	sdelay $0x1  }
0x33f: {  	v0 =	vadd.f32 v1, v0;
	v1 =	vmul.f32 v16, v12;
	_ =	sdelay $0x1  }
0x340: {  	v0 =	vadd.f32 v1, v0;
	v1 =	vmul.f32 v14, v13;
	_ =	sdelay $0x1  }
0x341: {  	v0 =	vadd.f32 v1, v0  }
0x342: {  	s26 =	simm.s32 $0x60  }
0x343: {  	[tilespmem:s26+$0x117A0] =	vst v0  }
0x344: {  	v0 =	vld [tilespmem:s25+$0xFFFFFDA0]  }
0x345: {  	v1 =	vld [tilespmem:s25+$0xFFFFFDB0];
	_ =	sdelay $0x1  }
0x346: {  	v14 =	vld [tilespmem:s25+$0xFFFFFDC0];
	_ =	sdelay $0x1  }
0x347: {  	v15 =	vld [tilespmem:s25+$0xFFFFFDD0]  }
0x348: {  	v0 =	vmul.f32 v0, v2;
	v1 =	vmul.f32 v1, v3  }
0x349: {  	v16 =	vld [tilespmem:s25+$0xFFFFFDE0]  }
0x34a: {  	v0 =	vadd.f32 v1, v0;
	v1 =	vmul.f32 v14, v4  }
0x34b: {  	v14 =	vld [tilespmem:s25+$0xFFFFFDF0]  }
0x34c: {  	v0 =	vadd.f32 v1, v0;
	v1 =	vmul.f32 v15, v5  }
0x34d: {  	v15 =	vld [tilespmem:s25+$0xFFFFFE00]  }
0x34e: {  	v0 =	vadd.f32 v1, v0;
	v1 =	vmul.f32 v16, v6  }
0x34f: {  	v16 =	vld [tilespmem:s25+$0xFFFFFE10]  }
0x350: {  	v0 =	vadd.f32 v1, v0;
	v1 =	vmul.f32 v14, v7  }
0x351: {  	v14 =	vld [tilespmem:s25+$0xFFFFFE20]  }
0x352: {  	v0 =	vadd.f32 v1, v0;
	v1 =	vmul.f32 v15, v8  }
0x353: {  	v15 =	vld [tilespmem:s25+$0xFFFFFE30]  }
0x354: {  	v0 =	vadd.f32 v1, v0;
	v1 =	vmul.f32 v16, v9  }
0x355: {  	v16 =	vld [tilespmem:s25+$0xFFFFFE40]  }
0x356: {  	v0 =	vadd.f32 v1, v0;
	v1 =	vmul.f32 v14, v10  }
0x357: {  	v14 =	vld [tilespmem:s25+$0xFFFFFE50]  }
0x358: {  	v0 =	vadd.f32 v1, v0;
	v1 =	vmul.f32 v15, v11;
	_ =	sdelay $0x1  }
0x359: {  	v0 =	vadd.f32 v1, v0;
	v1 =	vmul.f32 v16, v12;
	_ =	sdelay $0x1  }
0x35a: {  	v0 =	vadd.f32 v1, v0;
	v1 =	vmul.f32 v14, v13;
	_ =	sdelay $0x1  }
0x35b: {  	v0 =	vadd.f32 v1, v0;
	_ =	sdelay $0x1  }
0x35c: {  	[tilespmem:s26+$0x117B0] =	vst v0  }
0x35d: {  	v0 =	vld [tilespmem:s25+$0xFFFFFEA0]  }
0x35e: {  	v1 =	vld [tilespmem:s25+$0xFFFFFEB0];
	_ =	sdelay $0x1  }
0x35f: {  	v14 =	vld [tilespmem:s25+$0xFFFFFEC0];
	_ =	sdelay $0x1  }
0x360: {  	v15 =	vld [tilespmem:s25+$0xFFFFFED0]  }
0x361: {  	v0 =	vmul.f32 v0, v2;
	v1 =	vmul.f32 v1, v3  }
0x362: {  	v16 =	vld [tilespmem:s25+$0xFFFFFEE0]  }
0x363: {  	v0 =	vadd.f32 v1, v0;
	v1 =	vmul.f32 v14, v4  }
0x364: {  	v14 =	vld [tilespmem:s25+$0xFFFFFEF0]  }
0x365: {  	v0 =	vadd.f32 v1, v0;
	v1 =	vmul.f32 v15, v5  }
0x366: {  	v15 =	vld [tilespmem:s25+$0xFFFFFF00]  }
0x367: {  	v0 =	vadd.f32 v1, v0;
	v1 =	vmul.f32 v16, v6  }
0x368: {  	v16 =	vld [tilespmem:s25+$0xFFFFFF10]  }
0x369: {  	v0 =	vadd.f32 v1, v0;
	v1 =	vmul.f32 v14, v7  }
0x36a: {  	v14 =	vld [tilespmem:s25+$0xFFFFFF20]  }
0x36b: {  	v0 =	vadd.f32 v1, v0;
	v1 =	vmul.f32 v15, v8  }
0x36c: {  	v15 =	vld [tilespmem:s25+$0xFFFFFF30]  }
0x36d: {  	v0 =	vadd.f32 v1, v0;
	v1 =	vmul.f32 v16, v9  }
0x36e: {  	v16 =	vld [tilespmem:s25+$0xFFFFFF40]  }
0x36f: {  	v0 =	vadd.f32 v1, v0;
	v1 =	vmul.f32 v14, v10  }
0x370: {  	v14 =	vld [tilespmem:s25+$0xFFFFFF50]  }
0x371: {  	v0 =	vadd.f32 v1, v0;
	v1 =	vmul.f32 v15, v11;
	_ =	sdelay $0x1  }
0x372: {  	v0 =	vadd.f32 v1, v0;
	v1 =	vmul.f32 v16, v12;
	_ =	sdelay $0x1  }
0x373: {  	v0 =	vadd.f32 v1, v0;
	v1 =	vmul.f32 v14, v13;
	_ =	sdelay $0x1  }
0x374: {  	v0 =	vadd.f32 v1, v0;
	_ =	sdelay $0x1  }
0x375: {  	[tilespmem:s26+$0x117C0] =	vst v0  }
0x376: {  	v0 =	vld [tilespmem:s25+$0xFFFFFFA0]  }
0x377: {  	v1 =	vld [tilespmem:s25+$0xFFFFFFB0];
	_ =	sdelay $0x1  }
0x378: {  	v14 =	vld [tilespmem:s25+$0xFFFFFFC0];
	_ =	sdelay $0x1  }
0x379: {  	v15 =	vld [tilespmem:s25+$0xFFFFFFD0]  }
0x37a: {  	v0 =	vmul.f32 v0, v2;
	v1 =	vmul.f32 v1, v3  }
0x37b: {  	v16 =	vld [tilespmem:s25+$0xFFFFFFE0]  }
0x37c: {  	v0 =	vadd.f32 v1, v0;
	v1 =	vmul.f32 v14, v4  }
0x37d: {  	v14 =	vld [tilespmem:s25+$0xFFFFFFF0]  }
0x37e: {  	v0 =	vadd.f32 v1, v0;
	v1 =	vmul.f32 v15, v5  }
0x37f: {  	v15 =	vld [tilespmem:s25+$0x0]  }
0x380: {  	v0 =	vadd.f32 v1, v0;
	v1 =	vmul.f32 v16, v6  }
0x381: {  	v16 =	vld [tilespmem:s25+$0x10]  }
0x382: {  	v0 =	vadd.f32 v1, v0;
	v1 =	vmul.f32 v14, v7  }
0x383: {  	v14 =	vld [tilespmem:s25+$0x20]  }
0x384: {  	v0 =	vadd.f32 v1, v0;
	v1 =	vmul.f32 v15, v8  }
0x385: {  	v15 =	vld [tilespmem:s25+$0x30]  }
0x386: {  	v0 =	vadd.f32 v1, v0;
	v1 =	vmul.f32 v16, v9  }
0x387: {  	v16 =	vld [tilespmem:s25+$0x40]  }
0x388: {  	v0 =	vadd.f32 v1, v0;
	v1 =	vmul.f32 v14, v10  }
0x389: {  	v14 =	vld [tilespmem:s25+$0x50]  }
0x38a: {  	v0 =	vadd.f32 v1, v0;
	v1 =	vmul.f32 v15, v11;
	_ =	sdelay $0x1  }
0x38b: {  	v0 =	vadd.f32 v1, v0;
	v1 =	vmul.f32 v16, v12;
	_ =	sdelay $0x1  }
0x38c: {  	v0 =	vadd.f32 v1, v0;
	v1 =	vmul.f32 v14, v13;
	_ =	sdelay $0x1  }
0x38d: {  	v0 =	vadd.f32 v1, v0;
	_ =	sdelay $0x1  }
0x38e: {  	[tilespmem:s26+$0x117D0] =	vst v0  }
0x38f: {  	v0 =	vld [tilespmem:s25+$0xA0]  }
0x390: {  	v1 =	vld [tilespmem:s25+$0xB0];
	_ =	sdelay $0x1  }
0x391: {  	v14 =	vld [tilespmem:s25+$0xC0];
	_ =	sdelay $0x1  }
0x392: {  	v15 =	vld [tilespmem:s25+$0xD0]  }
0x393: {  	v0 =	vmul.f32 v0, v2;
	v1 =	vmul.f32 v1, v3  }
0x394: {  	v16 =	vld [tilespmem:s25+$0xE0]  }
0x395: {  	v0 =	vadd.f32 v1, v0;
	v1 =	vmul.f32 v14, v4  }
0x396: {  	v14 =	vld [tilespmem:s25+$0xF0]  }
0x397: {  	v0 =	vadd.f32 v1, v0;
	v1 =	vmul.f32 v15, v5  }
0x398: {  	v15 =	vld [tilespmem:s25+$0x100]  }
0x399: {  	v0 =	vadd.f32 v1, v0;
	v1 =	vmul.f32 v16, v6  }
0x39a: {  	v16 =	vld [tilespmem:s25+$0x110]  }
0x39b: {  	v0 =	vadd.f32 v1, v0;
	v1 =	vmul.f32 v14, v7  }
0x39c: {  	v14 =	vld [tilespmem:s25+$0x120]  }
0x39d: {  	v0 =	vadd.f32 v1, v0;
	v1 =	vmul.f32 v15, v8  }
0x39e: {  	v15 =	vld [tilespmem:s25+$0x130]  }
0x39f: {  	v0 =	vadd.f32 v1, v0;
	v1 =	vmul.f32 v16, v9  }
0x3a0: {  	v16 =	vld [tilespmem:s25+$0x140]  }
0x3a1: {  	v0 =	vadd.f32 v1, v0;
	v1 =	vmul.f32 v14, v10  }
0x3a2: {  	v14 =	vld [tilespmem:s25+$0x150]  }
0x3a3: {  	v0 =	vadd.f32 v1, v0;
	v1 =	vmul.f32 v15, v11;
	_ =	sdelay $0x1  }
0x3a4: {  	v0 =	vadd.f32 v1, v0;
	v1 =	vmul.f32 v16, v12;
	_ =	sdelay $0x1  }
0x3a5: {  	v0 =	vadd.f32 v1, v0;
	v1 =	vmul.f32 v14, v13;
	_ =	sdelay $0x1  }
0x3a6: {  	v0 =	vadd.f32 v1, v0;
	_ =	sdelay $0x1  }
0x3a7: {  	[tilespmem:s26+$0x117E0] =	vst v0  }
0x3a8: {  	v0 =	vld [tilespmem:s25+$0x1A0]  }
0x3a9: {  	v1 =	vld [tilespmem:s25+$0x1B0];
	_ =	sdelay $0x1  }
0x3aa: {  	v14 =	vld [tilespmem:s25+$0x1C0];
	_ =	sdelay $0x1  }
0x3ab: {  	v15 =	vld [tilespmem:s25+$0x1D0]  }
0x3ac: {  	v0 =	vmul.f32 v0, v2;
	v1 =	vmul.f32 v1, v3  }
0x3ad: {  	v16 =	vld [tilespmem:s25+$0x1E0]  }
0x3ae: {  	v0 =	vadd.f32 v1, v0;
	v1 =	vmul.f32 v14, v4  }
0x3af: {  	v14 =	vld [tilespmem:s25+$0x1F0]  }
0x3b0: {  	v0 =	vadd.f32 v1, v0;
	v1 =	vmul.f32 v15, v5  }
0x3b1: {  	v15 =	vld [tilespmem:s25+$0x200]  }
0x3b2: {  	v0 =	vadd.f32 v1, v0;
	v1 =	vmul.f32 v16, v6  }
0x3b3: {  	v16 =	vld [tilespmem:s25+$0x210]  }
0x3b4: {  	v0 =	vadd.f32 v1, v0;
	v1 =	vmul.f32 v14, v7  }
0x3b5: {  	v14 =	vld [tilespmem:s25+$0x220]  }
0x3b6: {  	v0 =	vadd.f32 v1, v0;
	v1 =	vmul.f32 v15, v8  }
0x3b7: {  	v15 =	vld [tilespmem:s25+$0x230]  }
0x3b8: {  	v0 =	vadd.f32 v1, v0;
	v1 =	vmul.f32 v16, v9  }
0x3b9: {  	v16 =	vld [tilespmem:s25+$0x240]  }
0x3ba: {  	v0 =	vadd.f32 v1, v0;
	v1 =	vmul.f32 v14, v10  }
0x3bb: {  	v14 =	vld [tilespmem:s25+$0x250]  }
0x3bc: {  	v0 =	vadd.f32 v1, v0;
	v1 =	vmul.f32 v15, v11;
	_ =	sdelay $0x1  }
0x3bd: {  	v0 =	vadd.f32 v1, v0;
	v1 =	vmul.f32 v16, v12;
	_ =	sdelay $0x1  }
0x3be: {  	v0 =	vadd.f32 v1, v0;
	v1 =	vmul.f32 v14, v13;
	_ =	sdelay $0x1  }
0x3bf: {  	v0 =	vadd.f32 v1, v0;
	_ =	sdelay $0x1  }
0x3c0: {  	[tilespmem:s26+$0x117F0] =	vst v0  }
0x3c1: {  	v0 =	vld [tilespmem:s25+$0x2A0]  }
0x3c2: {  	v1 =	vld [tilespmem:s25+$0x2B0];
	_ =	sdelay $0x1  }
0x3c3: {  	v14 =	vld [tilespmem:s25+$0x2C0];
	_ =	sdelay $0x1  }
0x3c4: {  	v15 =	vld [tilespmem:s25+$0x2D0]  }
0x3c5: {  	v0 =	vmul.f32 v0, v2;
	v1 =	vmul.f32 v1, v3  }
0x3c6: {  	v16 =	vld [tilespmem:s25+$0x2E0]  }
0x3c7: {  	v0 =	vadd.f32 v1, v0;
	v1 =	vmul.f32 v14, v4  }
0x3c8: {  	v14 =	vld [tilespmem:s25+$0x2F0]  }
0x3c9: {  	v15 =	vmul.f32 v15, v5;
	v0 =	vadd.f32 v1, v0  }
0x3ca: {  	v1 =	vld [tilespmem:s25+$0x300]  }
0x3cb: {  	v17 =	vld [tilespmem:s25+$0x310];
	v16 =	vmul.f32 v16, v6;
	v0 =	vadd.f32 v15, v0  }
0x3cc: {  	v18 =	vld [tilespmem:s25+$0x320]  }
0x3cd: {  	v14 =	vmul.f32 v14, v7;
	v0 =	vadd.f32 v16, v0;
	_ =	sdelay $0x1  }
0x3ce: {  	v15 =	vld [tilespmem:s25+$0x330];
	v1 =	vmul.f32 v1, v8;
	v0 =	vadd.f32 v14, v0  }
0x3cf: {  	v16 =	vld [tilespmem:s25+$0x340]  }
0x3d0: {  	s28 =	simm.s32 $0x340;
	v17 =	vmul.f32 v17, v9;
	v18 =	vmul.f32 v18, v10;
	v14 =	vld [tilespmem:s25+$0x350];
	v19 =	vadd.f32 v1, v0  }
.LBB2_7:
0x3d1: {  	p1 =	sne.s32 s28, $0xC00  }
0x3d2: {  	s25 =	sadd.s32 $0x700, s25;
	s29 =	smov.u32 s28;
	s28 =	sadd.s32 $0x1C0, s28  }
0x3d3: {  	v1 =	vmul.f32 v15, v11;
	v0 =	vadd.f32 v17, v19;
	_ =	sdelay $0x1  }
0x3d4: {  	v15 =	vmul.f32 v16, v12;
	v0 =	vadd.f32 v18, v0;
	_ =	sdelay $0x1  }
0x3d5: {  	v0 =	vadd.f32 v1, v0;
	v1 =	vmul.f32 v14, v13;
	_ =	sdelay $0x1  }
0x3d6: {  	v0 =	vadd.f32 v15, v0;
	_ =	sdelay $0x1  }
0x3d7: {  	v0 =	vadd.f32 v1, v0;
	_ =	sdelay $0x1  }
0x3d8: {  	[tilespmem:s26+$0x11800] =	vst v0  }
0x3d9: {  	v0 =	vld [tilespmem:s25+$0xFFFFFCA0]  }
0x3da: {  	v1 =	vld [tilespmem:s25+$0xFFFFFCB0]  }
0x3db: {  	v14 =	vld [tilespmem:s25+$0xFFFFFCD0]  }
0x3dc: {  	v15 =	vld [tilespmem:s25+$0xFFFFFCC0];
	_ =	sdelay $0x1  }
0x3dd: {  	v0 =	vmul.f32 v0, v2  }
0x3de: {  	v1 =	vmul.f32 v1, v3  }
0x3df: {  	v14 =	vmul.f32 v14, v5;
	v16 =	vld [tilespmem:s25+$0xFFFFFCE0]  }
0x3e0: {  	v0 =	vadd.f32 v1, v0;
	v1 =	vmul.f32 v15, v4  }
0x3e1: {  	v15 =	vld [tilespmem:s25+$0xFFFFFCF0]  }
0x3e2: {  	v0 =	vadd.f32 v1, v0  }
0x3e3: {  	v1 =	vld [tilespmem:s25+$0xFFFFFD00]  }
0x3e4: {  	v0 =	vadd.f32 v14, v0;
	v14 =	vmul.f32 v16, v6  }
0x3e5: {  	v16 =	vld [tilespmem:s25+$0xFFFFFD10]  }
0x3e6: {  	v0 =	vadd.f32 v14, v0;
	v14 =	vmul.f32 v15, v7  }
0x3e7: {  	v15 =	vld [tilespmem:s25+$0xFFFFFD20]  }
0x3e8: {  	v0 =	vadd.f32 v14, v0;
	v1 =	vmul.f32 v1, v8  }
0x3e9: {  	v14 =	vld [tilespmem:s25+$0xFFFFFD30]  }
0x3ea: {  	v0 =	vadd.f32 v1, v0;
	v1 =	vmul.f32 v16, v9  }
0x3eb: {  	v16 =	vld [tilespmem:s25+$0xFFFFFD40]  }
0x3ec: {  	v0 =	vadd.f32 v1, v0;
	v1 =	vmul.f32 v15, v10  }
0x3ed: {  	v15 =	vld [tilespmem:s25+$0xFFFFFD50]  }
0x3ee: {  	v0 =	vadd.f32 v1, v0;
	v1 =	vmul.f32 v14, v11;
	_ =	sdelay $0x1  }
0x3ef: {  	v0 =	vadd.f32 v1, v0;
	v1 =	vmul.f32 v16, v12;
	_ =	sdelay $0x1  }
0x3f0: {  	v0 =	vadd.f32 v1, v0;
	v1 =	vmul.f32 v15, v13;
	_ =	sdelay $0x1  }
0x3f1: {  	v0 =	vadd.f32 v1, v0  }
0x3f2: {  	s26 =	sshra.s32 s29, $0x2  }
0x3f3: {  	[tilespmem:s26+$0x117A0] =	vst v0  }
0x3f4: {  	v0 =	vld [tilespmem:s25+$0xFFFFFDA0]  }
0x3f5: {  	v1 =	vld [tilespmem:s25+$0xFFFFFDB0];
	_ =	sdelay $0x1  }
0x3f6: {  	v14 =	vld [tilespmem:s25+$0xFFFFFDC0];
	_ =	sdelay $0x1  }
0x3f7: {  	v15 =	vld [tilespmem:s25+$0xFFFFFDD0]  }
0x3f8: {  	v0 =	vmul.f32 v0, v2;
	v1 =	vmul.f32 v1, v3  }
0x3f9: {  	v16 =	vld [tilespmem:s25+$0xFFFFFDE0]  }
0x3fa: {  	v0 =	vadd.f32 v1, v0;
	v1 =	vmul.f32 v14, v4  }
0x3fb: {  	v14 =	vld [tilespmem:s25+$0xFFFFFDF0]  }
0x3fc: {  	v0 =	vadd.f32 v1, v0;
	v1 =	vmul.f32 v15, v5  }
0x3fd: {  	v15 =	vld [tilespmem:s25+$0xFFFFFE00]  }
0x3fe: {  	v0 =	vadd.f32 v1, v0;
	v1 =	vmul.f32 v16, v6  }
0x3ff: {  	v16 =	vld [tilespmem:s25+$0xFFFFFE10]  }
0x400: {  	v0 =	vadd.f32 v1, v0;
	v1 =	vmul.f32 v14, v7  }
0x401: {  	v14 =	vld [tilespmem:s25+$0xFFFFFE20]  }
0x402: {  	v0 =	vadd.f32 v1, v0;
	v1 =	vmul.f32 v15, v8  }
0x403: {  	v15 =	vld [tilespmem:s25+$0xFFFFFE30]  }
0x404: {  	v0 =	vadd.f32 v1, v0;
	v1 =	vmul.f32 v16, v9  }
0x405: {  	v16 =	vld [tilespmem:s25+$0xFFFFFE40]  }
0x406: {  	v0 =	vadd.f32 v1, v0;
	v1 =	vmul.f32 v14, v10  }
0x407: {  	v14 =	vld [tilespmem:s25+$0xFFFFFE50]  }
0x408: {  	v0 =	vadd.f32 v1, v0;
	v1 =	vmul.f32 v15, v11;
	_ =	sdelay $0x1  }
0x409: {  	v0 =	vadd.f32 v1, v0;
	v1 =	vmul.f32 v16, v12;
	_ =	sdelay $0x1  }
0x40a: {  	v0 =	vadd.f32 v1, v0;
	v1 =	vmul.f32 v14, v13;
	_ =	sdelay $0x1  }
0x40b: {  	v0 =	vadd.f32 v1, v0;
	_ =	sdelay $0x1  }
0x40c: {  	[tilespmem:s26+$0x117B0] =	vst v0  }
0x40d: {  	v0 =	vld [tilespmem:s25+$0xFFFFFEA0]  }
0x40e: {  	v1 =	vld [tilespmem:s25+$0xFFFFFEB0]  }
0x40f: {  	v14 =	vld [tilespmem:s25+$0xFFFFFEC0];
	_ =	sdelay $0x2  }
0x410: {  	v0 =	vmul.f32 v0, v2;
	v15 =	vld [tilespmem:s25+$0xFFFFFED0]  }
0x411: {  	v1 =	vmul.f32 v1, v3  }
0x412: {  	v16 =	vld [tilespmem:s25+$0xFFFFFEE0]  }
0x413: {  	v0 =	vadd.f32 v1, v0;
	v1 =	vmul.f32 v14, v4  }
0x414: {  	v14 =	vld [tilespmem:s25+$0xFFFFFEF0]  }
0x415: {  	v0 =	vadd.f32 v1, v0;
	v1 =	vmul.f32 v15, v5  }
0x416: {  	v15 =	vld [tilespmem:s25+$0xFFFFFF00]  }
0x417: {  	v0 =	vadd.f32 v1, v0;
	v1 =	vmul.f32 v16, v6  }
0x418: {  	v16 =	vld [tilespmem:s25+$0xFFFFFF10]  }
0x419: {  	v0 =	vadd.f32 v1, v0;
	v1 =	vmul.f32 v14, v7  }
0x41a: {  	v14 =	vld [tilespmem:s25+$0xFFFFFF20]  }
0x41b: {  	v0 =	vadd.f32 v1, v0;
	v1 =	vmul.f32 v15, v8  }
0x41c: {  	v15 =	vld [tilespmem:s25+$0xFFFFFF30]  }
0x41d: {  	v0 =	vadd.f32 v1, v0;
	v1 =	vmul.f32 v16, v9  }
0x41e: {  	v16 =	vld [tilespmem:s25+$0xFFFFFF40]  }
0x41f: {  	v0 =	vadd.f32 v1, v0;
	v1 =	vmul.f32 v14, v10  }
0x420: {  	v14 =	vld [tilespmem:s25+$0xFFFFFF50]  }
0x421: {  	v0 =	vadd.f32 v1, v0;
	v1 =	vmul.f32 v15, v11;
	_ =	sdelay $0x1  }
0x422: {  	v0 =	vadd.f32 v1, v0;
	v1 =	vmul.f32 v16, v12;
	_ =	sdelay $0x1  }
0x423: {  	v0 =	vadd.f32 v1, v0;
	v1 =	vmul.f32 v14, v13;
	_ =	sdelay $0x1  }
0x424: {  	v0 =	vadd.f32 v1, v0;
	_ =	sdelay $0x1  }
0x425: {  	[tilespmem:s26+$0x117C0] =	vst v0  }
0x426: {  	v0 =	vld [tilespmem:s25+$0xFFFFFFA0]  }
0x427: {  	v1 =	vld [tilespmem:s25+$0xFFFFFFB0];
	_ =	sdelay $0x1  }
0x428: {  	v14 =	vld [tilespmem:s25+$0xFFFFFFC0];
	_ =	sdelay $0x1  }
0x429: {  	v0 =	vmul.f32 v0, v2;
	v15 =	vld [tilespmem:s25+$0xFFFFFFD0]  }
0x42a: {  	v1 =	vmul.f32 v1, v3  }
0x42b: {  	v16 =	vld [tilespmem:s25+$0xFFFFFFE0]  }
0x42c: {  	v0 =	vadd.f32 v1, v0;
	v1 =	vmul.f32 v14, v4  }
0x42d: {  	v14 =	vld [tilespmem:s25+$0xFFFFFFF0]  }
0x42e: {  	v0 =	vadd.f32 v1, v0;
	v1 =	vmul.f32 v15, v5  }
0x42f: {  	v15 =	vld [tilespmem:s25+$0x0]  }
0x430: {  	v0 =	vadd.f32 v1, v0;
	v1 =	vmul.f32 v16, v6  }
0x431: {  	v16 =	vld [tilespmem:s25+$0x10]  }
0x432: {  	v0 =	vadd.f32 v1, v0;
	v1 =	vmul.f32 v14, v7  }
0x433: {  	v14 =	vld [tilespmem:s25+$0x20]  }
0x434: {  	v0 =	vadd.f32 v1, v0;
	v1 =	vmul.f32 v15, v8  }
0x435: {  	v15 =	vld [tilespmem:s25+$0x30]  }
0x436: {  	v0 =	vadd.f32 v1, v0;
	v1 =	vmul.f32 v16, v9  }
0x437: {  	v16 =	vld [tilespmem:s25+$0x40]  }
0x438: {  	v0 =	vadd.f32 v1, v0;
	v1 =	vmul.f32 v14, v10  }
0x439: {  	v14 =	vld [tilespmem:s25+$0x50]  }
0x43a: {  	v0 =	vadd.f32 v1, v0;
	v1 =	vmul.f32 v15, v11;
	_ =	sdelay $0x1  }
0x43b: {  	v0 =	vadd.f32 v1, v0;
	v1 =	vmul.f32 v16, v12;
	_ =	sdelay $0x1  }
0x43c: {  	v0 =	vadd.f32 v1, v0;
	v1 =	vmul.f32 v14, v13;
	_ =	sdelay $0x1  }
0x43d: {  	v0 =	vadd.f32 v1, v0;
	_ =	sdelay $0x1  }
0x43e: {  	[tilespmem:s26+$0x117D0] =	vst v0  }
0x43f: {  	v0 =	vld [tilespmem:s25+$0xA0]  }
0x440: {  	v1 =	vld [tilespmem:s25+$0xB0]  }
0x441: {  	v14 =	vld [tilespmem:s25+$0xC0]  }
0x442: {  	v15 =	vld [tilespmem:s25+$0xD0]  }
0x443: {  	v16 =	vld [tilespmem:s25+$0xE0]  }
0x444: {  	v17 =	vld [tilespmem:s25+$0x100]  }
0x445: {  	v0 =	vmul.f32 v0, v2;
	v1 =	vmul.f32 v1, v3;
	v18 =	vld [tilespmem:s25+$0x110]  }
0x446: {  	v19 =	vld [tilespmem:s25+$0x120]  }
0x447: {  	v0 =	vadd.f32 v1, v0;
	v1 =	vmul.f32 v14, v4;
	v14 =	vld [tilespmem:s25+$0x130]  }
0x448: {  	v20 =	vld [tilespmem:s25+$0xF0]  }
0x449: {  	v0 =	vadd.f32 v1, v0;
	v1 =	vmul.f32 v15, v5;
	v15 =	vld [tilespmem:s25+$0x140]  }
0x44a: {  	v21 =	vld [tilespmem:s25+$0x150]  }
0x44b: {  	v0 =	vadd.f32 v1, v0;
	v1 =	vmul.f32 v16, v6;
	_ =	sdelay $0x1  }
0x44c: {  	v0 =	vadd.f32 v1, v0;
	v1 =	vmul.f32 v20, v7;
	_ =	sdelay $0x1  }
0x44d: {  	v0 =	vadd.f32 v1, v0;
	v1 =	vmul.f32 v17, v8;
	_ =	sdelay $0x1  }
0x44e: {  	v0 =	vadd.f32 v1, v0;
	v1 =	vmul.f32 v18, v9;
	_ =	sdelay $0x1  }
0x44f: {  	v0 =	vadd.f32 v1, v0;
	v1 =	vmul.f32 v19, v10;
	_ =	sdelay $0x1  }
0x450: {  	v0 =	vadd.f32 v1, v0;
	v1 =	vmul.f32 v14, v11;
	_ =	sdelay $0x1  }
0x451: {  	v0 =	vadd.f32 v1, v0;
	v1 =	vmul.f32 v15, v12;
	_ =	sdelay $0x1  }
0x452: {  	v0 =	vadd.f32 v1, v0;
	v1 =	vmul.f32 v21, v13;
	_ =	sdelay $0x1  }
0x453: {  	v0 =	vadd.f32 v1, v0;
	_ =	sdelay $0x1  }
0x454: {  	[tilespmem:s26+$0x117E0] =	vst v0  }
0x455: {  	v0 =	vld [tilespmem:s25+$0x1A0]  }
0x456: {  	v1 =	vld [tilespmem:s25+$0x1B0]  }
0x457: {  	v14 =	vld [tilespmem:s25+$0x1C0]  }
0x458: {  	v15 =	vld [tilespmem:s25+$0x1D0]  }
0x459: {  	v16 =	vld [tilespmem:s25+$0x1E0]  }
0x45a: {  	v0 =	vmul.f32 v0, v2;
	v17 =	vld [tilespmem:s25+$0x1F0]  }
0x45b: {  	v1 =	vmul.f32 v1, v3;
	v18 =	vld [tilespmem:s25+$0x200]  }
0x45c: {  	v19 =	vld [tilespmem:s25+$0x210]  }
0x45d: {  	v0 =	vadd.f32 v1, v0;
	v1 =	vmul.f32 v14, v4;
	v14 =	vld [tilespmem:s25+$0x220]  }
0x45e: {  	v20 =	vld [tilespmem:s25+$0x230]  }
0x45f: {  	v0 =	vadd.f32 v1, v0;
	v1 =	vmul.f32 v15, v5;
	v15 =	vld [tilespmem:s25+$0x240]  }
0x460: {  	v21 =	vld [tilespmem:s25+$0x250]  }
0x461: {  	v0 =	vadd.f32 v1, v0;
	v1 =	vmul.f32 v16, v6;
	_ =	sdelay $0x1  }
0x462: {  	v0 =	vadd.f32 v1, v0;
	v1 =	vmul.f32 v17, v7;
	_ =	sdelay $0x1  }
0x463: {  	v0 =	vadd.f32 v1, v0;
	v1 =	vmul.f32 v18, v8;
	_ =	sdelay $0x1  }
0x464: {  	v0 =	vadd.f32 v1, v0;
	v1 =	vmul.f32 v19, v9;
	_ =	sdelay $0x1  }
0x465: {  	v0 =	vadd.f32 v1, v0;
	v1 =	vmul.f32 v14, v10;
	_ =	sdelay $0x1  }
0x466: {  	v0 =	vadd.f32 v1, v0;
	v1 =	vmul.f32 v20, v11;
	_ =	sdelay $0x1  }
0x467: {  	v0 =	vadd.f32 v1, v0;
	v1 =	vmul.f32 v15, v12;
	_ =	sdelay $0x1  }
0x468: {  	v0 =	vadd.f32 v1, v0;
	v1 =	vmul.f32 v21, v13;
	_ =	sdelay $0x1  }
0x469: {  	v0 =	vadd.f32 v1, v0;
	_ =	sdelay $0x1  }
0x46a: {  	[tilespmem:s26+$0x117F0] =	vst v0  }
0x46b: {  	v0 =	vld [tilespmem:s25+$0x2A0]  }
0x46c: {  	v1 =	vld [tilespmem:s25+$0x2B0]  }
0x46d: {  	v14 =	vld [tilespmem:s25+$0x2C0]  }
0x46e: {  	v15 =	vld [tilespmem:s25+$0x2D0]  }
0x46f: {  	v16 =	vld [tilespmem:s25+$0x2E0]  }
0x470: {  	v0 =	vmul.f32 v0, v2;
	v17 =	vld [tilespmem:s25+$0x2F0]  }
0x471: {  	v1 =	vmul.f32 v1, v3;
	v18 =	vld [tilespmem:s25+$0x300]  }
0x472: {  	v19 =	vld [tilespmem:s25+$0x310]  }
0x473: {  	v0 =	vadd.f32 v1, v0;
	v1 =	vmul.f32 v14, v4;
	v20 =	vmul.f32 v15, v5;
	v21 =	vld [tilespmem:s25+$0x320]  }
0x474: {  	v15 =	vld [tilespmem:s25+$0x330]  }
0x475: {  	v0 =	vadd.f32 v1, v0;
	v1 =	vmul.f32 v16, v6;
	v16 =	vld [tilespmem:s25+$0x340]  }
0x476: {  	v14 =	vld [tilespmem:s25+$0x350]  }
0x477: {  	v17 =	vmul.f32 v17, v7;
	v0 =	vadd.f32 v20, v0;
	_ =	sdelay $0x1  }
.Ltmp4:
0x478: {  	v0 =	vadd.f32 v1, v0;
	v1 =	vmul.f32 v18, v8;
	(pc) =	sbr.rel @p1 .LBB2_7-.Ltmp4, $3  }
0x479: {  	_ = 	snop  }
0x47a: {  	v0 =	vadd.f32 v17, v0;
	v17 =	vmul.f32 v19, v9;
	_ =	sdelay $0x1  }
0x47b: {  	v18 =	vmul.f32 v21, v10;
	v19 =	vadd.f32 v1, v0  }
0x47c: {  	v3 =	vld [tilespmem:$0x1FCF0]  }
0x47d: {  	v4 =	vld [tilespmem:$0x1FD00]  }
0x47e: {  	v5 =	vld [tilespmem:$0x1FD10]  }
0x47f: {  	v6 =	vld [tilespmem:$0x1FD20]  }
0x480: {  	v7 =	vld [tilespmem:$0x1FD30]  }
0x481: {  	v8 =	vld [tilespmem:$0x1FD40]  }
0x482: {  	v9 =	vld [tilespmem:$0x1FD50]  }
0x483: {  	v10 =	vld [tilespmem:$0x1FD60]  }
0x484: {  	v1 =	vmul.f32 v15, v11;
	v11 =	vld [tilespmem:$0x1FD70]  }
0x485: {  	v2 =	vmul.f32 v16, v12;
	v12 =	vld [tilespmem:$0x1FD80]  }
0x486: {  	v15 =	vld [tilespmem:$0x1FDB0]  }
0x487: {  	v20 =	vld [tilespmem:$0x1FDF0]  }
0x488: {  	v21 =	vld [tilespmem:$0x1FE00]  }
0x489: {  	v22 =	vld [tilespmem:$0x1FE10]  }
0x48a: {  	v23 =	vld [tilespmem:$0x1FE20]  }
0x48b: {  	v24 =	vld [tilespmem:$0x1FE30]  }
0x48c: {  	v25 =	vld [tilespmem:$0x1FE40]  }
0x48d: {  	v26 =	vld [tilespmem:$0x1FE50]  }
0x48e: {  	v27 =	vld [tilespmem:$0x1FE60]  }
0x48f: {  	v28 =	vld [tilespmem:$0x1FE70]  }
0x490: {  	v29 =	vld [tilespmem:$0x1FE80]  }
0x491: {  	v30 =	vld [tilespmem:$0x1FE90]  }
0x492: {  	v31 =	vld [tilespmem:$0x1FEA0]  }
0x493: {  	v32 =	vld [tilespmem:$0x1FEB0]  }
0x494: {  	v34 =	vld [tilespmem:$0x1FEC0]  }
0x495: {  	v35 =	vld [tilespmem:$0x1FED0]  }
0x496: {  	v36 =	vld [tilespmem:$0x1FFC0]  }
0x497: {  	v37 =	vld [tilespmem:$0x1FFD0]  }
0x498: {  	v38 =	vld [tilespmem:$0x1FEE0]  }
0x499: {  	v39 =	vld [tilespmem:$0x1FFF0];
	v0 =	vadd.f32 v17, v19  }
0x49a: {  	v40 =	vld [tilespmem:$0x1FEF0]  }
0x49b: {  	v54 =	vld [tilespmem:$0x1FF00];
	v0 =	vadd.f32 v18, v0  }
0x49c: {  	v17 =	vld [tilespmem:$0x1FDC0]  }
0x49d: {  	v19 =	vld [tilespmem:$0x1FDE0];
	v0 =	vadd.f32 v1, v0  }
0x49e: {  	v18 =	vld [tilespmem:$0x1FDD0]  }
0x49f: {  	v1 =	vmul.f32 v14, v13;
	v13 =	vld [tilespmem:$0x1FD90];
	v0 =	vadd.f32 v2, v0  }
0x4a0: {  	v14 =	vld [tilespmem:$0x1FDA0]  }
0x4a1: {  	v2 =	vld [tilespmem:$0x1FCE0];
	v0 =	vadd.f32 v1, v0  }
0x4a2: {  	v1 =	vld [tilespmem:$0x1FCD0]  }
0x4a3: {  	[tilespmem:s26+$0x11800] =	vst v0;
	v0 =	vld [tilespmem:$0x1FFE0]  }
0x4a4: {  	v3 =	vld.idx.msk [tilespmem:v3+s17+$0x0], $0xffff  }
0x4a5: {  	v4 =	vld.idx.msk [tilespmem:v4+s17+$0x0], $0xffff  }
0x4a6: {  	v5 =	vld.idx.msk [tilespmem:v5+s17+$0x0], $0xffff  }
0x4a7: {  	v6 =	vld.idx.msk [tilespmem:v6+s17+$0x0], $0xffff  }
0x4a8: {  	v7 =	vld.idx.msk [tilespmem:v7+s17+$0x0], $0xffff  }
0x4a9: {  	v8 =	vld.idx.msk [tilespmem:v8+s17+$0x0], $0xffff  }
0x4aa: {  	v9 =	vld.idx.msk [tilespmem:v9+s17+$0x0], $0xffff  }
0x4ab: {  	v10 =	vld.idx.msk [tilespmem:v10+s17+$0x0], $0xffff  }
0x4ac: {  	v11 =	vld.idx.msk [tilespmem:v11+s17+$0x0], $0xffff  }
0x4ad: {  	s25 =	sshll.u32 s24, $0x7;
	v12 =	vld.idx.msk [tilespmem:v12+s17+$0x0], $0xffff  }
0x4ae: {  	s25 =	sand.u32 $0x3FFFFF80, s25;
	v15 =	vld.idx.msk [tilespmem:v15+s17+$0x0], $0xffff  }
0x4af: {  	v16 =	vld [tilespmem:s25+$0x2000]  }
0x4b0: {  	v17 =	vld.idx.msk [tilespmem:v17+s17+$0x0], $0xffff  }
0x4b1: {  	v18 =	vld.idx.msk [tilespmem:v18+s17+$0x0], $0xffff  }
0x4b2: {  	v19 =	vld.idx.msk [tilespmem:v19+s17+$0x0], $0xffff  }
0x4b3: {  	v20 =	vld.idx.msk [tilespmem:v20+s17+$0x0], $0xffff  }
0x4b4: {  	v21 =	vld.idx.msk [tilespmem:v21+s17+$0x0], $0xffff  }
0x4b5: {  	v22 =	vld.idx.msk [tilespmem:v22+s17+$0x0], $0xffff  }
0x4b6: {  	v23 =	vld.idx.msk [tilespmem:v23+s17+$0x0], $0xffff  }
0x4b7: {  	v24 =	vld.idx.msk [tilespmem:v24+s17+$0x0], $0xffff  }
0x4b8: {  	v25 =	vld.idx.msk [tilespmem:v25+s17+$0x0], $0xffff  }
0x4b9: {  	v26 =	vld.idx.msk [tilespmem:v26+s17+$0x0], $0xffff  }
0x4ba: {  	v27 =	vld.idx.msk [tilespmem:v27+s17+$0x0], $0xffff  }
0x4bb: {  	v28 =	vld.idx.msk [tilespmem:v28+s17+$0x0], $0xffff  }
0x4bc: {  	v29 =	vld.idx.msk [tilespmem:v29+s17+$0x0], $0xffff  }
0x4bd: {  	v30 =	vld.idx.msk [tilespmem:v30+s17+$0x0], $0xffff  }
0x4be: {  	v31 =	vld.idx.msk [tilespmem:v31+s17+$0x0], $0xffff  }
0x4bf: {  	v32 =	vld.idx.msk [tilespmem:v32+s17+$0x0], $0xffff  }
0x4c0: {  	v34 =	vld.idx.msk [tilespmem:v34+s17+$0x0], $0xffff  }
0x4c1: {  	v35 =	vld.idx.msk [tilespmem:v35+s17+$0x0], $0xffff  }
0x4c2: {  	v1 =	vld.idx.msk [tilespmem:v1+s17+$0x0], $0xffff  }
0x4c3: {  	v0 =	vld.idx.msk [tilespmem:v0+s17+$0x0], $0xffff  }
0x4c4: {  	v36 =	vld.idx.msk [tilespmem:v36+s17+$0x0], $0xffff  }
0x4c5: {  	v2 =	vld.idx.msk [tilespmem:v2+s17+$0x0], $0xffff  }
0x4c6: {  	v37 =	vld.idx.msk [tilespmem:v37+s17+$0x0], $0xffff  }
0x4c7: {  	v38 =	vld.idx.msk [tilespmem:v38+s17+$0x0], $0xffff  }
0x4c8: {  	v0 =	vadd.f32 v1, v0;
	v1 =	vadd.f32 v18, v17;
	v17 =	vld [tilespmem:$0x1FC00]  }
0x4c9: {  	v39 =	vld.idx.msk [tilespmem:v39+s17+$0x0], $0xffff  }
0x4ca: {  	v0 =	vadd.f32 v2, v0;
	v2 =	vld [tilespmem:$0x1FC10]  }
0x4cb: {  	v40 =	vld.idx.msk [tilespmem:v40+s17+$0x0], $0xffff  }
0x4cc: {  	v0 =	vadd.f32 v3, v0;
	v3 =	vld [tilespmem:$0x1FC20]  }
0x4cd: {  	v1 =	vadd.f32 v19, v1;
	v19 =	vld [tilespmem:$0x1FF10]  }
0x4ce: {  	v0 =	vadd.f32 v4, v0;
	v4 =	vld [tilespmem:$0x1FC30]  }
0x4cf: {  	v1 =	vadd.f32 v20, v1;
	v20 =	vld [tilespmem:$0x1FF20]  }
0x4d0: {  	v17 =	vld.idx.msk [tilespmem:v17+s17+$0x0], $0xffff  }
0x4d1: {  	v55 =	vadd.f32 v37, v36;
	v18 =	vadd.f32 v35, v34;
	v34 =	vld.idx.msk [tilespmem:v54+s17+$0x0], $0xffff  }
0x4d2: {  	v2 =	vld.idx.msk [tilespmem:v2+s17+$0x0], $0xffff  }
0x4d3: {  	v35 =	vadd.f32 v39, v55;
	v1 =	vadd.f32 v21, v1;
	v21 =	vld [tilespmem:$0x1FF30]  }
0x4d4: {  	v3 =	vld.idx.msk [tilespmem:v3+s17+$0x0], $0xffff  }
0x4d5: {  	v0 =	vadd.f32 v5, v0;
	v5 =	vld [tilespmem:$0x1FC40];
	v17 =	vadd.f32 v17, v35  }
0x4d6: {  	v4 =	vld.idx.msk [tilespmem:v4+s17+$0x0], $0xffff  }
0x4d7: {  	v18 =	vadd.f32 v38, v18;
	v19 =	vld.idx.msk [tilespmem:v19+s17+$0x0], $0xffff;
	v2 =	vadd.f32 v2, v17  }
0x4d8: {  	v0 =	vadd.f32 v6, v0;
	v20 =	vld.idx.msk [tilespmem:v20+s17+$0x0], $0xffff  }
0x4d9: {  	v18 =	vadd.f32 v40, v18;
	v2 =	vadd.f32 v3, v2;
	v3 =	vld [tilespmem:$0x1FC50]  }
0x4da: {  	v0 =	vadd.f32 v7, v0;
	v7 =	vld [tilespmem:$0x1FF60]  }
0x4db: {  	v18 =	vadd.f32 v34, v18;
	v2 =	vadd.f32 v4, v2;
	v4 =	vld [tilespmem:$0x1FC60]  }
0x4dc: {  	v21 =	vld.idx.msk [tilespmem:v21+s17+$0x0], $0xffff  }
0x4dd: {  	v17 =	vadd.f32 v19, v18;
	v18 =	vld [tilespmem:$0x1FF40]  }
0x4de: {  	v5 =	vld.idx.msk [tilespmem:v5+s17+$0x0], $0xffff  }
0x4df: {  	v6 =	vadd.f32 v20, v17;
	v17 =	vld [tilespmem:$0x1FF50]  }
0x4e0: {  	v0 =	vadd.f32 v8, v0;
	v8 =	vld [tilespmem:$0x1FF70]  }
0x4e1: {  	v3 =	vld.idx.msk [tilespmem:v3+s17+$0x0], $0xffff  }
0x4e2: {  	v0 =	vadd.f32 v9, v0;
	v9 =	vld [tilespmem:$0x1FF80]  }
0x4e3: {  	v4 =	vld.idx.msk [tilespmem:v4+s17+$0x0], $0xffff  }
0x4e4: {  	v2 =	vadd.f32 v5, v2;
	v5 =	vld [tilespmem:$0x1FC70]  }
0x4e5: {  	v18 =	vld.idx.msk [tilespmem:v18+s17+$0x0], $0xffff  }
0x4e6: {  	v2 =	vadd.f32 v3, v2;
	v3 =	vld [tilespmem:$0x1FC80]  }
0x4e7: {  	v17 =	vld.idx.msk [tilespmem:v17+s17+$0x0], $0xffff  }
0x4e8: {  	v2 =	vadd.f32 v4, v2;
	v4 =	vld [tilespmem:$0x1FC90]  }
0x4e9: {  	v33 =	vld [tilespmem:s25+$0x2010];
	v6 =	vadd.f32 v21, v6  }
0x4ea: {  	v7 =	vld.idx.msk [tilespmem:v7+s17+$0x0], $0xffff  }
0x4eb: {  	v8 =	vld.idx.msk [tilespmem:v8+s17+$0x0], $0xffff;
	v6 =	vadd.f32 v18, v6  }
0x4ec: {  	v5 =	vld.idx.msk [tilespmem:v5+s17+$0x0], $0xffff  }
0x4ed: {  	v1 =	vadd.f32 v22, v1;
	v9 =	vld.idx.msk [tilespmem:v9+s17+$0x0], $0xffff;
	v6 =	vadd.f32 v17, v6  }
0x4ee: {  	v3 =	vld.idx.msk [tilespmem:v3+s17+$0x0], $0xffff  }
0x4ef: {  	v1 =	vadd.f32 v23, v1;
	v6 =	vadd.f32 v7, v6;
	v7 =	vld [tilespmem:$0x1FF90]  }
0x4f0: {  	v4 =	vld.idx.msk [tilespmem:v4+s17+$0x0], $0xffff  }
0x4f1: {  	v1 =	vadd.f32 v24, v1;
	v2 =	vadd.f32 v5, v2;
	v5 =	vld [tilespmem:$0x1FCA0]  }
0x4f2: {  	v6 =	vadd.f32 v8, v6;
	v8 =	vld [tilespmem:$0x1FFA0]  }
0x4f3: {  	v1 =	vadd.f32 v25, v1;
	v2 =	vadd.f32 v3, v2;
	v3 =	vld [tilespmem:$0x1FCB0]  }
0x4f4: {  	v6 =	vadd.f32 v9, v6;
	v9 =	vld [tilespmem:$0x1FFB0]  }
0x4f5: {  	v1 =	vadd.f32 v26, v1;
	v2 =	vadd.f32 v4, v2;
	v4 =	vld [tilespmem:$0x1FCC0]  }
0x4f6: {  	v13 =	vld.idx.msk [tilespmem:v13+s17+$0x0], $0xffff  }
0x4f7: {  	v14 =	vld.idx.msk [tilespmem:v14+s17+$0x0], $0xffff;
	v0 =	vadd.f32 v10, v0;
	v1 =	vadd.f32 v27, v1  }
0x4f8: {  	v7 =	vld.idx.msk [tilespmem:v7+s17+$0x0], $0xffff  }
0x4f9: {  	v0 =	vadd.f32 v11, v0;
	v1 =	vadd.f32 v28, v1;
	v5 =	vld.idx.msk [tilespmem:v5+s17+$0x0], $0xffff  }
0x4fa: {  	v8 =	vld.idx.msk [tilespmem:v8+s17+$0x0], $0xffff  }
0x4fb: {  	v0 =	vadd.f32 v12, v0;
	v1 =	vadd.f32 v29, v1;
	v3 =	vld.idx.msk [tilespmem:v3+s17+$0x0], $0xffff  }
0x4fc: {  	v9 =	vld.idx.msk [tilespmem:v9+s17+$0x0], $0xffff  }
0x4fd: {  	v0 =	vadd.f32 v13, v0;
	v1 =	vadd.f32 v30, v1;
	v4 =	vld.idx.msk [tilespmem:v4+s17+$0x0], $0xffff  }
0x4fe: {  	v6 =	vadd.f32 v7, v6;
	v7 =	vld [tilespmem:s25+$0x2020];
	v2 =	vadd.f32 v5, v2  }
0x4ff: {  	v0 =	vadd.f32 v14, v0;
	v1 =	vadd.f32 v31, v1;
	v5 =	vld [tilespmem:s25+$0x2030]  }
0x500: {  	v6 =	vadd.f32 v8, v6;
	v2 =	vadd.f32 v3, v2  }
0x501: {  	v0 =	vadd.f32 v15, v0;
	v1 =	vadd.f32 v32, v1  }
0x502: {  	v3 =	vadd.f32 v9, v6;
	v2 =	vadd.f32 v4, v2  }
0x503: {  	v0 =	vadd.f32 v16, v0;
	v1 =	vadd.f32 v33, v1  }
0x504: {  	v3 =	vadd.f32 v7, v3;
	v2 =	vadd.f32 v5, v2;
	_ =	sdelay $0x1  }
0x505: {  	v4 =	vmax.f32 v0, v1;
	v5 =	vmax.f32 v3, v2  }
0x506: {  	v4 =	vmax.f32 v4, v5  }
0x507: {  	(xrf0) =	vmax.scan.msk.f32 $0xffff, v4;
	_ =	sdelay $0x5  }
0x508: {  	v4, _, _ =	vpop (xrf0)  }
0x509: {  	v4 =	vbroadcast v4, $0xF;
	_ =	sdelay $0x1  }
0x50a: {  	v0 =	vsub.f32 v0, v4  }
0x50b: {  	v1 =	vsub.f32 v1, v4  }
0x50c: {  	v0 =	vmul.f32 $1.442695020e+00, v0  }
0x50d: {  	v3 =	vsub.f32 v3, v4;
	v1 =	vmul.f32 $1.442695020e+00, v1  }
0x50e: {  	(erf) = vpow2.f32 v0  }
0x50f: {  	v0 =	vmul.f32 $1.442695020e+00, v3;
	(erf) = vpow2.f32 v1;
	v1 =	vsub.f32 v2, v4;
	_ =	sdelay $0x1  }
0x510: {  	(erf) = vpow2.f32 v0;
	v0 =	vmul.f32 $1.442695020e+00, v1;
	_ =	sdelay $0x1  }
0x511: {  	(erf) = vpow2.f32 v0;
	_ =	sdelay $0x3  }
0x512: {  	v0 =	vpop (erf)  }
0x513: {  	v1 =	vpop (erf)  }
0x514: {  	v2 =	vadd.f32 v1, v0  }
0x515: {  	v3 =	vpop (erf)  }
0x516: {  	v2 =	vadd.f32 v2, v3  }
0x517: {  	v4 =	vpop (erf)  }
0x518: {  	v2 =	vadd.f32 v2, v4;
	_ =	sdelay $0x1  }
0x519: {  	(xrf2) =	vadd.scan.msk.f32 $0xffff, v2;
	_ =	sdelay $0x9  }
0x51a: {  	v2, _, _ =	vpop (xrf2)  }
0x51b: {  	v2 =	vbroadcast v2, $0xF;
	_ =	sdelay $0x1  }
0x51c: {  	(erf) = vrcp.f32 v2;
	_ =	sdelay $0x2  }
0x51d: {  	v2 =	vld [tilespmem:s25+$0x2040];
	_ =	sdelay $0x4  }
0x51e: {  	v0 =	vmul.f32 v0, v2  }
0x51f: {  	v2 =	vpop (erf)  }
0x520: {  	v0 =	vmul.f32 v2, v0;
	_ =	sdelay $0x1  }
0x521: {  	[tilespmem:$0x11C00] =	vst v0  }
0x522: {  	v0 =	vld [tilespmem:s25+$0x2050];
	_ =	sdelay $0x4  }
0x523: {  	v0 =	vmul.f32 v1, v0;
	_ =	sdelay $0x1  }
0x524: {  	v0 =	vmul.f32 v2, v0;
	_ =	sdelay $0x1  }
0x525: {  	[tilespmem:$0x11C10] =	vst v0  }
0x526: {  	v0 =	vld [tilespmem:s25+$0x2060];
	_ =	sdelay $0x4  }
0x527: {  	v0 =	vmul.f32 v3, v0;
	_ =	sdelay $0x1  }
0x528: {  	v0 =	vmul.f32 v2, v0;
	_ =	sdelay $0x1  }
0x529: {  	[tilespmem:$0x11C20] =	vst v0  }
0x52a: {  	v0 =	vld [tilespmem:s25+$0x2070];
	_ =	sdelay $0x4  }
0x52b: {  	v0 =	vmul.f32 v4, v0;
	_ =	sdelay $0x1  }
0x52c: {  	v0 =	vmul.f32 v2, v0;
	_ =	sdelay $0x1  }
0x52d: {  	s25 =	simm.s32 $0xE760;
	[tilespmem:$0x11C30] =	vst v0  }
0x52e: {  	v0 =	vld [tilespmem:s25+$0x2A0]  }
0x52f: {  	v3 =	vld [tilespmem:s25+$0x2B0]  }
0x530: {  	v4 =	vld [tilespmem:s25+$0x2C0]  }
0x531: {  	v6 =	vld [tilespmem:s25+$0x2D0]  }
0x532: {  	v7 =	vld [tilespmem:s25+$0x2E0]  }
0x533: {  	v8 =	vld [tilespmem:s25+$0x2F0]  }
0x534: {  	v9 =	vld [tilespmem:s25+$0x300]  }
0x535: {  	v10 =	vld [tilespmem:s25+$0x310]  }
0x536: {  	v11 =	vld [tilespmem:s25+$0x320]  }
0x537: {  	v12 =	vld [tilespmem:s25+$0x330]  }
0x538: {  	v17 =	vld [tilespmem:s25+$0x1A0]  }
0x539: {  	v18 =	vld [tilespmem:s25+$0x1B0]  }
0x53a: {  	v19 =	vld [tilespmem:s25+$0x1C0]  }
0x53b: {  	v20 =	vld [tilespmem:s25+$0x1D0]  }
0x53c: {  	v22 =	vld [tilespmem:s25+$0x1E0]  }
0x53d: {  	v23 =	vld [tilespmem:s25+$0x1F0]  }
0x53e: {  	v27 =	vld [tilespmem:s25+$0x200]  }
0x53f: {  	v28 =	vld [tilespmem:s25+$0x210]  }
0x540: {  	v29 =	vld [tilespmem:s25+$0x220]  }
0x541: {  	v30 =	vld [tilespmem:s25+$0x230]  }
0x542: {  	v31 =	vld [tilespmem:s25+$0xA0]  }
0x543: {  	v32 =	vld [tilespmem:s25+$0xB0]  }
0x544: {  	s29 =	simm.s32 $0x6;
	v33 =	vld [tilespmem:s25+$0xC0]  }
0x545: {  	v1 =	vmov s29;
	v34 =	vld [tilespmem:s25+$0xD0]  }
0x546: {  	v35 =	vld [tilespmem:s25+$0xE0]  }
0x547: {  	v36 =	vld [tilespmem:s25+$0xF0]  }
0x548: {  	v37 =	vld [tilespmem:s25+$0x100]  }
0x549: {  	v38 =	vld [tilespmem:s25+$0x110]  }
0x54a: {  	v1 =	vld.idx.msk [tilespmem:v1+s18+$0x0], $0xffff  }
0x54b: {  	s28 =	simm.s32 $0x0;
	v39 =	vld [tilespmem:s25+$0x120]  }
0x54c: {  	v21 =	vmov s28;
	s29 =	simm.s32 $0x1;
	v40 =	vld [tilespmem:s25+$0x130]  }
0x54d: {  	s31 =	simm.s32 $0x4;
	v25 =	vmov s29;
	v41 =	vld [tilespmem:s25+$0xFFFFFFA0]  }
0x54e: {  	v5 =	vmov s31;
	v42 =	vld [tilespmem:s25+$0xFFFFFFB0]  }
0x54f: {  	s30 =	simm.s32 $0x5;
	v43 =	vld [tilespmem:s25+$0xFFFFFFC0]  }
0x550: {  	v2 =	vmov s30;
	v47 =	vld [tilespmem:s25+$0xFFFFFDB0]  }
0x551: {  	v24 =	vld.idx.msk [tilespmem:v21+s18+$0x0], $0xffff  }
0x552: {  	v21 =	vld.idx.msk [tilespmem:v25+s18+$0x0], $0xffff;
	v0 =	vmul.f32 v0, v1  }
0x553: {  	v5 =	vld.idx.msk [tilespmem:v5+s18+$0x0], $0xffff;
	v48 =	vmul.f32 v3, v1;
	v49 =	vmul.f32 v4, v1  }
0x554: {  	v44 =	vld [tilespmem:s25+$0xFFFFFFD0];
	v50 =	vmul.f32 v6, v1;
	v15 =	vmul.f32 v7, v1  }
0x555: {  	v2 =	vld.idx.msk [tilespmem:v2+s18+$0x0], $0xffff;
	v16 =	vmul.f32 v8, v1;
	v14 =	vmul.f32 v9, v1  }
0x556: {  	v45 =	vld [tilespmem:s25+$0xFFFFFEA0];
	v63 =	vmul.f32 v10, v1;
	v60 =	vmul.f32 v11, v1  }
0x557: {  	v46 =	vld [tilespmem:s25+$0xFFFFFDA0];
	v59 =	vmul.f32 v12, v1;
	v56 =	vmul.f32 v47, v21  }
0x558: {  	v7 =	vld [tilespmem:s25+$0xFFFFFCA0];
	v31 =	vmul.f32 v31, v5;
	v55 =	vmul.f32 v33, v5  }
0x559: {  	v8 =	vld [tilespmem:s25+$0xFFFFFCB0];
	v33 =	vmul.f32 v36, v5;
	v26 =	vmul.f32 v38, v5  }
0x55a: {  	s30 =	simm.s32 $0x2;
	v52 =	vmul.f32 v40, v5;
	v38 =	vld [tilespmem:s25+$0xFFFFFCE0];
	v9 =	vmul.f32 v17, v2  }
0x55b: {  	v11 =	vmov s30;
	v10 =	vmul.f32 v18, v2;
	v12 =	vmul.f32 v19, v2;
	v17 =	vld [tilespmem:s25+$0xFFFFFCC0]  }
0x55c: {  	v19 =	vmul.f32 v20, v2;
	v25 =	vmul.f32 v22, v2;
	v20 =	vld [tilespmem:s25+$0xFFFFFCD0]  }
0x55d: {  	s31 =	simm.s32 $0x3;
	v54 =	vmul.f32 v23, v2;
	v53 =	vmul.f32 v27, v2;
	v22 =	vld [tilespmem:s25+$0xFFFFFDC0]  }
0x55e: {  	v51 =	vmov s31;
	v27 =	vmul.f32 v28, v2;
	v28 =	vld [tilespmem:s25+$0xFFFFFDD0];
	v23 =	vmul.f32 v7, v24  }
0x55f: {  	v13 =	vimm.f32 $0.0e+00;
	v61 =	vmul.f32 v29, v2;
	v29 =	vld [tilespmem:s25+$0xFFFFFEB0];
	v8 =	vmul.f32 v8, v24  }
0x560: {  	v62 =	vmul.f32 v30, v2;
	v18 =	vld.idx.msk [tilespmem:v11+s18+$0x0], $0xffff;
	v11 =	vmul.f32 v46, v21;
	v23 =	vadd.f32 v23, v13  }
0x561: {  	v46 =	vld [tilespmem:s25+$0xFFFFFED0];
	v38 =	vmul.f32 v38, v24;
	v17 =	vmul.f32 v17, v24;
	v57 =	vadd.f32 v8, v13  }
0x562: {  	v20 =	vmul.f32 v20, v24;
	v22 =	vmul.f32 v22, v21;
	v11 =	vadd.f32 v11, v23;
	v23 =	vld [tilespmem:s25+$0xFFFFFEC0]  }
0x563: {  	v28 =	vmul.f32 v28, v21;
	v30 =	vadd.f32 v56, v57;
	v58 =	vadd.f32 v17, v13;
	v17 =	vld.idx.msk [tilespmem:v51+s18+$0x0], $0xffff  }
0x564: {  	v47 =	vld [tilespmem:s25+$0xFFFFFFE0];
	v20 =	vadd.f32 v20, v13;
	v51 =	vmul.f32 v32, v5;
	v56 =	vmul.f32 v34, v5  }
0x565: {  	v32 =	vmul.f32 v35, v5;
	v57 =	vld [tilespmem:s25+$0xFFFFFEF0];
	v45 =	vmul.f32 v45, v18  }
0x566: {  	v34 =	vmul.f32 v37, v5;
	v29 =	vmul.f32 v29, v18;
	v20 =	vadd.f32 v28, v20;
	v28 =	vld [tilespmem:s25+$0xFFFFFFF0]  }
0x567: {  	v22 =	vadd.f32 v22, v58;
	v58 =	vmul.f32 v46, v18;
	v11 =	vadd.f32 v45, v11;
	v45 =	vld [tilespmem:s25+$0x0]  }
0x568: {  	v29 =	vadd.f32 v29, v30;
	v30 =	vld [tilespmem:s25+$0x10];
	v23 =	vmul.f32 v23, v18;
	v41 =	vmul.f32 v41, v17  }
0x569: {  	v40 =	vadd.f32 v38, v13;
	v46 =	vld [tilespmem:s25+$0xFFFFFEE0];
	v42 =	vmul.f32 v42, v17;
	v43 =	vmul.f32 v43, v17  }
0x56a: {  	v20 =	vadd.f32 v58, v20;
	v58 =	vld [tilespmem:s25+$0xFFFFFDE0];
	v44 =	vmul.f32 v44, v17;
	v35 =	vmul.f32 v47, v17  }
0x56b: {  	v37 =	vld [tilespmem:s25+$0xFFFFFDF0];
	v22 =	vadd.f32 v23, v22;
	v11 =	vadd.f32 v41, v11;
	v23 =	vmul.f32 v39, v5  }
0x56c: {  	v36 =	vmul.f32 v28, v17;
	v20 =	vadd.f32 v44, v20;
	v28 =	vld [tilespmem:s25+$0xFFFFFCF0];
	v44 =	vmul.f32 v57, v18  }
0x56d: {  	v29 =	vadd.f32 v42, v29;
	v57 =	vld [tilespmem:s25+$0xFFFFFE00];
	v41 =	vmul.f32 v45, v17;
	v42 =	vmul.f32 v30, v17  }
0x56e: {  	v30 =	vld [tilespmem:s25+$0xFFFFFD00];
	v22 =	vadd.f32 v43, v22;
	v43 =	vmul.f32 v46, v18;
	v11 =	vadd.f32 v31, v11  }
0x56f: {  	v29 =	vadd.f32 v51, v29;
	v31 =	vld [tilespmem:s25+$0xFFFFFD10];
	v45 =	vmul.f32 v58, v21;
	v20 =	vadd.f32 v56, v20  }
0x570: {  	v46 =	vmul.f32 v37, v21;
	v58 =	vld [tilespmem:s25+$0xFFFFFE10];
	v22 =	vadd.f32 v55, v22;
	v9 =	vadd.f32 v9, v11  }
0x571: {  	v10 =	vadd.f32 v10, v29;
	v19 =	vadd.f32 v19, v20;
	v28 =	vmul.f32 v28, v24  }
0x572: {  	v47 =	vld [tilespmem:s25+$0xFFFFFF00];
	v37 =	vmul.f32 v57, v21;
	v22 =	vadd.f32 v12, v22;
	v12 =	vadd.f32 v0, v9  }
0x573: {  	v39 =	vld [tilespmem:s25+$0x20];
	v20 =	vmul.f32 v30, v24;
	v11 =	vadd.f32 v48, v10;
	v50 =	vadd.f32 v50, v19  }
0x574: {  	v29 =	vld [tilespmem:s25+$0xFFFFFF20];
	v19 =	vimm.f32 $0.0e+00;
	v0 =	vmul.f32 v31, v24;
	v38 =	vadd.f32 v28, v13  }
0x575: {  	v48 =	vld [tilespmem:s25+$0xFFFFFF10];
	v31 =	vmul.f32 v58, v21;
	v55 =	vadd.f32 v49, v22;
	v49 =	vadd.f32 v20, v13  }
0x576: {  	s26 =	simm.s32 $0xD;
	v28 =	vld [tilespmem:s25+$0x30];
	v22 =	vimm.f32 $0.0e+00;
	v20 =	vimm.f32 $0.0e+00;
	v30 =	vadd.f32 v0, v13  }
.LBB2_9:
0x577: {  	v0 =	vadd.f32 v45, v40;
	_ =	sdelay $0x1  }
0x578: {  	v38 =	vadd.f32 v46, v38;
	v58 =	vld [tilespmem:s25+$0xFFFFFF30];
	v0 =	vadd.f32 v43, v0  }
0x579: {  	v51 =	vld [tilespmem:s25+$0xFFFFFE30];
	v37 =	vadd.f32 v37, v49  }
0x57a: {  	v56 =	vld [tilespmem:s25+$0xFFFFFD20];
	v38 =	vadd.f32 v44, v38;
	v0 =	vadd.f32 v35, v0  }
0x57b: {  	v30 =	vadd.f32 v31, v30;
	v31 =	vld [tilespmem:s25+$0xFFFFFE20];
	v57 =	vmul.f32 v47, v18;
	v49 =	vmul.f32 v48, v18  }
0x57c: {  	v45 =	vld [tilespmem:s25+$0xFFFFFD50];
	v44 =	vmul.f32 v29, v18;
	v29 =	vadd.f32 v36, v38;
	v0 =	vadd.f32 v32, v0  }
0x57d: {  	v40 =	vmul.f32 v28, v17;
	v28 =	vld [tilespmem:s25+$0xFFFFFD30];
	v37 =	vadd.f32 v57, v37;
	v30 =	vadd.f32 v49, v30  }
0x57e: {  	v57 =	vld [tilespmem:s25+$0xFFFFFD40];
	v29 =	vadd.f32 v33, v29;
	v0 =	vadd.f32 v25, v0  }
0x57f: {  	v48 =	vld [tilespmem:s25+$0xFFFFFE40];
	v37 =	vadd.f32 v41, v37;
	v30 =	vadd.f32 v42, v30  }
0x580: {  	v47 =	vmul.f32 v51, v21;
	v51 =	vld [tilespmem:s25+$0xFFFFFE50];
	v25 =	vadd.f32 v54, v29;
	v0 =	vadd.f32 v15, v0  }
0x581: {  	v46 =	vmul.f32 v31, v21;
	v49 =	vmul.f32 v56, v24;
	v56 =	vld [tilespmem:s25+$0xFFFFFF50];
	v31 =	vadd.f32 v34, v37  }
0x582: {  	v54 =	vld [tilespmem:s25+$0xFFFFFF40];
	v30 =	vadd.f32 v26, v30;
	v26 =	vmul.f32 v28, v24;
	[tilespmem:$0x1FB70] =	vst v0;
	v0 =	vadd.f32 v16, v25  }
0x583: {  	v58 =	vmul.f32 v58, v18;
	v35 =	vmul.f32 v57, v24;
	v15 =	vld [tilespmem:s25+$0x40];
	v31 =	vadd.f32 v53, v31  }
0x584: {  	v6 =	vadd.f32 v49, v13;
	v13 =	vadd.f32 v26, v22;
	v16 =	vld [tilespmem:s25+$0x50];
	[tilespmem:$0x1FB80] =	vst v0;
	v0 =	vmul.f32 v45, v24  }
0x585: {  	v20 =	vadd.f32 v35, v20;
	v3 =	vadd.f32 v14, v31;
	v14 =	vmul.f32 v48, v21  }
0x586: {  	v13 =	vadd.f32 v47, v13;
	v0 =	vadd.f32 v0, v19;
	v19 =	vmul.f32 v51, v21;
	v21 =	vld [tilespmem:s25+$0x140]  }
0x587: {  	v39 =	vmul.f32 v39, v17;
	v6 =	vadd.f32 v46, v6;
	v22 =	vmul.f32 v54, v18;
	v24 =	vld [tilespmem:s25+$0x150]  }
0x588: {  	v18 =	vmul.f32 v56, v18;
	v14 =	vadd.f32 v14, v20;
	v13 =	vadd.f32 v58, v13;
	v20 =	vld [tilespmem:s25+$0x250]  }
0x589: {  	v15 =	vmul.f32 v15, v17;
	v16 =	vmul.f32 v16, v17;
	v17 =	vld [tilespmem:s25+$0x340];
	v0 =	vadd.f32 v19, v0  }
0x58a: {  	v6 =	vadd.f32 v44, v6;
	v14 =	vadd.f32 v22, v14;
	v19 =	vld [tilespmem:s25+$0x240]  }
0x58b: {  	v13 =	vadd.f32 v40, v13;
	v0 =	vadd.f32 v18, v0;
	v18 =	vmul.f32 v21, v5;
	v21 =	vld [tilespmem:s25+$0x350];
	s25 =	sadd.s32 $0x700, s25  }
0x58c: {  	v27 =	vadd.f32 v27, v30;
	v6 =	vadd.f32 v39, v6;
	v25 =	vld [tilespmem:s25+$0x2A0]  }
0x58d: {  	v14 =	vadd.f32 v15, v14;
	v13 =	vadd.f32 v52, v13;
	v15 =	vld [tilespmem:s25+$0x2B0]  }
0x58e: {  	[tilespmem:$0x1FB90] =	vst v3;
	v3 =	vadd.f32 v63, v27;
	v6 =	vadd.f32 v23, v6;
	v23 =	vld [tilespmem:s25+$0x2C0]  }
0x58f: {  	v7 =	vadd.f32 v62, v13;
	v13 =	vld [tilespmem:s25+$0x2E0]  }
0x590: {  	[tilespmem:$0x1FBA0] =	vst v3;
	v3 =	vld [tilespmem:s25+$0x300]  }
0x591: {  	v4 =	vld [tilespmem:s25+$0x320]  }
0x592: {  	v8 =	vmul.f32 v17, v1;
	v17 =	vld [tilespmem:s25+$0x1B0]  }
0x593: {  	v5 =	vmul.f32 v24, v5;
	v24 =	vld [tilespmem:s25+$0x1E0]  }
0x594: {  	v26 =	vld [tilespmem:s25+$0x1F0]  }
0x595: {  	v27 =	vld [tilespmem:s25+$0x200]  }
0x596: {  	v32 =	vld [tilespmem:s25+$0x210]  }
0x597: {  	v33 =	vld [tilespmem:s25+$0x220]  }
0x598: {  	v34 =	vld [tilespmem:s25+$0x230]  }
0x599: {  	v35 =	vld [tilespmem:s25+$0xA0]  }
0x59a: {  	v36 =	vld [tilespmem:s25+$0xB0]  }
0x59b: {  	v41 =	vld [tilespmem:s25+$0xC0]  }
0x59c: {  	v0 =	vadd.f32 v16, v0;
	v42 =	vld [tilespmem:s25+$0xD0]  }
0x59d: {  	v43 =	vld [tilespmem:s25+$0xE0]  }
0x59e: {  	v44 =	vld [tilespmem:s25+$0xF0];
	v16 =	vmul.f32 v19, v2;
	v2 =	vmul.f32 v20, v2;
	v0 =	vadd.f32 v5, v0  }
0x59f: {  	v45 =	vld [tilespmem:s25+$0x100]  }
0x5a0: {  	v46 =	vld [tilespmem:s25+$0x110];
	v0 =	vadd.f32 v2, v0;
	v1 =	vmul.f32 v21, v1  }
0x5a1: {  	v6 =	vadd.f32 v61, v6;
	v48 =	vld [tilespmem:s25+$0x130]  }
0x5a2: {  	v49 =	vld [tilespmem:s25+$0xFFFFFFA0];
	v0 =	vadd.f32 v1, v0;
	v1 =	vmov s26  }
0x5a3: {  	v57 =	vld [tilespmem:s25+$0xFFFFFFE0];
	v2 =	vadd.f32 v60, v6  }
0x5a4: {  	v14 =	vadd.f32 v18, v14;
	v18 =	vld [tilespmem:s25+$0x1C0]  }
0x5a5: {  	v5 =	vld [tilespmem:s25+$0x2D0];
	[tilespmem:$0x1FB50] =	vst v2;
	v2 =	vadd.f32 v59, v7  }
0x5a6: {  	s28 =	sadd.s32 $0xFFFFFFFF, s26;
	v14 =	vadd.f32 v16, v14;
	v16 =	vld [tilespmem:s25+$0x2F0]  }
0x5a7: {  	[tilespmem:$0x1FB60] =	vst v2;
	v2 =	vmov s28;
	v1 =	vld.idx.msk [tilespmem:v1+s18+$0x0], $0xffff  }
0x5a8: {  	v21 =	vld [tilespmem:s25+$0x1D0]  }
0x5a9: {  	s31 =	sadd.s32 $0xFFFFFFFE, s26;
	[tilespmem:$0x1FB40] =	vst v0;
	v0 =	vld [tilespmem:s25+$0x310]  }
0x5aa: {  	v51 =	vmov s31;
	v31 =	vadd.f32 v8, v14;
	v8 =	vld [tilespmem:s25+$0x1A0]  }
0x5ab: {  	v7 =	vld [tilespmem:s25+$0x330]  }
0x5ac: {  	v2 =	vld.idx.msk [tilespmem:v2+s18+$0x0], $0xffff;
	v39 =	vmul.f32 v25, v1;
	v40 =	vmul.f32 v15, v1  }
0x5ad: {  	s29 =	sadd.s32 $0xFFFFFFFD, s26;
	v19 =	vmov v50;
	v50 =	vld [tilespmem:s25+$0xFFFFFFB0];
	v37 =	vmul.f32 v23, v1;
	v38 =	vmul.f32 v5, v1  }
0x5ae: {  	v20 =	vmovc v55;
	v55 =	vld [tilespmem:s25+$0xFFFFFFC0];
	v30 =	vmul.f32 v13, v1;
	v29 =	vmul.f32 v0, v1;
	v0 =	vmov s29  }
0x5af: {  	s31 =	sadd.s32 $0xFFFFFFFA, s26;
	v6 =	vmul.f32 v16, v1;
	v28 =	vmul.f32 v3, v1;
	v5 =	vld.idx.msk [tilespmem:v51+s18+$0x0], $0xffff  }
0x5b0: {  	v22 =	vmul.f32 v4, v1;
	v14 =	vmul.f32 v7, v1;
	v51 =	vld [tilespmem:s25+$0xFFFFFEA0];
	s29 =	sadd.s32 $0xFFFFFFFB, s26;
	v23 =	vmov s31  }
0x5b1: {  	v3 =	vld [tilespmem:s25+$0xFFFFFDA0];
	v59 =	vmul.f32 v8, v2;
	v63 =	vmul.f32 v21, v2;
	v21 =	vmov s29  }
0x5b2: {  	s30 =	sadd.s32 $0xFFFFFFFC, s26;
	v60 =	vmul.f32 v17, v2;
	v15 =	vmul.f32 v18, v2;
	v8 =	vld [tilespmem:s25+$0xFFFFFCB0]  }
0x5b3: {  	v18 =	vmov s30;
	v25 =	vmul.f32 v24, v2;
	v54 =	vmul.f32 v26, v2;
	v17 =	vld.idx.msk [tilespmem:v0+s18+$0x0], $0xffff  }
0x5b4: {  	v53 =	vmul.f32 v27, v2;
	v13 =	vmul.f32 v32, v2;
	v0 =	vld [tilespmem:s25+$0xFFFFFCA0]  }
0x5b5: {  	v61 =	vmul.f32 v33, v2;
	v62 =	vmul.f32 v34, v2;
	v24 =	vld.idx.msk [tilespmem:v23+s18+$0x0], $0xffff  }
0x5b6: {  	v27 =	vmul.f32 v35, v5;
	v9 =	vmul.f32 v41, v5;
	v21 =	vld.idx.msk [tilespmem:v21+s18+$0x0], $0xffff  }
0x5b7: {  	v4 =	vld [tilespmem:s25+$0xFFFFFDB0];
	v10 =	vmul.f32 v42, v5;
	v32 =	vmul.f32 v43, v5  }
0x5b8: {  	v33 =	vmul.f32 v44, v5;
	v34 =	vmul.f32 v45, v5;
	v18 =	vld.idx.msk [tilespmem:v18+s18+$0x0], $0xffff  }
0x5b9: {  	v16 =	vmov v11;
	v11 =	vld [tilespmem:s25+$0xFFFFFEB0];
	v26 =	vmul.f32 v46, v5;
	v52 =	vmul.f32 v48, v5  }
0x5ba: {  	v41 =	vld [tilespmem:s25+$0xFFFFFCC0];
	v0 =	vmul.f32 v0, v24;
	v8 =	vmul.f32 v8, v24  }
0x5bb: {  	v42 =	vld [tilespmem:s25+$0xFFFFFCD0];
	v44 =	vmul.f32 v49, v17;
	v3 =	vmul.f32 v3, v21  }
0x5bc: {  	v43 =	vld [tilespmem:s25+$0xFFFFFDC0];
	v4 =	vmul.f32 v4, v21;
	v0 =	vadd.f32 v0, v12;
	v8 =	vadd.f32 v8, v16  }
0x5bd: {  	v48 =	vld [tilespmem:s25+$0xFFFFFDD0];
	v45 =	vmul.f32 v50, v17;
	v49 =	vmul.f32 v51, v18  }
0x5be: {  	v50 =	vmul.f32 v11, v18;
	v51 =	vld [tilespmem:s25+$0xFFFFFEC0];
	v0 =	vadd.f32 v3, v0;
	v3 =	vadd.f32 v4, v8  }
0x5bf: {  	v46 =	vmul.f32 v55, v17;
	v55 =	vld [tilespmem:s25+$0xFFFFFED0];
	v41 =	vmul.f32 v41, v24  }
0x5c0: {  	v47 =	vld [tilespmem:s25+$0x120];
	v7 =	vmul.f32 v36, v5;
	v42 =	vmul.f32 v42, v24;
	v3 =	vadd.f32 v50, v3  }
0x5c1: {  	v56 =	vld [tilespmem:s25+$0xFFFFFFD0];
	v35 =	vmul.f32 v57, v17;
	v11 =	vmul.f32 v43, v21;
	v41 =	vadd.f32 v41, v20  }
0x5c2: {  	v42 =	vadd.f32 v42, v19;
	v57 =	vmul.f32 v48, v21;
	v3 =	vadd.f32 v45, v3  }
0x5c3: {  	v8 =	vld [tilespmem:s25+$0xFFFFFEF0];
	v11 =	vadd.f32 v11, v41;
	v4 =	vmul.f32 v51, v18  }
0x5c4: {  	v42 =	vadd.f32 v57, v42;
	v43 =	vmul.f32 v55, v18;
	v3 =	vadd.f32 v7, v3  }
0x5c5: {  	v23 =	vmul.f32 v47, v5;
	v12 =	vld [tilespmem:s25+$0x10];
	v0 =	vadd.f32 v49, v0;
	v4 =	vadd.f32 v4, v11  }
0x5c6: {  	v47 =	vmul.f32 v56, v17;
	v57 =	vld [tilespmem:s25+$0xFFFFFCE0];
	v11 =	vadd.f32 v43, v42;
	v3 =	vadd.f32 v60, v3  }
0x5c7: {  	v58 =	vld [tilespmem:s25+$0xFFFFFFF0];
	v0 =	vadd.f32 v44, v0  }
0x5c8: {  	v44 =	vmul.f32 v8, v18;
	v8 =	vadd.f32 v47, v11;
	v11 =	vadd.f32 v40, v3;
	v3 =	vld [tilespmem:$0x1FB70]  }
0x5c9: {  	v56 =	vld [tilespmem:s25+$0x0]  }
0x5ca: {  	v48 =	vld [tilespmem:s25+$0xFFFFFEE0]  }
0x5cb: {  	v42 =	vmul.f32 v12, v17;
	v12 =	vld [tilespmem:s25+$0xFFFFFCF0];
	v7 =	vadd.f32 v10, v8;
	v8 =	vmul.f32 v57, v24  }
0x5cc: {  	v50 =	vld [tilespmem:s25+$0xFFFFFD10]  }
0x5cd: {  	v0 =	vadd.f32 v27, v0;
	v40 =	vadd.f32 v8, v3;
	v3 =	vld [tilespmem:$0x1FB80]  }
0x5ce: {  	v36 =	vmul.f32 v58, v17;
	v58 =	vld [tilespmem:s25+$0xFFFFFDF0]  }
0x5cf: {  	v19 =	vld [tilespmem:$0x1FB40];
	v0 =	vadd.f32 v59, v0  }
0x5d0: {  	v43 =	vmul.f32 v48, v18;
	v48 =	vld [tilespmem:s25+$0xFFFFFD00];
	v10 =	vmul.f32 v12, v24;
	v7 =	vadd.f32 v63, v7  }
0x5d1: {  	v16 =	vmov v6;
	v6 =	vld [tilespmem:s25+$0xFFFFFE00];
	v12 =	vadd.f32 v39, v0  }
0x5d2: {  	v0 =	vmul.f32 v50, v24;
	v50 =	vadd.f32 v38, v7;
	v38 =	vadd.f32 v10, v3;
	v3 =	vld [tilespmem:$0x1FB90]  }
0x5d3: {  	v51 =	vld [tilespmem:s25+$0xFFFFFDE0]  }
0x5d4: {  	v27 =	vmov v13;
	v13 =	vld [tilespmem:$0x1FB50];
	v4 =	vadd.f32 v46, v4  }
0x5d5: {  	v46 =	vmul.f32 v58, v21;
	v47 =	vld [tilespmem:s25+$0xFFFFFF00];
	v58 =	vmul.f32 v48, v24  }
0x5d6: {  	v4 =	vadd.f32 v9, v4;
	v9 =	vld [tilespmem:s25+$0xFFFFFE10]  }
0x5d7: {  	p1 =	sne.s32 s26, $0x30;
	v49 =	vadd.f32 v58, v3;
	v3 =	vld [tilespmem:$0x1FBA0]  }
.Ltmp5:
0x5d8: {  	v60 =	vmov v22;
	v22 =	vld [tilespmem:$0x1FB60];
	(pc) =	sbr.rel @p1 .LBB2_9-.Ltmp5, $4  }
0x5d9: {  	v59 =	vmov v14;
	v14 =	vmov v28;
	v28 =	vld [tilespmem:s25+$0x30];
	v4 =	vadd.f32 v15, v4  }
0x5da: {  	v20 =	vmov v31;
	v48 =	vld [tilespmem:s25+$0xFFFFFF10]  }
0x5db: {  	v41 =	vmul.f32 v56, v17;
	v45 =	vmul.f32 v51, v21;
	v39 =	vld [tilespmem:s25+$0x20];
	v15 =	vmovc v30;
	v55 =	vadd.f32 v37, v4  }
0x5dc: {  	s26 =	sadd.s32 $0x7, s26;
	v63 =	vmovc v29;
	v29 =	vld [tilespmem:s25+$0xFFFFFF20];
	v37 =	vmul.f32 v6, v21;
	v31 =	vmul.f32 v9, v21;
	v30 =	vadd.f32 v0, v3  }
0x5dd: {  	v3 =	vadd.f32 v45, v40;
	v40 =	vld [tilespmem:s25+$0xFFFFFD20]  }
0x5de: {  	v6 =	vadd.f32 v46, v38;
	v9 =	vmul.f32 v47, v18;
	v46 =	vld [tilespmem:s25+$0xFFFFFD40];
	v7 =	vadd.f32 v37, v49  }
0x5df: {  	v47 =	vld [tilespmem:s25+$0xFFFFFD50];
	v10 =	vadd.f32 v31, v30;
	v58 =	vmul.f32 v48, v18;
	v3 =	vadd.f32 v43, v3  }
0x5e0: {  	v4 =	vld [tilespmem:s25+$0xFFFFFE20];
	v6 =	vadd.f32 v44, v6;
	v7 =	vadd.f32 v9, v7  }
0x5e1: {  	v28 =	vmul.f32 v28, v17;
	v44 =	vld [tilespmem:s25+$0xFFFFFD30];
	v45 =	vadd.f32 v58, v10;
	v3 =	vadd.f32 v35, v3  }
0x5e2: {  	v48 =	vld [tilespmem:s25+$0xFFFFFE40];
	v38 =	vmul.f32 v39, v17;
	v6 =	vadd.f32 v36, v6;
	v7 =	vadd.f32 v41, v7  }
0x5e3: {  	v49 =	vld [tilespmem:s25+$0xFFFFFE50];
	v56 =	vmul.f32 v40, v24;
	v10 =	vmul.f32 v46, v24;
	v9 =	vadd.f32 v42, v45  }
0x5e4: {  	v0 =	vld [tilespmem:s25+$0xFFFFFF30];
	v39 =	vmul.f32 v47, v24;
	v3 =	vadd.f32 v32, v3;
	v6 =	vadd.f32 v33, v6  }
0x5e5: {  	v8 =	vld [tilespmem:s25+$0xFFFFFE30];
	v4 =	vmul.f32 v4, v21;
	v7 =	vadd.f32 v34, v7;
	v36 =	vadd.f32 v56, v13  }
0x5e6: {  	v51 =	vld [tilespmem:s25+$0xFFFFFF40];
	v58 =	vmul.f32 v44, v24;
	v10 =	vadd.f32 v10, v20;
	v19 =	vadd.f32 v39, v19  }
0x5e7: {  	v57 =	vld [tilespmem:s25+$0x40];
	v42 =	vmul.f32 v48, v21;
	v9 =	vadd.f32 v26, v9;
	v3 =	vadd.f32 v25, v3  }
0x5e8: {  	v37 =	vld [tilespmem:s25+$0x140];
	v44 =	vmul.f32 v49, v21;
	v6 =	vadd.f32 v54, v6;
	v7 =	vadd.f32 v53, v7  }
0x5e9: {  	v29 =	vmul.f32 v29, v18;
	v54 =	vld [tilespmem:s25+$0xFFFFFF50];
	v40 =	vadd.f32 v58, v22;
	v4 =	vadd.f32 v4, v36  }
0x5ea: {  	v0 =	vmul.f32 v0, v18;
	v34 =	vld [tilespmem:s25+$0x50];
	v10 =	vadd.f32 v42, v10;
	v19 =	vadd.f32 v44, v19  }
0x5eb: {  	v43 =	vld [tilespmem:s25+$0x240];
	v8 =	vmul.f32 v8, v21;
	v9 =	vadd.f32 v27, v9;
	v3 =	vadd.f32 v15, v3  }
0x5ec: {  	s24 =	smul.u32 $0x300, s24;
	v41 =	vld [tilespmem:s25+$0x150];
	v46 =	vmul.f32 v51, v18;
	v6 =	vadd.f32 v16, v6;
	v7 =	vadd.f32 v14, v7  }
0x5ed: {  	v47 =	vld [tilespmem:s25+$0x340];
	v51 =	vmul.f32 v57, v17;
	v8 =	vadd.f32 v8, v40;
	v4 =	vadd.f32 v29, v4  }
0x5ee: {  	s24 =	sshra.s32 s24, $0x2;
	v45 =	vld [tilespmem:s25+$0x250];
	v10 =	vadd.f32 v46, v10;
	v9 =	vadd.f32 v63, v9;
	v48 =	vmul.f32 v54, v18  }
0x5ef: {  	v49 =	vld [tilespmem:s25+$0x350];
	[tilespmem:s24+$0x8000] =	vst v12;
	v15 =	vmul.f32 v34, v17;
	v0 =	vadd.f32 v0, v8;
	v4 =	vadd.f32 v38, v4  }
0x5f0: {  	[tilespmem:s24+$0x8010] =	vst v11;
	v54 =	vmul.f32 v37, v5;
	v10 =	vadd.f32 v51, v10;
	v53 =	vadd.f32 v48, v19  }
0x5f1: {  	[tilespmem:s24+$0x8020] =	vst v55;
	v55 =	vmul.f32 v41, v5;
	v0 =	vadd.f32 v28, v0;
	v4 =	vadd.f32 v23, v4  }
0x5f2: {  	[tilespmem:s24+$0x8030] =	vst v50;
	v14 =	vmul.f32 v43, v2;
	v10 =	vadd.f32 v54, v10;
	v12 =	vadd.f32 v15, v53  }
0x5f3: {  	v58 =	vmul.f32 v47, v1;
	[tilespmem:s24+$0x8040] =	vst v3;
	v0 =	vadd.f32 v52, v0;
	v4 =	vadd.f32 v61, v4  }
0x5f4: {  	v57 =	vmul.f32 v45, v2;
	[tilespmem:s24+$0x8050] =	vst v6;
	v61 =	vadd.f32 v14, v10;
	v56 =	vadd.f32 v55, v12  }
0x5f5: {  	[tilespmem:s24+$0x8060] =	vst v7;
	v0 =	vadd.f32 v62, v0;
	v4 =	vadd.f32 v60, v4  }
.Ltmp6:
0x5f6: {  	[tilespmem:s24+$0x8070] =	vst v9;
	v62 =	vmul.f32 v49, v1;
	v63 =	vadd.f32 v58, v61;
	v2 =	vadd.f32 v57, v56;
	(pc) =	sbr.rel @p0 .LBB2_12-.Ltmp6, $4  }
0x5f7: {  	v0 =	vadd.f32 v59, v0;
	[tilespmem:s24+$0x8080] =	vst v4  }
0x5f8: {  	[tilespmem:s24+$0x80A0] =	vst v63;
	v1 =	vadd.f32 v62, v2  }
0x5f9: {  	[tilespmem:s24+$0x8090] =	vst v0  }
0x5fa: {  	[tilespmem:s24+$0x80B0] =	vst v1  }
.Ltmp7:
0x5fb: {  	(pc) =	sbr.rel .LBB2_2-.Ltmp7, $3  }
0x5fc: {  	_ =	sdelay $0x1  }
0x5fd: {  	s23 =	sadd.s32 $0x180, s23;
	s22 =	sadd.s32 $0x1, s22  }
0x5fe: {  	[tilespmem:s15], [sflag:$0x2] =	stream.indirect.gather [hbm4b:s5+s12], $0x80, s23, s12, $0xb8;
	[tilespmem:$0x11C40] =	vst v63  }
.LBB2_13:
0x5ff: {  	_ =	sfence.sel $0x180000  }
0x600: {  	[bflag:$0x0] =	sbarrier.arrive $0xFFFF  }
0x601: {  	p0 =	sne.s32 s0, $0x0;
	_ =	strace $0x90000047  }
0x602: {  	s0 =	sadd.s32 @!p0 $0x100000, s1;
	[bflag:$0x2] =	sbarrier.arrive $0xFFFF  }
0x603: {  	[sflag:s0] =	ssyncadd.tile.s32 @!p0 $0x1;
	_ =	shalt  }
.Lfunc_end2:
_tile_overlayer_lowered:
.L_overlay_start_2:
0x604: {  	(tag) =	ssettag $0x2  }
0x605: {  	s0 =	rddreg [dreg:$0x0];
	s2 =	stileid.u32  }
0x606: {  	s1 =	rddreg [dreg:$0x1];
	p0 =	sne.s32 s2, $0x0  }
0x607: {  	s3 =	rddreg [dreg:$0x2];
	[bflag:$0x3] =	sbarrier.arrive $0xFFFF;
	s2 =	simm.s32 @!p0 $0x1C03  }
0x608: {  	[timem:s3], [sflag:s2] =	dma.local @!p0 [hbm:s0], s1  }
0x609: {  	s0 =	simm.s32 @!p0 $0x3  }
0x60a: {  	_ =	swait.ge @!p0 [sflag:s0], s1  }
0x60b: {  	s1 =	ssub.s32 @!p0 $0x0, s1;
	[sflag:s0] =	ssyncset.done @!p0 $0x0  }
0x60c: {  	[sflag:s0] =	ssyncadd.s32 @!p0 s1  }
0x60d: {  	[bflag:$0x3] =	sbarrier.arrive $0xFFFF  }
0x60e: {  	_ =	shalt  }

</sc_bundles>
